<compile_context>
chip_gen: v7x
topology: tpu7x:2x2x1
jax: 0.10.2.dev20260603
libtpu: 0.0.44.dev20260713+nightly
codegen_flags: <defaults>
</compile_context>

<pallas_src>
import functools

import jax
import jax.numpy as jnp
from jax import lax
from jax.experimental import pallas as pl
from jax.experimental.pallas import tpu as pltpu
from jax.experimental.pallas import tpu_sc as plsc

PH, PW = 4, 4
SR = 2
NBINS = PH * PW

_F32 = jnp.float32
_I32 = jnp.int32


def _axis_corners_weights(coords, size):
  lane = lax.iota(_I32, 16)
  is_hi = lane >= 8
  valid = jnp.where(coords >= -1.0, 1.0, 0.0) * jnp.where(
      coords <= float(size), 1.0, 0.0)
  c = jnp.maximum(coords, 0.0)
  c0 = c.astype(_I32)
  c0f = c0.astype(_F32)
  hi = jnp.minimum(c0 + 1, size - 1)
  cond = c0 >= size - 1
  lo = jnp.where(cond, size - 1, c0)
  l = jnp.where(cond, 0.0, c - c0f)
  w_lo = (1.0 - l) * valid
  w_hi = l * valid
  corner = jnp.where(is_hi, hi, lo)
  weight = jnp.where(is_hi, w_hi, w_lo)
  return corner, weight


def _roi_body(featT, rois, ge_t, out, rois_v, ge_v, idx_v, rows_v, out_v,
              sem0, sem1, H, W, C, rois_per_w):
  nc = 2
  wid = lax.axis_index("s") * nc + lax.axis_index("c")
  base = wid * rois_per_w
  pltpu.sync_copy(rois.at[wid], rois_v)
  pltpu.sync_copy(ge_t, ge_v)

  lane = lax.iota(_I32, 16)
  k8 = lane & 7
  offs = (k8.astype(_F32) + 0.5) * 0.5
  nchunks = C // 16

  def one_roi(t, _):
    rv = rois_v[t, :]
    cx = rv[0]
    cy = rv[1]
    bh = rv[2]
    bw = rv[3]
    bbase = rv[4].astype(_I32)
    x1 = jnp.clip(cx - 0.5 * bw, 0.0, 1.0) * W
    x2 = jnp.clip(cx + 0.5 * bw, 0.0, 1.0) * W
    y1 = jnp.clip(cy - 0.5 * bh, 0.0, 1.0) * H
    y2 = jnp.clip(cy + 0.5 * bh, 0.0, 1.0) * H
    roi_w = jnp.maximum(x2 - x1, 1.0)
    roi_h = jnp.maximum(y2 - y1, 1.0)
    bin_w = roi_w * (1.0 / PW)
    bin_h = roi_h * (1.0 / PH)
    xs = x1 + offs * bin_w
    ys = y1 + offs * bin_h
    xc, xw = _axis_corners_weights(xs, W)
    yc, yw = _axis_corners_weights(ys, H)
    xw = xw * 0.25
    yterms = bbase + yc * W

    for i in range(16):
      idx_v[i // 8, pl.ds((i % 8) * 16, 16)] = yterms[i] + xc

    cp0 = pltpu.make_async_copy(featT.at[idx_v.at[0]],
                                rows_v.at[pl.ds(0, 128)], sem0)
    cp1 = pltpu.make_async_copy(featT.at[idx_v.at[1]],
                                rows_v.at[pl.ds(128, 128)], sem1)
    cp0.start()
    cp1.start()
    cp0.wait()
    cp1.wait()

    xws = [jnp.full((16,), xw[j], _F32) for j in range(16)]

    def chunk(kk, _):
      c0 = pl.multiple_of(kk * 16, 16)
      acc = [jnp.zeros((16,), _F32) for _ in range(NBINS)]
      for i in range(16):
        tpw = [jnp.zeros((16,), _F32) for _ in range(PW)]
        for j in range(16):
          row = rows_v[i * 16 + j, pl.ds(c0, 16)]
          tpw[(j % 8) // 2] = tpw[(j % 8) // 2] + xws[j] * row
        ywi = jnp.full((16,), yw[i], _F32)
        ph = (i % 8) // 2
        for pw in range(PW):
          b = ph * PW + pw
          acc[b] = acc[b] + ywi * tpw[pw]
      for b in range(NBINS):
        vals = acc[b] + ge_v[b, pl.ds(c0, 16)]
        out_v[b, pl.ds(c0, 16)] = vals
      return 0

    lax.fori_loop(0, nchunks, chunk, 0, unroll=False)
    pltpu.sync_copy(out_v, out.at[base + t])
    return 0

  lax.fori_loop(0, rois_per_w, one_roi, 0, unroll=False)


@jax.jit
def _roisample_sc(featT, rois, ge_t):
  nw, rois_per_w = rois.shape[0], rois.shape[1]
  R = nw * rois_per_w
  C = featT.shape[1]
  mesh = plsc.VectorSubcoreMesh(core_axis_name="c", subcore_axis_name="s")
  body = functools.partial(
      _roi_body, H=32, W=32, C=C, rois_per_w=rois_per_w)
  return pl.kernel(
      body,
      out_type=jax.ShapeDtypeStruct((R, NBINS, C), _F32),
      mesh=mesh,
      scratch_types=[
          pltpu.VMEM((rois_per_w, 16), _F32),
          pltpu.VMEM((NBINS, C), _F32),
          pltpu.VMEM((2, 128), _I32),
          pltpu.VMEM((256, C), _F32),
          pltpu.VMEM((NBINS, C), _F32),
          pltpu.SemaphoreType.DMA,
          pltpu.SemaphoreType.DMA,
      ],
  )(featT, rois, ge_t)


def kernel(feat, boxes, grid_embedding):
  B, C, H, W = feat.shape
  nq = boxes.shape[1]
  R = B * nq
  featT = jnp.transpose(feat, (0, 2, 3, 1)).reshape(B * H * W, C)
  bbase = (jnp.arange(R, dtype=_I32) // nq * (H * W)).astype(_F32)
  rois = jnp.concatenate(
      [boxes.reshape(R, 4), bbase[:, None],
       jnp.zeros((R, 11), _F32)], axis=1).reshape(32, R // 32, 16)
  ge_t = jnp.transpose(grid_embedding.reshape(C, NBINS), (1, 0))
  out = _roisample_sc(featT, rois, ge_t)
  out = jnp.transpose(out.reshape(B, nq, NBINS, C), (0, 1, 3, 2))
  return out.reshape(B, nq, C, PH, PW)

# --- scband reference (transcript-rebuilt; emitter-appended) ---
"""Pipeline reference for scband-roisample-26310969655626 (READ-ONLY COPY).

The authoritative reference and input builder live on the scoring server;
editing this copy changes nothing except your own understanding.
"""

import jax, jax.numpy as jnp
import numpy as np

PH, PW = 4, 4
SR = 2  # fixed sampling_ratio (torchvision default -1 adapts per-ROI; fixed 2 is the standard static equivalent)


def setup_inputs(seed: int = 0) -> dict:
    key = jax.random.key(seed)
    k1, k2, k3 = jax.random.split(key, 3)
    feat = jax.random.normal(k1, (8, 256, 32, 32), dtype=jnp.float32)
    boxes = jax.random.uniform(k2, (8, 300, 4), dtype=jnp.float32)
    grid_embedding = jax.random.normal(k3, (256, PH, PW), dtype=jnp.float32)
    return {"feat": feat, "boxes": boxes, "grid_embedding": grid_embedding}


def _axis_weights(coords, size):
    # coords: [R, S] float sample positions along one axis
    valid = ((coords >= -1.0) & (coords <= size)).astype(coords.dtype)
    c = jnp.maximum(coords, 0.0)
    c0f = jnp.floor(c)
    c0 = c0f.astype(jnp.int32)
    hi = jnp.minimum(c0 + 1, size - 1)
    cond = c0 >= size - 1
    lo = jnp.where(cond, size - 1, c0)
    l = jnp.where(cond, 0.0, c - c0f)
    w_lo = (1.0 - l) * valid
    w_hi = l * valid
    return lo, hi, w_lo, w_hi


def _roi_align(feat, rois, ph, pw, sr):
    # rois: [R, 5] = (batch_idx, x1, y1, x2, y2) in pixel coords; spatial_scale=1, aligned=False
    B, C, H, W = feat.shape
    R = rois.shape[0]
    b_idx = rois[:, 0].astype(jnp.int32)
    x1, y1, x2, y2 = rois[:, 1], rois[:, 2], rois[:, 3], rois[:, 4]
    roi_w = jnp.maximum(x2 - x1, 1.0)
    roi_h = jnp.maximum(y2 - y1, 1.0)
    bin_w = roi_w / pw
    bin_h = roi_h / ph
    offs_y = (jnp.arange(ph, dtype=feat.dtype)[:, None] + (jnp.arange(sr, dtype=feat.dtype)[None, :] + 0.5) / sr).reshape(-1)
    offs_x = (jnp.arange(pw, dtype=feat.dtype)[:, None] + (jnp.arange(sr, dtype=feat.dtype)[None, :] + 0.5) / sr).reshape(-1)
    ys = y1[:, None] + offs_y[None, :] * bin_h[:, None]  # [R, ph*sr]
    xs = x1[:, None] + offs_x[None, :] * bin_w[:, None]  # [R, pw*sr]
    ylo, yhi, wylo, wyhi = _axis_weights(ys, H)
    xlo, xhi, wxlo, wxhi = _axis_weights(xs, W)
    featT = jnp.transpose(feat, (0, 2, 3, 1)).reshape(B * H * W, C)
    base = b_idx[:, None, None] * (H * W)

    def g(yi, xi):
        idx = base + yi[:, :, None] * W + xi[:, None, :]  # [R, Sy, Sx]
        return featT[idx]  # [R, Sy, Sx, C]

    acc = (wylo[:, :, None, None] * wxlo[:, None, :, None]) * g(ylo, xlo)
    acc = acc + (wylo[:, :, None, None] * wxhi[:, None, :, None]) * g(ylo, xhi)
    acc = acc + (wyhi[:, :, None, None] * wxlo[:, None, :, None]) * g(yhi, xlo)
    acc = acc + (wyhi[:, :, None, None] * wxhi[:, None, :, None]) * g(yhi, xhi)
    acc = acc.reshape(R, ph, sr, pw, sr, C).mean(axis=(2, 4))  # average samples per bin
    return jnp.transpose(acc, (0, 3, 1, 2))  # [R, C, ph, pw]


def reference(feat, boxes, grid_embedding):
    B, C, H, W = feat.shape
    nq = boxes.shape[1]
    # xyhw (cx, cy, h, w) -> xyxy
    cx, cy, h, w = boxes[..., 0], boxes[..., 1], boxes[..., 2], boxes[..., 3]
    xyxy = jnp.stack([cx - 0.5 * w, cy - 0.5 * h, cx + 0.5 * w, cy + 0.5 * h], axis=-1)
    xyxy = jnp.clip(xyxy, 0.0, 1.0)
    scale = jnp.array([W, H, W, H], dtype=feat.dtype)
    xyxy = xyxy * scale[None, None, :]
    b_index = jnp.broadcast_to(jnp.arange(B, dtype=feat.dtype)[:, None, None], (B, nq, 1))
    rois = jnp.concatenate([b_index, xyxy], axis=-1).reshape(B * nq, 5)
    roi_feat = _roi_align(feat, rois, PH, PW, SR)  # [B*nq, C, PH, PW]
    roi_feat = roi_feat + grid_embedding[None, :, :, :]
    return roi_feat.reshape(B, nq, C, PH, PW)

if __name__ == "__main__":
    import jax
    _d = setup_inputs()
    print(jax.jit(kernel)(*tuple(_d.values())))

</pallas_src>

<mosaic_0001>
#map = affine_map<(d0, d1) -> (0, 0)>
#map1 = affine_map<(d0, d1) -> (0, 0, 0)>
module attributes {stable_mosaic.version = 14 : i64} {
  func.func @_roi_body(%arg0: i32, %arg1: i32, %arg2: memref<8192x256xf32, #tpu.memory_space<hbm>>, %arg3: memref<32x75x16xf32, #tpu.memory_space<hbm>>, %arg4: memref<16x256xf32, #tpu.memory_space<hbm>>, %arg5: memref<2400x16x256xf32, #tpu.memory_space<hbm>>, %arg6: memref<75x16xf32, #tpu.memory_space<vmem>>, %arg7: memref<16x256xf32, #tpu.memory_space<vmem>>, %arg8: memref<2x128xi32, #tpu.memory_space<vmem>>, %arg9: memref<256x256xf32, #tpu.memory_space<vmem>>, %arg10: memref<16x256xf32, #tpu.memory_space<vmem>>, %arg11: memref<!tpu.dma_semaphore, #tpu.memory_space<semaphore_mem>>, %arg12: memref<!tpu.dma_semaphore, #tpu.memory_space<semaphore_mem>>) attributes {dimension_semantics = [#tpu.dimension_semantics<core_parallel>, #tpu.dimension_semantics<subcore_parallel>], iteration_bounds = array<i64: 2, 16>, scalar_prefetch = 0 : i64, scratch_operands = 7 : i64, tpu.core_type = #tpu.core_type<sc_vector_subcore>, window_params = [{transform_indices = #map}, {transform_indices = #map1}, {transform_indices = #map}, {transform_indices = #map1}]} {
    %mul3A = arith.constant 2 : i32
    %mul3A_0 = arith.muli %arg1, %mul3A : i32
    %add3A = arith.addi %mul3A_0, %arg0 : i32
    %mul3A_1 = arith.constant 75 : i32
    %mul3A_2 = arith.muli %add3A, %mul3A_1 : i32
    "tpu.region"() ({
      %run_scoped3A = tpu.sem_alloc : memref<!tpu.dma_semaphore, #tpu.memory_space<semaphore_mem>>
      %dma_start3A = arith.constant 0 : i32
      %dma_start3A_17 = arith.constant 0 : i32
      %dma_start3A_18 = tpu.memref_slice %arg3[%add3A, %dma_start3A, %dma_start3A_17] : memref<32x75x16xf32, #tpu.memory_space<hbm>> -> memref<1x75x16xf32, #tpu.memory_space<hbm>>
      %dma_start3A_19 = tpu.memref_squeeze %dma_start3A_18 : memref<1x75x16xf32, #tpu.memory_space<hbm>> -> memref<75x16xf32, #tpu.memory_space<hbm>>
      %dma_start3A_20 = arith.constant 0 : i32
      %dma_start3A_21 = arith.constant 0 : i32
      %dma_start3A_22 = tpu.memref_slice %arg3[%add3A, %dma_start3A_20, %dma_start3A_21] : memref<32x75x16xf32, #tpu.memory_space<hbm>> -> memref<1x75x16xf32, #tpu.memory_space<hbm>>
      %dma_start3A_23 = tpu.memref_squeeze %dma_start3A_22 : memref<1x75x16xf32, #tpu.memory_space<hbm>> -> memref<75x16xf32, #tpu.memory_space<hbm>>
      tpu.enqueue_dma source(%dma_start3A_23 : memref<75x16xf32, #tpu.memory_space<hbm>>) target(%arg6 : memref<75x16xf32, #tpu.memory_space<vmem>>) target_semaphore(%run_scoped3A : memref<!tpu.dma_semaphore, #tpu.memory_space<semaphore_mem>>)
      %dma_wait3A = arith.constant 0 : i32
      %dma_wait3A_24 = arith.constant 0 : i32
      %dma_wait3A_25 = tpu.memref_slice %arg3[%add3A, %dma_wait3A, %dma_wait3A_24] : memref<32x75x16xf32, #tpu.memory_space<hbm>> -> memref<1x75x16xf32, #tpu.memory_space<hbm>>
      %dma_wait3A_26 = tpu.memref_squeeze %dma_wait3A_25 : memref<1x75x16xf32, #tpu.memory_space<hbm>> -> memref<75x16xf32, #tpu.memory_space<hbm>>
      %dma_wait3A_27 = arith.constant 0 : i32
      %dma_wait3A_28 = arith.constant 0 : i32
      %dma_wait3A_29 = tpu.memref_slice %arg3[%add3A, %dma_wait3A_27, %dma_wait3A_28] : memref<32x75x16xf32, #tpu.memory_space<hbm>> -> memref<1x75x16xf32, #tpu.memory_space<hbm>>
      %dma_wait3A_30 = tpu.memref_squeeze %dma_wait3A_29 : memref<1x75x16xf32, #tpu.memory_space<hbm>> -> memref<75x16xf32, #tpu.memory_space<hbm>>
      tpu.wait_dma2 semaphore(%run_scoped3A : memref<!tpu.dma_semaphore, #tpu.memory_space<semaphore_mem>>) src(%dma_wait3A_30 : memref<75x16xf32, #tpu.memory_space<hbm>>) dst(%arg6 : memref<75x16xf32, #tpu.memory_space<vmem>>)
      tpu.yield
    }) : () -> ()
    "tpu.region"() ({
      %run_scoped3A = tpu.sem_alloc : memref<!tpu.dma_semaphore, #tpu.memory_space<semaphore_mem>>
      tpu.enqueue_dma source(%arg4 : memref<16x256xf32, #tpu.memory_space<hbm>>) target(%arg7 : memref<16x256xf32, #tpu.memory_space<vmem>>) target_semaphore(%run_scoped3A : memref<!tpu.dma_semaphore, #tpu.memory_space<semaphore_mem>>)
      tpu.wait_dma2 semaphore(%run_scoped3A : memref<!tpu.dma_semaphore, #tpu.memory_space<semaphore_mem>>) src(%arg4 : memref<16x256xf32, #tpu.memory_space<hbm>>) dst(%arg7 : memref<16x256xf32, #tpu.memory_space<vmem>>)
      tpu.yield
    }) : () -> ()
    %iota3A = tpu.iota {dimensions = array<i32: 0>} : vector<16xi32>
    %and3A = arith.constant 7 : i32
    %and3A_3 = vector.broadcast %and3A : i32 to vector<16xi32>
    %and3A_4 = arith.andi %iota3A, %and3A_3 : vector<16xi32>
    %convert_element_type3A = arith.sitofp %and3A_4 : vector<16xi32> to vector<16xf32>
    %add3A_5 = arith.constant 5.000000e-01 : f32
    %add3A_6 = vector.broadcast %add3A_5 : f32 to vector<16xf32>
    %add3A_7 = arith.addf %convert_element_type3A, %add3A_6 : vector<16xf32>
    %mul3A_8 = arith.constant 5.000000e-01 : f32
    %mul3A_9 = vector.broadcast %mul3A_8 : f32 to vector<16xf32>
    %mul3A_10 = arith.mulf %add3A_7, %mul3A_9 : vector<16xf32>
    %scan3A = arith.constant 0 : i32
    %scan3A_11 = arith.constant 0 : i32
    %scan3A_12 = arith.constant 75 : i32
    %scan3A_13 = arith.addi %scan3A_11, %scan3A_12 : i32
    %scan3A_14 = arith.constant 1 : i32
    %scan3A_15 = scf.for %scan3A_17 = %scan3A_11 to %scan3A_13 step %scan3A_14 iter_args(%scan3A_18 = %scan3A) -> (i32)  : i32 {
      %get3A = arith.index_cast %scan3A_17 : i32 to index
      %get3A_19 = arith.constant 0 : index
      %get3A_20 = tpu.vector_load %arg6[%get3A, %get3A_19] {strides = array<i32>} : memref<75x16xf32, #tpu.memory_space<vmem>>, vector<1x16xf32>,
      %get3A_21 = vector.shape_cast %get3A_20 : vector<1x16xf32> to vector<16xf32>
      %slice3A = vector.extract_strided_slice %get3A_21 {offsets = [0], sizes = [1], strides = [1]} : vector<16xf32> to vector<1xf32>
      %squeeze3A = vector.extract %slice3A[0] : f32 from vector<1xf32>
      %slice3A_22 = vector.extract_strided_slice %get3A_21 {offsets = [1], sizes = [1], strides = [1]} : vector<16xf32> to vector<1xf32>
      %squeeze3A_23 = vector.extract %slice3A_22[0] : f32 from vector<1xf32>
      %slice3A_24 = vector.extract_strided_slice %get3A_21 {offsets = [2], sizes = [1], strides = [1]} : vector<16xf32> to vector<1xf32>
      %squeeze3A_25 = vector.extract %slice3A_24[0] : f32 from vector<1xf32>
      %slice3A_26 = vector.extract_strided_slice %get3A_21 {offsets = [3], sizes = [1], strides = [1]} : vector<16xf32> to vector<1xf32>
      %squeeze3A_27 = vector.extract %slice3A_26[0] : f32 from vector<1xf32>
      %slice3A_28 = vector.extract_strided_slice %get3A_21 {offsets = [4], sizes = [1], strides = [1]} : vector<16xf32> to vector<1xf32>
      %squeeze3A_29 = vector.extract %slice3A_28[0] : f32 from vector<1xf32>
      %convert_element_type3A_30 = arith.fptosi %squeeze3A_29 : f32 to i32
      %mul3A_31 = arith.constant 5.000000e-01 : f32
      %mul3A_32 = arith.mulf %mul3A_31, %squeeze3A_27 : f32
      %sub3A = arith.subf %squeeze3A, %mul3A_32 : f32
      %jit3A = arith.constant 0.000000e+00 : f32
      %jit3A_33 = arith.constant 1.000000e+00 : f32
      %max3A = arith.maximumf %jit3A, %sub3A : f32
      %min3A = arith.minimumf %jit3A_33, %max3A : f32
      %mul3A_34 = arith.constant 3.200000e+01 : f32
      %mul3A_35 = arith.mulf %min3A, %mul3A_34 : f32
      %mul3A_36 = arith.constant 5.000000e-01 : f32
      %mul3A_37 = arith.mulf %mul3A_36, %squeeze3A_27 : f32
      %add3A_38 = arith.addf %squeeze3A, %mul3A_37 : f32
      %jit3A_39 = arith.constant 0.000000e+00 : f32
      %jit3A_40 = arith.constant 1.000000e+00 : f32
      %max3A_41 = arith.maximumf %jit3A_39, %add3A_38 : f32
      %min3A_42 = arith.minimumf %jit3A_40, %max3A_41 : f32
      %mul3A_43 = arith.constant 3.200000e+01 : f32
      %mul3A_44 = arith.mulf %min3A_42, %mul3A_43 : f32
      %mul3A_45 = arith.constant 5.000000e-01 : f32
      %mul3A_46 = arith.mulf %mul3A_45, %squeeze3A_25 : f32
      %sub3A_47 = arith.subf %squeeze3A_23, %mul3A_46 : f32
      %jit3A_48 = arith.constant 0.000000e+00 : f32
      %jit3A_49 = arith.constant 1.000000e+00 : f32
      %max3A_50 = arith.maximumf %jit3A_48, %sub3A_47 : f32
      %min3A_51 = arith.minimumf %jit3A_49, %max3A_50 : f32
      %mul3A_52 = arith.constant 3.200000e+01 : f32
      %mul3A_53 = arith.mulf %min3A_51, %mul3A_52 : f32
      %mul3A_54 = arith.constant 5.000000e-01 : f32
      %mul3A_55 = arith.mulf %mul3A_54, %squeeze3A_25 : f32
      %add3A_56 = arith.addf %squeeze3A_23, %mul3A_55 : f32
      %jit3A_57 = arith.constant 0.000000e+00 : f32
      %jit3A_58 = arith.constant 1.000000e+00 : f32
      %max3A_59 = arith.maximumf %jit3A_57, %add3A_56 : f32
      %min3A_60 = arith.minimumf %jit3A_58, %max3A_59 : f32
      %mul3A_61 = arith.constant 3.200000e+01 : f32
      %mul3A_62 = arith.mulf %min3A_60, %mul3A_61 : f32
      %sub3A_63 = arith.subf %mul3A_44, %mul3A_35 : f32
      %max3A_64 = arith.constant 1.000000e+00 : f32
      %max3A_65 = arith.maximumf %sub3A_63, %max3A_64 : f32
      %sub3A_66 = arith.subf %mul3A_62, %mul3A_53 : f32
      %max3A_67 = arith.constant 1.000000e+00 : f32
      %max3A_68 = arith.maximumf %sub3A_66, %max3A_67 : f32
      %mul3A_69 = arith.constant 2.500000e-01 : f32
      %mul3A_70 = arith.mulf %max3A_65, %mul3A_69 : f32
      %mul3A_71 = arith.constant 2.500000e-01 : f32
      %mul3A_72 = arith.mulf %max3A_68, %mul3A_71 : f32
      %mul3A_73 = vector.broadcast %mul3A_70 : f32 to vector<16xf32>
      %mul3A_74 = arith.mulf %mul3A_10, %mul3A_73 : vector<16xf32>
      %add3A_75 = vector.broadcast %mul3A_35 : f32 to vector<16xf32>
      %add3A_76 = arith.addf %add3A_75, %mul3A_74 : vector<16xf32>
      %mul3A_77 = vector.broadcast %mul3A_72 : f32 to vector<16xf32>
      %mul3A_78 = arith.mulf %mul3A_10, %mul3A_77 : vector<16xf32>
      %add3A_79 = vector.broadcast %mul3A_53 : f32 to vector<16xf32>
      %add3A_80 = arith.addf %add3A_79, %mul3A_78 : vector<16xf32>
      %iota3A_81 = tpu.iota {dimensions = array<i32: 0>} : vector<16xi32>
      %ge3A = arith.constant 8 : i32
      %ge3A_82 = vector.broadcast %ge3A : i32 to vector<16xi32>
      %ge3A_83 = arith.cmpi sge, %iota3A_81, %ge3A_82 : vector<16xi32>
      %ge3A_84 = arith.constant -1.000000e+00 : f32
      %ge3A_85 = vector.broadcast %ge3A_84 : f32 to vector<16xf32>
      %ge3A_86 = arith.cmpf oge, %add3A_76, %ge3A_85 : vector<16xf32>
      %jit3A_87 = arith.constant 1.000000e+00 : f32
      %jit3A_88 = arith.constant 0.000000e+00 : f32
      %broadcast_in_dim3A = vector.broadcast %jit3A_87 : f32 to vector<16xf32>
      %broadcast_in_dim3A_89 = vector.broadcast %jit3A_88 : f32 to vector<16xf32>
      %select_n3A = arith.select %ge3A_86, %broadcast_in_dim3A, %broadcast_in_dim3A_89 : vector<16xi1>, vector<16xf32>
      %le3A = arith.constant 3.200000e+01 : f32
      %le3A_90 = vector.broadcast %le3A : f32 to vector<16xf32>
      %le3A_91 = arith.cmpf ole, %add3A_76, %le3A_90 : vector<16xf32>
      %jit3A_92 = arith.constant 1.000000e+00 : f32
      %jit3A_93 = arith.constant 0.000000e+00 : f32
      %broadcast_in_dim3A_94 = vector.broadcast %jit3A_92 : f32 to vector<16xf32>
      %broadcast_in_dim3A_95 = vector.broadcast %jit3A_93 : f32 to vector<16xf32>
      %select_n3A_96 = arith.select %le3A_91, %broadcast_in_dim3A_94, %broadcast_in_dim3A_95 : vector<16xi1>, vector<16xf32>
      %mul3A_97 = arith.mulf %select_n3A, %select_n3A_96 : vector<16xf32>
      %max3A_98 = arith.constant 0.000000e+00 : f32
      %max3A_99 = vector.broadcast %max3A_98 : f32 to vector<16xf32>
      %max3A_100 = arith.maximumf %add3A_76, %max3A_99 : vector<16xf32>
      %convert_element_type3A_101 = arith.fptosi %max3A_100 : vector<16xf32> to vector<16xi32>
      %convert_element_type3A_102 = arith.sitofp %convert_element_type3A_101 : vector<16xi32> to vector<16xf32>
      %add3A_103 = arith.constant 1 : i32
      %add3A_104 = vector.broadcast %add3A_103 : i32 to vector<16xi32>
      %add3A_105 = arith.addi %convert_element_type3A_101, %add3A_104 : vector<16xi32>
      %min3A_106 = arith.constant 31 : i32
      %min3A_107 = vector.broadcast %min3A_106 : i32 to vector<16xi32>
      %min3A_108 = arith.minsi %add3A_105, %min3A_107 : vector<16xi32>
      %ge3A_109 = arith.constant 31 : i32
      %ge3A_110 = vector.broadcast %ge3A_109 : i32 to vector<16xi32>
      %ge3A_111 = arith.cmpi sge, %convert_element_type3A_101, %ge3A_110 : vector<16xi32>
      %jit3A_112 = arith.constant 31 : i32
      %broadcast_in_dim3A_113 = vector.broadcast %jit3A_112 : i32 to vector<16xi32>
      %select_n3A_114 = arith.select %ge3A_111, %broadcast_in_dim3A_113, %convert_element_type3A_101 : vector<16xi1>, vector<16xi32>
      %sub3A_115 = arith.subf %max3A_100, %convert_element_type3A_102 : vector<16xf32>
      %jit3A_116 = arith.constant 0.000000e+00 : f32
      %broadcast_in_dim3A_117 = vector.broadcast %jit3A_116 : f32 to vector<16xf32>
      %select_n3A_118 = arith.select %ge3A_111, %broadcast_in_dim3A_117, %sub3A_115 : vector<16xi1>, vector<16xf32>
      %sub3A_119 = arith.constant 1.000000e+00 : f32
      %sub3A_120 = vector.broadcast %sub3A_119 : f32 to vector<16xf32>
      %sub3A_121 = arith.subf %sub3A_120, %select_n3A_118 : vector<16xf32>
      %mul3A_122 = arith.mulf %sub3A_121, %mul3A_97 : vector<16xf32>
      %mul3A_123 = arith.mulf %select_n3A_118, %mul3A_97 : vector<16xf32>
      %select_n3A_124 = arith.select %ge3A_83, %min3A_108, %select_n3A_114 : vector<16xi1>, vector<16xi32>
      %select_n3A_125 = arith.select %ge3A_83, %mul3A_123, %mul3A_122 : vector<16xi1>, vector<16xf32>
      %iota3A_126 = tpu.iota {dimensions = array<i32: 0>} : vector<16xi32>
      %ge3A_127 = arith.constant 8 : i32
      %ge3A_128 = vector.broadcast %ge3A_127 : i32 to vector<16xi32>
      %ge3A_129 = arith.cmpi sge, %iota3A_126, %ge3A_128 : vector<16xi32>
      %ge3A_130 = arith.constant -1.000000e+00 : f32
      %ge3A_131 = vector.broadcast %ge3A_130 : f32 to vector<16xf32>
      %ge3A_132 = arith.cmpf oge, %add3A_80, %ge3A_131 : vector<16xf32>
      %jit3A_133 = arith.constant 1.000000e+00 : f32
      %jit3A_134 = arith.constant 0.000000e+00 : f32
      %broadcast_in_dim3A_135 = vector.broadcast %jit3A_133 : f32 to vector<16xf32>
      %broadcast_in_dim3A_136 = vector.broadcast %jit3A_134 : f32 to vector<16xf32>
      %select_n3A_137 = arith.select %ge3A_132, %broadcast_in_dim3A_135, %broadcast_in_dim3A_136 : vector<16xi1>, vector<16xf32>
      %le3A_138 = arith.constant 3.200000e+01 : f32
      %le3A_139 = vector.broadcast %le3A_138 : f32 to vector<16xf32>
      %le3A_140 = arith.cmpf ole, %add3A_80, %le3A_139 : vector<16xf32>
      %jit3A_141 = arith.constant 1.000000e+00 : f32
      %jit3A_142 = arith.constant 0.000000e+00 : f32
      %broadcast_in_dim3A_143 = vector.broadcast %jit3A_141 : f32 to vector<16xf32>
      %broadcast_in_dim3A_144 = vector.broadcast %jit3A_142 : f32 to vector<16xf32>
      %select_n3A_145 = arith.select %le3A_140, %broadcast_in_dim3A_143, %broadcast_in_dim3A_144 : vector<16xi1>, vector<16xf32>
      %mul3A_146 = arith.mulf %select_n3A_137, %select_n3A_145 : vector<16xf32>
      %max3A_147 = arith.constant 0.000000e+00 : f32
      %max3A_148 = vector.broadcast %max3A_147 : f32 to vector<16xf32>
      %max3A_149 = arith.maximumf %add3A_80, %max3A_148 : vector<16xf32>
      %convert_element_type3A_150 = arith.fptosi %max3A_149 : vector<16xf32> to vector<16xi32>
      %convert_element_type3A_151 = arith.sitofp %convert_element_type3A_150 : vector<16xi32> to vector<16xf32>
      %add3A_152 = arith.constant 1 : i32
      %add3A_153 = vector.broadcast %add3A_152 : i32 to vector<16xi32>
      %add3A_154 = arith.addi %convert_element_type3A_150, %add3A_153 : vector<16xi32>
      %min3A_155 = arith.constant 31 : i32
      %min3A_156 = vector.broadcast %min3A_155 : i32 to vector<16xi32>
      %min3A_157 = arith.minsi %add3A_154, %min3A_156 : vector<16xi32>
      %ge3A_158 = arith.constant 31 : i32
      %ge3A_159 = vector.broadcast %ge3A_158 : i32 to vector<16xi32>
      %ge3A_160 = arith.cmpi sge, %convert_element_type3A_150, %ge3A_159 : vector<16xi32>
      %jit3A_161 = arith.constant 31 : i32
      %broadcast_in_dim3A_162 = vector.broadcast %jit3A_161 : i32 to vector<16xi32>
      %select_n3A_163 = arith.select %ge3A_160, %broadcast_in_dim3A_162, %convert_element_type3A_150 : vector<16xi1>, vector<16xi32>
      %sub3A_164 = arith.subf %max3A_149, %convert_element_type3A_151 : vector<16xf32>
      %jit3A_165 = arith.constant 0.000000e+00 : f32
      %broadcast_in_dim3A_166 = vector.broadcast %jit3A_165 : f32 to vector<16xf32>
      %select_n3A_167 = arith.select %ge3A_160, %broadcast_in_dim3A_166, %sub3A_164 : vector<16xi1>, vector<16xf32>
      %sub3A_168 = arith.constant 1.000000e+00 : f32
      %sub3A_169 = vector.broadcast %sub3A_168 : f32 to vector<16xf32>
      %sub3A_170 = arith.subf %sub3A_169, %select_n3A_167 : vector<16xf32>
      %mul3A_171 = arith.mulf %sub3A_170, %mul3A_146 : vector<16xf32>
      %mul3A_172 = arith.mulf %select_n3A_167, %mul3A_146 : vector<16xf32>
      %select_n3A_173 = arith.select %ge3A_129, %min3A_157, %select_n3A_163 : vector<16xi1>, vector<16xi32>
      %select_n3A_174 = arith.select %ge3A_129, %mul3A_172, %mul3A_171 : vector<16xi1>, vector<16xf32>
      %mul3A_175 = arith.constant 2.500000e-01 : f32
      %mul3A_176 = vector.broadcast %mul3A_175 : f32 to vector<16xf32>
      %mul3A_177 = arith.mulf %select_n3A_125, %mul3A_176 : vector<16xf32>
      %mul3A_178 = arith.constant 32 : i32
      %mul3A_179 = vector.broadcast %mul3A_178 : i32 to vector<16xi32>
      %mul3A_180 = arith.muli %select_n3A_173, %mul3A_179 : vector<16xi32>
      %add3A_181 = vector.broadcast %convert_element_type3A_30 : i32 to vector<16xi32>
      %add3A_182 = arith.addi %add3A_181, %mul3A_180 : vector<16xi32>
      %slice3A_183 = vector.extract_strided_slice %add3A_182 {offsets = [0], sizes = [1], strides = [1]} : vector<16xi32> to vector<1xi32>
      %squeeze3A_184 = vector.extract %slice3A_183[0] : i32 from vector<1xi32>
      %add3A_185 = vector.broadcast %squeeze3A_184 : i32 to vector<16xi32>
      %add3A_186 = arith.addi %add3A_185, %select_n3A_124 : vector<16xi32>
      %swap3A = arith.constant 0 : i32
      %swap3A_187 = arith.index_cast %swap3A : i32 to index
      %swap3A_188 = arith.constant 0 : index
      %swap3A_189 = tpu.vector_load %arg8[%swap3A_187, %swap3A_188] {strides = array<i32>} : memref<2x128xi32, #tpu.memory_space<vmem>>, vector<1x16xi32>,
      %swap3A_190 = vector.shape_cast %swap3A_189 : vector<1x16xi32> to vector<16xi32>
      %swap3A_191 = vector.shape_cast %add3A_186 : vector<16xi32> to vector<1x16xi32>
      tpu.vector_store %arg8[%swap3A_187, %swap3A_188], %swap3A_191 {strides = array<i32>} : memref<2x128xi32, #tpu.memory_space<vmem>>, vector<1x16xi32>,
      %slice3A_192 = vector.extract_strided_slice %add3A_182 {offsets = [1], sizes = [1], strides = [1]} : vector<16xi32> to vector<1xi32>
      %squeeze3A_193 = vector.extract %slice3A_192[0] : i32 from vector<1xi32>
      %add3A_194 = vector.broadcast %squeeze3A_193 : i32 to vector<16xi32>
      %add3A_195 = arith.addi %add3A_194, %select_n3A_124 : vector<16xi32>
      %swap3A_196 = arith.constant 0 : i32
      %swap3A_197 = arith.index_cast %swap3A_196 : i32 to index
      %swap3A_198 = arith.constant 16 : index
      %swap3A_199 = tpu.vector_load %arg8[%swap3A_197, %swap3A_198] {strides = array<i32>} : memref<2x128xi32, #tpu.memory_space<vmem>>, vector<1x16xi32>,
      %swap3A_200 = vector.shape_cast %swap3A_199 : vector<1x16xi32> to vector<16xi32>
      %swap3A_201 = vector.shape_cast %add3A_195 : vector<16xi32> to vector<1x16xi32>
      tpu.vector_store %arg8[%swap3A_197, %swap3A_198], %swap3A_201 {strides = array<i32>} : memref<2x128xi32, #tpu.memory_space<vmem>>, vector<1x16xi32>,
      %slice3A_202 = vector.extract_strided_slice %add3A_182 {offsets = [2], sizes = [1], strides = [1]} : vector<16xi32> to vector<1xi32>
      %squeeze3A_203 = vector.extract %slice3A_202[0] : i32 from vector<1xi32>
      %add3A_204 = vector.broadcast %squeeze3A_203 : i32 to vector<16xi32>
      %add3A_205 = arith.addi %add3A_204, %select_n3A_124 : vector<16xi32>
      %swap3A_206 = arith.constant 0 : i32
      %swap3A_207 = arith.index_cast %swap3A_206 : i32 to index
      %swap3A_208 = arith.constant 32 : index
      %swap3A_209 = tpu.vector_load %arg8[%swap3A_207, %swap3A_208] {strides = array<i32>} : memref<2x128xi32, #tpu.memory_space<vmem>>, vector<1x16xi32>,
      %swap3A_210 = vector.shape_cast %swap3A_209 : vector<1x16xi32> to vector<16xi32>
      %swap3A_211 = vector.shape_cast %add3A_205 : vector<16xi32> to vector<1x16xi32>
      tpu.vector_store %arg8[%swap3A_207, %swap3A_208], %swap3A_211 {strides = array<i32>} : memref<2x128xi32, #tpu.memory_space<vmem>>, vector<1x16xi32>,
      %slice3A_212 = vector.extract_strided_slice %add3A_182 {offsets = [3], sizes = [1], strides = [1]} : vector<16xi32> to vector<1xi32>
      %squeeze3A_213 = vector.extract %slice3A_212[0] : i32 from vector<1xi32>
      %add3A_214 = vector.broadcast %squeeze3A_213 : i32 to vector<16xi32>
      %add3A_215 = arith.addi %add3A_214, %select_n3A_124 : vector<16xi32>
      %swap3A_216 = arith.constant 0 : i32
      %swap3A_217 = arith.index_cast %swap3A_216 : i32 to index
      %swap3A_218 = arith.constant 48 : index
      %swap3A_219 = tpu.vector_load %arg8[%swap3A_217, %swap3A_218] {strides = array<i32>} : memref<2x128xi32, #tpu.memory_space<vmem>>, vector<1x16xi32>,
      %swap3A_220 = vector.shape_cast %swap3A_219 : vector<1x16xi32> to vector<16xi32>
      %swap3A_221 = vector.shape_cast %add3A_215 : vector<16xi32> to vector<1x16xi32>
      tpu.vector_store %arg8[%swap3A_217, %swap3A_218], %swap3A_221 {strides = array<i32>} : memref<2x128xi32, #tpu.memory_space<vmem>>, vector<1x16xi32>,
      %slice3A_222 = vector.extract_strided_slice %add3A_182 {offsets = [4], sizes = [1], strides = [1]} : vector<16xi32> to vector<1xi32>
      %squeeze3A_223 = vector.extract %slice3A_222[0] : i32 from vector<1xi32>
      %add3A_224 = vector.broadcast %squeeze3A_223 : i32 to vector<16xi32>
      %add3A_225 = arith.addi %add3A_224, %select_n3A_124 : vector<16xi32>
      %swap3A_226 = arith.constant 0 : i32
      %swap3A_227 = arith.index_cast %swap3A_226 : i32 to index
      %swap3A_228 = arith.constant 64 : index
      %swap3A_229 = tpu.vector_load %arg8[%swap3A_227, %swap3A_228] {strides = array<i32>} : memref<2x128xi32, #tpu.memory_space<vmem>>, vector<1x16xi32>,
      %swap3A_230 = vector.shape_cast %swap3A_229 : vector<1x16xi32> to vector<16xi32>
      %swap3A_231 = vector.shape_cast %add3A_225 : vector<16xi32> to vector<1x16xi32>
      tpu.vector_store %arg8[%swap3A_227, %swap3A_228], %swap3A_231 {strides = array<i32>} : memref<2x128xi32, #tpu.memory_space<vmem>>, vector<1x16xi32>,
      %slice3A_232 = vector.extract_strided_slice %add3A_182 {offsets = [5], sizes = [1], strides = [1]} : vector<16xi32> to vector<1xi32>
      %squeeze3A_233 = vector.extract %slice3A_232[0] : i32 from vector<1xi32>
      %add3A_234 = vector.broadcast %squeeze3A_233 : i32 to vector<16xi32>
      %add3A_235 = arith.addi %add3A_234, %select_n3A_124 : vector<16xi32>
      %swap3A_236 = arith.constant 0 : i32
      %swap3A_237 = arith.index_cast %swap3A_236 : i32 to index
      %swap3A_238 = arith.constant 80 : index
      %swap3A_239 = tpu.vector_load %arg8[%swap3A_237, %swap3A_238] {strides = array<i32>} : memref<2x128xi32, #tpu.memory_space<vmem>>, vector<1x16xi32>,
      %swap3A_240 = vector.shape_cast %swap3A_239 : vector<1x16xi32> to vector<16xi32>
      %swap3A_241 = vector.shape_cast %add3A_235 : vector<16xi32> to vector<1x16xi32>
      tpu.vector_store %arg8[%swap3A_237, %swap3A_238], %swap3A_241 {strides = array<i32>} : memref<2x128xi32, #tpu.memory_space<vmem>>, vector<1x16xi32>,
      %slice3A_242 = vector.extract_strided_slice %add3A_182 {offsets = [6], sizes = [1], strides = [1]} : vector<16xi32> to vector<1xi32>
      %squeeze3A_243 = vector.extract %slice3A_242[0] : i32 from vector<1xi32>
      %add3A_244 = vector.broadcast %squeeze3A_243 : i32 to vector<16xi32>
      %add3A_245 = arith.addi %add3A_244, %select_n3A_124 : vector<16xi32>
      %swap3A_246 = arith.constant 0 : i32
      %swap3A_247 = arith.index_cast %swap3A_246 : i32 to index
      %swap3A_248 = arith.constant 96 : index
      %swap3A_249 = tpu.vector_load %arg8[%swap3A_247, %swap3A_248] {strides = array<i32>} : memref<2x128xi32, #tpu.memory_space<vmem>>, vector<1x16xi32>,
      %swap3A_250 = vector.shape_cast %swap3A_249 : vector<1x16xi32> to vector<16xi32>
      %swap3A_251 = vector.shape_cast %add3A_245 : vector<16xi32> to vector<1x16xi32>
      tpu.vector_store %arg8[%swap3A_247, %swap3A_248], %swap3A_251 {strides = array<i32>} : memref<2x128xi32, #tpu.memory_space<vmem>>, vector<1x16xi32>,
      %slice3A_252 = vector.extract_strided_slice %add3A_182 {offsets = [7], sizes = [1], strides = [1]} : vector<16xi32> to vector<1xi32>
      %squeeze3A_253 = vector.extract %slice3A_252[0] : i32 from vector<1xi32>
      %add3A_254 = vector.broadcast %squeeze3A_253 : i32 to vector<16xi32>
      %add3A_255 = arith.addi %add3A_254, %select_n3A_124 : vector<16xi32>
      %swap3A_256 = arith.constant 0 : i32
      %swap3A_257 = arith.index_cast %swap3A_256 : i32 to index
      %swap3A_258 = arith.constant 112 : index
      %swap3A_259 = tpu.vector_load %arg8[%swap3A_257, %swap3A_258] {strides = array<i32>} : memref<2x128xi32, #tpu.memory_space<vmem>>, vector<1x16xi32>,
      %swap3A_260 = vector.shape_cast %swap3A_259 : vector<1x16xi32> to vector<16xi32>
      %swap3A_261 = vector.shape_cast %add3A_255 : vector<16xi32> to vector<1x16xi32>
      tpu.vector_store %arg8[%swap3A_257, %swap3A_258], %swap3A_261 {strides = array<i32>} : memref<2x128xi32, #tpu.memory_space<vmem>>, vector<1x16xi32>,
      %slice3A_262 = vector.extract_strided_slice %add3A_182 {offsets = [8], sizes = [1], strides = [1]} : vector<16xi32> to vector<1xi32>
      %squeeze3A_263 = vector.extract %slice3A_262[0] : i32 from vector<1xi32>
      %add3A_264 = vector.broadcast %squeeze3A_263 : i32 to vector<16xi32>
      %add3A_265 = arith.addi %add3A_264, %select_n3A_124 : vector<16xi32>
      %swap3A_266 = arith.constant 1 : i32
      %swap3A_267 = arith.index_cast %swap3A_266 : i32 to index
      %swap3A_268 = arith.constant 0 : index
      %swap3A_269 = tpu.vector_load %arg8[%swap3A_267, %swap3A_268] {strides = array<i32>} : memref<2x128xi32, #tpu.memory_space<vmem>>, vector<1x16xi32>,
      %swap3A_270 = vector.shape_cast %swap3A_269 : vector<1x16xi32> to vector<16xi32>
      %swap3A_271 = vector.shape_cast %add3A_265 : vector<16xi32> to vector<1x16xi32>
      tpu.vector_store %arg8[%swap3A_267, %swap3A_268], %swap3A_271 {strides = array<i32>} : memref<2x128xi32, #tpu.memory_space<vmem>>, vector<1x16xi32>,
      %slice3A_272 = vector.extract_strided_slice %add3A_182 {offsets = [9], sizes = [1], strides = [1]} : vector<16xi32> to vector<1xi32>
      %squeeze3A_273 = vector.extract %slice3A_272[0] : i32 from vector<1xi32>
      %add3A_274 = vector.broadcast %squeeze3A_273 : i32 to vector<16xi32>
      %add3A_275 = arith.addi %add3A_274, %select_n3A_124 : vector<16xi32>
      %swap3A_276 = arith.constant 1 : i32
      %swap3A_277 = arith.index_cast %swap3A_276 : i32 to index
      %swap3A_278 = arith.constant 16 : index
      %swap3A_279 = tpu.vector_load %arg8[%swap3A_277, %swap3A_278] {strides = array<i32>} : memref<2x128xi32, #tpu.memory_space<vmem>>, vector<1x16xi32>,
      %swap3A_280 = vector.shape_cast %swap3A_279 : vector<1x16xi32> to vector<16xi32>
      %swap3A_281 = vector.shape_cast %add3A_275 : vector<16xi32> to vector<1x16xi32>
      tpu.vector_store %arg8[%swap3A_277, %swap3A_278], %swap3A_281 {strides = array<i32>} : memref<2x128xi32, #tpu.memory_space<vmem>>, vector<1x16xi32>,
      %slice3A_282 = vector.extract_strided_slice %add3A_182 {offsets = [10], sizes = [1], strides = [1]} : vector<16xi32> to vector<1xi32>
      %squeeze3A_283 = vector.extract %slice3A_282[0] : i32 from vector<1xi32>
      %add3A_284 = vector.broadcast %squeeze3A_283 : i32 to vector<16xi32>
      %add3A_285 = arith.addi %add3A_284, %select_n3A_124 : vector<16xi32>
      %swap3A_286 = arith.constant 1 : i32
      %swap3A_287 = arith.index_cast %swap3A_286 : i32 to index
      %swap3A_288 = arith.constant 32 : index
      %swap3A_289 = tpu.vector_load %arg8[%swap3A_287, %swap3A_288] {strides = array<i32>} : memref<2x128xi32, #tpu.memory_space<vmem>>, vector<1x16xi32>,
      %swap3A_290 = vector.shape_cast %swap3A_289 : vector<1x16xi32> to vector<16xi32>
      %swap3A_291 = vector.shape_cast %add3A_285 : vector<16xi32> to vector<1x16xi32>
      tpu.vector_store %arg8[%swap3A_287, %swap3A_288], %swap3A_291 {strides = array<i32>} : memref<2x128xi32, #tpu.memory_space<vmem>>, vector<1x16xi32>,
      %slice3A_292 = vector.extract_strided_slice %add3A_182 {offsets = [11], sizes = [1], strides = [1]} : vector<16xi32> to vector<1xi32>
      %squeeze3A_293 = vector.extract %slice3A_292[0] : i32 from vector<1xi32>
      %add3A_294 = vector.broadcast %squeeze3A_293 : i32 to vector<16xi32>
      %add3A_295 = arith.addi %add3A_294, %select_n3A_124 : vector<16xi32>
      %swap3A_296 = arith.constant 1 : i32
      %swap3A_297 = arith.index_cast %swap3A_296 : i32 to index
      %swap3A_298 = arith.constant 48 : index
      %swap3A_299 = tpu.vector_load %arg8[%swap3A_297, %swap3A_298] {strides = array<i32>} : memref<2x128xi32, #tpu.memory_space<vmem>>, vector<1x16xi32>,
      %swap3A_300 = vector.shape_cast %swap3A_299 : vector<1x16xi32> to vector<16xi32>
      %swap3A_301 = vector.shape_cast %add3A_295 : vector<16xi32> to vector<1x16xi32>
      tpu.vector_store %arg8[%swap3A_297, %swap3A_298], %swap3A_301 {strides = array<i32>} : memref<2x128xi32, #tpu.memory_space<vmem>>, vector<1x16xi32>,
      %slice3A_302 = vector.extract_strided_slice %add3A_182 {offsets = [12], sizes = [1], strides = [1]} : vector<16xi32> to vector<1xi32>
      %squeeze3A_303 = vector.extract %slice3A_302[0] : i32 from vector<1xi32>
      %add3A_304 = vector.broadcast %squeeze3A_303 : i32 to vector<16xi32>
      %add3A_305 = arith.addi %add3A_304, %select_n3A_124 : vector<16xi32>
      %swap3A_306 = arith.constant 1 : i32
      %swap3A_307 = arith.index_cast %swap3A_306 : i32 to index
      %swap3A_308 = arith.constant 64 : index
      %swap3A_309 = tpu.vector_load %arg8[%swap3A_307, %swap3A_308] {strides = array<i32>} : memref<2x128xi32, #tpu.memory_space<vmem>>, vector<1x16xi32>,
      %swap3A_310 = vector.shape_cast %swap3A_309 : vector<1x16xi32> to vector<16xi32>
      %swap3A_311 = vector.shape_cast %add3A_305 : vector<16xi32> to vector<1x16xi32>
      tpu.vector_store %arg8[%swap3A_307, %swap3A_308], %swap3A_311 {strides = array<i32>} : memref<2x128xi32, #tpu.memory_space<vmem>>, vector<1x16xi32>,
      %slice3A_312 = vector.extract_strided_slice %add3A_182 {offsets = [13], sizes = [1], strides = [1]} : vector<16xi32> to vector<1xi32>
      %squeeze3A_313 = vector.extract %slice3A_312[0] : i32 from vector<1xi32>
      %add3A_314 = vector.broadcast %squeeze3A_313 : i32 to vector<16xi32>
      %add3A_315 = arith.addi %add3A_314, %select_n3A_124 : vector<16xi32>
      %swap3A_316 = arith.constant 1 : i32
      %swap3A_317 = arith.index_cast %swap3A_316 : i32 to index
      %swap3A_318 = arith.constant 80 : index
      %swap3A_319 = tpu.vector_load %arg8[%swap3A_317, %swap3A_318] {strides = array<i32>} : memref<2x128xi32, #tpu.memory_space<vmem>>, vector<1x16xi32>,
      %swap3A_320 = vector.shape_cast %swap3A_319 : vector<1x16xi32> to vector<16xi32>
      %swap3A_321 = vector.shape_cast %add3A_315 : vector<16xi32> to vector<1x16xi32>
      tpu.vector_store %arg8[%swap3A_317, %swap3A_318], %swap3A_321 {strides = array<i32>} : memref<2x128xi32, #tpu.memory_space<vmem>>, vector<1x16xi32>,
      %slice3A_322 = vector.extract_strided_slice %add3A_182 {offsets = [14], sizes = [1], strides = [1]} : vector<16xi32> to vector<1xi32>
      %squeeze3A_323 = vector.extract %slice3A_322[0] : i32 from vector<1xi32>
      %add3A_324 = vector.broadcast %squeeze3A_323 : i32 to vector<16xi32>
      %add3A_325 = arith.addi %add3A_324, %select_n3A_124 : vector<16xi32>
      %swap3A_326 = arith.constant 1 : i32
      %swap3A_327 = arith.index_cast %swap3A_326 : i32 to index
      %swap3A_328 = arith.constant 96 : index
      %swap3A_329 = tpu.vector_load %arg8[%swap3A_327, %swap3A_328] {strides = array<i32>} : memref<2x128xi32, #tpu.memory_space<vmem>>, vector<1x16xi32>,
      %swap3A_330 = vector.shape_cast %swap3A_329 : vector<1x16xi32> to vector<16xi32>
      %swap3A_331 = vector.shape_cast %add3A_325 : vector<16xi32> to vector<1x16xi32>
      tpu.vector_store %arg8[%swap3A_327, %swap3A_328], %swap3A_331 {strides = array<i32>} : memref<2x128xi32, #tpu.memory_space<vmem>>, vector<1x16xi32>,
      %slice3A_332 = vector.extract_strided_slice %add3A_182 {offsets = [15], sizes = [1], strides = [1]} : vector<16xi32> to vector<1xi32>
      %squeeze3A_333 = vector.extract %slice3A_332[0] : i32 from vector<1xi32>
      %add3A_334 = vector.broadcast %squeeze3A_333 : i32 to vector<16xi32>
      %add3A_335 = arith.addi %add3A_334, %select_n3A_124 : vector<16xi32>
      %swap3A_336 = arith.constant 1 : i32
      %swap3A_337 = arith.index_cast %swap3A_336 : i32 to index
      %swap3A_338 = arith.constant 112 : index
      %swap3A_339 = tpu.vector_load %arg8[%swap3A_337, %swap3A_338] {strides = array<i32>} : memref<2x128xi32, #tpu.memory_space<vmem>>, vector<1x16xi32>,
      %swap3A_340 = vector.shape_cast %swap3A_339 : vector<1x16xi32> to vector<16xi32>
      %swap3A_341 = vector.shape_cast %add3A_335 : vector<16xi32> to vector<1x16xi32>
      tpu.vector_store %arg8[%swap3A_337, %swap3A_338], %swap3A_341 {strides = array<i32>} : memref<2x128xi32, #tpu.memory_space<vmem>>, vector<1x16xi32>,
      %dma_start3A = arith.constant 0 : i32
      %dma_start3A_342 = arith.constant 0 : i32
      %dma_start3A_343 = arith.constant 0 : i32
      %dma_start3A_344 = tpu.memref_slice %arg9[%dma_start3A_342, %dma_start3A_343] : memref<256x256xf32, #tpu.memory_space<vmem>> -> memref<128x256xf32, #tpu.memory_space<vmem>>
      %dma_start3A_345 = arith.constant 0 : i32
      %dma_start3A_346 = tpu.memref_slice %arg8[%dma_start3A, %dma_start3A_345] : memref<2x128xi32, #tpu.memory_space<vmem>> -> memref<1x128xi32, #tpu.memory_space<vmem>>
      %dma_start3A_347 = tpu.memref_squeeze %dma_start3A_346 : memref<1x128xi32, #tpu.memory_space<vmem>> -> memref<128xi32, #tpu.memory_space<vmem>>
      %dma_start3A_348 = arith.constant 0 : i32
      %dma_start3A_349 = arith.constant 0 : i32
      %dma_start3A_350 = tpu.memref_slice %arg2[%dma_start3A_348, %dma_start3A_349] : memref<8192x256xf32, #tpu.memory_space<hbm>> -> memref<8192x256xf32, #tpu.memory_space<hbm>>
      tpu.enqueue_indirect_dma source(%dma_start3A_350 : memref<8192x256xf32, #tpu.memory_space<hbm>>) target(%dma_start3A_344 : memref<128x256xf32, #tpu.memory_space<vmem>>) offsets(%dma_start3A_347 : memref<128xi32, #tpu.memory_space<vmem>>) semaphore(%arg11 : memref<!tpu.dma_semaphore, #tpu.memory_space<semaphore_mem>>)
      %dma_start3A_351 = arith.constant 1 : i32
      %dma_start3A_352 = arith.constant 128 : i32
      %dma_start3A_353 = arith.constant 0 : i32
      %dma_start3A_354 = tpu.memref_slice %arg9[%dma_start3A_352, %dma_start3A_353] : memref<256x256xf32, #tpu.memory_space<vmem>> -> memref<128x256xf32, #tpu.memory_space<vmem>>
      %dma_start3A_355 = arith.constant 0 : i32
      %dma_start3A_356 = tpu.memref_slice %arg8[%dma_start3A_351, %dma_start3A_355] : memref<2x128xi32, #tpu.memory_space<vmem>> -> memref<1x128xi32, #tpu.memory_space<vmem>>
      %dma_start3A_357 = tpu.memref_squeeze %dma_start3A_356 : memref<1x128xi32, #tpu.memory_space<vmem>> -> memref<128xi32, #tpu.memory_space<vmem>>
      %dma_start3A_358 = arith.constant 0 : i32
      %dma_start3A_359 = arith.constant 0 : i32
      %dma_start3A_360 = tpu.memref_slice %arg2[%dma_start3A_358, %dma_start3A_359] : memref<8192x256xf32, #tpu.memory_space<hbm>> -> memref<8192x256xf32, #tpu.memory_space<hbm>>
      tpu.enqueue_indirect_dma source(%dma_start3A_360 : memref<8192x256xf32, #tpu.memory_space<hbm>>) target(%dma_start3A_354 : memref<128x256xf32, #tpu.memory_space<vmem>>) offsets(%dma_start3A_357 : memref<128xi32, #tpu.memory_space<vmem>>) semaphore(%arg12 : memref<!tpu.dma_semaphore, #tpu.memory_space<semaphore_mem>>)
      %dma_wait3A = arith.constant 0 : i32
      %dma_wait3A_361 = arith.constant 0 : i32
      %dma_wait3A_362 = arith.constant 0 : i32
      %dma_wait3A_363 = tpu.memref_slice %arg9[%dma_wait3A_361, %dma_wait3A_362] : memref<256x256xf32, #tpu.memory_space<vmem>> -> memref<128x256xf32, #tpu.memory_space<vmem>>
      %dma_wait3A_364 = arith.constant 0 : i32
      %dma_wait3A_365 = tpu.memref_slice %arg8[%dma_wait3A, %dma_wait3A_364] : memref<2x128xi32, #tpu.memory_space<vmem>> -> memref<1x128xi32, #tpu.memory_space<vmem>>
      %dma_wait3A_366 = tpu.memref_squeeze %dma_wait3A_365 : memref<1x128xi32, #tpu.memory_space<vmem>> -> memref<128xi32, #tpu.memory_space<vmem>>
      %dma_wait3A_367 = arith.constant 0 : i32
      %dma_wait3A_368 = arith.constant 0 : i32
      %dma_wait3A_369 = tpu.memref_slice %arg2[%dma_wait3A_367, %dma_wait3A_368] : memref<8192x256xf32, #tpu.memory_space<hbm>> -> memref<8192x256xf32, #tpu.memory_space<hbm>>
      tpu.wait_indirect_dma semaphore(%arg11 : memref<!tpu.dma_semaphore, #tpu.memory_space<semaphore_mem>>) src(%dma_wait3A_369 : memref<8192x256xf32, #tpu.memory_space<hbm>>) dst(%dma_wait3A_363 : memref<128x256xf32, #tpu.memory_space<vmem>>)
      %dma_wait3A_370 = arith.constant 1 : i32
      %dma_wait3A_371 = arith.constant 128 : i32
      %dma_wait3A_372 = arith.constant 0 : i32
      %dma_wait3A_373 = tpu.memref_slice %arg9[%dma_wait3A_371, %dma_wait3A_372] : memref<256x256xf32, #tpu.memory_space<vmem>> -> memref<128x256xf32, #tpu.memory_space<vmem>>
      %dma_wait3A_374 = arith.constant 0 : i32
      %dma_wait3A_375 = tpu.memref_slice %arg8[%dma_wait3A_370, %dma_wait3A_374] : memref<2x128xi32, #tpu.memory_space<vmem>> -> memref<1x128xi32, #tpu.memory_space<vmem>>
      %dma_wait3A_376 = tpu.memref_squeeze %dma_wait3A_375 : memref<1x128xi32, #tpu.memory_space<vmem>> -> memref<128xi32, #tpu.memory_space<vmem>>
      %dma_wait3A_377 = arith.constant 0 : i32
      %dma_wait3A_378 = arith.constant 0 : i32
      %dma_wait3A_379 = tpu.memref_slice %arg2[%dma_wait3A_377, %dma_wait3A_378] : memref<8192x256xf32, #tpu.memory_space<hbm>> -> memref<8192x256xf32, #tpu.memory_space<hbm>>
      tpu.wait_indirect_dma semaphore(%arg12 : memref<!tpu.dma_semaphore, #tpu.memory_space<semaphore_mem>>) src(%dma_wait3A_379 : memref<8192x256xf32, #tpu.memory_space<hbm>>) dst(%dma_wait3A_373 : memref<128x256xf32, #tpu.memory_space<vmem>>)
      %slice3A_380 = vector.extract_strided_slice %mul3A_177 {offsets = [0], sizes = [1], strides = [1]} : vector<16xf32> to vector<1xf32>
      %squeeze3A_381 = vector.extract %slice3A_380[0] : f32 from vector<1xf32>
      %broadcast_in_dim3A_382 = vector.broadcast %squeeze3A_381 : f32 to vector<16xf32>
      %slice3A_383 = vector.extract_strided_slice %mul3A_177 {offsets = [1], sizes = [1], strides = [1]} : vector<16xf32> to vector<1xf32>
      %squeeze3A_384 = vector.extract %slice3A_383[0] : f32 from vector<1xf32>
      %broadcast_in_dim3A_385 = vector.broadcast %squeeze3A_384 : f32 to vector<16xf32>
      %slice3A_386 = vector.extract_strided_slice %mul3A_177 {offsets = [2], sizes = [1], strides = [1]} : vector<16xf32> to vector<1xf32>
      %squeeze3A_387 = vector.extract %slice3A_386[0] : f32 from vector<1xf32>
      %broadcast_in_dim3A_388 = vector.broadcast %squeeze3A_387 : f32 to vector<16xf32>
      %slice3A_389 = vector.extract_strided_slice %mul3A_177 {offsets = [3], sizes = [1], strides = [1]} : vector<16xf32> to vector<1xf32>
      %squeeze3A_390 = vector.extract %slice3A_389[0] : f32 from vector<1xf32>
      %broadcast_in_dim3A_391 = vector.broadcast %squeeze3A_390 : f32 to vector<16xf32>
      %slice3A_392 = vector.extract_strided_slice %mul3A_177 {offsets = [4], sizes = [1], strides = [1]} : vector<16xf32> to vector<1xf32>
      %squeeze3A_393 = vector.extract %slice3A_392[0] : f32 from vector<1xf32>
      %broadcast_in_dim3A_394 = vector.broadcast %squeeze3A_393 : f32 to vector<16xf32>
      %slice3A_395 = vector.extract_strided_slice %mul3A_177 {offsets = [5], sizes = [1], strides = [1]} : vector<16xf32> to vector<1xf32>
      %squeeze3A_396 = vector.extract %slice3A_395[0] : f32 from vector<1xf32>
      %broadcast_in_dim3A_397 = vector.broadcast %squeeze3A_396 : f32 to vector<16xf32>
      %slice3A_398 = vector.extract_strided_slice %mul3A_177 {offsets = [6], sizes = [1], strides = [1]} : vector<16xf32> to vector<1xf32>
      %squeeze3A_399 = vector.extract %slice3A_398[0] : f32 from vector<1xf32>
      %broadcast_in_dim3A_400 = vector.broadcast %squeeze3A_399 : f32 to vector<16xf32>
      %slice3A_401 = vector.extract_strided_slice %mul3A_177 {offsets = [7], sizes = [1], strides = [1]} : vector<16xf32> to vector<1xf32>
      %squeeze3A_402 = vector.extract %slice3A_401[0] : f32 from vector<1xf32>
      %broadcast_in_dim3A_403 = vector.broadcast %squeeze3A_402 : f32 to vector<16xf32>
      %slice3A_404 = vector.extract_strided_slice %mul3A_177 {offsets = [8], sizes = [1], strides = [1]} : vector<16xf32> to vector<1xf32>
      %squeeze3A_405 = vector.extract %slice3A_404[0] : f32 from vector<1xf32>
      %broadcast_in_dim3A_406 = vector.broadcast %squeeze3A_405 : f32 to vector<16xf32>
      %slice3A_407 = vector.extract_strided_slice %mul3A_177 {offsets = [9], sizes = [1], strides = [1]} : vector<16xf32> to vector<1xf32>
      %squeeze3A_408 = vector.extract %slice3A_407[0] : f32 from vector<1xf32>
      %broadcast_in_dim3A_409 = vector.broadcast %squeeze3A_408 : f32 to vector<16xf32>
      %slice3A_410 = vector.extract_strided_slice %mul3A_177 {offsets = [10], sizes = [1], strides = [1]} : vector<16xf32> to vector<1xf32>
      %squeeze3A_411 = vector.extract %slice3A_410[0] : f32 from vector<1xf32>
      %broadcast_in_dim3A_412 = vector.broadcast %squeeze3A_411 : f32 to vector<16xf32>
      %slice3A_413 = vector.extract_strided_slice %mul3A_177 {offsets = [11], sizes = [1], strides = [1]} : vector<16xf32> to vector<1xf32>
      %squeeze3A_414 = vector.extract %slice3A_413[0] : f32 from vector<1xf32>
      %broadcast_in_dim3A_415 = vector.broadcast %squeeze3A_414 : f32 to vector<16xf32>
      %slice3A_416 = vector.extract_strided_slice %mul3A_177 {offsets = [12], sizes = [1], strides = [1]} : vector<16xf32> to vector<1xf32>
      %squeeze3A_417 = vector.extract %slice3A_416[0] : f32 from vector<1xf32>
      %broadcast_in_dim3A_418 = vector.broadcast %squeeze3A_417 : f32 to vector<16xf32>
      %slice3A_419 = vector.extract_strided_slice %mul3A_177 {offsets = [13], sizes = [1], strides = [1]} : vector<16xf32> to vector<1xf32>
      %squeeze3A_420 = vector.extract %slice3A_419[0] : f32 from vector<1xf32>
      %broadcast_in_dim3A_421 = vector.broadcast %squeeze3A_420 : f32 to vector<16xf32>
      %slice3A_422 = vector.extract_strided_slice %mul3A_177 {offsets = [14], sizes = [1], strides = [1]} : vector<16xf32> to vector<1xf32>
      %squeeze3A_423 = vector.extract %slice3A_422[0] : f32 from vector<1xf32>
      %broadcast_in_dim3A_424 = vector.broadcast %squeeze3A_423 : f32 to vector<16xf32>
      %slice3A_425 = vector.extract_strided_slice %mul3A_177 {offsets = [15], sizes = [1], strides = [1]} : vector<16xf32> to vector<1xf32>
      %squeeze3A_426 = vector.extract %slice3A_425[0] : f32 from vector<1xf32>
      %broadcast_in_dim3A_427 = vector.broadcast %squeeze3A_426 : f32 to vector<16xf32>
      %scan3A_428 = arith.constant 0 : i32
      %scan3A_429 = arith.constant 0 : i32
      %scan3A_430 = arith.constant 16 : i32
      %scan3A_431 = arith.addi %scan3A_429, %scan3A_430 : i32
      %scan3A_432 = arith.constant 1 : i32
      %scan3A_433 = scf.for %scan3A_437 = %scan3A_429 to %scan3A_431 step %scan3A_432 iter_args(%scan3A_438 = %scan3A_428) -> (i32)  : i32 {
        %mul3A_439 = arith.constant 16 : i32
        %mul3A_440 = arith.muli %scan3A_437, %mul3A_439 : i32
        %multiple_of3A = tpu.assume_multiple %mul3A_440, 16 : i32
        %broadcast_in_dim3A_441 = arith.constant 0.000000e+00 : f32
        %broadcast_in_dim3A_442 = vector.broadcast %broadcast_in_dim3A_441 : f32 to vector<16xf32>
        %broadcast_in_dim3A_443 = arith.constant 0.000000e+00 : f32
        %broadcast_in_dim3A_444 = vector.broadcast %broadcast_in_dim3A_443 : f32 to vector<16xf32>
        %broadcast_in_dim3A_445 = arith.constant 0.000000e+00 : f32
        %broadcast_in_dim3A_446 = vector.broadcast %broadcast_in_dim3A_445 : f32 to vector<16xf32>
        %broadcast_in_dim3A_447 = arith.constant 0.000000e+00 : f32
        %broadcast_in_dim3A_448 = vector.broadcast %broadcast_in_dim3A_447 : f32 to vector<16xf32>
        %broadcast_in_dim3A_449 = arith.constant 0.000000e+00 : f32
        %broadcast_in_dim3A_450 = vector.broadcast %broadcast_in_dim3A_449 : f32 to vector<16xf32>
        %broadcast_in_dim3A_451 = arith.constant 0.000000e+00 : f32
        %broadcast_in_dim3A_452 = vector.broadcast %broadcast_in_dim3A_451 : f32 to vector<16xf32>
        %broadcast_in_dim3A_453 = arith.constant 0.000000e+00 : f32
        %broadcast_in_dim3A_454 = vector.broadcast %broadcast_in_dim3A_453 : f32 to vector<16xf32>
        %broadcast_in_dim3A_455 = arith.constant 0.000000e+00 : f32
        %broadcast_in_dim3A_456 = vector.broadcast %broadcast_in_dim3A_455 : f32 to vector<16xf32>
        %broadcast_in_dim3A_457 = arith.constant 0.000000e+00 : f32
        %broadcast_in_dim3A_458 = vector.broadcast %broadcast_in_dim3A_457 : f32 to vector<16xf32>
        %broadcast_in_dim3A_459 = arith.constant 0.000000e+00 : f32
        %broadcast_in_dim3A_460 = vector.broadcast %broadcast_in_dim3A_459 : f32 to vector<16xf32>
        %broadcast_in_dim3A_461 = arith.constant 0.000000e+00 : f32
        %broadcast_in_dim3A_462 = vector.broadcast %broadcast_in_dim3A_461 : f32 to vector<16xf32>
        %broadcast_in_dim3A_463 = arith.constant 0.000000e+00 : f32
        %broadcast_in_dim3A_464 = vector.broadcast %broadcast_in_dim3A_463 : f32 to vector<16xf32>
        %broadcast_in_dim3A_465 = arith.constant 0.000000e+00 : f32
        %broadcast_in_dim3A_466 = vector.broadcast %broadcast_in_dim3A_465 : f32 to vector<16xf32>
        %broadcast_in_dim3A_467 = arith.constant 0.000000e+00 : f32
        %broadcast_in_dim3A_468 = vector.broadcast %broadcast_in_dim3A_467 : f32 to vector<16xf32>
        %broadcast_in_dim3A_469 = arith.constant 0.000000e+00 : f32
        %broadcast_in_dim3A_470 = vector.broadcast %broadcast_in_dim3A_469 : f32 to vector<16xf32>
        %broadcast_in_dim3A_471 = arith.constant 0.000000e+00 : f32
        %broadcast_in_dim3A_472 = vector.broadcast %broadcast_in_dim3A_471 : f32 to vector<16xf32>
        %broadcast_in_dim3A_473 = arith.constant 0.000000e+00 : f32
        %broadcast_in_dim3A_474 = vector.broadcast %broadcast_in_dim3A_473 : f32 to vector<16xf32>
        %broadcast_in_dim3A_475 = arith.constant 0.000000e+00 : f32
        %broadcast_in_dim3A_476 = vector.broadcast %broadcast_in_dim3A_475 : f32 to vector<16xf32>
        %broadcast_in_dim3A_477 = arith.constant 0.000000e+00 : f32
        %broadcast_in_dim3A_478 = vector.broadcast %broadcast_in_dim3A_477 : f32 to vector<16xf32>
        %broadcast_in_dim3A_479 = arith.constant 0.000000e+00 : f32
        %broadcast_in_dim3A_480 = vector.broadcast %broadcast_in_dim3A_479 : f32 to vector<16xf32>
        %get3A_481 = arith.constant 0 : i32
        %get3A_482 = arith.index_cast %get3A_481 : i32 to index
        %get3A_483 = arith.index_cast %multiple_of3A : i32 to index
        %get3A_484 = tpu.vector_load %arg9[%get3A_482, %get3A_483] {strides = array<i32>} : memref<256x256xf32, #tpu.memory_space<vmem>>, vector<1x16xf32>,
        %get3A_485 = vector.shape_cast %get3A_484 : vector<1x16xf32> to vector<16xf32>
        %mul3A_486 = arith.mulf %broadcast_in_dim3A_382, %get3A_485 : vector<16xf32>
        %add3A_487 = arith.addf %broadcast_in_dim3A_474, %mul3A_486 : vector<16xf32>
        %get3A_488 = arith.constant 1 : i32
        %get3A_489 = arith.index_cast %get3A_488 : i32 to index
        %get3A_490 = arith.index_cast %multiple_of3A : i32 to index
        %get3A_491 = tpu.vector_load %arg9[%get3A_489, %get3A_490] {strides = array<i32>} : memref<256x256xf32, #tpu.memory_space<vmem>>, vector<1x16xf32>,
        %get3A_492 = vector.shape_cast %get3A_491 : vector<1x16xf32> to vector<16xf32>
        %mul3A_493 = arith.mulf %broadcast_in_dim3A_385, %get3A_492 : vector<16xf32>
        %add3A_494 = arith.addf %add3A_487, %mul3A_493 : vector<16xf32>
        %get3A_495 = arith.constant 2 : i32
        %get3A_496 = arith.index_cast %get3A_495 : i32 to index
        %get3A_497 = arith.index_cast %multiple_of3A : i32 to index
        %get3A_498 = tpu.vector_load %arg9[%get3A_496, %get3A_497] {strides = array<i32>} : memref<256x256xf32, #tpu.memory_space<vmem>>, vector<1x16xf32>,
        %get3A_499 = vector.shape_cast %get3A_498 : vector<1x16xf32> to vector<16xf32>
        %mul3A_500 = arith.mulf %broadcast_in_dim3A_388, %get3A_499 : vector<16xf32>
        %add3A_501 = arith.addf %broadcast_in_dim3A_476, %mul3A_500 : vector<16xf32>
        %get3A_502 = arith.constant 3 : i32
        %get3A_503 = arith.index_cast %get3A_502 : i32 to index
        %get3A_504 = arith.index_cast %multiple_of3A : i32 to index
        %get3A_505 = tpu.vector_load %arg9[%get3A_503, %get3A_504] {strides = array<i32>} : memref<256x256xf32, #tpu.memory_space<vmem>>, vector<1x16xf32>,
        %get3A_506 = vector.shape_cast %get3A_505 : vector<1x16xf32> to vector<16xf32>
        %mul3A_507 = arith.mulf %broadcast_in_dim3A_391, %get3A_506 : vector<16xf32>
        %add3A_508 = arith.addf %add3A_501, %mul3A_507 : vector<16xf32>
        %get3A_509 = arith.constant 4 : i32
        %get3A_510 = arith.index_cast %get3A_509 : i32 to index
        %get3A_511 = arith.index_cast %multiple_of3A : i32 to index
        %get3A_512 = tpu.vector_load %arg9[%get3A_510, %get3A_511] {strides = array<i32>} : memref<256x256xf32, #tpu.memory_space<vmem>>, vector<1x16xf32>,
        %get3A_513 = vector.shape_cast %get3A_512 : vector<1x16xf32> to vector<16xf32>
        %mul3A_514 = arith.mulf %broadcast_in_dim3A_394, %get3A_513 : vector<16xf32>
        %add3A_515 = arith.addf %broadcast_in_dim3A_478, %mul3A_514 : vector<16xf32>
        %get3A_516 = arith.constant 5 : i32
        %get3A_517 = arith.index_cast %get3A_516 : i32 to index
        %get3A_518 = arith.index_cast %multiple_of3A : i32 to index
        %get3A_519 = tpu.vector_load %arg9[%get3A_517, %get3A_518] {strides = array<i32>} : memref<256x256xf32, #tpu.memory_space<vmem>>, vector<1x16xf32>,
        %get3A_520 = vector.shape_cast %get3A_519 : vector<1x16xf32> to vector<16xf32>
        %mul3A_521 = arith.mulf %broadcast_in_dim3A_397, %get3A_520 : vector<16xf32>
        %add3A_522 = arith.addf %add3A_515, %mul3A_521 : vector<16xf32>
        %get3A_523 = arith.constant 6 : i32
        %get3A_524 = arith.index_cast %get3A_523 : i32 to index
        %get3A_525 = arith.index_cast %multiple_of3A : i32 to index
        %get3A_526 = tpu.vector_load %arg9[%get3A_524, %get3A_525] {strides = array<i32>} : memref<256x256xf32, #tpu.memory_space<vmem>>, vector<1x16xf32>,
        %get3A_527 = vector.shape_cast %get3A_526 : vector<1x16xf32> to vector<16xf32>
        %mul3A_528 = arith.mulf %broadcast_in_dim3A_400, %get3A_527 : vector<16xf32>
        %add3A_529 = arith.addf %broadcast_in_dim3A_480, %mul3A_528 : vector<16xf32>
        %get3A_530 = arith.constant 7 : i32
        %get3A_531 = arith.index_cast %get3A_530 : i32 to index
        %get3A_532 = arith.index_cast %multiple_of3A : i32 to index
        %get3A_533 = tpu.vector_load %arg9[%get3A_531, %get3A_532] {strides = array<i32>} : memref<256x256xf32, #tpu.memory_space<vmem>>, vector<1x16xf32>,
        %get3A_534 = vector.shape_cast %get3A_533 : vector<1x16xf32> to vector<16xf32>
        %mul3A_535 = arith.mulf %broadcast_in_dim3A_403, %get3A_534 : vector<16xf32>
        %add3A_536 = arith.addf %add3A_529, %mul3A_535 : vector<16xf32>
        %get3A_537 = arith.constant 8 : i32
        %get3A_538 = arith.index_cast %get3A_537 : i32 to index
        %get3A_539 = arith.index_cast %multiple_of3A : i32 to index
        %get3A_540 = tpu.vector_load %arg9[%get3A_538, %get3A_539] {strides = array<i32>} : memref<256x256xf32, #tpu.memory_space<vmem>>, vector<1x16xf32>,
        %get3A_541 = vector.shape_cast %get3A_540 : vector<1x16xf32> to vector<16xf32>
        %mul3A_542 = arith.mulf %broadcast_in_dim3A_406, %get3A_541 : vector<16xf32>
        %add3A_543 = arith.addf %add3A_494, %mul3A_542 : vector<16xf32>
        %get3A_544 = arith.constant 9 : i32
        %get3A_545 = arith.index_cast %get3A_544 : i32 to index
        %get3A_546 = arith.index_cast %multiple_of3A : i32 to index
        %get3A_547 = tpu.vector_load %arg9[%get3A_545, %get3A_546] {strides = array<i32>} : memref<256x256xf32, #tpu.memory_space<vmem>>, vector<1x16xf32>,
        %get3A_548 = vector.shape_cast %get3A_547 : vector<1x16xf32> to vector<16xf32>
        %mul3A_549 = arith.mulf %broadcast_in_dim3A_409, %get3A_548 : vector<16xf32>
        %add3A_550 = arith.addf %add3A_543, %mul3A_549 : vector<16xf32>
        %get3A_551 = arith.constant 10 : i32
        %get3A_552 = arith.index_cast %get3A_551 : i32 to index
        %get3A_553 = arith.index_cast %multiple_of3A : i32 to index
        %get3A_554 = tpu.vector_load %arg9[%get3A_552, %get3A_553] {strides = array<i32>} : memref<256x256xf32, #tpu.memory_space<vmem>>, vector<1x16xf32>,
        %get3A_555 = vector.shape_cast %get3A_554 : vector<1x16xf32> to vector<16xf32>
        %mul3A_556 = arith.mulf %broadcast_in_dim3A_412, %get3A_555 : vector<16xf32>
        %add3A_557 = arith.addf %add3A_508, %mul3A_556 : vector<16xf32>
        %get3A_558 = arith.constant 11 : i32
        %get3A_559 = arith.index_cast %get3A_558 : i32 to index
        %get3A_560 = arith.index_cast %multiple_of3A : i32 to index
        %get3A_561 = tpu.vector_load %arg9[%get3A_559, %get3A_560] {strides = array<i32>} : memref<256x256xf32, #tpu.memory_space<vmem>>, vector<1x16xf32>,
        %get3A_562 = vector.shape_cast %get3A_561 : vector<1x16xf32> to vector<16xf32>
        %mul3A_563 = arith.mulf %broadcast_in_dim3A_415, %get3A_562 : vector<16xf32>
        %add3A_564 = arith.addf %add3A_557, %mul3A_563 : vector<16xf32>
        %get3A_565 = arith.constant 12 : i32
        %get3A_566 = arith.index_cast %get3A_565 : i32 to index
        %get3A_567 = arith.index_cast %multiple_of3A : i32 to index
        %get3A_568 = tpu.vector_load %arg9[%get3A_566, %get3A_567] {strides = array<i32>} : memref<256x256xf32, #tpu.memory_space<vmem>>, vector<1x16xf32>,
        %get3A_569 = vector.shape_cast %get3A_568 : vector<1x16xf32> to vector<16xf32>
        %mul3A_570 = arith.mulf %broadcast_in_dim3A_418, %get3A_569 : vector<16xf32>
        %add3A_571 = arith.addf %add3A_522, %mul3A_570 : vector<16xf32>
        %get3A_572 = arith.constant 13 : i32
        %get3A_573 = arith.index_cast %get3A_572 : i32 to index
        %get3A_574 = arith.index_cast %multiple_of3A : i32 to index
        %get3A_575 = tpu.vector_load %arg9[%get3A_573, %get3A_574] {strides = array<i32>} : memref<256x256xf32, #tpu.memory_space<vmem>>, vector<1x16xf32>,
        %get3A_576 = vector.shape_cast %get3A_575 : vector<1x16xf32> to vector<16xf32>
        %mul3A_577 = arith.mulf %broadcast_in_dim3A_421, %get3A_576 : vector<16xf32>
        %add3A_578 = arith.addf %add3A_571, %mul3A_577 : vector<16xf32>
        %get3A_579 = arith.constant 14 : i32
        %get3A_580 = arith.index_cast %get3A_579 : i32 to index
        %get3A_581 = arith.index_cast %multiple_of3A : i32 to index
        %get3A_582 = tpu.vector_load %arg9[%get3A_580, %get3A_581] {strides = array<i32>} : memref<256x256xf32, #tpu.memory_space<vmem>>, vector<1x16xf32>,
        %get3A_583 = vector.shape_cast %get3A_582 : vector<1x16xf32> to vector<16xf32>
        %mul3A_584 = arith.mulf %broadcast_in_dim3A_424, %get3A_583 : vector<16xf32>
        %add3A_585 = arith.addf %add3A_536, %mul3A_584 : vector<16xf32>
        %get3A_586 = arith.constant 15 : i32
        %get3A_587 = arith.index_cast %get3A_586 : i32 to index
        %get3A_588 = arith.index_cast %multiple_of3A : i32 to index
        %get3A_589 = tpu.vector_load %arg9[%get3A_587, %get3A_588] {strides = array<i32>} : memref<256x256xf32, #tpu.memory_space<vmem>>, vector<1x16xf32>,
        %get3A_590 = vector.shape_cast %get3A_589 : vector<1x16xf32> to vector<16xf32>
        %mul3A_591 = arith.mulf %broadcast_in_dim3A_427, %get3A_590 : vector<16xf32>
        %add3A_592 = arith.addf %add3A_585, %mul3A_591 : vector<16xf32>
        %slice3A_593 = vector.extract_strided_slice %select_n3A_174 {offsets = [0], sizes = [1], strides = [1]} : vector<16xf32> to vector<1xf32>
        %squeeze3A_594 = vector.extract %slice3A_593[0] : f32 from vector<1xf32>
        %broadcast_in_dim3A_595 = vector.broadcast %squeeze3A_594 : f32 to vector<16xf32>
        %mul3A_596 = arith.mulf %broadcast_in_dim3A_595, %add3A_550 : vector<16xf32>
        %add3A_597 = arith.addf %broadcast_in_dim3A_442, %mul3A_596 : vector<16xf32>
        %mul3A_598 = arith.mulf %broadcast_in_dim3A_595, %add3A_564 : vector<16xf32>
        %add3A_599 = arith.addf %broadcast_in_dim3A_444, %mul3A_598 : vector<16xf32>
        %mul3A_600 = arith.mulf %broadcast_in_dim3A_595, %add3A_578 : vector<16xf32>
        %add3A_601 = arith.addf %broadcast_in_dim3A_446, %mul3A_600 : vector<16xf32>
        %mul3A_602 = arith.mulf %broadcast_in_dim3A_595, %add3A_592 : vector<16xf32>
        %add3A_603 = arith.addf %broadcast_in_dim3A_448, %mul3A_602 : vector<16xf32>
        %broadcast_in_dim3A_604 = arith.constant 0.000000e+00 : f32
        %broadcast_in_dim3A_605 = vector.broadcast %broadcast_in_dim3A_604 : f32 to vector<16xf32>
        %broadcast_in_dim3A_606 = arith.constant 0.000000e+00 : f32
        %broadcast_in_dim3A_607 = vector.broadcast %broadcast_in_dim3A_606 : f32 to vector<16xf32>
        %broadcast_in_dim3A_608 = arith.constant 0.000000e+00 : f32
        %broadcast_in_dim3A_609 = vector.broadcast %broadcast_in_dim3A_608 : f32 to vector<16xf32>
        %broadcast_in_dim3A_610 = arith.constant 0.000000e+00 : f32
        %broadcast_in_dim3A_611 = vector.broadcast %broadcast_in_dim3A_610 : f32 to vector<16xf32>
        %get3A_612 = arith.constant 16 : i32
        %get3A_613 = arith.index_cast %get3A_612 : i32 to index
        %get3A_614 = arith.index_cast %multiple_of3A : i32 to index
        %get3A_615 = tpu.vector_load %arg9[%get3A_613, %get3A_614] {strides = array<i32>} : memref<256x256xf32, #tpu.memory_space<vmem>>, vector<1x16xf32>,
        %get3A_616 = vector.shape_cast %get3A_615 : vector<1x16xf32> to vector<16xf32>
        %mul3A_617 = arith.mulf %broadcast_in_dim3A_382, %get3A_616 : vector<16xf32>
        %add3A_618 = arith.addf %broadcast_in_dim3A_605, %mul3A_617 : vector<16xf32>
        %get3A_619 = arith.constant 17 : i32
        %get3A_620 = arith.index_cast %get3A_619 : i32 to index
        %get3A_621 = arith.index_cast %multiple_of3A : i32 to index
        %get3A_622 = tpu.vector_load %arg9[%get3A_620, %get3A_621] {strides = array<i32>} : memref<256x256xf32, #tpu.memory_space<vmem>>, vector<1x16xf32>,
        %get3A_623 = vector.shape_cast %get3A_622 : vector<1x16xf32> to vector<16xf32>
        %mul3A_624 = arith.mulf %broadcast_in_dim3A_385, %get3A_623 : vector<16xf32>
        %add3A_625 = arith.addf %add3A_618, %mul3A_624 : vector<16xf32>
        %get3A_626 = arith.constant 18 : i32
        %get3A_627 = arith.index_cast %get3A_626 : i32 to index
        %get3A_628 = arith.index_cast %multiple_of3A : i32 to index
        %get3A_629 = tpu.vector_load %arg9[%get3A_627, %get3A_628] {strides = array<i32>} : memref<256x256xf32, #tpu.memory_space<vmem>>, vector<1x16xf32>,
        %get3A_630 = vector.shape_cast %get3A_629 : vector<1x16xf32> to vector<16xf32>
        %mul3A_631 = arith.mulf %broadcast_in_dim3A_388, %get3A_630 : vector<16xf32>
        %add3A_632 = arith.addf %broadcast_in_dim3A_607, %mul3A_631 : vector<16xf32>
        %get3A_633 = arith.constant 19 : i32
        %get3A_634 = arith.index_cast %get3A_633 : i32 to index
        %get3A_635 = arith.index_cast %multiple_of3A : i32 to index
        %get3A_636 = tpu.vector_load %arg9[%get3A_634, %get3A_635] {strides = array<i32>} : memref<256x256xf32, #tpu.memory_space<vmem>>, vector<1x16xf32>,
        %get3A_637 = vector.shape_cast %get3A_636 : vector<1x16xf32> to vector<16xf32>
        %mul3A_638 = arith.mulf %broadcast_in_dim3A_391, %get3A_637 : vector<16xf32>
        %add3A_639 = arith.addf %add3A_632, %mul3A_638 : vector<16xf32>
        %get3A_640 = arith.constant 20 : i32
        %get3A_641 = arith.index_cast %get3A_640 : i32 to index
        %get3A_642 = arith.index_cast %multiple_of3A : i32 to index
        %get3A_643 = tpu.vector_load %arg9[%get3A_641, %get3A_642] {strides = array<i32>} : memref<256x256xf32, #tpu.memory_space<vmem>>, vector<1x16xf32>,
        %get3A_644 = vector.shape_cast %get3A_643 : vector<1x16xf32> to vector<16xf32>
        %mul3A_645 = arith.mulf %broadcast_in_dim3A_394, %get3A_644 : vector<16xf32>
        %add3A_646 = arith.addf %broadcast_in_dim3A_609, %mul3A_645 : vector<16xf32>
        %get3A_647 = arith.constant 21 : i32
        %get3A_648 = arith.index_cast %get3A_647 : i32 to index
        %get3A_649 = arith.index_cast %multiple_of3A : i32 to index
        %get3A_650 = tpu.vector_load %arg9[%get3A_648, %get3A_649] {strides = array<i32>} : memref<256x256xf32, #tpu.memory_space<vmem>>, vector<1x16xf32>,
        %get3A_651 = vector.shape_cast %get3A_650 : vector<1x16xf32> to vector<16xf32>
        %mul3A_652 = arith.mulf %broadcast_in_dim3A_397, %get3A_651 : vector<16xf32>
        %add3A_653 = arith.addf %add3A_646, %mul3A_652 : vector<16xf32>
        %get3A_654 = arith.constant 22 : i32
        %get3A_655 = arith.index_cast %get3A_654 : i32 to index
        %get3A_656 = arith.index_cast %multiple_of3A : i32 to index
        %get3A_657 = tpu.vector_load %arg9[%get3A_655, %get3A_656] {strides = array<i32>} : memref<256x256xf32, #tpu.memory_space<vmem>>, vector<1x16xf32>,
        %get3A_658 = vector.shape_cast %get3A_657 : vector<1x16xf32> to vector<16xf32>
        %mul3A_659 = arith.mulf %broadcast_in_dim3A_400, %get3A_658 : vector<16xf32>
        %add3A_660 = arith.addf %broadcast_in_dim3A_611, %mul3A_659 : vector<16xf32>
        %get3A_661 = arith.constant 23 : i32
        %get3A_662 = arith.index_cast %get3A_661 : i32 to index
        %get3A_663 = arith.index_cast %multiple_of3A : i32 to index
        %get3A_664 = tpu.vector_load %arg9[%get3A_662, %get3A_663] {strides = array<i32>} : memref<256x256xf32, #tpu.memory_space<vmem>>, vector<1x16xf32>,
        %get3A_665 = vector.shape_cast %get3A_664 : vector<1x16xf32> to vector<16xf32>
        %mul3A_666 = arith.mulf %broadcast_in_dim3A_403, %get3A_665 : vector<16xf32>
        %add3A_667 = arith.addf %add3A_660, %mul3A_666 : vector<16xf32>
        %get3A_668 = arith.constant 24 : i32
        %get3A_669 = arith.index_cast %get3A_668 : i32 to index
        %get3A_670 = arith.index_cast %multiple_of3A : i32 to index
        %get3A_671 = tpu.vector_load %arg9[%get3A_669, %get3A_670] {strides = array<i32>} : memref<256x256xf32, #tpu.memory_space<vmem>>, vector<1x16xf32>,
        %get3A_672 = vector.shape_cast %get3A_671 : vector<1x16xf32> to vector<16xf32>
        %mul3A_673 = arith.mulf %broadcast_in_dim3A_406, %get3A_672 : vector<16xf32>
        %add3A_674 = arith.addf %add3A_625, %mul3A_673 : vector<16xf32>
        %get3A_675 = arith.constant 25 : i32
        %get3A_676 = arith.index_cast %get3A_675 : i32 to index
        %get3A_677 = arith.index_cast %multiple_of3A : i32 to index
        %get3A_678 = tpu.vector_load %arg9[%get3A_676, %get3A_677] {strides = array<i32>} : memref<256x256xf32, #tpu.memory_space<vmem>>, vector<1x16xf32>,
        %get3A_679 = vector.shape_cast %get3A_678 : vector<1x16xf32> to vector<16xf32>
        %mul3A_680 = arith.mulf %broadcast_in_dim3A_409, %get3A_679 : vector<16xf32>
        %add3A_681 = arith.addf %add3A_674, %mul3A_680 : vector<16xf32>
        %get3A_682 = arith.constant 26 : i32
        %get3A_683 = arith.index_cast %get3A_682 : i32 to index
        %get3A_684 = arith.index_cast %multiple_of3A : i32 to index
        %get3A_685 = tpu.vector_load %arg9[%get3A_683, %get3A_684] {strides = array<i32>} : memref<256x256xf32, #tpu.memory_space<vmem>>, vector<1x16xf32>,
        %get3A_686 = vector.shape_cast %get3A_685 : vector<1x16xf32> to vector<16xf32>
        %mul3A_687 = arith.mulf %broadcast_in_dim3A_412, %get3A_686 : vector<16xf32>
        %add3A_688 = arith.addf %add3A_639, %mul3A_687 : vector<16xf32>
        %get3A_689 = arith.constant 27 : i32
        %get3A_690 = arith.index_cast %get3A_689 : i32 to index
        %get3A_691 = arith.index_cast %multiple_of3A : i32 to index
        %get3A_692 = tpu.vector_load %arg9[%get3A_690, %get3A_691] {strides = array<i32>} : memref<256x256xf32, #tpu.memory_space<vmem>>, vector<1x16xf32>,
        %get3A_693 = vector.shape_cast %get3A_692 : vector<1x16xf32> to vector<16xf32>
        %mul3A_694 = arith.mulf %broadcast_in_dim3A_415, %get3A_693 : vector<16xf32>
        %add3A_695 = arith.addf %add3A_688, %mul3A_694 : vector<16xf32>
        %get3A_696 = arith.constant 28 : i32
        %get3A_697 = arith.index_cast %get3A_696 : i32 to index
        %get3A_698 = arith.index_cast %multiple_of3A : i32 to index
        %get3A_699 = tpu.vector_load %arg9[%get3A_697, %get3A_698] {strides = array<i32>} : memref<256x256xf32, #tpu.memory_space<vmem>>, vector<1x16xf32>,
        %get3A_700 = vector.shape_cast %get3A_699 : vector<1x16xf32> to vector<16xf32>
        %mul3A_701 = arith.mulf %broadcast_in_dim3A_418, %get3A_700 : vector<16xf32>
        %add3A_702 = arith.addf %add3A_653, %mul3A_701 : vector<16xf32>
        %get3A_703 = arith.constant 29 : i32
        %get3A_704 = arith.index_cast %get3A_703 : i32 to index
        %get3A_705 = arith.index_cast %multiple_of3A : i32 to index
        %get3A_706 = tpu.vector_load %arg9[%get3A_704, %get3A_705] {strides = array<i32>} : memref<256x256xf32, #tpu.memory_space<vmem>>, vector<1x16xf32>,
        %get3A_707 = vector.shape_cast %get3A_706 : vector<1x16xf32> to vector<16xf32>
        %mul3A_708 = arith.mulf %broadcast_in_dim3A_421, %get3A_707 : vector<16xf32>
        %add3A_709 = arith.addf %add3A_702, %mul3A_708 : vector<16xf32>
        %get3A_710 = arith.constant 30 : i32
        %get3A_711 = arith.index_cast %get3A_710 : i32 to index
        %get3A_712 = arith.index_cast %multiple_of3A : i32 to index
        %get3A_713 = tpu.vector_load %arg9[%get3A_711, %get3A_712] {strides = array<i32>} : memref<256x256xf32, #tpu.memory_space<vmem>>, vector<1x16xf32>,
        %get3A_714 = vector.shape_cast %get3A_713 : vector<1x16xf32> to vector<16xf32>
        %mul3A_715 = arith.mulf %broadcast_in_dim3A_424, %get3A_714 : vector<16xf32>
        %add3A_716 = arith.addf %add3A_667, %mul3A_715 : vector<16xf32>
        %get3A_717 = arith.constant 31 : i32
        %get3A_718 = arith.index_cast %get3A_717 : i32 to index
        %get3A_719 = arith.index_cast %multiple_of3A : i32 to index
        %get3A_720 = tpu.vector_load %arg9[%get3A_718, %get3A_719] {strides = array<i32>} : memref<256x256xf32, #tpu.memory_space<vmem>>, vector<1x16xf32>,
        %get3A_721 = vector.shape_cast %get3A_720 : vector<1x16xf32> to vector<16xf32>
        %mul3A_722 = arith.mulf %broadcast_in_dim3A_427, %get3A_721 : vector<16xf32>
        %add3A_723 = arith.addf %add3A_716, %mul3A_722 : vector<16xf32>
        %slice3A_724 = vector.extract_strided_slice %select_n3A_174 {offsets = [1], sizes = [1], strides = [1]} : vector<16xf32> to vector<1xf32>
        %squeeze3A_725 = vector.extract %slice3A_724[0] : f32 from vector<1xf32>
        %broadcast_in_dim3A_726 = vector.broadcast %squeeze3A_725 : f32 to vector<16xf32>
        %mul3A_727 = arith.mulf %broadcast_in_dim3A_726, %add3A_681 : vector<16xf32>
        %add3A_728 = arith.addf %add3A_597, %mul3A_727 : vector<16xf32>
        %mul3A_729 = arith.mulf %broadcast_in_dim3A_726, %add3A_695 : vector<16xf32>
        %add3A_730 = arith.addf %add3A_599, %mul3A_729 : vector<16xf32>
        %mul3A_731 = arith.mulf %broadcast_in_dim3A_726, %add3A_709 : vector<16xf32>
        %add3A_732 = arith.addf %add3A_601, %mul3A_731 : vector<16xf32>
        %mul3A_733 = arith.mulf %broadcast_in_dim3A_726, %add3A_723 : vector<16xf32>
        %add3A_734 = arith.addf %add3A_603, %mul3A_733 : vector<16xf32>
        %broadcast_in_dim3A_735 = arith.constant 0.000000e+00 : f32
        %broadcast_in_dim3A_736 = vector.broadcast %broadcast_in_dim3A_735 : f32 to vector<16xf32>
        %broadcast_in_dim3A_737 = arith.constant 0.000000e+00 : f32
        %broadcast_in_dim3A_738 = vector.broadcast %broadcast_in_dim3A_737 : f32 to vector<16xf32>
        %broadcast_in_dim3A_739 = arith.constant 0.000000e+00 : f32
        %broadcast_in_dim3A_740 = vector.broadcast %broadcast_in_dim3A_739 : f32 to vector<16xf32>
        %broadcast_in_dim3A_741 = arith.constant 0.000000e+00 : f32
        %broadcast_in_dim3A_742 = vector.broadcast %broadcast_in_dim3A_741 : f32 to vector<16xf32>
        %get3A_743 = arith.constant 32 : i32
        %get3A_744 = arith.index_cast %get3A_743 : i32 to index
        %get3A_745 = arith.index_cast %multiple_of3A : i32 to index
        %get3A_746 = tpu.vector_load %arg9[%get3A_744, %get3A_745] {strides = array<i32>} : memref<256x256xf32, #tpu.memory_space<vmem>>, vector<1x16xf32>,
        %get3A_747 = vector.shape_cast %get3A_746 : vector<1x16xf32> to vector<16xf32>
        %mul3A_748 = arith.mulf %broadcast_in_dim3A_382, %get3A_747 : vector<16xf32>
        %add3A_749 = arith.addf %broadcast_in_dim3A_736, %mul3A_748 : vector<16xf32>
        %get3A_750 = arith.constant 33 : i32
        %get3A_751 = arith.index_cast %get3A_750 : i32 to index
        %get3A_752 = arith.index_cast %multiple_of3A : i32 to index
        %get3A_753 = tpu.vector_load %arg9[%get3A_751, %get3A_752] {strides = array<i32>} : memref<256x256xf32, #tpu.memory_space<vmem>>, vector<1x16xf32>,
        %get3A_754 = vector.shape_cast %get3A_753 : vector<1x16xf32> to vector<16xf32>
        %mul3A_755 = arith.mulf %broadcast_in_dim3A_385, %get3A_754 : vector<16xf32>
        %add3A_756 = arith.addf %add3A_749, %mul3A_755 : vector<16xf32>
        %get3A_757 = arith.constant 34 : i32
        %get3A_758 = arith.index_cast %get3A_757 : i32 to index
        %get3A_759 = arith.index_cast %multiple_of3A : i32 to index
        %get3A_760 = tpu.vector_load %arg9[%get3A_758, %get3A_759] {strides = array<i32>} : memref<256x256xf32, #tpu.memory_space<vmem>>, vector<1x16xf32>,
        %get3A_761 = vector.shape_cast %get3A_760 : vector<1x16xf32> to vector<16xf32>
        %mul3A_762 = arith.mulf %broadcast_in_dim3A_388, %get3A_761 : vector<16xf32>
        %add3A_763 = arith.addf %broadcast_in_dim3A_738, %mul3A_762 : vector<16xf32>
        %get3A_764 = arith.constant 35 : i32
        %get3A_765 = arith.index_cast %get3A_764 : i32 to index
        %get3A_766 = arith.index_cast %multiple_of3A : i32 to index
        %get3A_767 = tpu.vector_load %arg9[%get3A_765, %get3A_766] {strides = array<i32>} : memref<256x256xf32, #tpu.memory_space<vmem>>, vector<1x16xf32>,
        %get3A_768 = vector.shape_cast %get3A_767 : vector<1x16xf32> to vector<16xf32>
        %mul3A_769 = arith.mulf %broadcast_in_dim3A_391, %get3A_768 : vector<16xf32>
        %add3A_770 = arith.addf %add3A_763, %mul3A_769 : vector<16xf32>
        %get3A_771 = arith.constant 36 : i32
        %get3A_772 = arith.index_cast %get3A_771 : i32 to index
        %get3A_773 = arith.index_cast %multiple_of3A : i32 to index
        %get3A_774 = tpu.vector_load %arg9[%get3A_772, %get3A_773] {strides = array<i32>} : memref<256x256xf32, #tpu.memory_space<vmem>>, vector<1x16xf32>,
        %get3A_775 = vector.shape_cast %get3A_774 : vector<1x16xf32> to vector<16xf32>
        %mul3A_776 = arith.mulf %broadcast_in_dim3A_394, %get3A_775 : vector<16xf32>
        %add3A_777 = arith.addf %broadcast_in_dim3A_740, %mul3A_776 : vector<16xf32>
        %get3A_778 = arith.constant 37 : i32
        %get3A_779 = arith.index_cast %get3A_778 : i32 to index
        %get3A_780 = arith.index_cast %multiple_of3A : i32 to index
        %get3A_781 = tpu.vector_load %arg9[%get3A_779, %get3A_780] {strides = array<i32>} : memref<256x256xf32, #tpu.memory_space<vmem>>, vector<1x16xf32>,
        %get3A_782 = vector.shape_cast %get3A_781 : vector<1x16xf32> to vector<16xf32>
        %mul3A_783 = arith.mulf %broadcast_in_dim3A_397, %get3A_782 : vector<16xf32>
        %add3A_784 = arith.addf %add3A_777, %mul3A_783 : vector<16xf32>
        %get3A_785 = arith.constant 38 : i32
        %get3A_786 = arith.index_cast %get3A_785 : i32 to index
        %get3A_787 = arith.index_cast %multiple_of3A : i32 to index
        %get3A_788 = tpu.vector_load %arg9[%get3A_786, %get3A_787] {strides = array<i32>} : memref<256x256xf32, #tpu.memory_space<vmem>>, vector<1x16xf32>,
        %get3A_789 = vector.shape_cast %get3A_788 : vector<1x16xf32> to vector<16xf32>
        %mul3A_790 = arith.mulf %broadcast_in_dim3A_400, %get3A_789 : vector<16xf32>
        %add3A_791 = arith.addf %broadcast_in_dim3A_742, %mul3A_790 : vector<16xf32>
        %get3A_792 = arith.constant 39 : i32
        %get3A_793 = arith.index_cast %get3A_792 : i32 to index
        %get3A_794 = arith.index_cast %multiple_of3A : i32 to index
        %get3A_795 = tpu.vector_load %arg9[%get3A_793, %get3A_794] {strides = array<i32>} : memref<256x256xf32, #tpu.memory_space<vmem>>, vector<1x16xf32>,
        %get3A_796 = vector.shape_cast %get3A_795 : vector<1x16xf32> to vector<16xf32>
        %mul3A_797 = arith.mulf %broadcast_in_dim3A_403, %get3A_796 : vector<16xf32>
        %add3A_798 = arith.addf %add3A_791, %mul3A_797 : vector<16xf32>
        %get3A_799 = arith.constant 40 : i32
        %get3A_800 = arith.index_cast %get3A_799 : i32 to index
        %get3A_801 = arith.index_cast %multiple_of3A : i32 to index
        %get3A_802 = tpu.vector_load %arg9[%get3A_800, %get3A_801] {strides = array<i32>} : memref<256x256xf32, #tpu.memory_space<vmem>>, vector<1x16xf32>,
        %get3A_803 = vector.shape_cast %get3A_802 : vector<1x16xf32> to vector<16xf32>
        %mul3A_804 = arith.mulf %broadcast_in_dim3A_406, %get3A_803 : vector<16xf32>
        %add3A_805 = arith.addf %add3A_756, %mul3A_804 : vector<16xf32>
        %get3A_806 = arith.constant 41 : i32
        %get3A_807 = arith.index_cast %get3A_806 : i32 to index
        %get3A_808 = arith.index_cast %multiple_of3A : i32 to index
        %get3A_809 = tpu.vector_load %arg9[%get3A_807, %get3A_808] {strides = array<i32>} : memref<256x256xf32, #tpu.memory_space<vmem>>, vector<1x16xf32>,
        %get3A_810 = vector.shape_cast %get3A_809 : vector<1x16xf32> to vector<16xf32>
        %mul3A_811 = arith.mulf %broadcast_in_dim3A_409, %get3A_810 : vector<16xf32>
        %add3A_812 = arith.addf %add3A_805, %mul3A_811 : vector<16xf32>
        %get3A_813 = arith.constant 42 : i32
        %get3A_814 = arith.index_cast %get3A_813 : i32 to index
        %get3A_815 = arith.index_cast %multiple_of3A : i32 to index
        %get3A_816 = tpu.vector_load %arg9[%get3A_814, %get3A_815] {strides = array<i32>} : memref<256x256xf32, #tpu.memory_space<vmem>>, vector<1x16xf32>,
        %get3A_817 = vector.shape_cast %get3A_816 : vector<1x16xf32> to vector<16xf32>
        %mul3A_818 = arith.mulf %broadcast_in_dim3A_412, %get3A_817 : vector<16xf32>
        %add3A_819 = arith.addf %add3A_770, %mul3A_818 : vector<16xf32>
        %get3A_820 = arith.constant 43 : i32
        %get3A_821 = arith.index_cast %get3A_820 : i32 to index
        %get3A_822 = arith.index_cast %multiple_of3A : i32 to index
        %get3A_823 = tpu.vector_load %arg9[%get3A_821, %get3A_822] {strides = array<i32>} : memref<256x256xf32, #tpu.memory_space<vmem>>, vector<1x16xf32>,
        %get3A_824 = vector.shape_cast %get3A_823 : vector<1x16xf32> to vector<16xf32>
        %mul3A_825 = arith.mulf %broadcast_in_dim3A_415, %get3A_824 : vector<16xf32>
        %add3A_826 = arith.addf %add3A_819, %mul3A_825 : vector<16xf32>
        %get3A_827 = arith.constant 44 : i32
        %get3A_828 = arith.index_cast %get3A_827 : i32 to index
        %get3A_829 = arith.index_cast %multiple_of3A : i32 to index
        %get3A_830 = tpu.vector_load %arg9[%get3A_828, %get3A_829] {strides = array<i32>} : memref<256x256xf32, #tpu.memory_space<vmem>>, vector<1x16xf32>,
        %get3A_831 = vector.shape_cast %get3A_830 : vector<1x16xf32> to vector<16xf32>
        %mul3A_832 = arith.mulf %broadcast_in_dim3A_418, %get3A_831 : vector<16xf32>
        %add3A_833 = arith.addf %add3A_784, %mul3A_832 : vector<16xf32>
        %get3A_834 = arith.constant 45 : i32
        %get3A_835 = arith.index_cast %get3A_834 : i32 to index
        %get3A_836 = arith.index_cast %multiple_of3A : i32 to index
        %get3A_837 = tpu.vector_load %arg9[%get3A_835, %get3A_836] {strides = array<i32>} : memref<256x256xf32, #tpu.memory_space<vmem>>, vector<1x16xf32>,
        %get3A_838 = vector.shape_cast %get3A_837 : vector<1x16xf32> to vector<16xf32>
        %mul3A_839 = arith.mulf %broadcast_in_dim3A_421, %get3A_838 : vector<16xf32>
        %add3A_840 = arith.addf %add3A_833, %mul3A_839 : vector<16xf32>
        %get3A_841 = arith.constant 46 : i32
        %get3A_842 = arith.index_cast %get3A_841 : i32 to index
        %get3A_843 = arith.index_cast %multiple_of3A : i32 to index
        %get3A_844 = tpu.vector_load %arg9[%get3A_842, %get3A_843] {strides = array<i32>} : memref<256x256xf32, #tpu.memory_space<vmem>>, vector<1x16xf32>,
        %get3A_845 = vector.shape_cast %get3A_844 : vector<1x16xf32> to vector<16xf32>
        %mul3A_846 = arith.mulf %broadcast_in_dim3A_424, %get3A_845 : vector<16xf32>
        %add3A_847 = arith.addf %add3A_798, %mul3A_846 : vector<16xf32>
        %get3A_848 = arith.constant 47 : i32
        %get3A_849 = arith.index_cast %get3A_848 : i32 to index
        %get3A_850 = arith.index_cast %multiple_of3A : i32 to index
        %get3A_851 = tpu.vector_load %arg9[%get3A_849, %get3A_850] {strides = array<i32>} : memref<256x256xf32, #tpu.memory_space<vmem>>, vector<1x16xf32>,
        %get3A_852 = vector.shape_cast %get3A_851 : vector<1x16xf32> to vector<16xf32>
        %mul3A_853 = arith.mulf %broadcast_in_dim3A_427, %get3A_852 : vector<16xf32>
        %add3A_854 = arith.addf %add3A_847, %mul3A_853 : vector<16xf32>
        %slice3A_855 = vector.extract_strided_slice %select_n3A_174 {offsets = [2], sizes = [1], strides = [1]} : vector<16xf32> to vector<1xf32>
        %squeeze3A_856 = vector.extract %slice3A_855[0] : f32 from vector<1xf32>
        %broadcast_in_dim3A_857 = vector.broadcast %squeeze3A_856 : f32 to vector<16xf32>
        %mul3A_858 = arith.mulf %broadcast_in_dim3A_857, %add3A_812 : vector<16xf32>
        %add3A_859 = arith.addf %broadcast_in_dim3A_450, %mul3A_858 : vector<16xf32>
        %mul3A_860 = arith.mulf %broadcast_in_dim3A_857, %add3A_826 : vector<16xf32>
        %add3A_861 = arith.addf %broadcast_in_dim3A_452, %mul3A_860 : vector<16xf32>
        %mul3A_862 = arith.mulf %broadcast_in_dim3A_857, %add3A_840 : vector<16xf32>
        %add3A_863 = arith.addf %broadcast_in_dim3A_454, %mul3A_862 : vector<16xf32>
        %mul3A_864 = arith.mulf %broadcast_in_dim3A_857, %add3A_854 : vector<16xf32>
        %add3A_865 = arith.addf %broadcast_in_dim3A_456, %mul3A_864 : vector<16xf32>
        %broadcast_in_dim3A_866 = arith.constant 0.000000e+00 : f32
        %broadcast_in_dim3A_867 = vector.broadcast %broadcast_in_dim3A_866 : f32 to vector<16xf32>
        %broadcast_in_dim3A_868 = arith.constant 0.000000e+00 : f32
        %broadcast_in_dim3A_869 = vector.broadcast %broadcast_in_dim3A_868 : f32 to vector<16xf32>
        %broadcast_in_dim3A_870 = arith.constant 0.000000e+00 : f32
        %broadcast_in_dim3A_871 = vector.broadcast %broadcast_in_dim3A_870 : f32 to vector<16xf32>
        %broadcast_in_dim3A_872 = arith.constant 0.000000e+00 : f32
        %broadcast_in_dim3A_873 = vector.broadcast %broadcast_in_dim3A_872 : f32 to vector<16xf32>
        %get3A_874 = arith.constant 48 : i32
        %get3A_875 = arith.index_cast %get3A_874 : i32 to index
        %get3A_876 = arith.index_cast %multiple_of3A : i32 to index
        %get3A_877 = tpu.vector_load %arg9[%get3A_875, %get3A_876] {strides = array<i32>} : memref<256x256xf32, #tpu.memory_space<vmem>>, vector<1x16xf32>,
        %get3A_878 = vector.shape_cast %get3A_877 : vector<1x16xf32> to vector<16xf32>
        %mul3A_879 = arith.mulf %broadcast_in_dim3A_382, %get3A_878 : vector<16xf32>
        %add3A_880 = arith.addf %broadcast_in_dim3A_867, %mul3A_879 : vector<16xf32>
        %get3A_881 = arith.constant 49 : i32
        %get3A_882 = arith.index_cast %get3A_881 : i32 to index
        %get3A_883 = arith.index_cast %multiple_of3A : i32 to index
        %get3A_884 = tpu.vector_load %arg9[%get3A_882, %get3A_883] {strides = array<i32>} : memref<256x256xf32, #tpu.memory_space<vmem>>, vector<1x16xf32>,
        %get3A_885 = vector.shape_cast %get3A_884 : vector<1x16xf32> to vector<16xf32>
        %mul3A_886 = arith.mulf %broadcast_in_dim3A_385, %get3A_885 : vector<16xf32>
        %add3A_887 = arith.addf %add3A_880, %mul3A_886 : vector<16xf32>
        %get3A_888 = arith.constant 50 : i32
        %get3A_889 = arith.index_cast %get3A_888 : i32 to index
        %get3A_890 = arith.index_cast %multiple_of3A : i32 to index
        %get3A_891 = tpu.vector_load %arg9[%get3A_889, %get3A_890] {strides = array<i32>} : memref<256x256xf32, #tpu.memory_space<vmem>>, vector<1x16xf32>,
        %get3A_892 = vector.shape_cast %get3A_891 : vector<1x16xf32> to vector<16xf32>
        %mul3A_893 = arith.mulf %broadcast_in_dim3A_388, %get3A_892 : vector<16xf32>
        %add3A_894 = arith.addf %broadcast_in_dim3A_869, %mul3A_893 : vector<16xf32>
        %get3A_895 = arith.constant 51 : i32
        %get3A_896 = arith.index_cast %get3A_895 : i32 to index
        %get3A_897 = arith.index_cast %multiple_of3A : i32 to index
        %get3A_898 = tpu.vector_load %arg9[%get3A_896, %get3A_897] {strides = array<i32>} : memref<256x256xf32, #tpu.memory_space<vmem>>, vector<1x16xf32>,
        %get3A_899 = vector.shape_cast %get3A_898 : vector<1x16xf32> to vector<16xf32>
        %mul3A_900 = arith.mulf %broadcast_in_dim3A_391, %get3A_899 : vector<16xf32>
        %add3A_901 = arith.addf %add3A_894, %mul3A_900 : vector<16xf32>
        %get3A_902 = arith.constant 52 : i32
        %get3A_903 = arith.index_cast %get3A_902 : i32 to index
        %get3A_904 = arith.index_cast %multiple_of3A : i32 to index
        %get3A_905 = tpu.vector_load %arg9[%get3A_903, %get3A_904] {strides = array<i32>} : memref<256x256xf32, #tpu.memory_space<vmem>>, vector<1x16xf32>,
        %get3A_906 = vector.shape_cast %get3A_905 : vector<1x16xf32> to vector<16xf32>
        %mul3A_907 = arith.mulf %broadcast_in_dim3A_394, %get3A_906 : vector<16xf32>
        %add3A_908 = arith.addf %broadcast_in_dim3A_871, %mul3A_907 : vector<16xf32>
        %get3A_909 = arith.constant 53 : i32
        %get3A_910 = arith.index_cast %get3A_909 : i32 to index
        %get3A_911 = arith.index_cast %multiple_of3A : i32 to index
        %get3A_912 = tpu.vector_load %arg9[%get3A_910, %get3A_911] {strides = array<i32>} : memref<256x256xf32, #tpu.memory_space<vmem>>, vector<1x16xf32>,
        %get3A_913 = vector.shape_cast %get3A_912 : vector<1x16xf32> to vector<16xf32>
        %mul3A_914 = arith.mulf %broadcast_in_dim3A_397, %get3A_913 : vector<16xf32>
        %add3A_915 = arith.addf %add3A_908, %mul3A_914 : vector<16xf32>
        %get3A_916 = arith.constant 54 : i32
        %get3A_917 = arith.index_cast %get3A_916 : i32 to index
        %get3A_918 = arith.index_cast %multiple_of3A : i32 to index
        %get3A_919 = tpu.vector_load %arg9[%get3A_917, %get3A_918] {strides = array<i32>} : memref<256x256xf32, #tpu.memory_space<vmem>>, vector<1x16xf32>,
        %get3A_920 = vector.shape_cast %get3A_919 : vector<1x16xf32> to vector<16xf32>
        %mul3A_921 = arith.mulf %broadcast_in_dim3A_400, %get3A_920 : vector<16xf32>
        %add3A_922 = arith.addf %broadcast_in_dim3A_873, %mul3A_921 : vector<16xf32>
        %get3A_923 = arith.constant 55 : i32
        %get3A_924 = arith.index_cast %get3A_923 : i32 to index
        %get3A_925 = arith.index_cast %multiple_of3A : i32 to index
        %get3A_926 = tpu.vector_load %arg9[%get3A_924, %get3A_925] {strides = array<i32>} : memref<256x256xf32, #tpu.memory_space<vmem>>, vector<1x16xf32>,
        %get3A_927 = vector.shape_cast %get3A_926 : vector<1x16xf32> to vector<16xf32>
        %mul3A_928 = arith.mulf %broadcast_in_dim3A_403, %get3A_927 : vector<16xf32>
        %add3A_929 = arith.addf %add3A_922, %mul3A_928 : vector<16xf32>
        %get3A_930 = arith.constant 56 : i32
        %get3A_931 = arith.index_cast %get3A_930 : i32 to index
        %get3A_932 = arith.index_cast %multiple_of3A : i32 to index
        %get3A_933 = tpu.vector_load %arg9[%get3A_931, %get3A_932] {strides = array<i32>} : memref<256x256xf32, #tpu.memory_space<vmem>>, vector<1x16xf32>,
        %get3A_934 = vector.shape_cast %get3A_933 : vector<1x16xf32> to vector<16xf32>
        %mul3A_935 = arith.mulf %broadcast_in_dim3A_406, %get3A_934 : vector<16xf32>
        %add3A_936 = arith.addf %add3A_887, %mul3A_935 : vector<16xf32>
        %get3A_937 = arith.constant 57 : i32
        %get3A_938 = arith.index_cast %get3A_937 : i32 to index
        %get3A_939 = arith.index_cast %multiple_of3A : i32 to index
        %get3A_940 = tpu.vector_load %arg9[%get3A_938, %get3A_939] {strides = array<i32>} : memref<256x256xf32, #tpu.memory_space<vmem>>, vector<1x16xf32>,
        %get3A_941 = vector.shape_cast %get3A_940 : vector<1x16xf32> to vector<16xf32>
        %mul3A_942 = arith.mulf %broadcast_in_dim3A_409, %get3A_941 : vector<16xf32>
        %add3A_943 = arith.addf %add3A_936, %mul3A_942 : vector<16xf32>
        %get3A_944 = arith.constant 58 : i32
        %get3A_945 = arith.index_cast %get3A_944 : i32 to index
        %get3A_946 = arith.index_cast %multiple_of3A : i32 to index
        %get3A_947 = tpu.vector_load %arg9[%get3A_945, %get3A_946] {strides = array<i32>} : memref<256x256xf32, #tpu.memory_space<vmem>>, vector<1x16xf32>,
        %get3A_948 = vector.shape_cast %get3A_947 : vector<1x16xf32> to vector<16xf32>
        %mul3A_949 = arith.mulf %broadcast_in_dim3A_412, %get3A_948 : vector<16xf32>
        %add3A_950 = arith.addf %add3A_901, %mul3A_949 : vector<16xf32>
        %get3A_951 = arith.constant 59 : i32
        %get3A_952 = arith.index_cast %get3A_951 : i32 to index
        %get3A_953 = arith.index_cast %multiple_of3A : i32 to index
        %get3A_954 = tpu.vector_load %arg9[%get3A_952, %get3A_953] {strides = array<i32>} : memref<256x256xf32, #tpu.memory_space<vmem>>, vector<1x16xf32>,
        %get3A_955 = vector.shape_cast %get3A_954 : vector<1x16xf32> to vector<16xf32>
        %mul3A_956 = arith.mulf %broadcast_in_dim3A_415, %get3A_955 : vector<16xf32>
        %add3A_957 = arith.addf %add3A_950, %mul3A_956 : vector<16xf32>
        %get3A_958 = arith.constant 60 : i32
        %get3A_959 = arith.index_cast %get3A_958 : i32 to index
        %get3A_960 = arith.index_cast %multiple_of3A : i32 to index
        %get3A_961 = tpu.vector_load %arg9[%get3A_959, %get3A_960] {strides = array<i32>} : memref<256x256xf32, #tpu.memory_space<vmem>>, vector<1x16xf32>,
        %get3A_962 = vector.shape_cast %get3A_961 : vector<1x16xf32> to vector<16xf32>
        %mul3A_963 = arith.mulf %broadcast_in_dim3A_418, %get3A_962 : vector<16xf32>
        %add3A_964 = arith.addf %add3A_915, %mul3A_963 : vector<16xf32>
        %get3A_965 = arith.constant 61 : i32
        %get3A_966 = arith.index_cast %get3A_965 : i32 to index
        %get3A_967 = arith.index_cast %multiple_of3A : i32 to index
        %get3A_968 = tpu.vector_load %arg9[%get3A_966, %get3A_967] {strides = array<i32>} : memref<256x256xf32, #tpu.memory_space<vmem>>, vector<1x16xf32>,
        %get3A_969 = vector.shape_cast %get3A_968 : vector<1x16xf32> to vector<16xf32>
        %mul3A_970 = arith.mulf %broadcast_in_dim3A_421, %get3A_969 : vector<16xf32>
        %add3A_971 = arith.addf %add3A_964, %mul3A_970 : vector<16xf32>
        %get3A_972 = arith.constant 62 : i32
        %get3A_973 = arith.index_cast %get3A_972 : i32 to index
        %get3A_974 = arith.index_cast %multiple_of3A : i32 to index
        %get3A_975 = tpu.vector_load %arg9[%get3A_973, %get3A_974] {strides = array<i32>} : memref<256x256xf32, #tpu.memory_space<vmem>>, vector<1x16xf32>,
        %get3A_976 = vector.shape_cast %get3A_975 : vector<1x16xf32> to vector<16xf32>
        %mul3A_977 = arith.mulf %broadcast_in_dim3A_424, %get3A_976 : vector<16xf32>
        %add3A_978 = arith.addf %add3A_929, %mul3A_977 : vector<16xf32>
        %get3A_979 = arith.constant 63 : i32
        %get3A_980 = arith.index_cast %get3A_979 : i32 to index
        %get3A_981 = arith.index_cast %multiple_of3A : i32 to index
        %get3A_982 = tpu.vector_load %arg9[%get3A_980, %get3A_981] {strides = array<i32>} : memref<256x256xf32, #tpu.memory_space<vmem>>, vector<1x16xf32>,
        %get3A_983 = vector.shape_cast %get3A_982 : vector<1x16xf32> to vector<16xf32>
        %mul3A_984 = arith.mulf %broadcast_in_dim3A_427, %get3A_983 : vector<16xf32>
        %add3A_985 = arith.addf %add3A_978, %mul3A_984 : vector<16xf32>
        %slice3A_986 = vector.extract_strided_slice %select_n3A_174 {offsets = [3], sizes = [1], strides = [1]} : vector<16xf32> to vector<1xf32>
        %squeeze3A_987 = vector.extract %slice3A_986[0] : f32 from vector<1xf32>
        %broadcast_in_dim3A_988 = vector.broadcast %squeeze3A_987 : f32 to vector<16xf32>
        %mul3A_989 = arith.mulf %broadcast_in_dim3A_988, %add3A_943 : vector<16xf32>
        %add3A_990 = arith.addf %add3A_859, %mul3A_989 : vector<16xf32>
        %mul3A_991 = arith.mulf %broadcast_in_dim3A_988, %add3A_957 : vector<16xf32>
        %add3A_992 = arith.addf %add3A_861, %mul3A_991 : vector<16xf32>
        %mul3A_993 = arith.mulf %broadcast_in_dim3A_988, %add3A_971 : vector<16xf32>
        %add3A_994 = arith.addf %add3A_863, %mul3A_993 : vector<16xf32>
        %mul3A_995 = arith.mulf %broadcast_in_dim3A_988, %add3A_985 : vector<16xf32>
        %add3A_996 = arith.addf %add3A_865, %mul3A_995 : vector<16xf32>
        %broadcast_in_dim3A_997 = arith.constant 0.000000e+00 : f32
        %broadcast_in_dim3A_998 = vector.broadcast %broadcast_in_dim3A_997 : f32 to vector<16xf32>
        %broadcast_in_dim3A_999 = arith.constant 0.000000e+00 : f32
        %broadcast_in_dim3A_1000 = vector.broadcast %broadcast_in_dim3A_999 : f32 to vector<16xf32>
        %broadcast_in_dim3A_1001 = arith.constant 0.000000e+00 : f32
        %broadcast_in_dim3A_1002 = vector.broadcast %broadcast_in_dim3A_1001 : f32 to vector<16xf32>
        %broadcast_in_dim3A_1003 = arith.constant 0.000000e+00 : f32
        %broadcast_in_dim3A_1004 = vector.broadcast %broadcast_in_dim3A_1003 : f32 to vector<16xf32>
        %get3A_1005 = arith.constant 64 : i32
        %get3A_1006 = arith.index_cast %get3A_1005 : i32 to index
        %get3A_1007 = arith.index_cast %multiple_of3A : i32 to index
        %get3A_1008 = tpu.vector_load %arg9[%get3A_1006, %get3A_1007] {strides = array<i32>} : memref<256x256xf32, #tpu.memory_space<vmem>>, vector<1x16xf32>,
        %get3A_1009 = vector.shape_cast %get3A_1008 : vector<1x16xf32> to vector<16xf32>
        %mul3A_1010 = arith.mulf %broadcast_in_dim3A_382, %get3A_1009 : vector<16xf32>
        %add3A_1011 = arith.addf %broadcast_in_dim3A_998, %mul3A_1010 : vector<16xf32>
        %get3A_1012 = arith.constant 65 : i32
        %get3A_1013 = arith.index_cast %get3A_1012 : i32 to index
        %get3A_1014 = arith.index_cast %multiple_of3A : i32 to index
        %get3A_1015 = tpu.vector_load %arg9[%get3A_1013, %get3A_1014] {strides = array<i32>} : memref<256x256xf32, #tpu.memory_space<vmem>>, vector<1x16xf32>,
        %get3A_1016 = vector.shape_cast %get3A_1015 : vector<1x16xf32> to vector<16xf32>
        %mul3A_1017 = arith.mulf %broadcast_in_dim3A_385, %get3A_1016 : vector<16xf32>
        %add3A_1018 = arith.addf %add3A_1011, %mul3A_1017 : vector<16xf32>
        %get3A_1019 = arith.constant 66 : i32
        %get3A_1020 = arith.index_cast %get3A_1019 : i32 to index
        %get3A_1021 = arith.index_cast %multiple_of3A : i32 to index
        %get3A_1022 = tpu.vector_load %arg9[%get3A_1020, %get3A_1021] {strides = array<i32>} : memref<256x256xf32, #tpu.memory_space<vmem>>, vector<1x16xf32>,
        %get3A_1023 = vector.shape_cast %get3A_1022 : vector<1x16xf32> to vector<16xf32>
        %mul3A_1024 = arith.mulf %broadcast_in_dim3A_388, %get3A_1023 : vector<16xf32>
        %add3A_1025 = arith.addf %broadcast_in_dim3A_1000, %mul3A_1024 : vector<16xf32>
        %get3A_1026 = arith.constant 67 : i32
        %get3A_1027 = arith.index_cast %get3A_1026 : i32 to index
        %get3A_1028 = arith.index_cast %multiple_of3A : i32 to index
        %get3A_1029 = tpu.vector_load %arg9[%get3A_1027, %get3A_1028] {strides = array<i32>} : memref<256x256xf32, #tpu.memory_space<vmem>>, vector<1x16xf32>,
        %get3A_1030 = vector.shape_cast %get3A_1029 : vector<1x16xf32> to vector<16xf32>
        %mul3A_1031 = arith.mulf %broadcast_in_dim3A_391, %get3A_1030 : vector<16xf32>
        %add3A_1032 = arith.addf %add3A_1025, %mul3A_1031 : vector<16xf32>
        %get3A_1033 = arith.constant 68 : i32
        %get3A_1034 = arith.index_cast %get3A_1033 : i32 to index
        %get3A_1035 = arith.index_cast %multiple_of3A : i32 to index
        %get3A_1036 = tpu.vector_load %arg9[%get3A_1034, %get3A_1035] {strides = array<i32>} : memref<256x256xf32, #tpu.memory_space<vmem>>, vector<1x16xf32>,
        %get3A_1037 = vector.shape_cast %get3A_1036 : vector<1x16xf32> to vector<16xf32>
        %mul3A_1038 = arith.mulf %broadcast_in_dim3A_394, %get3A_1037 : vector<16xf32>
        %add3A_1039 = arith.addf %broadcast_in_dim3A_1002, %mul3A_1038 : vector<16xf32>
        %get3A_1040 = arith.constant 69 : i32
        %get3A_1041 = arith.index_cast %get3A_1040 : i32 to index
        %get3A_1042 = arith.index_cast %multiple_of3A : i32 to index
        %get3A_1043 = tpu.vector_load %arg9[%get3A_1041, %get3A_1042] {strides = array<i32>} : memref<256x256xf32, #tpu.memory_space<vmem>>, vector<1x16xf32>,
        %get3A_1044 = vector.shape_cast %get3A_1043 : vector<1x16xf32> to vector<16xf32>
        %mul3A_1045 = arith.mulf %broadcast_in_dim3A_397, %get3A_1044 : vector<16xf32>
        %add3A_1046 = arith.addf %add3A_1039, %mul3A_1045 : vector<16xf32>
        %get3A_1047 = arith.constant 70 : i32
        %get3A_1048 = arith.index_cast %get3A_1047 : i32 to index
        %get3A_1049 = arith.index_cast %multiple_of3A : i32 to index
        %get3A_1050 = tpu.vector_load %arg9[%get3A_1048, %get3A_1049] {strides = array<i32>} : memref<256x256xf32, #tpu.memory_space<vmem>>, vector<1x16xf32>,
        %get3A_1051 = vector.shape_cast %get3A_1050 : vector<1x16xf32> to vector<16xf32>
        %mul3A_1052 = arith.mulf %broadcast_in_dim3A_400, %get3A_1051 : vector<16xf32>
        %add3A_1053 = arith.addf %broadcast_in_dim3A_1004, %mul3A_1052 : vector<16xf32>
        %get3A_1054 = arith.constant 71 : i32
        %get3A_1055 = arith.index_cast %get3A_1054 : i32 to index
        %get3A_1056 = arith.index_cast %multiple_of3A : i32 to index
        %get3A_1057 = tpu.vector_load %arg9[%get3A_1055, %get3A_1056] {strides = array<i32>} : memref<256x256xf32, #tpu.memory_space<vmem>>, vector<1x16xf32>,
        %get3A_1058 = vector.shape_cast %get3A_1057 : vector<1x16xf32> to vector<16xf32>
        %mul3A_1059 = arith.mulf %broadcast_in_dim3A_403, %get3A_1058 : vector<16xf32>
        %add3A_1060 = arith.addf %add3A_1053, %mul3A_1059 : vector<16xf32>
        %get3A_1061 = arith.constant 72 : i32
        %get3A_1062 = arith.index_cast %get3A_1061 : i32 to index
        %get3A_1063 = arith.index_cast %multiple_of3A : i32 to index
        %get3A_1064 = tpu.vector_load %arg9[%get3A_1062, %get3A_1063] {strides = array<i32>} : memref<256x256xf32, #tpu.memory_space<vmem>>, vector<1x16xf32>,
        %get3A_1065 = vector.shape_cast %get3A_1064 : vector<1x16xf32> to vector<16xf32>
        %mul3A_1066 = arith.mulf %broadcast_in_dim3A_406, %get3A_1065 : vector<16xf32>
        %add3A_1067 = arith.addf %add3A_1018, %mul3A_1066 : vector<16xf32>
        %get3A_1068 = arith.constant 73 : i32
        %get3A_1069 = arith.index_cast %get3A_1068 : i32 to index
        %get3A_1070 = arith.index_cast %multiple_of3A : i32 to index
        %get3A_1071 = tpu.vector_load %arg9[%get3A_1069, %get3A_1070] {strides = array<i32>} : memref<256x256xf32, #tpu.memory_space<vmem>>, vector<1x16xf32>,
        %get3A_1072 = vector.shape_cast %get3A_1071 : vector<1x16xf32> to vector<16xf32>
        %mul3A_1073 = arith.mulf %broadcast_in_dim3A_409, %get3A_1072 : vector<16xf32>
        %add3A_1074 = arith.addf %add3A_1067, %mul3A_1073 : vector<16xf32>
        %get3A_1075 = arith.constant 74 : i32
        %get3A_1076 = arith.index_cast %get3A_1075 : i32 to index
        %get3A_1077 = arith.index_cast %multiple_of3A : i32 to index
        %get3A_1078 = tpu.vector_load %arg9[%get3A_1076, %get3A_1077] {strides = array<i32>} : memref<256x256xf32, #tpu.memory_space<vmem>>, vector<1x16xf32>,
        %get3A_1079 = vector.shape_cast %get3A_1078 : vector<1x16xf32> to vector<16xf32>
        %mul3A_1080 = arith.mulf %broadcast_in_dim3A_412, %get3A_1079 : vector<16xf32>
        %add3A_1081 = arith.addf %add3A_1032, %mul3A_1080 : vector<16xf32>
        %get3A_1082 = arith.constant 75 : i32
        %get3A_1083 = arith.index_cast %get3A_1082 : i32 to index
        %get3A_1084 = arith.index_cast %multiple_of3A : i32 to index
        %get3A_1085 = tpu.vector_load %arg9[%get3A_1083, %get3A_1084] {strides = array<i32>} : memref<256x256xf32, #tpu.memory_space<vmem>>, vector<1x16xf32>,
        %get3A_1086 = vector.shape_cast %get3A_1085 : vector<1x16xf32> to vector<16xf32>
        %mul3A_1087 = arith.mulf %broadcast_in_dim3A_415, %get3A_1086 : vector<16xf32>
        %add3A_1088 = arith.addf %add3A_1081, %mul3A_1087 : vector<16xf32>
        %get3A_1089 = arith.constant 76 : i32
        %get3A_1090 = arith.index_cast %get3A_1089 : i32 to index
        %get3A_1091 = arith.index_cast %multiple_of3A : i32 to index
        %get3A_1092 = tpu.vector_load %arg9[%get3A_1090, %get3A_1091] {strides = array<i32>} : memref<256x256xf32, #tpu.memory_space<vmem>>, vector<1x16xf32>,
        %get3A_1093 = vector.shape_cast %get3A_1092 : vector<1x16xf32> to vector<16xf32>
        %mul3A_1094 = arith.mulf %broadcast_in_dim3A_418, %get3A_1093 : vector<16xf32>
        %add3A_1095 = arith.addf %add3A_1046, %mul3A_1094 : vector<16xf32>
        %get3A_1096 = arith.constant 77 : i32
        %get3A_1097 = arith.index_cast %get3A_1096 : i32 to index
        %get3A_1098 = arith.index_cast %multiple_of3A : i32 to index
        %get3A_1099 = tpu.vector_load %arg9[%get3A_1097, %get3A_1098] {strides = array<i32>} : memref<256x256xf32, #tpu.memory_space<vmem>>, vector<1x16xf32>,
        %get3A_1100 = vector.shape_cast %get3A_1099 : vector<1x16xf32> to vector<16xf32>
        %mul3A_1101 = arith.mulf %broadcast_in_dim3A_421, %get3A_1100 : vector<16xf32>
        %add3A_1102 = arith.addf %add3A_1095, %mul3A_1101 : vector<16xf32>
        %get3A_1103 = arith.constant 78 : i32
        %get3A_1104 = arith.index_cast %get3A_1103 : i32 to index
        %get3A_1105 = arith.index_cast %multiple_of3A : i32 to index
        %get3A_1106 = tpu.vector_load %arg9[%get3A_1104, %get3A_1105] {strides = array<i32>} : memref<256x256xf32, #tpu.memory_space<vmem>>, vector<1x16xf32>,
        %get3A_1107 = vector.shape_cast %get3A_1106 : vector<1x16xf32> to vector<16xf32>
        %mul3A_1108 = arith.mulf %broadcast_in_dim3A_424, %get3A_1107 : vector<16xf32>
        %add3A_1109 = arith.addf %add3A_1060, %mul3A_1108 : vector<16xf32>
        %get3A_1110 = arith.constant 79 : i32
        %get3A_1111 = arith.index_cast %get3A_1110 : i32 to index
        %get3A_1112 = arith.index_cast %multiple_of3A : i32 to index
        %get3A_1113 = tpu.vector_load %arg9[%get3A_1111, %get3A_1112] {strides = array<i32>} : memref<256x256xf32, #tpu.memory_space<vmem>>, vector<1x16xf32>,
        %get3A_1114 = vector.shape_cast %get3A_1113 : vector<1x16xf32> to vector<16xf32>
        %mul3A_1115 = arith.mulf %broadcast_in_dim3A_427, %get3A_1114 : vector<16xf32>
        %add3A_1116 = arith.addf %add3A_1109, %mul3A_1115 : vector<16xf32>
        %slice3A_1117 = vector.extract_strided_slice %select_n3A_174 {offsets = [4], sizes = [1], strides = [1]} : vector<16xf32> to vector<1xf32>
        %squeeze3A_1118 = vector.extract %slice3A_1117[0] : f32 from vector<1xf32>
        %broadcast_in_dim3A_1119 = vector.broadcast %squeeze3A_1118 : f32 to vector<16xf32>
        %mul3A_1120 = arith.mulf %broadcast_in_dim3A_1119, %add3A_1074 : vector<16xf32>
        %add3A_1121 = arith.addf %broadcast_in_dim3A_458, %mul3A_1120 : vector<16xf32>
        %mul3A_1122 = arith.mulf %broadcast_in_dim3A_1119, %add3A_1088 : vector<16xf32>
        %add3A_1123 = arith.addf %broadcast_in_dim3A_460, %mul3A_1122 : vector<16xf32>
        %mul3A_1124 = arith.mulf %broadcast_in_dim3A_1119, %add3A_1102 : vector<16xf32>
        %add3A_1125 = arith.addf %broadcast_in_dim3A_462, %mul3A_1124 : vector<16xf32>
        %mul3A_1126 = arith.mulf %broadcast_in_dim3A_1119, %add3A_1116 : vector<16xf32>
        %add3A_1127 = arith.addf %broadcast_in_dim3A_464, %mul3A_1126 : vector<16xf32>
        %broadcast_in_dim3A_1128 = arith.constant 0.000000e+00 : f32
        %broadcast_in_dim3A_1129 = vector.broadcast %broadcast_in_dim3A_1128 : f32 to vector<16xf32>
        %broadcast_in_dim3A_1130 = arith.constant 0.000000e+00 : f32
        %broadcast_in_dim3A_1131 = vector.broadcast %broadcast_in_dim3A_1130 : f32 to vector<16xf32>
        %broadcast_in_dim3A_1132 = arith.constant 0.000000e+00 : f32
        %broadcast_in_dim3A_1133 = vector.broadcast %broadcast_in_dim3A_1132 : f32 to vector<16xf32>
        %broadcast_in_dim3A_1134 = arith.constant 0.000000e+00 : f32
        %broadcast_in_dim3A_1135 = vector.broadcast %broadcast_in_dim3A_1134 : f32 to vector<16xf32>
        %get3A_1136 = arith.constant 80 : i32
        %get3A_1137 = arith.index_cast %get3A_1136 : i32 to index
        %get3A_1138 = arith.index_cast %multiple_of3A : i32 to index
        %get3A_1139 = tpu.vector_load %arg9[%get3A_1137, %get3A_1138] {strides = array<i32>} : memref<256x256xf32, #tpu.memory_space<vmem>>, vector<1x16xf32>,
        %get3A_1140 = vector.shape_cast %get3A_1139 : vector<1x16xf32> to vector<16xf32>
        %mul3A_1141 = arith.mulf %broadcast_in_dim3A_382, %get3A_1140 : vector<16xf32>
        %add3A_1142 = arith.addf %broadcast_in_dim3A_1129, %mul3A_1141 : vector<16xf32>
        %get3A_1143 = arith.constant 81 : i32
        %get3A_1144 = arith.index_cast %get3A_1143 : i32 to index
        %get3A_1145 = arith.index_cast %multiple_of3A : i32 to index
        %get3A_1146 = tpu.vector_load %arg9[%get3A_1144, %get3A_1145] {strides = array<i32>} : memref<256x256xf32, #tpu.memory_space<vmem>>, vector<1x16xf32>,
        %get3A_1147 = vector.shape_cast %get3A_1146 : vector<1x16xf32> to vector<16xf32>
        %mul3A_1148 = arith.mulf %broadcast_in_dim3A_385, %get3A_1147 : vector<16xf32>
        %add3A_1149 = arith.addf %add3A_1142, %mul3A_1148 : vector<16xf32>
        %get3A_1150 = arith.constant 82 : i32
        %get3A_1151 = arith.index_cast %get3A_1150 : i32 to index
        %get3A_1152 = arith.index_cast %multiple_of3A : i32 to index
        %get3A_1153 = tpu.vector_load %arg9[%get3A_1151, %get3A_1152] {strides = array<i32>} : memref<256x256xf32, #tpu.memory_space<vmem>>, vector<1x16xf32>,
        %get3A_1154 = vector.shape_cast %get3A_1153 : vector<1x16xf32> to vector<16xf32>
        %mul3A_1155 = arith.mulf %broadcast_in_dim3A_388, %get3A_1154 : vector<16xf32>
        %add3A_1156 = arith.addf %broadcast_in_dim3A_1131, %mul3A_1155 : vector<16xf32>
        %get3A_1157 = arith.constant 83 : i32
        %get3A_1158 = arith.index_cast %get3A_1157 : i32 to index
        %get3A_1159 = arith.index_cast %multiple_of3A : i32 to index
        %get3A_1160 = tpu.vector_load %arg9[%get3A_1158, %get3A_1159] {strides = array<i32>} : memref<256x256xf32, #tpu.memory_space<vmem>>, vector<1x16xf32>,
        %get3A_1161 = vector.shape_cast %get3A_1160 : vector<1x16xf32> to vector<16xf32>
        %mul3A_1162 = arith.mulf %broadcast_in_dim3A_391, %get3A_1161 : vector<16xf32>
        %add3A_1163 = arith.addf %add3A_1156, %mul3A_1162 : vector<16xf32>
        %get3A_1164 = arith.constant 84 : i32
        %get3A_1165 = arith.index_cast %get3A_1164 : i32 to index
        %get3A_1166 = arith.index_cast %multiple_of3A : i32 to index
        %get3A_1167 = tpu.vector_load %arg9[%get3A_1165, %get3A_1166] {strides = array<i32>} : memref<256x256xf32, #tpu.memory_space<vmem>>, vector<1x16xf32>,
        %get3A_1168 = vector.shape_cast %get3A_1167 : vector<1x16xf32> to vector<16xf32>
        %mul3A_1169 = arith.mulf %broadcast_in_dim3A_394, %get3A_1168 : vector<16xf32>
        %add3A_1170 = arith.addf %broadcast_in_dim3A_1133, %mul3A_1169 : vector<16xf32>
        %get3A_1171 = arith.constant 85 : i32
        %get3A_1172 = arith.index_cast %get3A_1171 : i32 to index
        %get3A_1173 = arith.index_cast %multiple_of3A : i32 to index
        %get3A_1174 = tpu.vector_load %arg9[%get3A_1172, %get3A_1173] {strides = array<i32>} : memref<256x256xf32, #tpu.memory_space<vmem>>, vector<1x16xf32>,
        %get3A_1175 = vector.shape_cast %get3A_1174 : vector<1x16xf32> to vector<16xf32>
        %mul3A_1176 = arith.mulf %broadcast_in_dim3A_397, %get3A_1175 : vector<16xf32>
        %add3A_1177 = arith.addf %add3A_1170, %mul3A_1176 : vector<16xf32>
        %get3A_1178 = arith.constant 86 : i32
        %get3A_1179 = arith.index_cast %get3A_1178 : i32 to index
        %get3A_1180 = arith.index_cast %multiple_of3A : i32 to index
        %get3A_1181 = tpu.vector_load %arg9[%get3A_1179, %get3A_1180] {strides = array<i32>} : memref<256x256xf32, #tpu.memory_space<vmem>>, vector<1x16xf32>,
        %get3A_1182 = vector.shape_cast %get3A_1181 : vector<1x16xf32> to vector<16xf32>
        %mul3A_1183 = arith.mulf %broadcast_in_dim3A_400, %get3A_1182 : vector<16xf32>
        %add3A_1184 = arith.addf %broadcast_in_dim3A_1135, %mul3A_1183 : vector<16xf32>
        %get3A_1185 = arith.constant 87 : i32
        %get3A_1186 = arith.index_cast %get3A_1185 : i32 to index
        %get3A_1187 = arith.index_cast %multiple_of3A : i32 to index
        %get3A_1188 = tpu.vector_load %arg9[%get3A_1186, %get3A_1187] {strides = array<i32>} : memref<256x256xf32, #tpu.memory_space<vmem>>, vector<1x16xf32>,
        %get3A_1189 = vector.shape_cast %get3A_1188 : vector<1x16xf32> to vector<16xf32>
        %mul3A_1190 = arith.mulf %broadcast_in_dim3A_403, %get3A_1189 : vector<16xf32>
        %add3A_1191 = arith.addf %add3A_1184, %mul3A_1190 : vector<16xf32>
        %get3A_1192 = arith.constant 88 : i32
        %get3A_1193 = arith.index_cast %get3A_1192 : i32 to index
        %get3A_1194 = arith.index_cast %multiple_of3A : i32 to index
        %get3A_1195 = tpu.vector_load %arg9[%get3A_1193, %get3A_1194] {strides = array<i32>} : memref<256x256xf32, #tpu.memory_space<vmem>>, vector<1x16xf32>,
        %get3A_1196 = vector.shape_cast %get3A_1195 : vector<1x16xf32> to vector<16xf32>
        %mul3A_1197 = arith.mulf %broadcast_in_dim3A_406, %get3A_1196 : vector<16xf32>
        %add3A_1198 = arith.addf %add3A_1149, %mul3A_1197 : vector<16xf32>
        %get3A_1199 = arith.constant 89 : i32
        %get3A_1200 = arith.index_cast %get3A_1199 : i32 to index
        %get3A_1201 = arith.index_cast %multiple_of3A : i32 to index
        %get3A_1202 = tpu.vector_load %arg9[%get3A_1200, %get3A_1201] {strides = array<i32>} : memref<256x256xf32, #tpu.memory_space<vmem>>, vector<1x16xf32>,
        %get3A_1203 = vector.shape_cast %get3A_1202 : vector<1x16xf32> to vector<16xf32>
        %mul3A_1204 = arith.mulf %broadcast_in_dim3A_409, %get3A_1203 : vector<16xf32>
        %add3A_1205 = arith.addf %add3A_1198, %mul3A_1204 : vector<16xf32>
        %get3A_1206 = arith.constant 90 : i32
        %get3A_1207 = arith.index_cast %get3A_1206 : i32 to index
        %get3A_1208 = arith.index_cast %multiple_of3A : i32 to index
        %get3A_1209 = tpu.vector_load %arg9[%get3A_1207, %get3A_1208] {strides = array<i32>} : memref<256x256xf32, #tpu.memory_space<vmem>>, vector<1x16xf32>,
        %get3A_1210 = vector.shape_cast %get3A_1209 : vector<1x16xf32> to vector<16xf32>
        %mul3A_1211 = arith.mulf %broadcast_in_dim3A_412, %get3A_1210 : vector<16xf32>
        %add3A_1212 = arith.addf %add3A_1163, %mul3A_1211 : vector<16xf32>
        %get3A_1213 = arith.constant 91 : i32
        %get3A_1214 = arith.index_cast %get3A_1213 : i32 to index
        %get3A_1215 = arith.index_cast %multiple_of3A : i32 to index
        %get3A_1216 = tpu.vector_load %arg9[%get3A_1214, %get3A_1215] {strides = array<i32>} : memref<256x256xf32, #tpu.memory_space<vmem>>, vector<1x16xf32>,
        %get3A_1217 = vector.shape_cast %get3A_1216 : vector<1x16xf32> to vector<16xf32>
        %mul3A_1218 = arith.mulf %broadcast_in_dim3A_415, %get3A_1217 : vector<16xf32>
        %add3A_1219 = arith.addf %add3A_1212, %mul3A_1218 : vector<16xf32>
        %get3A_1220 = arith.constant 92 : i32
        %get3A_1221 = arith.index_cast %get3A_1220 : i32 to index
        %get3A_1222 = arith.index_cast %multiple_of3A : i32 to index
        %get3A_1223 = tpu.vector_load %arg9[%get3A_1221, %get3A_1222] {strides = array<i32>} : memref<256x256xf32, #tpu.memory_space<vmem>>, vector<1x16xf32>,
        %get3A_1224 = vector.shape_cast %get3A_1223 : vector<1x16xf32> to vector<16xf32>
        %mul3A_1225 = arith.mulf %broadcast_in_dim3A_418, %get3A_1224 : vector<16xf32>
        %add3A_1226 = arith.addf %add3A_1177, %mul3A_1225 : vector<16xf32>
        %get3A_1227 = arith.constant 93 : i32
        %get3A_1228 = arith.index_cast %get3A_1227 : i32 to index
        %get3A_1229 = arith.index_cast %multiple_of3A : i32 to index
        %get3A_1230 = tpu.vector_load %arg9[%get3A_1228, %get3A_1229] {strides = array<i32>} : memref<256x256xf32, #tpu.memory_space<vmem>>, vector<1x16xf32>,
        %get3A_1231 = vector.shape_cast %get3A_1230 : vector<1x16xf32> to vector<16xf32>
        %mul3A_1232 = arith.mulf %broadcast_in_dim3A_421, %get3A_1231 : vector<16xf32>
        %add3A_1233 = arith.addf %add3A_1226, %mul3A_1232 : vector<16xf32>
        %get3A_1234 = arith.constant 94 : i32
        %get3A_1235 = arith.index_cast %get3A_1234 : i32 to index
        %get3A_1236 = arith.index_cast %multiple_of3A : i32 to index
        %get3A_1237 = tpu.vector_load %arg9[%get3A_1235, %get3A_1236] {strides = array<i32>} : memref<256x256xf32, #tpu.memory_space<vmem>>, vector<1x16xf32>,
        %get3A_1238 = vector.shape_cast %get3A_1237 : vector<1x16xf32> to vector<16xf32>
        %mul3A_1239 = arith.mulf %broadcast_in_dim3A_424, %get3A_1238 : vector<16xf32>
        %add3A_1240 = arith.addf %add3A_1191, %mul3A_1239 : vector<16xf32>
        %get3A_1241 = arith.constant 95 : i32
        %get3A_1242 = arith.index_cast %get3A_1241 : i32 to index
        %get3A_1243 = arith.index_cast %multiple_of3A : i32 to index
        %get3A_1244 = tpu.vector_load %arg9[%get3A_1242, %get3A_1243] {strides = array<i32>} : memref<256x256xf32, #tpu.memory_space<vmem>>, vector<1x16xf32>,
        %get3A_1245 = vector.shape_cast %get3A_1244 : vector<1x16xf32> to vector<16xf32>
        %mul3A_1246 = arith.mulf %broadcast_in_dim3A_427, %get3A_1245 : vector<16xf32>
        %add3A_1247 = arith.addf %add3A_1240, %mul3A_1246 : vector<16xf32>
        %slice3A_1248 = vector.extract_strided_slice %select_n3A_174 {offsets = [5], sizes = [1], strides = [1]} : vector<16xf32> to vector<1xf32>
        %squeeze3A_1249 = vector.extract %slice3A_1248[0] : f32 from vector<1xf32>
        %broadcast_in_dim3A_1250 = vector.broadcast %squeeze3A_1249 : f32 to vector<16xf32>
        %mul3A_1251 = arith.mulf %broadcast_in_dim3A_1250, %add3A_1205 : vector<16xf32>
        %add3A_1252 = arith.addf %add3A_1121, %mul3A_1251 : vector<16xf32>
        %mul3A_1253 = arith.mulf %broadcast_in_dim3A_1250, %add3A_1219 : vector<16xf32>
        %add3A_1254 = arith.addf %add3A_1123, %mul3A_1253 : vector<16xf32>
        %mul3A_1255 = arith.mulf %broadcast_in_dim3A_1250, %add3A_1233 : vector<16xf32>
        %add3A_1256 = arith.addf %add3A_1125, %mul3A_1255 : vector<16xf32>
        %mul3A_1257 = arith.mulf %broadcast_in_dim3A_1250, %add3A_1247 : vector<16xf32>
        %add3A_1258 = arith.addf %add3A_1127, %mul3A_1257 : vector<16xf32>
        %broadcast_in_dim3A_1259 = arith.constant 0.000000e+00 : f32
        %broadcast_in_dim3A_1260 = vector.broadcast %broadcast_in_dim3A_1259 : f32 to vector<16xf32>
        %broadcast_in_dim3A_1261 = arith.constant 0.000000e+00 : f32
        %broadcast_in_dim3A_1262 = vector.broadcast %broadcast_in_dim3A_1261 : f32 to vector<16xf32>
        %broadcast_in_dim3A_1263 = arith.constant 0.000000e+00 : f32
        %broadcast_in_dim3A_1264 = vector.broadcast %broadcast_in_dim3A_1263 : f32 to vector<16xf32>
        %broadcast_in_dim3A_1265 = arith.constant 0.000000e+00 : f32
        %broadcast_in_dim3A_1266 = vector.broadcast %broadcast_in_dim3A_1265 : f32 to vector<16xf32>
        %get3A_1267 = arith.constant 96 : i32
        %get3A_1268 = arith.index_cast %get3A_1267 : i32 to index
        %get3A_1269 = arith.index_cast %multiple_of3A : i32 to index
        %get3A_1270 = tpu.vector_load %arg9[%get3A_1268, %get3A_1269] {strides = array<i32>} : memref<256x256xf32, #tpu.memory_space<vmem>>, vector<1x16xf32>,
        %get3A_1271 = vector.shape_cast %get3A_1270 : vector<1x16xf32> to vector<16xf32>
        %mul3A_1272 = arith.mulf %broadcast_in_dim3A_382, %get3A_1271 : vector<16xf32>
        %add3A_1273 = arith.addf %broadcast_in_dim3A_1260, %mul3A_1272 : vector<16xf32>
        %get3A_1274 = arith.constant 97 : i32
        %get3A_1275 = arith.index_cast %get3A_1274 : i32 to index
        %get3A_1276 = arith.index_cast %multiple_of3A : i32 to index
        %get3A_1277 = tpu.vector_load %arg9[%get3A_1275, %get3A_1276] {strides = array<i32>} : memref<256x256xf32, #tpu.memory_space<vmem>>, vector<1x16xf32>,
        %get3A_1278 = vector.shape_cast %get3A_1277 : vector<1x16xf32> to vector<16xf32>
        %mul3A_1279 = arith.mulf %broadcast_in_dim3A_385, %get3A_1278 : vector<16xf32>
        %add3A_1280 = arith.addf %add3A_1273, %mul3A_1279 : vector<16xf32>
        %get3A_1281 = arith.constant 98 : i32
        %get3A_1282 = arith.index_cast %get3A_1281 : i32 to index
        %get3A_1283 = arith.index_cast %multiple_of3A : i32 to index
        %get3A_1284 = tpu.vector_load %arg9[%get3A_1282, %get3A_1283] {strides = array<i32>} : memref<256x256xf32, #tpu.memory_space<vmem>>, vector<1x16xf32>,
        %get3A_1285 = vector.shape_cast %get3A_1284 : vector<1x16xf32> to vector<16xf32>
        %mul3A_1286 = arith.mulf %broadcast_in_dim3A_388, %get3A_1285 : vector<16xf32>
        %add3A_1287 = arith.addf %broadcast_in_dim3A_1262, %mul3A_1286 : vector<16xf32>
        %get3A_1288 = arith.constant 99 : i32
        %get3A_1289 = arith.index_cast %get3A_1288 : i32 to index
        %get3A_1290 = arith.index_cast %multiple_of3A : i32 to index
        %get3A_1291 = tpu.vector_load %arg9[%get3A_1289, %get3A_1290] {strides = array<i32>} : memref<256x256xf32, #tpu.memory_space<vmem>>, vector<1x16xf32>,
        %get3A_1292 = vector.shape_cast %get3A_1291 : vector<1x16xf32> to vector<16xf32>
        %mul3A_1293 = arith.mulf %broadcast_in_dim3A_391, %get3A_1292 : vector<16xf32>
        %add3A_1294 = arith.addf %add3A_1287, %mul3A_1293 : vector<16xf32>
        %get3A_1295 = arith.constant 100 : i32
        %get3A_1296 = arith.index_cast %get3A_1295 : i32 to index
        %get3A_1297 = arith.index_cast %multiple_of3A : i32 to index
        %get3A_1298 = tpu.vector_load %arg9[%get3A_1296, %get3A_1297] {strides = array<i32>} : memref<256x256xf32, #tpu.memory_space<vmem>>, vector<1x16xf32>,
        %get3A_1299 = vector.shape_cast %get3A_1298 : vector<1x16xf32> to vector<16xf32>
        %mul3A_1300 = arith.mulf %broadcast_in_dim3A_394, %get3A_1299 : vector<16xf32>
        %add3A_1301 = arith.addf %broadcast_in_dim3A_1264, %mul3A_1300 : vector<16xf32>
        %get3A_1302 = arith.constant 101 : i32
        %get3A_1303 = arith.index_cast %get3A_1302 : i32 to index
        %get3A_1304 = arith.index_cast %multiple_of3A : i32 to index
        %get3A_1305 = tpu.vector_load %arg9[%get3A_1303, %get3A_1304] {strides = array<i32>} : memref<256x256xf32, #tpu.memory_space<vmem>>, vector<1x16xf32>,
        %get3A_1306 = vector.shape_cast %get3A_1305 : vector<1x16xf32> to vector<16xf32>
        %mul3A_1307 = arith.mulf %broadcast_in_dim3A_397, %get3A_1306 : vector<16xf32>
        %add3A_1308 = arith.addf %add3A_1301, %mul3A_1307 : vector<16xf32>
        %get3A_1309 = arith.constant 102 : i32
        %get3A_1310 = arith.index_cast %get3A_1309 : i32 to index
        %get3A_1311 = arith.index_cast %multiple_of3A : i32 to index
        %get3A_1312 = tpu.vector_load %arg9[%get3A_1310, %get3A_1311] {strides = array<i32>} : memref<256x256xf32, #tpu.memory_space<vmem>>, vector<1x16xf32>,
        %get3A_1313 = vector.shape_cast %get3A_1312 : vector<1x16xf32> to vector<16xf32>
        %mul3A_1314 = arith.mulf %broadcast_in_dim3A_400, %get3A_1313 : vector<16xf32>
        %add3A_1315 = arith.addf %broadcast_in_dim3A_1266, %mul3A_1314 : vector<16xf32>
        %get3A_1316 = arith.constant 103 : i32
        %get3A_1317 = arith.index_cast %get3A_1316 : i32 to index
        %get3A_1318 = arith.index_cast %multiple_of3A : i32 to index
        %get3A_1319 = tpu.vector_load %arg9[%get3A_1317, %get3A_1318] {strides = array<i32>} : memref<256x256xf32, #tpu.memory_space<vmem>>, vector<1x16xf32>,
        %get3A_1320 = vector.shape_cast %get3A_1319 : vector<1x16xf32> to vector<16xf32>
        %mul3A_1321 = arith.mulf %broadcast_in_dim3A_403, %get3A_1320 : vector<16xf32>
        %add3A_1322 = arith.addf %add3A_1315, %mul3A_1321 : vector<16xf32>
        %get3A_1323 = arith.constant 104 : i32
        %get3A_1324 = arith.index_cast %get3A_1323 : i32 to index
        %get3A_1325 = arith.index_cast %multiple_of3A : i32 to index
        %get3A_1326 = tpu.vector_load %arg9[%get3A_1324, %get3A_1325] {strides = array<i32>} : memref<256x256xf32, #tpu.memory_space<vmem>>, vector<1x16xf32>,
        %get3A_1327 = vector.shape_cast %get3A_1326 : vector<1x16xf32> to vector<16xf32>
        %mul3A_1328 = arith.mulf %broadcast_in_dim3A_406, %get3A_1327 : vector<16xf32>
        %add3A_1329 = arith.addf %add3A_1280, %mul3A_1328 : vector<16xf32>
        %get3A_1330 = arith.constant 105 : i32
        %get3A_1331 = arith.index_cast %get3A_1330 : i32 to index
        %get3A_1332 = arith.index_cast %multiple_of3A : i32 to index
        %get3A_1333 = tpu.vector_load %arg9[%get3A_1331, %get3A_1332] {strides = array<i32>} : memref<256x256xf32, #tpu.memory_space<vmem>>, vector<1x16xf32>,
        %get3A_1334 = vector.shape_cast %get3A_1333 : vector<1x16xf32> to vector<16xf32>
        %mul3A_1335 = arith.mulf %broadcast_in_dim3A_409, %get3A_1334 : vector<16xf32>
        %add3A_1336 = arith.addf %add3A_1329, %mul3A_1335 : vector<16xf32>
        %get3A_1337 = arith.constant 106 : i32
        %get3A_1338 = arith.index_cast %get3A_1337 : i32 to index
        %get3A_1339 = arith.index_cast %multiple_of3A : i32 to index
        %get3A_1340 = tpu.vector_load %arg9[%get3A_1338, %get3A_1339] {strides = array<i32>} : memref<256x256xf32, #tpu.memory_space<vmem>>, vector<1x16xf32>,
        %get3A_1341 = vector.shape_cast %get3A_1340 : vector<1x16xf32> to vector<16xf32>
        %mul3A_1342 = arith.mulf %broadcast_in_dim3A_412, %get3A_1341 : vector<16xf32>
        %add3A_1343 = arith.addf %add3A_1294, %mul3A_1342 : vector<16xf32>
        %get3A_1344 = arith.constant 107 : i32
        %get3A_1345 = arith.index_cast %get3A_1344 : i32 to index
        %get3A_1346 = arith.index_cast %multiple_of3A : i32 to index
        %get3A_1347 = tpu.vector_load %arg9[%get3A_1345, %get3A_1346] {strides = array<i32>} : memref<256x256xf32, #tpu.memory_space<vmem>>, vector<1x16xf32>,
        %get3A_1348 = vector.shape_cast %get3A_1347 : vector<1x16xf32> to vector<16xf32>
        %mul3A_1349 = arith.mulf %broadcast_in_dim3A_415, %get3A_1348 : vector<16xf32>
        %add3A_1350 = arith.addf %add3A_1343, %mul3A_1349 : vector<16xf32>
        %get3A_1351 = arith.constant 108 : i32
        %get3A_1352 = arith.index_cast %get3A_1351 : i32 to index
        %get3A_1353 = arith.index_cast %multiple_of3A : i32 to index
        %get3A_1354 = tpu.vector_load %arg9[%get3A_1352, %get3A_1353] {strides = array<i32>} : memref<256x256xf32, #tpu.memory_space<vmem>>, vector<1x16xf32>,
        %get3A_1355 = vector.shape_cast %get3A_1354 : vector<1x16xf32> to vector<16xf32>
        %mul3A_1356 = arith.mulf %broadcast_in_dim3A_418, %get3A_1355 : vector<16xf32>
        %add3A_1357 = arith.addf %add3A_1308, %mul3A_1356 : vector<16xf32>
        %get3A_1358 = arith.constant 109 : i32
        %get3A_1359 = arith.index_cast %get3A_1358 : i32 to index
        %get3A_1360 = arith.index_cast %multiple_of3A : i32 to index
        %get3A_1361 = tpu.vector_load %arg9[%get3A_1359, %get3A_1360] {strides = array<i32>} : memref<256x256xf32, #tpu.memory_space<vmem>>, vector<1x16xf32>,
        %get3A_1362 = vector.shape_cast %get3A_1361 : vector<1x16xf32> to vector<16xf32>
        %mul3A_1363 = arith.mulf %broadcast_in_dim3A_421, %get3A_1362 : vector<16xf32>
        %add3A_1364 = arith.addf %add3A_1357, %mul3A_1363 : vector<16xf32>
        %get3A_1365 = arith.constant 110 : i32
        %get3A_1366 = arith.index_cast %get3A_1365 : i32 to index
        %get3A_1367 = arith.index_cast %multiple_of3A : i32 to index
        %get3A_1368 = tpu.vector_load %arg9[%get3A_1366, %get3A_1367] {strides = array<i32>} : memref<256x256xf32, #tpu.memory_space<vmem>>, vector<1x16xf32>,
        %get3A_1369 = vector.shape_cast %get3A_1368 : vector<1x16xf32> to vector<16xf32>
        %mul3A_1370 = arith.mulf %broadcast_in_dim3A_424, %get3A_1369 : vector<16xf32>
        %add3A_1371 = arith.addf %add3A_1322, %mul3A_1370 : vector<16xf32>
        %get3A_1372 = arith.constant 111 : i32
        %get3A_1373 = arith.index_cast %get3A_1372 : i32 to index
        %get3A_1374 = arith.index_cast %multiple_of3A : i32 to index
        %get3A_1375 = tpu.vector_load %arg9[%get3A_1373, %get3A_1374] {strides = array<i32>} : memref<256x256xf32, #tpu.memory_space<vmem>>, vector<1x16xf32>,
        %get3A_1376 = vector.shape_cast %get3A_1375 : vector<1x16xf32> to vector<16xf32>
        %mul3A_1377 = arith.mulf %broadcast_in_dim3A_427, %get3A_1376 : vector<16xf32>
        %add3A_1378 = arith.addf %add3A_1371, %mul3A_1377 : vector<16xf32>
        %slice3A_1379 = vector.extract_strided_slice %select_n3A_174 {offsets = [6], sizes = [1], strides = [1]} : vector<16xf32> to vector<1xf32>
        %squeeze3A_1380 = vector.extract %slice3A_1379[0] : f32 from vector<1xf32>
        %broadcast_in_dim3A_1381 = vector.broadcast %squeeze3A_1380 : f32 to vector<16xf32>
        %mul3A_1382 = arith.mulf %broadcast_in_dim3A_1381, %add3A_1336 : vector<16xf32>
        %add3A_1383 = arith.addf %broadcast_in_dim3A_466, %mul3A_1382 : vector<16xf32>
        %mul3A_1384 = arith.mulf %broadcast_in_dim3A_1381, %add3A_1350 : vector<16xf32>
        %add3A_1385 = arith.addf %broadcast_in_dim3A_468, %mul3A_1384 : vector<16xf32>
        %mul3A_1386 = arith.mulf %broadcast_in_dim3A_1381, %add3A_1364 : vector<16xf32>
        %add3A_1387 = arith.addf %broadcast_in_dim3A_470, %mul3A_1386 : vector<16xf32>
        %mul3A_1388 = arith.mulf %broadcast_in_dim3A_1381, %add3A_1378 : vector<16xf32>
        %add3A_1389 = arith.addf %broadcast_in_dim3A_472, %mul3A_1388 : vector<16xf32>
        %broadcast_in_dim3A_1390 = arith.constant 0.000000e+00 : f32
        %broadcast_in_dim3A_1391 = vector.broadcast %broadcast_in_dim3A_1390 : f32 to vector<16xf32>
        %broadcast_in_dim3A_1392 = arith.constant 0.000000e+00 : f32
        %broadcast_in_dim3A_1393 = vector.broadcast %broadcast_in_dim3A_1392 : f32 to vector<16xf32>
        %broadcast_in_dim3A_1394 = arith.constant 0.000000e+00 : f32
        %broadcast_in_dim3A_1395 = vector.broadcast %broadcast_in_dim3A_1394 : f32 to vector<16xf32>
        %broadcast_in_dim3A_1396 = arith.constant 0.000000e+00 : f32
        %broadcast_in_dim3A_1397 = vector.broadcast %broadcast_in_dim3A_1396 : f32 to vector<16xf32>
        %get3A_1398 = arith.constant 112 : i32
        %get3A_1399 = arith.index_cast %get3A_1398 : i32 to index
        %get3A_1400 = arith.index_cast %multiple_of3A : i32 to index
        %get3A_1401 = tpu.vector_load %arg9[%get3A_1399, %get3A_1400] {strides = array<i32>} : memref<256x256xf32, #tpu.memory_space<vmem>>, vector<1x16xf32>,
        %get3A_1402 = vector.shape_cast %get3A_1401 : vector<1x16xf32> to vector<16xf32>
        %mul3A_1403 = arith.mulf %broadcast_in_dim3A_382, %get3A_1402 : vector<16xf32>
        %add3A_1404 = arith.addf %broadcast_in_dim3A_1391, %mul3A_1403 : vector<16xf32>
        %get3A_1405 = arith.constant 113 : i32
        %get3A_1406 = arith.index_cast %get3A_1405 : i32 to index
        %get3A_1407 = arith.index_cast %multiple_of3A : i32 to index
        %get3A_1408 = tpu.vector_load %arg9[%get3A_1406, %get3A_1407] {strides = array<i32>} : memref<256x256xf32, #tpu.memory_space<vmem>>, vector<1x16xf32>,
        %get3A_1409 = vector.shape_cast %get3A_1408 : vector<1x16xf32> to vector<16xf32>
        %mul3A_1410 = arith.mulf %broadcast_in_dim3A_385, %get3A_1409 : vector<16xf32>
        %add3A_1411 = arith.addf %add3A_1404, %mul3A_1410 : vector<16xf32>
        %get3A_1412 = arith.constant 114 : i32
        %get3A_1413 = arith.index_cast %get3A_1412 : i32 to index
        %get3A_1414 = arith.index_cast %multiple_of3A : i32 to index
        %get3A_1415 = tpu.vector_load %arg9[%get3A_1413, %get3A_1414] {strides = array<i32>} : memref<256x256xf32, #tpu.memory_space<vmem>>, vector<1x16xf32>,
        %get3A_1416 = vector.shape_cast %get3A_1415 : vector<1x16xf32> to vector<16xf32>
        %mul3A_1417 = arith.mulf %broadcast_in_dim3A_388, %get3A_1416 : vector<16xf32>
        %add3A_1418 = arith.addf %broadcast_in_dim3A_1393, %mul3A_1417 : vector<16xf32>
        %get3A_1419 = arith.constant 115 : i32
        %get3A_1420 = arith.index_cast %get3A_1419 : i32 to index
        %get3A_1421 = arith.index_cast %multiple_of3A : i32 to index
        %get3A_1422 = tpu.vector_load %arg9[%get3A_1420, %get3A_1421] {strides = array<i32>} : memref<256x256xf32, #tpu.memory_space<vmem>>, vector<1x16xf32>,
        %get3A_1423 = vector.shape_cast %get3A_1422 : vector<1x16xf32> to vector<16xf32>
        %mul3A_1424 = arith.mulf %broadcast_in_dim3A_391, %get3A_1423 : vector<16xf32>
        %add3A_1425 = arith.addf %add3A_1418, %mul3A_1424 : vector<16xf32>
        %get3A_1426 = arith.constant 116 : i32
        %get3A_1427 = arith.index_cast %get3A_1426 : i32 to index
        %get3A_1428 = arith.index_cast %multiple_of3A : i32 to index
        %get3A_1429 = tpu.vector_load %arg9[%get3A_1427, %get3A_1428] {strides = array<i32>} : memref<256x256xf32, #tpu.memory_space<vmem>>, vector<1x16xf32>,
        %get3A_1430 = vector.shape_cast %get3A_1429 : vector<1x16xf32> to vector<16xf32>
        %mul3A_1431 = arith.mulf %broadcast_in_dim3A_394, %get3A_1430 : vector<16xf32>
        %add3A_1432 = arith.addf %broadcast_in_dim3A_1395, %mul3A_1431 : vector<16xf32>
        %get3A_1433 = arith.constant 117 : i32
        %get3A_1434 = arith.index_cast %get3A_1433 : i32 to index
        %get3A_1435 = arith.index_cast %multiple_of3A : i32 to index
        %get3A_1436 = tpu.vector_load %arg9[%get3A_1434, %get3A_1435] {strides = array<i32>} : memref<256x256xf32, #tpu.memory_space<vmem>>, vector<1x16xf32>,
        %get3A_1437 = vector.shape_cast %get3A_1436 : vector<1x16xf32> to vector<16xf32>
        %mul3A_1438 = arith.mulf %broadcast_in_dim3A_397, %get3A_1437 : vector<16xf32>
        %add3A_1439 = arith.addf %add3A_1432, %mul3A_1438 : vector<16xf32>
        %get3A_1440 = arith.constant 118 : i32
        %get3A_1441 = arith.index_cast %get3A_1440 : i32 to index
        %get3A_1442 = arith.index_cast %multiple_of3A : i32 to index
        %get3A_1443 = tpu.vector_load %arg9[%get3A_1441, %get3A_1442] {strides = array<i32>} : memref<256x256xf32, #tpu.memory_space<vmem>>, vector<1x16xf32>,
        %get3A_1444 = vector.shape_cast %get3A_1443 : vector<1x16xf32> to vector<16xf32>
        %mul3A_1445 = arith.mulf %broadcast_in_dim3A_400, %get3A_1444 : vector<16xf32>
        %add3A_1446 = arith.addf %broadcast_in_dim3A_1397, %mul3A_1445 : vector<16xf32>
        %get3A_1447 = arith.constant 119 : i32
        %get3A_1448 = arith.index_cast %get3A_1447 : i32 to index
        %get3A_1449 = arith.index_cast %multiple_of3A : i32 to index
        %get3A_1450 = tpu.vector_load %arg9[%get3A_1448, %get3A_1449] {strides = array<i32>} : memref<256x256xf32, #tpu.memory_space<vmem>>, vector<1x16xf32>,
        %get3A_1451 = vector.shape_cast %get3A_1450 : vector<1x16xf32> to vector<16xf32>
        %mul3A_1452 = arith.mulf %broadcast_in_dim3A_403, %get3A_1451 : vector<16xf32>
        %add3A_1453 = arith.addf %add3A_1446, %mul3A_1452 : vector<16xf32>
        %get3A_1454 = arith.constant 120 : i32
        %get3A_1455 = arith.index_cast %get3A_1454 : i32 to index
        %get3A_1456 = arith.index_cast %multiple_of3A : i32 to index
        %get3A_1457 = tpu.vector_load %arg9[%get3A_1455, %get3A_1456] {strides = array<i32>} : memref<256x256xf32, #tpu.memory_space<vmem>>, vector<1x16xf32>,
        %get3A_1458 = vector.shape_cast %get3A_1457 : vector<1x16xf32> to vector<16xf32>
        %mul3A_1459 = arith.mulf %broadcast_in_dim3A_406, %get3A_1458 : vector<16xf32>
        %add3A_1460 = arith.addf %add3A_1411, %mul3A_1459 : vector<16xf32>
        %get3A_1461 = arith.constant 121 : i32
        %get3A_1462 = arith.index_cast %get3A_1461 : i32 to index
        %get3A_1463 = arith.index_cast %multiple_of3A : i32 to index
        %get3A_1464 = tpu.vector_load %arg9[%get3A_1462, %get3A_1463] {strides = array<i32>} : memref<256x256xf32, #tpu.memory_space<vmem>>, vector<1x16xf32>,
        %get3A_1465 = vector.shape_cast %get3A_1464 : vector<1x16xf32> to vector<16xf32>
        %mul3A_1466 = arith.mulf %broadcast_in_dim3A_409, %get3A_1465 : vector<16xf32>
        %add3A_1467 = arith.addf %add3A_1460, %mul3A_1466 : vector<16xf32>
        %get3A_1468 = arith.constant 122 : i32
        %get3A_1469 = arith.index_cast %get3A_1468 : i32 to index
        %get3A_1470 = arith.index_cast %multiple_of3A : i32 to index
        %get3A_1471 = tpu.vector_load %arg9[%get3A_1469, %get3A_1470] {strides = array<i32>} : memref<256x256xf32, #tpu.memory_space<vmem>>, vector<1x16xf32>,
        %get3A_1472 = vector.shape_cast %get3A_1471 : vector<1x16xf32> to vector<16xf32>
        %mul3A_1473 = arith.mulf %broadcast_in_dim3A_412, %get3A_1472 : vector<16xf32>
        %add3A_1474 = arith.addf %add3A_1425, %mul3A_1473 : vector<16xf32>
        %get3A_1475 = arith.constant 123 : i32
        %get3A_1476 = arith.index_cast %get3A_1475 : i32 to index
        %get3A_1477 = arith.index_cast %multiple_of3A : i32 to index
        %get3A_1478 = tpu.vector_load %arg9[%get3A_1476, %get3A_1477] {strides = array<i32>} : memref<256x256xf32, #tpu.memory_space<vmem>>, vector<1x16xf32>,
        %get3A_1479 = vector.shape_cast %get3A_1478 : vector<1x16xf32> to vector<16xf32>
        %mul3A_1480 = arith.mulf %broadcast_in_dim3A_415, %get3A_1479 : vector<16xf32>
        %add3A_1481 = arith.addf %add3A_1474, %mul3A_1480 : vector<16xf32>
        %get3A_1482 = arith.constant 124 : i32
        %get3A_1483 = arith.index_cast %get3A_1482 : i32 to index
        %get3A_1484 = arith.index_cast %multiple_of3A : i32 to index
        %get3A_1485 = tpu.vector_load %arg9[%get3A_1483, %get3A_1484] {strides = array<i32>} : memref<256x256xf32, #tpu.memory_space<vmem>>, vector<1x16xf32>,
        %get3A_1486 = vector.shape_cast %get3A_1485 : vector<1x16xf32> to vector<16xf32>
        %mul3A_1487 = arith.mulf %broadcast_in_dim3A_418, %get3A_1486 : vector<16xf32>
        %add3A_1488 = arith.addf %add3A_1439, %mul3A_1487 : vector<16xf32>
        %get3A_1489 = arith.constant 125 : i32
        %get3A_1490 = arith.index_cast %get3A_1489 : i32 to index
        %get3A_1491 = arith.index_cast %multiple_of3A : i32 to index
        %get3A_1492 = tpu.vector_load %arg9[%get3A_1490, %get3A_1491] {strides = array<i32>} : memref<256x256xf32, #tpu.memory_space<vmem>>, vector<1x16xf32>,
        %get3A_1493 = vector.shape_cast %get3A_1492 : vector<1x16xf32> to vector<16xf32>
        %mul3A_1494 = arith.mulf %broadcast_in_dim3A_421, %get3A_1493 : vector<16xf32>
        %add3A_1495 = arith.addf %add3A_1488, %mul3A_1494 : vector<16xf32>
        %get3A_1496 = arith.constant 126 : i32
        %get3A_1497 = arith.index_cast %get3A_1496 : i32 to index
        %get3A_1498 = arith.index_cast %multiple_of3A : i32 to index
        %get3A_1499 = tpu.vector_load %arg9[%get3A_1497, %get3A_1498] {strides = array<i32>} : memref<256x256xf32, #tpu.memory_space<vmem>>, vector<1x16xf32>,
        %get3A_1500 = vector.shape_cast %get3A_1499 : vector<1x16xf32> to vector<16xf32>
        %mul3A_1501 = arith.mulf %broadcast_in_dim3A_424, %get3A_1500 : vector<16xf32>
        %add3A_1502 = arith.addf %add3A_1453, %mul3A_1501 : vector<16xf32>
        %get3A_1503 = arith.constant 127 : i32
        %get3A_1504 = arith.index_cast %get3A_1503 : i32 to index
        %get3A_1505 = arith.index_cast %multiple_of3A : i32 to index
        %get3A_1506 = tpu.vector_load %arg9[%get3A_1504, %get3A_1505] {strides = array<i32>} : memref<256x256xf32, #tpu.memory_space<vmem>>, vector<1x16xf32>,
        %get3A_1507 = vector.shape_cast %get3A_1506 : vector<1x16xf32> to vector<16xf32>
        %mul3A_1508 = arith.mulf %broadcast_in_dim3A_427, %get3A_1507 : vector<16xf32>
        %add3A_1509 = arith.addf %add3A_1502, %mul3A_1508 : vector<16xf32>
        %slice3A_1510 = vector.extract_strided_slice %select_n3A_174 {offsets = [7], sizes = [1], strides = [1]} : vector<16xf32> to vector<1xf32>
        %squeeze3A_1511 = vector.extract %slice3A_1510[0] : f32 from vector<1xf32>
        %broadcast_in_dim3A_1512 = vector.broadcast %squeeze3A_1511 : f32 to vector<16xf32>
        %mul3A_1513 = arith.mulf %broadcast_in_dim3A_1512, %add3A_1467 : vector<16xf32>
        %add3A_1514 = arith.addf %add3A_1383, %mul3A_1513 : vector<16xf32>
        %mul3A_1515 = arith.mulf %broadcast_in_dim3A_1512, %add3A_1481 : vector<16xf32>
        %add3A_1516 = arith.addf %add3A_1385, %mul3A_1515 : vector<16xf32>
        %mul3A_1517 = arith.mulf %broadcast_in_dim3A_1512, %add3A_1495 : vector<16xf32>
        %add3A_1518 = arith.addf %add3A_1387, %mul3A_1517 : vector<16xf32>
        %mul3A_1519 = arith.mulf %broadcast_in_dim3A_1512, %add3A_1509 : vector<16xf32>
        %add3A_1520 = arith.addf %add3A_1389, %mul3A_1519 : vector<16xf32>
        %broadcast_in_dim3A_1521 = arith.constant 0.000000e+00 : f32
        %broadcast_in_dim3A_1522 = vector.broadcast %broadcast_in_dim3A_1521 : f32 to vector<16xf32>
        %broadcast_in_dim3A_1523 = arith.constant 0.000000e+00 : f32
        %broadcast_in_dim3A_1524 = vector.broadcast %broadcast_in_dim3A_1523 : f32 to vector<16xf32>
        %broadcast_in_dim3A_1525 = arith.constant 0.000000e+00 : f32
        %broadcast_in_dim3A_1526 = vector.broadcast %broadcast_in_dim3A_1525 : f32 to vector<16xf32>
        %broadcast_in_dim3A_1527 = arith.constant 0.000000e+00 : f32
        %broadcast_in_dim3A_1528 = vector.broadcast %broadcast_in_dim3A_1527 : f32 to vector<16xf32>
        %get3A_1529 = arith.constant 128 : i32
        %get3A_1530 = arith.index_cast %get3A_1529 : i32 to index
        %get3A_1531 = arith.index_cast %multiple_of3A : i32 to index
        %get3A_1532 = tpu.vector_load %arg9[%get3A_1530, %get3A_1531] {strides = array<i32>} : memref<256x256xf32, #tpu.memory_space<vmem>>, vector<1x16xf32>,
        %get3A_1533 = vector.shape_cast %get3A_1532 : vector<1x16xf32> to vector<16xf32>
        %mul3A_1534 = arith.mulf %broadcast_in_dim3A_382, %get3A_1533 : vector<16xf32>
        %add3A_1535 = arith.addf %broadcast_in_dim3A_1522, %mul3A_1534 : vector<16xf32>
        %get3A_1536 = arith.constant 129 : i32
        %get3A_1537 = arith.index_cast %get3A_1536 : i32 to index
        %get3A_1538 = arith.index_cast %multiple_of3A : i32 to index
        %get3A_1539 = tpu.vector_load %arg9[%get3A_1537, %get3A_1538] {strides = array<i32>} : memref<256x256xf32, #tpu.memory_space<vmem>>, vector<1x16xf32>,
        %get3A_1540 = vector.shape_cast %get3A_1539 : vector<1x16xf32> to vector<16xf32>
        %mul3A_1541 = arith.mulf %broadcast_in_dim3A_385, %get3A_1540 : vector<16xf32>
        %add3A_1542 = arith.addf %add3A_1535, %mul3A_1541 : vector<16xf32>
        %get3A_1543 = arith.constant 130 : i32
        %get3A_1544 = arith.index_cast %get3A_1543 : i32 to index
        %get3A_1545 = arith.index_cast %multiple_of3A : i32 to index
        %get3A_1546 = tpu.vector_load %arg9[%get3A_1544, %get3A_1545] {strides = array<i32>} : memref<256x256xf32, #tpu.memory_space<vmem>>, vector<1x16xf32>,
        %get3A_1547 = vector.shape_cast %get3A_1546 : vector<1x16xf32> to vector<16xf32>
        %mul3A_1548 = arith.mulf %broadcast_in_dim3A_388, %get3A_1547 : vector<16xf32>
        %add3A_1549 = arith.addf %broadcast_in_dim3A_1524, %mul3A_1548 : vector<16xf32>
        %get3A_1550 = arith.constant 131 : i32
        %get3A_1551 = arith.index_cast %get3A_1550 : i32 to index
        %get3A_1552 = arith.index_cast %multiple_of3A : i32 to index
        %get3A_1553 = tpu.vector_load %arg9[%get3A_1551, %get3A_1552] {strides = array<i32>} : memref<256x256xf32, #tpu.memory_space<vmem>>, vector<1x16xf32>,
        %get3A_1554 = vector.shape_cast %get3A_1553 : vector<1x16xf32> to vector<16xf32>
        %mul3A_1555 = arith.mulf %broadcast_in_dim3A_391, %get3A_1554 : vector<16xf32>
        %add3A_1556 = arith.addf %add3A_1549, %mul3A_1555 : vector<16xf32>
        %get3A_1557 = arith.constant 132 : i32
        %get3A_1558 = arith.index_cast %get3A_1557 : i32 to index
        %get3A_1559 = arith.index_cast %multiple_of3A : i32 to index
        %get3A_1560 = tpu.vector_load %arg9[%get3A_1558, %get3A_1559] {strides = array<i32>} : memref<256x256xf32, #tpu.memory_space<vmem>>, vector<1x16xf32>,
        %get3A_1561 = vector.shape_cast %get3A_1560 : vector<1x16xf32> to vector<16xf32>
        %mul3A_1562 = arith.mulf %broadcast_in_dim3A_394, %get3A_1561 : vector<16xf32>
        %add3A_1563 = arith.addf %broadcast_in_dim3A_1526, %mul3A_1562 : vector<16xf32>
        %get3A_1564 = arith.constant 133 : i32
        %get3A_1565 = arith.index_cast %get3A_1564 : i32 to index
        %get3A_1566 = arith.index_cast %multiple_of3A : i32 to index
        %get3A_1567 = tpu.vector_load %arg9[%get3A_1565, %get3A_1566] {strides = array<i32>} : memref<256x256xf32, #tpu.memory_space<vmem>>, vector<1x16xf32>,
        %get3A_1568 = vector.shape_cast %get3A_1567 : vector<1x16xf32> to vector<16xf32>
        %mul3A_1569 = arith.mulf %broadcast_in_dim3A_397, %get3A_1568 : vector<16xf32>
        %add3A_1570 = arith.addf %add3A_1563, %mul3A_1569 : vector<16xf32>
        %get3A_1571 = arith.constant 134 : i32
        %get3A_1572 = arith.index_cast %get3A_1571 : i32 to index
        %get3A_1573 = arith.index_cast %multiple_of3A : i32 to index
        %get3A_1574 = tpu.vector_load %arg9[%get3A_1572, %get3A_1573] {strides = array<i32>} : memref<256x256xf32, #tpu.memory_space<vmem>>, vector<1x16xf32>,
        %get3A_1575 = vector.shape_cast %get3A_1574 : vector<1x16xf32> to vector<16xf32>
        %mul3A_1576 = arith.mulf %broadcast_in_dim3A_400, %get3A_1575 : vector<16xf32>
        %add3A_1577 = arith.addf %broadcast_in_dim3A_1528, %mul3A_1576 : vector<16xf32>
        %get3A_1578 = arith.constant 135 : i32
        %get3A_1579 = arith.index_cast %get3A_1578 : i32 to index
        %get3A_1580 = arith.index_cast %multiple_of3A : i32 to index
        %get3A_1581 = tpu.vector_load %arg9[%get3A_1579, %get3A_1580] {strides = array<i32>} : memref<256x256xf32, #tpu.memory_space<vmem>>, vector<1x16xf32>,
        %get3A_1582 = vector.shape_cast %get3A_1581 : vector<1x16xf32> to vector<16xf32>
        %mul3A_1583 = arith.mulf %broadcast_in_dim3A_403, %get3A_1582 : vector<16xf32>
        %add3A_1584 = arith.addf %add3A_1577, %mul3A_1583 : vector<16xf32>
        %get3A_1585 = arith.constant 136 : i32
        %get3A_1586 = arith.index_cast %get3A_1585 : i32 to index
        %get3A_1587 = arith.index_cast %multiple_of3A : i32 to index
        %get3A_1588 = tpu.vector_load %arg9[%get3A_1586, %get3A_1587] {strides = array<i32>} : memref<256x256xf32, #tpu.memory_space<vmem>>, vector<1x16xf32>,
        %get3A_1589 = vector.shape_cast %get3A_1588 : vector<1x16xf32> to vector<16xf32>
        %mul3A_1590 = arith.mulf %broadcast_in_dim3A_406, %get3A_1589 : vector<16xf32>
        %add3A_1591 = arith.addf %add3A_1542, %mul3A_1590 : vector<16xf32>
        %get3A_1592 = arith.constant 137 : i32
        %get3A_1593 = arith.index_cast %get3A_1592 : i32 to index
        %get3A_1594 = arith.index_cast %multiple_of3A : i32 to index
        %get3A_1595 = tpu.vector_load %arg9[%get3A_1593, %get3A_1594] {strides = array<i32>} : memref<256x256xf32, #tpu.memory_space<vmem>>, vector<1x16xf32>,
        %get3A_1596 = vector.shape_cast %get3A_1595 : vector<1x16xf32> to vector<16xf32>
        %mul3A_1597 = arith.mulf %broadcast_in_dim3A_409, %get3A_1596 : vector<16xf32>
        %add3A_1598 = arith.addf %add3A_1591, %mul3A_1597 : vector<16xf32>
        %get3A_1599 = arith.constant 138 : i32
        %get3A_1600 = arith.index_cast %get3A_1599 : i32 to index
        %get3A_1601 = arith.index_cast %multiple_of3A : i32 to index
        %get3A_1602 = tpu.vector_load %arg9[%get3A_1600, %get3A_1601] {strides = array<i32>} : memref<256x256xf32, #tpu.memory_space<vmem>>, vector<1x16xf32>,
        %get3A_1603 = vector.shape_cast %get3A_1602 : vector<1x16xf32> to vector<16xf32>
        %mul3A_1604 = arith.mulf %broadcast_in_dim3A_412, %get3A_1603 : vector<16xf32>
        %add3A_1605 = arith.addf %add3A_1556, %mul3A_1604 : vector<16xf32>
        %get3A_1606 = arith.constant 139 : i32
        %get3A_1607 = arith.index_cast %get3A_1606 : i32 to index
        %get3A_1608 = arith.index_cast %multiple_of3A : i32 to index
        %get3A_1609 = tpu.vector_load %arg9[%get3A_1607, %get3A_1608] {strides = array<i32>} : memref<256x256xf32, #tpu.memory_space<vmem>>, vector<1x16xf32>,
        %get3A_1610 = vector.shape_cast %get3A_1609 : vector<1x16xf32> to vector<16xf32>
        %mul3A_1611 = arith.mulf %broadcast_in_dim3A_415, %get3A_1610 : vector<16xf32>
        %add3A_1612 = arith.addf %add3A_1605, %mul3A_1611 : vector<16xf32>
        %get3A_1613 = arith.constant 140 : i32
        %get3A_1614 = arith.index_cast %get3A_1613 : i32 to index
        %get3A_1615 = arith.index_cast %multiple_of3A : i32 to index
        %get3A_1616 = tpu.vector_load %arg9[%get3A_1614, %get3A_1615] {strides = array<i32>} : memref<256x256xf32, #tpu.memory_space<vmem>>, vector<1x16xf32>,
        %get3A_1617 = vector.shape_cast %get3A_1616 : vector<1x16xf32> to vector<16xf32>
        %mul3A_1618 = arith.mulf %broadcast_in_dim3A_418, %get3A_1617 : vector<16xf32>
        %add3A_1619 = arith.addf %add3A_1570, %mul3A_1618 : vector<16xf32>
        %get3A_1620 = arith.constant 141 : i32
        %get3A_1621 = arith.index_cast %get3A_1620 : i32 to index
        %get3A_1622 = arith.index_cast %multiple_of3A : i32 to index
        %get3A_1623 = tpu.vector_load %arg9[%get3A_1621, %get3A_1622] {strides = array<i32>} : memref<256x256xf32, #tpu.memory_space<vmem>>, vector<1x16xf32>,
        %get3A_1624 = vector.shape_cast %get3A_1623 : vector<1x16xf32> to vector<16xf32>
        %mul3A_1625 = arith.mulf %broadcast_in_dim3A_421, %get3A_1624 : vector<16xf32>
        %add3A_1626 = arith.addf %add3A_1619, %mul3A_1625 : vector<16xf32>
        %get3A_1627 = arith.constant 142 : i32
        %get3A_1628 = arith.index_cast %get3A_1627 : i32 to index
        %get3A_1629 = arith.index_cast %multiple_of3A : i32 to index
        %get3A_1630 = tpu.vector_load %arg9[%get3A_1628, %get3A_1629] {strides = array<i32>} : memref<256x256xf32, #tpu.memory_space<vmem>>, vector<1x16xf32>,
        %get3A_1631 = vector.shape_cast %get3A_1630 : vector<1x16xf32> to vector<16xf32>
        %mul3A_1632 = arith.mulf %broadcast_in_dim3A_424, %get3A_1631 : vector<16xf32>
        %add3A_1633 = arith.addf %add3A_1584, %mul3A_1632 : vector<16xf32>
        %get3A_1634 = arith.constant 143 : i32
        %get3A_1635 = arith.index_cast %get3A_1634 : i32 to index
        %get3A_1636 = arith.index_cast %multiple_of3A : i32 to index
        %get3A_1637 = tpu.vector_load %arg9[%get3A_1635, %get3A_1636] {strides = array<i32>} : memref<256x256xf32, #tpu.memory_space<vmem>>, vector<1x16xf32>,
        %get3A_1638 = vector.shape_cast %get3A_1637 : vector<1x16xf32> to vector<16xf32>
        %mul3A_1639 = arith.mulf %broadcast_in_dim3A_427, %get3A_1638 : vector<16xf32>
        %add3A_1640 = arith.addf %add3A_1633, %mul3A_1639 : vector<16xf32>
        %slice3A_1641 = vector.extract_strided_slice %select_n3A_174 {offsets = [8], sizes = [1], strides = [1]} : vector<16xf32> to vector<1xf32>
        %squeeze3A_1642 = vector.extract %slice3A_1641[0] : f32 from vector<1xf32>
        %broadcast_in_dim3A_1643 = vector.broadcast %squeeze3A_1642 : f32 to vector<16xf32>
        %mul3A_1644 = arith.mulf %broadcast_in_dim3A_1643, %add3A_1598 : vector<16xf32>
        %add3A_1645 = arith.addf %add3A_728, %mul3A_1644 : vector<16xf32>
        %mul3A_1646 = arith.mulf %broadcast_in_dim3A_1643, %add3A_1612 : vector<16xf32>
        %add3A_1647 = arith.addf %add3A_730, %mul3A_1646 : vector<16xf32>
        %mul3A_1648 = arith.mulf %broadcast_in_dim3A_1643, %add3A_1626 : vector<16xf32>
        %add3A_1649 = arith.addf %add3A_732, %mul3A_1648 : vector<16xf32>
        %mul3A_1650 = arith.mulf %broadcast_in_dim3A_1643, %add3A_1640 : vector<16xf32>
        %add3A_1651 = arith.addf %add3A_734, %mul3A_1650 : vector<16xf32>
        %broadcast_in_dim3A_1652 = arith.constant 0.000000e+00 : f32
        %broadcast_in_dim3A_1653 = vector.broadcast %broadcast_in_dim3A_1652 : f32 to vector<16xf32>
        %broadcast_in_dim3A_1654 = arith.constant 0.000000e+00 : f32
        %broadcast_in_dim3A_1655 = vector.broadcast %broadcast_in_dim3A_1654 : f32 to vector<16xf32>
        %broadcast_in_dim3A_1656 = arith.constant 0.000000e+00 : f32
        %broadcast_in_dim3A_1657 = vector.broadcast %broadcast_in_dim3A_1656 : f32 to vector<16xf32>
        %broadcast_in_dim3A_1658 = arith.constant 0.000000e+00 : f32
        %broadcast_in_dim3A_1659 = vector.broadcast %broadcast_in_dim3A_1658 : f32 to vector<16xf32>
        %get3A_1660 = arith.constant 144 : i32
        %get3A_1661 = arith.index_cast %get3A_1660 : i32 to index
        %get3A_1662 = arith.index_cast %multiple_of3A : i32 to index
        %get3A_1663 = tpu.vector_load %arg9[%get3A_1661, %get3A_1662] {strides = array<i32>} : memref<256x256xf32, #tpu.memory_space<vmem>>, vector<1x16xf32>,
        %get3A_1664 = vector.shape_cast %get3A_1663 : vector<1x16xf32> to vector<16xf32>
        %mul3A_1665 = arith.mulf %broadcast_in_dim3A_382, %get3A_1664 : vector<16xf32>
        %add3A_1666 = arith.addf %broadcast_in_dim3A_1653, %mul3A_1665 : vector<16xf32>
        %get3A_1667 = arith.constant 145 : i32
        %get3A_1668 = arith.index_cast %get3A_1667 : i32 to index
        %get3A_1669 = arith.index_cast %multiple_of3A : i32 to index
        %get3A_1670 = tpu.vector_load %arg9[%get3A_1668, %get3A_1669] {strides = array<i32>} : memref<256x256xf32, #tpu.memory_space<vmem>>, vector<1x16xf32>,
        %get3A_1671 = vector.shape_cast %get3A_1670 : vector<1x16xf32> to vector<16xf32>
        %mul3A_1672 = arith.mulf %broadcast_in_dim3A_385, %get3A_1671 : vector<16xf32>
        %add3A_1673 = arith.addf %add3A_1666, %mul3A_1672 : vector<16xf32>
        %get3A_1674 = arith.constant 146 : i32
        %get3A_1675 = arith.index_cast %get3A_1674 : i32 to index
        %get3A_1676 = arith.index_cast %multiple_of3A : i32 to index
        %get3A_1677 = tpu.vector_load %arg9[%get3A_1675, %get3A_1676] {strides = array<i32>} : memref<256x256xf32, #tpu.memory_space<vmem>>, vector<1x16xf32>,
        %get3A_1678 = vector.shape_cast %get3A_1677 : vector<1x16xf32> to vector<16xf32>
        %mul3A_1679 = arith.mulf %broadcast_in_dim3A_388, %get3A_1678 : vector<16xf32>
        %add3A_1680 = arith.addf %broadcast_in_dim3A_1655, %mul3A_1679 : vector<16xf32>
        %get3A_1681 = arith.constant 147 : i32
        %get3A_1682 = arith.index_cast %get3A_1681 : i32 to index
        %get3A_1683 = arith.index_cast %multiple_of3A : i32 to index
        %get3A_1684 = tpu.vector_load %arg9[%get3A_1682, %get3A_1683] {strides = array<i32>} : memref<256x256xf32, #tpu.memory_space<vmem>>, vector<1x16xf32>,
        %get3A_1685 = vector.shape_cast %get3A_1684 : vector<1x16xf32> to vector<16xf32>
        %mul3A_1686 = arith.mulf %broadcast_in_dim3A_391, %get3A_1685 : vector<16xf32>
        %add3A_1687 = arith.addf %add3A_1680, %mul3A_1686 : vector<16xf32>
        %get3A_1688 = arith.constant 148 : i32
        %get3A_1689 = arith.index_cast %get3A_1688 : i32 to index
        %get3A_1690 = arith.index_cast %multiple_of3A : i32 to index
        %get3A_1691 = tpu.vector_load %arg9[%get3A_1689, %get3A_1690] {strides = array<i32>} : memref<256x256xf32, #tpu.memory_space<vmem>>, vector<1x16xf32>,
        %get3A_1692 = vector.shape_cast %get3A_1691 : vector<1x16xf32> to vector<16xf32>
        %mul3A_1693 = arith.mulf %broadcast_in_dim3A_394, %get3A_1692 : vector<16xf32>
        %add3A_1694 = arith.addf %broadcast_in_dim3A_1657, %mul3A_1693 : vector<16xf32>
        %get3A_1695 = arith.constant 149 : i32
        %get3A_1696 = arith.index_cast %get3A_1695 : i32 to index
        %get3A_1697 = arith.index_cast %multiple_of3A : i32 to index
        %get3A_1698 = tpu.vector_load %arg9[%get3A_1696, %get3A_1697] {strides = array<i32>} : memref<256x256xf32, #tpu.memory_space<vmem>>, vector<1x16xf32>,
        %get3A_1699 = vector.shape_cast %get3A_1698 : vector<1x16xf32> to vector<16xf32>
        %mul3A_1700 = arith.mulf %broadcast_in_dim3A_397, %get3A_1699 : vector<16xf32>
        %add3A_1701 = arith.addf %add3A_1694, %mul3A_1700 : vector<16xf32>
        %get3A_1702 = arith.constant 150 : i32
        %get3A_1703 = arith.index_cast %get3A_1702 : i32 to index
        %get3A_1704 = arith.index_cast %multiple_of3A : i32 to index
        %get3A_1705 = tpu.vector_load %arg9[%get3A_1703, %get3A_1704] {strides = array<i32>} : memref<256x256xf32, #tpu.memory_space<vmem>>, vector<1x16xf32>,
        %get3A_1706 = vector.shape_cast %get3A_1705 : vector<1x16xf32> to vector<16xf32>
        %mul3A_1707 = arith.mulf %broadcast_in_dim3A_400, %get3A_1706 : vector<16xf32>
        %add3A_1708 = arith.addf %broadcast_in_dim3A_1659, %mul3A_1707 : vector<16xf32>
        %get3A_1709 = arith.constant 151 : i32
        %get3A_1710 = arith.index_cast %get3A_1709 : i32 to index
        %get3A_1711 = arith.index_cast %multiple_of3A : i32 to index
        %get3A_1712 = tpu.vector_load %arg9[%get3A_1710, %get3A_1711] {strides = array<i32>} : memref<256x256xf32, #tpu.memory_space<vmem>>, vector<1x16xf32>,
        %get3A_1713 = vector.shape_cast %get3A_1712 : vector<1x16xf32> to vector<16xf32>
        %mul3A_1714 = arith.mulf %broadcast_in_dim3A_403, %get3A_1713 : vector<16xf32>
        %add3A_1715 = arith.addf %add3A_1708, %mul3A_1714 : vector<16xf32>
        %get3A_1716 = arith.constant 152 : i32
        %get3A_1717 = arith.index_cast %get3A_1716 : i32 to index
        %get3A_1718 = arith.index_cast %multiple_of3A : i32 to index
        %get3A_1719 = tpu.vector_load %arg9[%get3A_1717, %get3A_1718] {strides = array<i32>} : memref<256x256xf32, #tpu.memory_space<vmem>>, vector<1x16xf32>,
        %get3A_1720 = vector.shape_cast %get3A_1719 : vector<1x16xf32> to vector<16xf32>
        %mul3A_1721 = arith.mulf %broadcast_in_dim3A_406, %get3A_1720 : vector<16xf32>
        %add3A_1722 = arith.addf %add3A_1673, %mul3A_1721 : vector<16xf32>
        %get3A_1723 = arith.constant 153 : i32
        %get3A_1724 = arith.index_cast %get3A_1723 : i32 to index
        %get3A_1725 = arith.index_cast %multiple_of3A : i32 to index
        %get3A_1726 = tpu.vector_load %arg9[%get3A_1724, %get3A_1725] {strides = array<i32>} : memref<256x256xf32, #tpu.memory_space<vmem>>, vector<1x16xf32>,
        %get3A_1727 = vector.shape_cast %get3A_1726 : vector<1x16xf32> to vector<16xf32>
        %mul3A_1728 = arith.mulf %broadcast_in_dim3A_409, %get3A_1727 : vector<16xf32>
        %add3A_1729 = arith.addf %add3A_1722, %mul3A_1728 : vector<16xf32>
        %get3A_1730 = arith.constant 154 : i32
        %get3A_1731 = arith.index_cast %get3A_1730 : i32 to index
        %get3A_1732 = arith.index_cast %multiple_of3A : i32 to index
        %get3A_1733 = tpu.vector_load %arg9[%get3A_1731, %get3A_1732] {strides = array<i32>} : memref<256x256xf32, #tpu.memory_space<vmem>>, vector<1x16xf32>,
        %get3A_1734 = vector.shape_cast %get3A_1733 : vector<1x16xf32> to vector<16xf32>
        %mul3A_1735 = arith.mulf %broadcast_in_dim3A_412, %get3A_1734 : vector<16xf32>
        %add3A_1736 = arith.addf %add3A_1687, %mul3A_1735 : vector<16xf32>
        %get3A_1737 = arith.constant 155 : i32
        %get3A_1738 = arith.index_cast %get3A_1737 : i32 to index
        %get3A_1739 = arith.index_cast %multiple_of3A : i32 to index
        %get3A_1740 = tpu.vector_load %arg9[%get3A_1738, %get3A_1739] {strides = array<i32>} : memref<256x256xf32, #tpu.memory_space<vmem>>, vector<1x16xf32>,
        %get3A_1741 = vector.shape_cast %get3A_1740 : vector<1x16xf32> to vector<16xf32>
        %mul3A_1742 = arith.mulf %broadcast_in_dim3A_415, %get3A_1741 : vector<16xf32>
        %add3A_1743 = arith.addf %add3A_1736, %mul3A_1742 : vector<16xf32>
        %get3A_1744 = arith.constant 156 : i32
        %get3A_1745 = arith.index_cast %get3A_1744 : i32 to index
        %get3A_1746 = arith.index_cast %multiple_of3A : i32 to index
        %get3A_1747 = tpu.vector_load %arg9[%get3A_1745, %get3A_1746] {strides = array<i32>} : memref<256x256xf32, #tpu.memory_space<vmem>>, vector<1x16xf32>,
        %get3A_1748 = vector.shape_cast %get3A_1747 : vector<1x16xf32> to vector<16xf32>
        %mul3A_1749 = arith.mulf %broadcast_in_dim3A_418, %get3A_1748 : vector<16xf32>
        %add3A_1750 = arith.addf %add3A_1701, %mul3A_1749 : vector<16xf32>
        %get3A_1751 = arith.constant 157 : i32
        %get3A_1752 = arith.index_cast %get3A_1751 : i32 to index
        %get3A_1753 = arith.index_cast %multiple_of3A : i32 to index
        %get3A_1754 = tpu.vector_load %arg9[%get3A_1752, %get3A_1753] {strides = array<i32>} : memref<256x256xf32, #tpu.memory_space<vmem>>, vector<1x16xf32>,
        %get3A_1755 = vector.shape_cast %get3A_1754 : vector<1x16xf32> to vector<16xf32>
        %mul3A_1756 = arith.mulf %broadcast_in_dim3A_421, %get3A_1755 : vector<16xf32>
        %add3A_1757 = arith.addf %add3A_1750, %mul3A_1756 : vector<16xf32>
        %get3A_1758 = arith.constant 158 : i32
        %get3A_1759 = arith.index_cast %get3A_1758 : i32 to index
        %get3A_1760 = arith.index_cast %multiple_of3A : i32 to index
        %get3A_1761 = tpu.vector_load %arg9[%get3A_1759, %get3A_1760] {strides = array<i32>} : memref<256x256xf32, #tpu.memory_space<vmem>>, vector<1x16xf32>,
        %get3A_1762 = vector.shape_cast %get3A_1761 : vector<1x16xf32> to vector<16xf32>
        %mul3A_1763 = arith.mulf %broadcast_in_dim3A_424, %get3A_1762 : vector<16xf32>
        %add3A_1764 = arith.addf %add3A_1715, %mul3A_1763 : vector<16xf32>
        %get3A_1765 = arith.constant 159 : i32
        %get3A_1766 = arith.index_cast %get3A_1765 : i32 to index
        %get3A_1767 = arith.index_cast %multiple_of3A : i32 to index
        %get3A_1768 = tpu.vector_load %arg9[%get3A_1766, %get3A_1767] {strides = array<i32>} : memref<256x256xf32, #tpu.memory_space<vmem>>, vector<1x16xf32>,
        %get3A_1769 = vector.shape_cast %get3A_1768 : vector<1x16xf32> to vector<16xf32>
        %mul3A_1770 = arith.mulf %broadcast_in_dim3A_427, %get3A_1769 : vector<16xf32>
        %add3A_1771 = arith.addf %add3A_1764, %mul3A_1770 : vector<16xf32>
        %slice3A_1772 = vector.extract_strided_slice %select_n3A_174 {offsets = [9], sizes = [1], strides = [1]} : vector<16xf32> to vector<1xf32>
        %squeeze3A_1773 = vector.extract %slice3A_1772[0] : f32 from vector<1xf32>
        %broadcast_in_dim3A_1774 = vector.broadcast %squeeze3A_1773 : f32 to vector<16xf32>
        %mul3A_1775 = arith.mulf %broadcast_in_dim3A_1774, %add3A_1729 : vector<16xf32>
        %add3A_1776 = arith.addf %add3A_1645, %mul3A_1775 : vector<16xf32>
        %mul3A_1777 = arith.mulf %broadcast_in_dim3A_1774, %add3A_1743 : vector<16xf32>
        %add3A_1778 = arith.addf %add3A_1647, %mul3A_1777 : vector<16xf32>
        %mul3A_1779 = arith.mulf %broadcast_in_dim3A_1774, %add3A_1757 : vector<16xf32>
        %add3A_1780 = arith.addf %add3A_1649, %mul3A_1779 : vector<16xf32>
        %mul3A_1781 = arith.mulf %broadcast_in_dim3A_1774, %add3A_1771 : vector<16xf32>
        %add3A_1782 = arith.addf %add3A_1651, %mul3A_1781 : vector<16xf32>
        %broadcast_in_dim3A_1783 = arith.constant 0.000000e+00 : f32
        %broadcast_in_dim3A_1784 = vector.broadcast %broadcast_in_dim3A_1783 : f32 to vector<16xf32>
        %broadcast_in_dim3A_1785 = arith.constant 0.000000e+00 : f32
        %broadcast_in_dim3A_1786 = vector.broadcast %broadcast_in_dim3A_1785 : f32 to vector<16xf32>
        %broadcast_in_dim3A_1787 = arith.constant 0.000000e+00 : f32
        %broadcast_in_dim3A_1788 = vector.broadcast %broadcast_in_dim3A_1787 : f32 to vector<16xf32>
        %broadcast_in_dim3A_1789 = arith.constant 0.000000e+00 : f32
        %broadcast_in_dim3A_1790 = vector.broadcast %broadcast_in_dim3A_1789 : f32 to vector<16xf32>
        %get3A_1791 = arith.constant 160 : i32
        %get3A_1792 = arith.index_cast %get3A_1791 : i32 to index
        %get3A_1793 = arith.index_cast %multiple_of3A : i32 to index
        %get3A_1794 = tpu.vector_load %arg9[%get3A_1792, %get3A_1793] {strides = array<i32>} : memref<256x256xf32, #tpu.memory_space<vmem>>, vector<1x16xf32>,
        %get3A_1795 = vector.shape_cast %get3A_1794 : vector<1x16xf32> to vector<16xf32>
        %mul3A_1796 = arith.mulf %broadcast_in_dim3A_382, %get3A_1795 : vector<16xf32>
        %add3A_1797 = arith.addf %broadcast_in_dim3A_1784, %mul3A_1796 : vector<16xf32>
        %get3A_1798 = arith.constant 161 : i32
        %get3A_1799 = arith.index_cast %get3A_1798 : i32 to index
        %get3A_1800 = arith.index_cast %multiple_of3A : i32 to index
        %get3A_1801 = tpu.vector_load %arg9[%get3A_1799, %get3A_1800] {strides = array<i32>} : memref<256x256xf32, #tpu.memory_space<vmem>>, vector<1x16xf32>,
        %get3A_1802 = vector.shape_cast %get3A_1801 : vector<1x16xf32> to vector<16xf32>
        %mul3A_1803 = arith.mulf %broadcast_in_dim3A_385, %get3A_1802 : vector<16xf32>
        %add3A_1804 = arith.addf %add3A_1797, %mul3A_1803 : vector<16xf32>
        %get3A_1805 = arith.constant 162 : i32
        %get3A_1806 = arith.index_cast %get3A_1805 : i32 to index
        %get3A_1807 = arith.index_cast %multiple_of3A : i32 to index
        %get3A_1808 = tpu.vector_load %arg9[%get3A_1806, %get3A_1807] {strides = array<i32>} : memref<256x256xf32, #tpu.memory_space<vmem>>, vector<1x16xf32>,
        %get3A_1809 = vector.shape_cast %get3A_1808 : vector<1x16xf32> to vector<16xf32>
        %mul3A_1810 = arith.mulf %broadcast_in_dim3A_388, %get3A_1809 : vector<16xf32>
        %add3A_1811 = arith.addf %broadcast_in_dim3A_1786, %mul3A_1810 : vector<16xf32>
        %get3A_1812 = arith.constant 163 : i32
        %get3A_1813 = arith.index_cast %get3A_1812 : i32 to index
        %get3A_1814 = arith.index_cast %multiple_of3A : i32 to index
        %get3A_1815 = tpu.vector_load %arg9[%get3A_1813, %get3A_1814] {strides = array<i32>} : memref<256x256xf32, #tpu.memory_space<vmem>>, vector<1x16xf32>,
        %get3A_1816 = vector.shape_cast %get3A_1815 : vector<1x16xf32> to vector<16xf32>
        %mul3A_1817 = arith.mulf %broadcast_in_dim3A_391, %get3A_1816 : vector<16xf32>
        %add3A_1818 = arith.addf %add3A_1811, %mul3A_1817 : vector<16xf32>
        %get3A_1819 = arith.constant 164 : i32
        %get3A_1820 = arith.index_cast %get3A_1819 : i32 to index
        %get3A_1821 = arith.index_cast %multiple_of3A : i32 to index
        %get3A_1822 = tpu.vector_load %arg9[%get3A_1820, %get3A_1821] {strides = array<i32>} : memref<256x256xf32, #tpu.memory_space<vmem>>, vector<1x16xf32>,
        %get3A_1823 = vector.shape_cast %get3A_1822 : vector<1x16xf32> to vector<16xf32>
        %mul3A_1824 = arith.mulf %broadcast_in_dim3A_394, %get3A_1823 : vector<16xf32>
        %add3A_1825 = arith.addf %broadcast_in_dim3A_1788, %mul3A_1824 : vector<16xf32>
        %get3A_1826 = arith.constant 165 : i32
        %get3A_1827 = arith.index_cast %get3A_1826 : i32 to index
        %get3A_1828 = arith.index_cast %multiple_of3A : i32 to index
        %get3A_1829 = tpu.vector_load %arg9[%get3A_1827, %get3A_1828] {strides = array<i32>} : memref<256x256xf32, #tpu.memory_space<vmem>>, vector<1x16xf32>,
        %get3A_1830 = vector.shape_cast %get3A_1829 : vector<1x16xf32> to vector<16xf32>
        %mul3A_1831 = arith.mulf %broadcast_in_dim3A_397, %get3A_1830 : vector<16xf32>
        %add3A_1832 = arith.addf %add3A_1825, %mul3A_1831 : vector<16xf32>
        %get3A_1833 = arith.constant 166 : i32
        %get3A_1834 = arith.index_cast %get3A_1833 : i32 to index
        %get3A_1835 = arith.index_cast %multiple_of3A : i32 to index
        %get3A_1836 = tpu.vector_load %arg9[%get3A_1834, %get3A_1835] {strides = array<i32>} : memref<256x256xf32, #tpu.memory_space<vmem>>, vector<1x16xf32>,
        %get3A_1837 = vector.shape_cast %get3A_1836 : vector<1x16xf32> to vector<16xf32>
        %mul3A_1838 = arith.mulf %broadcast_in_dim3A_400, %get3A_1837 : vector<16xf32>
        %add3A_1839 = arith.addf %broadcast_in_dim3A_1790, %mul3A_1838 : vector<16xf32>
        %get3A_1840 = arith.constant 167 : i32
        %get3A_1841 = arith.index_cast %get3A_1840 : i32 to index
        %get3A_1842 = arith.index_cast %multiple_of3A : i32 to index
        %get3A_1843 = tpu.vector_load %arg9[%get3A_1841, %get3A_1842] {strides = array<i32>} : memref<256x256xf32, #tpu.memory_space<vmem>>, vector<1x16xf32>,
        %get3A_1844 = vector.shape_cast %get3A_1843 : vector<1x16xf32> to vector<16xf32>
        %mul3A_1845 = arith.mulf %broadcast_in_dim3A_403, %get3A_1844 : vector<16xf32>
        %add3A_1846 = arith.addf %add3A_1839, %mul3A_1845 : vector<16xf32>
        %get3A_1847 = arith.constant 168 : i32
        %get3A_1848 = arith.index_cast %get3A_1847 : i32 to index
        %get3A_1849 = arith.index_cast %multiple_of3A : i32 to index
        %get3A_1850 = tpu.vector_load %arg9[%get3A_1848, %get3A_1849] {strides = array<i32>} : memref<256x256xf32, #tpu.memory_space<vmem>>, vector<1x16xf32>,
        %get3A_1851 = vector.shape_cast %get3A_1850 : vector<1x16xf32> to vector<16xf32>
        %mul3A_1852 = arith.mulf %broadcast_in_dim3A_406, %get3A_1851 : vector<16xf32>
        %add3A_1853 = arith.addf %add3A_1804, %mul3A_1852 : vector<16xf32>
        %get3A_1854 = arith.constant 169 : i32
        %get3A_1855 = arith.index_cast %get3A_1854 : i32 to index
        %get3A_1856 = arith.index_cast %multiple_of3A : i32 to index
        %get3A_1857 = tpu.vector_load %arg9[%get3A_1855, %get3A_1856] {strides = array<i32>} : memref<256x256xf32, #tpu.memory_space<vmem>>, vector<1x16xf32>,
        %get3A_1858 = vector.shape_cast %get3A_1857 : vector<1x16xf32> to vector<16xf32>
        %mul3A_1859 = arith.mulf %broadcast_in_dim3A_409, %get3A_1858 : vector<16xf32>
        %add3A_1860 = arith.addf %add3A_1853, %mul3A_1859 : vector<16xf32>
        %get3A_1861 = arith.constant 170 : i32
        %get3A_1862 = arith.index_cast %get3A_1861 : i32 to index
        %get3A_1863 = arith.index_cast %multiple_of3A : i32 to index
        %get3A_1864 = tpu.vector_load %arg9[%get3A_1862, %get3A_1863] {strides = array<i32>} : memref<256x256xf32, #tpu.memory_space<vmem>>, vector<1x16xf32>,
        %get3A_1865 = vector.shape_cast %get3A_1864 : vector<1x16xf32> to vector<16xf32>
        %mul3A_1866 = arith.mulf %broadcast_in_dim3A_412, %get3A_1865 : vector<16xf32>
        %add3A_1867 = arith.addf %add3A_1818, %mul3A_1866 : vector<16xf32>
        %get3A_1868 = arith.constant 171 : i32
        %get3A_1869 = arith.index_cast %get3A_1868 : i32 to index
        %get3A_1870 = arith.index_cast %multiple_of3A : i32 to index
        %get3A_1871 = tpu.vector_load %arg9[%get3A_1869, %get3A_1870] {strides = array<i32>} : memref<256x256xf32, #tpu.memory_space<vmem>>, vector<1x16xf32>,
        %get3A_1872 = vector.shape_cast %get3A_1871 : vector<1x16xf32> to vector<16xf32>
        %mul3A_1873 = arith.mulf %broadcast_in_dim3A_415, %get3A_1872 : vector<16xf32>
        %add3A_1874 = arith.addf %add3A_1867, %mul3A_1873 : vector<16xf32>
        %get3A_1875 = arith.constant 172 : i32
        %get3A_1876 = arith.index_cast %get3A_1875 : i32 to index
        %get3A_1877 = arith.index_cast %multiple_of3A : i32 to index
        %get3A_1878 = tpu.vector_load %arg9[%get3A_1876, %get3A_1877] {strides = array<i32>} : memref<256x256xf32, #tpu.memory_space<vmem>>, vector<1x16xf32>,
        %get3A_1879 = vector.shape_cast %get3A_1878 : vector<1x16xf32> to vector<16xf32>
        %mul3A_1880 = arith.mulf %broadcast_in_dim3A_418, %get3A_1879 : vector<16xf32>
        %add3A_1881 = arith.addf %add3A_1832, %mul3A_1880 : vector<16xf32>
        %get3A_1882 = arith.constant 173 : i32
        %get3A_1883 = arith.index_cast %get3A_1882 : i32 to index
        %get3A_1884 = arith.index_cast %multiple_of3A : i32 to index
        %get3A_1885 = tpu.vector_load %arg9[%get3A_1883, %get3A_1884] {strides = array<i32>} : memref<256x256xf32, #tpu.memory_space<vmem>>, vector<1x16xf32>,
        %get3A_1886 = vector.shape_cast %get3A_1885 : vector<1x16xf32> to vector<16xf32>
        %mul3A_1887 = arith.mulf %broadcast_in_dim3A_421, %get3A_1886 : vector<16xf32>
        %add3A_1888 = arith.addf %add3A_1881, %mul3A_1887 : vector<16xf32>
        %get3A_1889 = arith.constant 174 : i32
        %get3A_1890 = arith.index_cast %get3A_1889 : i32 to index
        %get3A_1891 = arith.index_cast %multiple_of3A : i32 to index
        %get3A_1892 = tpu.vector_load %arg9[%get3A_1890, %get3A_1891] {strides = array<i32>} : memref<256x256xf32, #tpu.memory_space<vmem>>, vector<1x16xf32>,
        %get3A_1893 = vector.shape_cast %get3A_1892 : vector<1x16xf32> to vector<16xf32>
        %mul3A_1894 = arith.mulf %broadcast_in_dim3A_424, %get3A_1893 : vector<16xf32>
        %add3A_1895 = arith.addf %add3A_1846, %mul3A_1894 : vector<16xf32>
        %get3A_1896 = arith.constant 175 : i32
        %get3A_1897 = arith.index_cast %get3A_1896 : i32 to index
        %get3A_1898 = arith.index_cast %multiple_of3A : i32 to index
        %get3A_1899 = tpu.vector_load %arg9[%get3A_1897, %get3A_1898] {strides = array<i32>} : memref<256x256xf32, #tpu.memory_space<vmem>>, vector<1x16xf32>,
        %get3A_1900 = vector.shape_cast %get3A_1899 : vector<1x16xf32> to vector<16xf32>
        %mul3A_1901 = arith.mulf %broadcast_in_dim3A_427, %get3A_1900 : vector<16xf32>
        %add3A_1902 = arith.addf %add3A_1895, %mul3A_1901 : vector<16xf32>
        %slice3A_1903 = vector.extract_strided_slice %select_n3A_174 {offsets = [10], sizes = [1], strides = [1]} : vector<16xf32> to vector<1xf32>
        %squeeze3A_1904 = vector.extract %slice3A_1903[0] : f32 from vector<1xf32>
        %broadcast_in_dim3A_1905 = vector.broadcast %squeeze3A_1904 : f32 to vector<16xf32>
        %mul3A_1906 = arith.mulf %broadcast_in_dim3A_1905, %add3A_1860 : vector<16xf32>
        %add3A_1907 = arith.addf %add3A_990, %mul3A_1906 : vector<16xf32>
        %mul3A_1908 = arith.mulf %broadcast_in_dim3A_1905, %add3A_1874 : vector<16xf32>
        %add3A_1909 = arith.addf %add3A_992, %mul3A_1908 : vector<16xf32>
        %mul3A_1910 = arith.mulf %broadcast_in_dim3A_1905, %add3A_1888 : vector<16xf32>
        %add3A_1911 = arith.addf %add3A_994, %mul3A_1910 : vector<16xf32>
        %mul3A_1912 = arith.mulf %broadcast_in_dim3A_1905, %add3A_1902 : vector<16xf32>
        %add3A_1913 = arith.addf %add3A_996, %mul3A_1912 : vector<16xf32>
        %broadcast_in_dim3A_1914 = arith.constant 0.000000e+00 : f32
        %broadcast_in_dim3A_1915 = vector.broadcast %broadcast_in_dim3A_1914 : f32 to vector<16xf32>
        %broadcast_in_dim3A_1916 = arith.constant 0.000000e+00 : f32
        %broadcast_in_dim3A_1917 = vector.broadcast %broadcast_in_dim3A_1916 : f32 to vector<16xf32>
        %broadcast_in_dim3A_1918 = arith.constant 0.000000e+00 : f32
        %broadcast_in_dim3A_1919 = vector.broadcast %broadcast_in_dim3A_1918 : f32 to vector<16xf32>
        %broadcast_in_dim3A_1920 = arith.constant 0.000000e+00 : f32
        %broadcast_in_dim3A_1921 = vector.broadcast %broadcast_in_dim3A_1920 : f32 to vector<16xf32>
        %get3A_1922 = arith.constant 176 : i32
        %get3A_1923 = arith.index_cast %get3A_1922 : i32 to index
        %get3A_1924 = arith.index_cast %multiple_of3A : i32 to index
        %get3A_1925 = tpu.vector_load %arg9[%get3A_1923, %get3A_1924] {strides = array<i32>} : memref<256x256xf32, #tpu.memory_space<vmem>>, vector<1x16xf32>,
        %get3A_1926 = vector.shape_cast %get3A_1925 : vector<1x16xf32> to vector<16xf32>
        %mul3A_1927 = arith.mulf %broadcast_in_dim3A_382, %get3A_1926 : vector<16xf32>
        %add3A_1928 = arith.addf %broadcast_in_dim3A_1915, %mul3A_1927 : vector<16xf32>
        %get3A_1929 = arith.constant 177 : i32
        %get3A_1930 = arith.index_cast %get3A_1929 : i32 to index
        %get3A_1931 = arith.index_cast %multiple_of3A : i32 to index
        %get3A_1932 = tpu.vector_load %arg9[%get3A_1930, %get3A_1931] {strides = array<i32>} : memref<256x256xf32, #tpu.memory_space<vmem>>, vector<1x16xf32>,
        %get3A_1933 = vector.shape_cast %get3A_1932 : vector<1x16xf32> to vector<16xf32>
        %mul3A_1934 = arith.mulf %broadcast_in_dim3A_385, %get3A_1933 : vector<16xf32>
        %add3A_1935 = arith.addf %add3A_1928, %mul3A_1934 : vector<16xf32>
        %get3A_1936 = arith.constant 178 : i32
        %get3A_1937 = arith.index_cast %get3A_1936 : i32 to index
        %get3A_1938 = arith.index_cast %multiple_of3A : i32 to index
        %get3A_1939 = tpu.vector_load %arg9[%get3A_1937, %get3A_1938] {strides = array<i32>} : memref<256x256xf32, #tpu.memory_space<vmem>>, vector<1x16xf32>,
        %get3A_1940 = vector.shape_cast %get3A_1939 : vector<1x16xf32> to vector<16xf32>
        %mul3A_1941 = arith.mulf %broadcast_in_dim3A_388, %get3A_1940 : vector<16xf32>
        %add3A_1942 = arith.addf %broadcast_in_dim3A_1917, %mul3A_1941 : vector<16xf32>
        %get3A_1943 = arith.constant 179 : i32
        %get3A_1944 = arith.index_cast %get3A_1943 : i32 to index
        %get3A_1945 = arith.index_cast %multiple_of3A : i32 to index
        %get3A_1946 = tpu.vector_load %arg9[%get3A_1944, %get3A_1945] {strides = array<i32>} : memref<256x256xf32, #tpu.memory_space<vmem>>, vector<1x16xf32>,
        %get3A_1947 = vector.shape_cast %get3A_1946 : vector<1x16xf32> to vector<16xf32>
        %mul3A_1948 = arith.mulf %broadcast_in_dim3A_391, %get3A_1947 : vector<16xf32>
        %add3A_1949 = arith.addf %add3A_1942, %mul3A_1948 : vector<16xf32>
        %get3A_1950 = arith.constant 180 : i32
        %get3A_1951 = arith.index_cast %get3A_1950 : i32 to index
        %get3A_1952 = arith.index_cast %multiple_of3A : i32 to index
        %get3A_1953 = tpu.vector_load %arg9[%get3A_1951, %get3A_1952] {strides = array<i32>} : memref<256x256xf32, #tpu.memory_space<vmem>>, vector<1x16xf32>,
        %get3A_1954 = vector.shape_cast %get3A_1953 : vector<1x16xf32> to vector<16xf32>
        %mul3A_1955 = arith.mulf %broadcast_in_dim3A_394, %get3A_1954 : vector<16xf32>
        %add3A_1956 = arith.addf %broadcast_in_dim3A_1919, %mul3A_1955 : vector<16xf32>
        %get3A_1957 = arith.constant 181 : i32
        %get3A_1958 = arith.index_cast %get3A_1957 : i32 to index
        %get3A_1959 = arith.index_cast %multiple_of3A : i32 to index
        %get3A_1960 = tpu.vector_load %arg9[%get3A_1958, %get3A_1959] {strides = array<i32>} : memref<256x256xf32, #tpu.memory_space<vmem>>, vector<1x16xf32>,
        %get3A_1961 = vector.shape_cast %get3A_1960 : vector<1x16xf32> to vector<16xf32>
        %mul3A_1962 = arith.mulf %broadcast_in_dim3A_397, %get3A_1961 : vector<16xf32>
        %add3A_1963 = arith.addf %add3A_1956, %mul3A_1962 : vector<16xf32>
        %get3A_1964 = arith.constant 182 : i32
        %get3A_1965 = arith.index_cast %get3A_1964 : i32 to index
        %get3A_1966 = arith.index_cast %multiple_of3A : i32 to index
        %get3A_1967 = tpu.vector_load %arg9[%get3A_1965, %get3A_1966] {strides = array<i32>} : memref<256x256xf32, #tpu.memory_space<vmem>>, vector<1x16xf32>,
        %get3A_1968 = vector.shape_cast %get3A_1967 : vector<1x16xf32> to vector<16xf32>
        %mul3A_1969 = arith.mulf %broadcast_in_dim3A_400, %get3A_1968 : vector<16xf32>
        %add3A_1970 = arith.addf %broadcast_in_dim3A_1921, %mul3A_1969 : vector<16xf32>
        %get3A_1971 = arith.constant 183 : i32
        %get3A_1972 = arith.index_cast %get3A_1971 : i32 to index
        %get3A_1973 = arith.index_cast %multiple_of3A : i32 to index
        %get3A_1974 = tpu.vector_load %arg9[%get3A_1972, %get3A_1973] {strides = array<i32>} : memref<256x256xf32, #tpu.memory_space<vmem>>, vector<1x16xf32>,
        %get3A_1975 = vector.shape_cast %get3A_1974 : vector<1x16xf32> to vector<16xf32>
        %mul3A_1976 = arith.mulf %broadcast_in_dim3A_403, %get3A_1975 : vector<16xf32>
        %add3A_1977 = arith.addf %add3A_1970, %mul3A_1976 : vector<16xf32>
        %get3A_1978 = arith.constant 184 : i32
        %get3A_1979 = arith.index_cast %get3A_1978 : i32 to index
        %get3A_1980 = arith.index_cast %multiple_of3A : i32 to index
        %get3A_1981 = tpu.vector_load %arg9[%get3A_1979, %get3A_1980] {strides = array<i32>} : memref<256x256xf32, #tpu.memory_space<vmem>>, vector<1x16xf32>,
        %get3A_1982 = vector.shape_cast %get3A_1981 : vector<1x16xf32> to vector<16xf32>
        %mul3A_1983 = arith.mulf %broadcast_in_dim3A_406, %get3A_1982 : vector<16xf32>
        %add3A_1984 = arith.addf %add3A_1935, %mul3A_1983 : vector<16xf32>
        %get3A_1985 = arith.constant 185 : i32
        %get3A_1986 = arith.index_cast %get3A_1985 : i32 to index
        %get3A_1987 = arith.index_cast %multiple_of3A : i32 to index
        %get3A_1988 = tpu.vector_load %arg9[%get3A_1986, %get3A_1987] {strides = array<i32>} : memref<256x256xf32, #tpu.memory_space<vmem>>, vector<1x16xf32>,
        %get3A_1989 = vector.shape_cast %get3A_1988 : vector<1x16xf32> to vector<16xf32>
        %mul3A_1990 = arith.mulf %broadcast_in_dim3A_409, %get3A_1989 : vector<16xf32>
        %add3A_1991 = arith.addf %add3A_1984, %mul3A_1990 : vector<16xf32>
        %get3A_1992 = arith.constant 186 : i32
        %get3A_1993 = arith.index_cast %get3A_1992 : i32 to index
        %get3A_1994 = arith.index_cast %multiple_of3A : i32 to index
        %get3A_1995 = tpu.vector_load %arg9[%get3A_1993, %get3A_1994] {strides = array<i32>} : memref<256x256xf32, #tpu.memory_space<vmem>>, vector<1x16xf32>,
        %get3A_1996 = vector.shape_cast %get3A_1995 : vector<1x16xf32> to vector<16xf32>
        %mul3A_1997 = arith.mulf %broadcast_in_dim3A_412, %get3A_1996 : vector<16xf32>
        %add3A_1998 = arith.addf %add3A_1949, %mul3A_1997 : vector<16xf32>
        %get3A_1999 = arith.constant 187 : i32
        %get3A_2000 = arith.index_cast %get3A_1999 : i32 to index
        %get3A_2001 = arith.index_cast %multiple_of3A : i32 to index
        %get3A_2002 = tpu.vector_load %arg9[%get3A_2000, %get3A_2001] {strides = array<i32>} : memref<256x256xf32, #tpu.memory_space<vmem>>, vector<1x16xf32>,
        %get3A_2003 = vector.shape_cast %get3A_2002 : vector<1x16xf32> to vector<16xf32>
        %mul3A_2004 = arith.mulf %broadcast_in_dim3A_415, %get3A_2003 : vector<16xf32>
        %add3A_2005 = arith.addf %add3A_1998, %mul3A_2004 : vector<16xf32>
        %get3A_2006 = arith.constant 188 : i32
        %get3A_2007 = arith.index_cast %get3A_2006 : i32 to index
        %get3A_2008 = arith.index_cast %multiple_of3A : i32 to index
        %get3A_2009 = tpu.vector_load %arg9[%get3A_2007, %get3A_2008] {strides = array<i32>} : memref<256x256xf32, #tpu.memory_space<vmem>>, vector<1x16xf32>,
        %get3A_2010 = vector.shape_cast %get3A_2009 : vector<1x16xf32> to vector<16xf32>
        %mul3A_2011 = arith.mulf %broadcast_in_dim3A_418, %get3A_2010 : vector<16xf32>
        %add3A_2012 = arith.addf %add3A_1963, %mul3A_2011 : vector<16xf32>
        %get3A_2013 = arith.constant 189 : i32
        %get3A_2014 = arith.index_cast %get3A_2013 : i32 to index
        %get3A_2015 = arith.index_cast %multiple_of3A : i32 to index
        %get3A_2016 = tpu.vector_load %arg9[%get3A_2014, %get3A_2015] {strides = array<i32>} : memref<256x256xf32, #tpu.memory_space<vmem>>, vector<1x16xf32>,
        %get3A_2017 = vector.shape_cast %get3A_2016 : vector<1x16xf32> to vector<16xf32>
        %mul3A_2018 = arith.mulf %broadcast_in_dim3A_421, %get3A_2017 : vector<16xf32>
        %add3A_2019 = arith.addf %add3A_2012, %mul3A_2018 : vector<16xf32>
        %get3A_2020 = arith.constant 190 : i32
        %get3A_2021 = arith.index_cast %get3A_2020 : i32 to index
        %get3A_2022 = arith.index_cast %multiple_of3A : i32 to index
        %get3A_2023 = tpu.vector_load %arg9[%get3A_2021, %get3A_2022] {strides = array<i32>} : memref<256x256xf32, #tpu.memory_space<vmem>>, vector<1x16xf32>,
        %get3A_2024 = vector.shape_cast %get3A_2023 : vector<1x16xf32> to vector<16xf32>
        %mul3A_2025 = arith.mulf %broadcast_in_dim3A_424, %get3A_2024 : vector<16xf32>
        %add3A_2026 = arith.addf %add3A_1977, %mul3A_2025 : vector<16xf32>
        %get3A_2027 = arith.constant 191 : i32
        %get3A_2028 = arith.index_cast %get3A_2027 : i32 to index
        %get3A_2029 = arith.index_cast %multiple_of3A : i32 to index
        %get3A_2030 = tpu.vector_load %arg9[%get3A_2028, %get3A_2029] {strides = array<i32>} : memref<256x256xf32, #tpu.memory_space<vmem>>, vector<1x16xf32>,
        %get3A_2031 = vector.shape_cast %get3A_2030 : vector<1x16xf32> to vector<16xf32>
        %mul3A_2032 = arith.mulf %broadcast_in_dim3A_427, %get3A_2031 : vector<16xf32>
        %add3A_2033 = arith.addf %add3A_2026, %mul3A_2032 : vector<16xf32>
        %slice3A_2034 = vector.extract_strided_slice %select_n3A_174 {offsets = [11], sizes = [1], strides = [1]} : vector<16xf32> to vector<1xf32>
        %squeeze3A_2035 = vector.extract %slice3A_2034[0] : f32 from vector<1xf32>
        %broadcast_in_dim3A_2036 = vector.broadcast %squeeze3A_2035 : f32 to vector<16xf32>
        %mul3A_2037 = arith.mulf %broadcast_in_dim3A_2036, %add3A_1991 : vector<16xf32>
        %add3A_2038 = arith.addf %add3A_1907, %mul3A_2037 : vector<16xf32>
        %mul3A_2039 = arith.mulf %broadcast_in_dim3A_2036, %add3A_2005 : vector<16xf32>
        %add3A_2040 = arith.addf %add3A_1909, %mul3A_2039 : vector<16xf32>
        %mul3A_2041 = arith.mulf %broadcast_in_dim3A_2036, %add3A_2019 : vector<16xf32>
        %add3A_2042 = arith.addf %add3A_1911, %mul3A_2041 : vector<16xf32>
        %mul3A_2043 = arith.mulf %broadcast_in_dim3A_2036, %add3A_2033 : vector<16xf32>
        %add3A_2044 = arith.addf %add3A_1913, %mul3A_2043 : vector<16xf32>
        %broadcast_in_dim3A_2045 = arith.constant 0.000000e+00 : f32
        %broadcast_in_dim3A_2046 = vector.broadcast %broadcast_in_dim3A_2045 : f32 to vector<16xf32>
        %broadcast_in_dim3A_2047 = arith.constant 0.000000e+00 : f32
        %broadcast_in_dim3A_2048 = vector.broadcast %broadcast_in_dim3A_2047 : f32 to vector<16xf32>
        %broadcast_in_dim3A_2049 = arith.constant 0.000000e+00 : f32
        %broadcast_in_dim3A_2050 = vector.broadcast %broadcast_in_dim3A_2049 : f32 to vector<16xf32>
        %broadcast_in_dim3A_2051 = arith.constant 0.000000e+00 : f32
        %broadcast_in_dim3A_2052 = vector.broadcast %broadcast_in_dim3A_2051 : f32 to vector<16xf32>
        %get3A_2053 = arith.constant 192 : i32
        %get3A_2054 = arith.index_cast %get3A_2053 : i32 to index
        %get3A_2055 = arith.index_cast %multiple_of3A : i32 to index
        %get3A_2056 = tpu.vector_load %arg9[%get3A_2054, %get3A_2055] {strides = array<i32>} : memref<256x256xf32, #tpu.memory_space<vmem>>, vector<1x16xf32>,
        %get3A_2057 = vector.shape_cast %get3A_2056 : vector<1x16xf32> to vector<16xf32>
        %mul3A_2058 = arith.mulf %broadcast_in_dim3A_382, %get3A_2057 : vector<16xf32>
        %add3A_2059 = arith.addf %broadcast_in_dim3A_2046, %mul3A_2058 : vector<16xf32>
        %get3A_2060 = arith.constant 193 : i32
        %get3A_2061 = arith.index_cast %get3A_2060 : i32 to index
        %get3A_2062 = arith.index_cast %multiple_of3A : i32 to index
        %get3A_2063 = tpu.vector_load %arg9[%get3A_2061, %get3A_2062] {strides = array<i32>} : memref<256x256xf32, #tpu.memory_space<vmem>>, vector<1x16xf32>,
        %get3A_2064 = vector.shape_cast %get3A_2063 : vector<1x16xf32> to vector<16xf32>
        %mul3A_2065 = arith.mulf %broadcast_in_dim3A_385, %get3A_2064 : vector<16xf32>
        %add3A_2066 = arith.addf %add3A_2059, %mul3A_2065 : vector<16xf32>
        %get3A_2067 = arith.constant 194 : i32
        %get3A_2068 = arith.index_cast %get3A_2067 : i32 to index
        %get3A_2069 = arith.index_cast %multiple_of3A : i32 to index
        %get3A_2070 = tpu.vector_load %arg9[%get3A_2068, %get3A_2069] {strides = array<i32>} : memref<256x256xf32, #tpu.memory_space<vmem>>, vector<1x16xf32>,
        %get3A_2071 = vector.shape_cast %get3A_2070 : vector<1x16xf32> to vector<16xf32>
        %mul3A_2072 = arith.mulf %broadcast_in_dim3A_388, %get3A_2071 : vector<16xf32>
        %add3A_2073 = arith.addf %broadcast_in_dim3A_2048, %mul3A_2072 : vector<16xf32>
        %get3A_2074 = arith.constant 195 : i32
        %get3A_2075 = arith.index_cast %get3A_2074 : i32 to index
        %get3A_2076 = arith.index_cast %multiple_of3A : i32 to index
        %get3A_2077 = tpu.vector_load %arg9[%get3A_2075, %get3A_2076] {strides = array<i32>} : memref<256x256xf32, #tpu.memory_space<vmem>>, vector<1x16xf32>,
        %get3A_2078 = vector.shape_cast %get3A_2077 : vector<1x16xf32> to vector<16xf32>
        %mul3A_2079 = arith.mulf %broadcast_in_dim3A_391, %get3A_2078 : vector<16xf32>
        %add3A_2080 = arith.addf %add3A_2073, %mul3A_2079 : vector<16xf32>
        %get3A_2081 = arith.constant 196 : i32
        %get3A_2082 = arith.index_cast %get3A_2081 : i32 to index
        %get3A_2083 = arith.index_cast %multiple_of3A : i32 to index
        %get3A_2084 = tpu.vector_load %arg9[%get3A_2082, %get3A_2083] {strides = array<i32>} : memref<256x256xf32, #tpu.memory_space<vmem>>, vector<1x16xf32>,
        %get3A_2085 = vector.shape_cast %get3A_2084 : vector<1x16xf32> to vector<16xf32>
        %mul3A_2086 = arith.mulf %broadcast_in_dim3A_394, %get3A_2085 : vector<16xf32>
        %add3A_2087 = arith.addf %broadcast_in_dim3A_2050, %mul3A_2086 : vector<16xf32>
        %get3A_2088 = arith.constant 197 : i32
        %get3A_2089 = arith.index_cast %get3A_2088 : i32 to index
        %get3A_2090 = arith.index_cast %multiple_of3A : i32 to index
        %get3A_2091 = tpu.vector_load %arg9[%get3A_2089, %get3A_2090] {strides = array<i32>} : memref<256x256xf32, #tpu.memory_space<vmem>>, vector<1x16xf32>,
        %get3A_2092 = vector.shape_cast %get3A_2091 : vector<1x16xf32> to vector<16xf32>
        %mul3A_2093 = arith.mulf %broadcast_in_dim3A_397, %get3A_2092 : vector<16xf32>
        %add3A_2094 = arith.addf %add3A_2087, %mul3A_2093 : vector<16xf32>
        %get3A_2095 = arith.constant 198 : i32
        %get3A_2096 = arith.index_cast %get3A_2095 : i32 to index
        %get3A_2097 = arith.index_cast %multiple_of3A : i32 to index
        %get3A_2098 = tpu.vector_load %arg9[%get3A_2096, %get3A_2097] {strides = array<i32>} : memref<256x256xf32, #tpu.memory_space<vmem>>, vector<1x16xf32>,
        %get3A_2099 = vector.shape_cast %get3A_2098 : vector<1x16xf32> to vector<16xf32>
        %mul3A_2100 = arith.mulf %broadcast_in_dim3A_400, %get3A_2099 : vector<16xf32>
        %add3A_2101 = arith.addf %broadcast_in_dim3A_2052, %mul3A_2100 : vector<16xf32>
        %get3A_2102 = arith.constant 199 : i32
        %get3A_2103 = arith.index_cast %get3A_2102 : i32 to index
        %get3A_2104 = arith.index_cast %multiple_of3A : i32 to index
        %get3A_2105 = tpu.vector_load %arg9[%get3A_2103, %get3A_2104] {strides = array<i32>} : memref<256x256xf32, #tpu.memory_space<vmem>>, vector<1x16xf32>,
        %get3A_2106 = vector.shape_cast %get3A_2105 : vector<1x16xf32> to vector<16xf32>
        %mul3A_2107 = arith.mulf %broadcast_in_dim3A_403, %get3A_2106 : vector<16xf32>
        %add3A_2108 = arith.addf %add3A_2101, %mul3A_2107 : vector<16xf32>
        %get3A_2109 = arith.constant 200 : i32
        %get3A_2110 = arith.index_cast %get3A_2109 : i32 to index
        %get3A_2111 = arith.index_cast %multiple_of3A : i32 to index
        %get3A_2112 = tpu.vector_load %arg9[%get3A_2110, %get3A_2111] {strides = array<i32>} : memref<256x256xf32, #tpu.memory_space<vmem>>, vector<1x16xf32>,
        %get3A_2113 = vector.shape_cast %get3A_2112 : vector<1x16xf32> to vector<16xf32>
        %mul3A_2114 = arith.mulf %broadcast_in_dim3A_406, %get3A_2113 : vector<16xf32>
        %add3A_2115 = arith.addf %add3A_2066, %mul3A_2114 : vector<16xf32>
        %get3A_2116 = arith.constant 201 : i32
        %get3A_2117 = arith.index_cast %get3A_2116 : i32 to index
        %get3A_2118 = arith.index_cast %multiple_of3A : i32 to index
        %get3A_2119 = tpu.vector_load %arg9[%get3A_2117, %get3A_2118] {strides = array<i32>} : memref<256x256xf32, #tpu.memory_space<vmem>>, vector<1x16xf32>,
        %get3A_2120 = vector.shape_cast %get3A_2119 : vector<1x16xf32> to vector<16xf32>
        %mul3A_2121 = arith.mulf %broadcast_in_dim3A_409, %get3A_2120 : vector<16xf32>
        %add3A_2122 = arith.addf %add3A_2115, %mul3A_2121 : vector<16xf32>
        %get3A_2123 = arith.constant 202 : i32
        %get3A_2124 = arith.index_cast %get3A_2123 : i32 to index
        %get3A_2125 = arith.index_cast %multiple_of3A : i32 to index
        %get3A_2126 = tpu.vector_load %arg9[%get3A_2124, %get3A_2125] {strides = array<i32>} : memref<256x256xf32, #tpu.memory_space<vmem>>, vector<1x16xf32>,
        %get3A_2127 = vector.shape_cast %get3A_2126 : vector<1x16xf32> to vector<16xf32>
        %mul3A_2128 = arith.mulf %broadcast_in_dim3A_412, %get3A_2127 : vector<16xf32>
        %add3A_2129 = arith.addf %add3A_2080, %mul3A_2128 : vector<16xf32>
        %get3A_2130 = arith.constant 203 : i32
        %get3A_2131 = arith.index_cast %get3A_2130 : i32 to index
        %get3A_2132 = arith.index_cast %multiple_of3A : i32 to index
        %get3A_2133 = tpu.vector_load %arg9[%get3A_2131, %get3A_2132] {strides = array<i32>} : memref<256x256xf32, #tpu.memory_space<vmem>>, vector<1x16xf32>,
        %get3A_2134 = vector.shape_cast %get3A_2133 : vector<1x16xf32> to vector<16xf32>
        %mul3A_2135 = arith.mulf %broadcast_in_dim3A_415, %get3A_2134 : vector<16xf32>
        %add3A_2136 = arith.addf %add3A_2129, %mul3A_2135 : vector<16xf32>
        %get3A_2137 = arith.constant 204 : i32
        %get3A_2138 = arith.index_cast %get3A_2137 : i32 to index
        %get3A_2139 = arith.index_cast %multiple_of3A : i32 to index
        %get3A_2140 = tpu.vector_load %arg9[%get3A_2138, %get3A_2139] {strides = array<i32>} : memref<256x256xf32, #tpu.memory_space<vmem>>, vector<1x16xf32>,
        %get3A_2141 = vector.shape_cast %get3A_2140 : vector<1x16xf32> to vector<16xf32>
        %mul3A_2142 = arith.mulf %broadcast_in_dim3A_418, %get3A_2141 : vector<16xf32>
        %add3A_2143 = arith.addf %add3A_2094, %mul3A_2142 : vector<16xf32>
        %get3A_2144 = arith.constant 205 : i32
        %get3A_2145 = arith.index_cast %get3A_2144 : i32 to index
        %get3A_2146 = arith.index_cast %multiple_of3A : i32 to index
        %get3A_2147 = tpu.vector_load %arg9[%get3A_2145, %get3A_2146] {strides = array<i32>} : memref<256x256xf32, #tpu.memory_space<vmem>>, vector<1x16xf32>,
        %get3A_2148 = vector.shape_cast %get3A_2147 : vector<1x16xf32> to vector<16xf32>
        %mul3A_2149 = arith.mulf %broadcast_in_dim3A_421, %get3A_2148 : vector<16xf32>
        %add3A_2150 = arith.addf %add3A_2143, %mul3A_2149 : vector<16xf32>
        %get3A_2151 = arith.constant 206 : i32
        %get3A_2152 = arith.index_cast %get3A_2151 : i32 to index
        %get3A_2153 = arith.index_cast %multiple_of3A : i32 to index
        %get3A_2154 = tpu.vector_load %arg9[%get3A_2152, %get3A_2153] {strides = array<i32>} : memref<256x256xf32, #tpu.memory_space<vmem>>, vector<1x16xf32>,
        %get3A_2155 = vector.shape_cast %get3A_2154 : vector<1x16xf32> to vector<16xf32>
        %mul3A_2156 = arith.mulf %broadcast_in_dim3A_424, %get3A_2155 : vector<16xf32>
        %add3A_2157 = arith.addf %add3A_2108, %mul3A_2156 : vector<16xf32>
        %get3A_2158 = arith.constant 207 : i32
        %get3A_2159 = arith.index_cast %get3A_2158 : i32 to index
        %get3A_2160 = arith.index_cast %multiple_of3A : i32 to index
        %get3A_2161 = tpu.vector_load %arg9[%get3A_2159, %get3A_2160] {strides = array<i32>} : memref<256x256xf32, #tpu.memory_space<vmem>>, vector<1x16xf32>,
        %get3A_2162 = vector.shape_cast %get3A_2161 : vector<1x16xf32> to vector<16xf32>
        %mul3A_2163 = arith.mulf %broadcast_in_dim3A_427, %get3A_2162 : vector<16xf32>
        %add3A_2164 = arith.addf %add3A_2157, %mul3A_2163 : vector<16xf32>
        %slice3A_2165 = vector.extract_strided_slice %select_n3A_174 {offsets = [12], sizes = [1], strides = [1]} : vector<16xf32> to vector<1xf32>
        %squeeze3A_2166 = vector.extract %slice3A_2165[0] : f32 from vector<1xf32>
        %broadcast_in_dim3A_2167 = vector.broadcast %squeeze3A_2166 : f32 to vector<16xf32>
        %mul3A_2168 = arith.mulf %broadcast_in_dim3A_2167, %add3A_2122 : vector<16xf32>
        %add3A_2169 = arith.addf %add3A_1252, %mul3A_2168 : vector<16xf32>
        %mul3A_2170 = arith.mulf %broadcast_in_dim3A_2167, %add3A_2136 : vector<16xf32>
        %add3A_2171 = arith.addf %add3A_1254, %mul3A_2170 : vector<16xf32>
        %mul3A_2172 = arith.mulf %broadcast_in_dim3A_2167, %add3A_2150 : vector<16xf32>
        %add3A_2173 = arith.addf %add3A_1256, %mul3A_2172 : vector<16xf32>
        %mul3A_2174 = arith.mulf %broadcast_in_dim3A_2167, %add3A_2164 : vector<16xf32>
        %add3A_2175 = arith.addf %add3A_1258, %mul3A_2174 : vector<16xf32>
        %broadcast_in_dim3A_2176 = arith.constant 0.000000e+00 : f32
        %broadcast_in_dim3A_2177 = vector.broadcast %broadcast_in_dim3A_2176 : f32 to vector<16xf32>
        %broadcast_in_dim3A_2178 = arith.constant 0.000000e+00 : f32
        %broadcast_in_dim3A_2179 = vector.broadcast %broadcast_in_dim3A_2178 : f32 to vector<16xf32>
        %broadcast_in_dim3A_2180 = arith.constant 0.000000e+00 : f32
        %broadcast_in_dim3A_2181 = vector.broadcast %broadcast_in_dim3A_2180 : f32 to vector<16xf32>
        %broadcast_in_dim3A_2182 = arith.constant 0.000000e+00 : f32
        %broadcast_in_dim3A_2183 = vector.broadcast %broadcast_in_dim3A_2182 : f32 to vector<16xf32>
        %get3A_2184 = arith.constant 208 : i32
        %get3A_2185 = arith.index_cast %get3A_2184 : i32 to index
        %get3A_2186 = arith.index_cast %multiple_of3A : i32 to index
        %get3A_2187 = tpu.vector_load %arg9[%get3A_2185, %get3A_2186] {strides = array<i32>} : memref<256x256xf32, #tpu.memory_space<vmem>>, vector<1x16xf32>,
        %get3A_2188 = vector.shape_cast %get3A_2187 : vector<1x16xf32> to vector<16xf32>
        %mul3A_2189 = arith.mulf %broadcast_in_dim3A_382, %get3A_2188 : vector<16xf32>
        %add3A_2190 = arith.addf %broadcast_in_dim3A_2177, %mul3A_2189 : vector<16xf32>
        %get3A_2191 = arith.constant 209 : i32
        %get3A_2192 = arith.index_cast %get3A_2191 : i32 to index
        %get3A_2193 = arith.index_cast %multiple_of3A : i32 to index
        %get3A_2194 = tpu.vector_load %arg9[%get3A_2192, %get3A_2193] {strides = array<i32>} : memref<256x256xf32, #tpu.memory_space<vmem>>, vector<1x16xf32>,
        %get3A_2195 = vector.shape_cast %get3A_2194 : vector<1x16xf32> to vector<16xf32>
        %mul3A_2196 = arith.mulf %broadcast_in_dim3A_385, %get3A_2195 : vector<16xf32>
        %add3A_2197 = arith.addf %add3A_2190, %mul3A_2196 : vector<16xf32>
        %get3A_2198 = arith.constant 210 : i32
        %get3A_2199 = arith.index_cast %get3A_2198 : i32 to index
        %get3A_2200 = arith.index_cast %multiple_of3A : i32 to index
        %get3A_2201 = tpu.vector_load %arg9[%get3A_2199, %get3A_2200] {strides = array<i32>} : memref<256x256xf32, #tpu.memory_space<vmem>>, vector<1x16xf32>,
        %get3A_2202 = vector.shape_cast %get3A_2201 : vector<1x16xf32> to vector<16xf32>
        %mul3A_2203 = arith.mulf %broadcast_in_dim3A_388, %get3A_2202 : vector<16xf32>
        %add3A_2204 = arith.addf %broadcast_in_dim3A_2179, %mul3A_2203 : vector<16xf32>
        %get3A_2205 = arith.constant 211 : i32
        %get3A_2206 = arith.index_cast %get3A_2205 : i32 to index
        %get3A_2207 = arith.index_cast %multiple_of3A : i32 to index
        %get3A_2208 = tpu.vector_load %arg9[%get3A_2206, %get3A_2207] {strides = array<i32>} : memref<256x256xf32, #tpu.memory_space<vmem>>, vector<1x16xf32>,
        %get3A_2209 = vector.shape_cast %get3A_2208 : vector<1x16xf32> to vector<16xf32>
        %mul3A_2210 = arith.mulf %broadcast_in_dim3A_391, %get3A_2209 : vector<16xf32>
        %add3A_2211 = arith.addf %add3A_2204, %mul3A_2210 : vector<16xf32>
        %get3A_2212 = arith.constant 212 : i32
        %get3A_2213 = arith.index_cast %get3A_2212 : i32 to index
        %get3A_2214 = arith.index_cast %multiple_of3A : i32 to index
        %get3A_2215 = tpu.vector_load %arg9[%get3A_2213, %get3A_2214] {strides = array<i32>} : memref<256x256xf32, #tpu.memory_space<vmem>>, vector<1x16xf32>,
        %get3A_2216 = vector.shape_cast %get3A_2215 : vector<1x16xf32> to vector<16xf32>
        %mul3A_2217 = arith.mulf %broadcast_in_dim3A_394, %get3A_2216 : vector<16xf32>
        %add3A_2218 = arith.addf %broadcast_in_dim3A_2181, %mul3A_2217 : vector<16xf32>
        %get3A_2219 = arith.constant 213 : i32
        %get3A_2220 = arith.index_cast %get3A_2219 : i32 to index
        %get3A_2221 = arith.index_cast %multiple_of3A : i32 to index
        %get3A_2222 = tpu.vector_load %arg9[%get3A_2220, %get3A_2221] {strides = array<i32>} : memref<256x256xf32, #tpu.memory_space<vmem>>, vector<1x16xf32>,
        %get3A_2223 = vector.shape_cast %get3A_2222 : vector<1x16xf32> to vector<16xf32>
        %mul3A_2224 = arith.mulf %broadcast_in_dim3A_397, %get3A_2223 : vector<16xf32>
        %add3A_2225 = arith.addf %add3A_2218, %mul3A_2224 : vector<16xf32>
        %get3A_2226 = arith.constant 214 : i32
        %get3A_2227 = arith.index_cast %get3A_2226 : i32 to index
        %get3A_2228 = arith.index_cast %multiple_of3A : i32 to index
        %get3A_2229 = tpu.vector_load %arg9[%get3A_2227, %get3A_2228] {strides = array<i32>} : memref<256x256xf32, #tpu.memory_space<vmem>>, vector<1x16xf32>,
        %get3A_2230 = vector.shape_cast %get3A_2229 : vector<1x16xf32> to vector<16xf32>
        %mul3A_2231 = arith.mulf %broadcast_in_dim3A_400, %get3A_2230 : vector<16xf32>
        %add3A_2232 = arith.addf %broadcast_in_dim3A_2183, %mul3A_2231 : vector<16xf32>
        %get3A_2233 = arith.constant 215 : i32
        %get3A_2234 = arith.index_cast %get3A_2233 : i32 to index
        %get3A_2235 = arith.index_cast %multiple_of3A : i32 to index
        %get3A_2236 = tpu.vector_load %arg9[%get3A_2234, %get3A_2235] {strides = array<i32>} : memref<256x256xf32, #tpu.memory_space<vmem>>, vector<1x16xf32>,
        %get3A_2237 = vector.shape_cast %get3A_2236 : vector<1x16xf32> to vector<16xf32>
        %mul3A_2238 = arith.mulf %broadcast_in_dim3A_403, %get3A_2237 : vector<16xf32>
        %add3A_2239 = arith.addf %add3A_2232, %mul3A_2238 : vector<16xf32>
        %get3A_2240 = arith.constant 216 : i32
        %get3A_2241 = arith.index_cast %get3A_2240 : i32 to index
        %get3A_2242 = arith.index_cast %multiple_of3A : i32 to index
        %get3A_2243 = tpu.vector_load %arg9[%get3A_2241, %get3A_2242] {strides = array<i32>} : memref<256x256xf32, #tpu.memory_space<vmem>>, vector<1x16xf32>,
        %get3A_2244 = vector.shape_cast %get3A_2243 : vector<1x16xf32> to vector<16xf32>
        %mul3A_2245 = arith.mulf %broadcast_in_dim3A_406, %get3A_2244 : vector<16xf32>
        %add3A_2246 = arith.addf %add3A_2197, %mul3A_2245 : vector<16xf32>
        %get3A_2247 = arith.constant 217 : i32
        %get3A_2248 = arith.index_cast %get3A_2247 : i32 to index
        %get3A_2249 = arith.index_cast %multiple_of3A : i32 to index
        %get3A_2250 = tpu.vector_load %arg9[%get3A_2248, %get3A_2249] {strides = array<i32>} : memref<256x256xf32, #tpu.memory_space<vmem>>, vector<1x16xf32>,
        %get3A_2251 = vector.shape_cast %get3A_2250 : vector<1x16xf32> to vector<16xf32>
        %mul3A_2252 = arith.mulf %broadcast_in_dim3A_409, %get3A_2251 : vector<16xf32>
        %add3A_2253 = arith.addf %add3A_2246, %mul3A_2252 : vector<16xf32>
        %get3A_2254 = arith.constant 218 : i32
        %get3A_2255 = arith.index_cast %get3A_2254 : i32 to index
        %get3A_2256 = arith.index_cast %multiple_of3A : i32 to index
        %get3A_2257 = tpu.vector_load %arg9[%get3A_2255, %get3A_2256] {strides = array<i32>} : memref<256x256xf32, #tpu.memory_space<vmem>>, vector<1x16xf32>,
        %get3A_2258 = vector.shape_cast %get3A_2257 : vector<1x16xf32> to vector<16xf32>
        %mul3A_2259 = arith.mulf %broadcast_in_dim3A_412, %get3A_2258 : vector<16xf32>
        %add3A_2260 = arith.addf %add3A_2211, %mul3A_2259 : vector<16xf32>
        %get3A_2261 = arith.constant 219 : i32
        %get3A_2262 = arith.index_cast %get3A_2261 : i32 to index
        %get3A_2263 = arith.index_cast %multiple_of3A : i32 to index
        %get3A_2264 = tpu.vector_load %arg9[%get3A_2262, %get3A_2263] {strides = array<i32>} : memref<256x256xf32, #tpu.memory_space<vmem>>, vector<1x16xf32>,
        %get3A_2265 = vector.shape_cast %get3A_2264 : vector<1x16xf32> to vector<16xf32>
        %mul3A_2266 = arith.mulf %broadcast_in_dim3A_415, %get3A_2265 : vector<16xf32>
        %add3A_2267 = arith.addf %add3A_2260, %mul3A_2266 : vector<16xf32>
        %get3A_2268 = arith.constant 220 : i32
        %get3A_2269 = arith.index_cast %get3A_2268 : i32 to index
        %get3A_2270 = arith.index_cast %multiple_of3A : i32 to index
        %get3A_2271 = tpu.vector_load %arg9[%get3A_2269, %get3A_2270] {strides = array<i32>} : memref<256x256xf32, #tpu.memory_space<vmem>>, vector<1x16xf32>,
        %get3A_2272 = vector.shape_cast %get3A_2271 : vector<1x16xf32> to vector<16xf32>
        %mul3A_2273 = arith.mulf %broadcast_in_dim3A_418, %get3A_2272 : vector<16xf32>
        %add3A_2274 = arith.addf %add3A_2225, %mul3A_2273 : vector<16xf32>
        %get3A_2275 = arith.constant 221 : i32
        %get3A_2276 = arith.index_cast %get3A_2275 : i32 to index
        %get3A_2277 = arith.index_cast %multiple_of3A : i32 to index
        %get3A_2278 = tpu.vector_load %arg9[%get3A_2276, %get3A_2277] {strides = array<i32>} : memref<256x256xf32, #tpu.memory_space<vmem>>, vector<1x16xf32>,
        %get3A_2279 = vector.shape_cast %get3A_2278 : vector<1x16xf32> to vector<16xf32>
        %mul3A_2280 = arith.mulf %broadcast_in_dim3A_421, %get3A_2279 : vector<16xf32>
        %add3A_2281 = arith.addf %add3A_2274, %mul3A_2280 : vector<16xf32>
        %get3A_2282 = arith.constant 222 : i32
        %get3A_2283 = arith.index_cast %get3A_2282 : i32 to index
        %get3A_2284 = arith.index_cast %multiple_of3A : i32 to index
        %get3A_2285 = tpu.vector_load %arg9[%get3A_2283, %get3A_2284] {strides = array<i32>} : memref<256x256xf32, #tpu.memory_space<vmem>>, vector<1x16xf32>,
        %get3A_2286 = vector.shape_cast %get3A_2285 : vector<1x16xf32> to vector<16xf32>
        %mul3A_2287 = arith.mulf %broadcast_in_dim3A_424, %get3A_2286 : vector<16xf32>
        %add3A_2288 = arith.addf %add3A_2239, %mul3A_2287 : vector<16xf32>
        %get3A_2289 = arith.constant 223 : i32
        %get3A_2290 = arith.index_cast %get3A_2289 : i32 to index
        %get3A_2291 = arith.index_cast %multiple_of3A : i32 to index
        %get3A_2292 = tpu.vector_load %arg9[%get3A_2290, %get3A_2291] {strides = array<i32>} : memref<256x256xf32, #tpu.memory_space<vmem>>, vector<1x16xf32>,
        %get3A_2293 = vector.shape_cast %get3A_2292 : vector<1x16xf32> to vector<16xf32>
        %mul3A_2294 = arith.mulf %broadcast_in_dim3A_427, %get3A_2293 : vector<16xf32>
        %add3A_2295 = arith.addf %add3A_2288, %mul3A_2294 : vector<16xf32>
        %slice3A_2296 = vector.extract_strided_slice %select_n3A_174 {offsets = [13], sizes = [1], strides = [1]} : vector<16xf32> to vector<1xf32>
        %squeeze3A_2297 = vector.extract %slice3A_2296[0] : f32 from vector<1xf32>
        %broadcast_in_dim3A_2298 = vector.broadcast %squeeze3A_2297 : f32 to vector<16xf32>
        %mul3A_2299 = arith.mulf %broadcast_in_dim3A_2298, %add3A_2253 : vector<16xf32>
        %add3A_2300 = arith.addf %add3A_2169, %mul3A_2299 : vector<16xf32>
        %mul3A_2301 = arith.mulf %broadcast_in_dim3A_2298, %add3A_2267 : vector<16xf32>
        %add3A_2302 = arith.addf %add3A_2171, %mul3A_2301 : vector<16xf32>
        %mul3A_2303 = arith.mulf %broadcast_in_dim3A_2298, %add3A_2281 : vector<16xf32>
        %add3A_2304 = arith.addf %add3A_2173, %mul3A_2303 : vector<16xf32>
        %mul3A_2305 = arith.mulf %broadcast_in_dim3A_2298, %add3A_2295 : vector<16xf32>
        %add3A_2306 = arith.addf %add3A_2175, %mul3A_2305 : vector<16xf32>
        %broadcast_in_dim3A_2307 = arith.constant 0.000000e+00 : f32
        %broadcast_in_dim3A_2308 = vector.broadcast %broadcast_in_dim3A_2307 : f32 to vector<16xf32>
        %broadcast_in_dim3A_2309 = arith.constant 0.000000e+00 : f32
        %broadcast_in_dim3A_2310 = vector.broadcast %broadcast_in_dim3A_2309 : f32 to vector<16xf32>
        %broadcast_in_dim3A_2311 = arith.constant 0.000000e+00 : f32
        %broadcast_in_dim3A_2312 = vector.broadcast %broadcast_in_dim3A_2311 : f32 to vector<16xf32>
        %broadcast_in_dim3A_2313 = arith.constant 0.000000e+00 : f32
        %broadcast_in_dim3A_2314 = vector.broadcast %broadcast_in_dim3A_2313 : f32 to vector<16xf32>
        %get3A_2315 = arith.constant 224 : i32
        %get3A_2316 = arith.index_cast %get3A_2315 : i32 to index
        %get3A_2317 = arith.index_cast %multiple_of3A : i32 to index
        %get3A_2318 = tpu.vector_load %arg9[%get3A_2316, %get3A_2317] {strides = array<i32>} : memref<256x256xf32, #tpu.memory_space<vmem>>, vector<1x16xf32>,
        %get3A_2319 = vector.shape_cast %get3A_2318 : vector<1x16xf32> to vector<16xf32>
        %mul3A_2320 = arith.mulf %broadcast_in_dim3A_382, %get3A_2319 : vector<16xf32>
        %add3A_2321 = arith.addf %broadcast_in_dim3A_2308, %mul3A_2320 : vector<16xf32>
        %get3A_2322 = arith.constant 225 : i32
        %get3A_2323 = arith.index_cast %get3A_2322 : i32 to index
        %get3A_2324 = arith.index_cast %multiple_of3A : i32 to index
        %get3A_2325 = tpu.vector_load %arg9[%get3A_2323, %get3A_2324] {strides = array<i32>} : memref<256x256xf32, #tpu.memory_space<vmem>>, vector<1x16xf32>,
        %get3A_2326 = vector.shape_cast %get3A_2325 : vector<1x16xf32> to vector<16xf32>
        %mul3A_2327 = arith.mulf %broadcast_in_dim3A_385, %get3A_2326 : vector<16xf32>
        %add3A_2328 = arith.addf %add3A_2321, %mul3A_2327 : vector<16xf32>
        %get3A_2329 = arith.constant 226 : i32
        %get3A_2330 = arith.index_cast %get3A_2329 : i32 to index
        %get3A_2331 = arith.index_cast %multiple_of3A : i32 to index
        %get3A_2332 = tpu.vector_load %arg9[%get3A_2330, %get3A_2331] {strides = array<i32>} : memref<256x256xf32, #tpu.memory_space<vmem>>, vector<1x16xf32>,
        %get3A_2333 = vector.shape_cast %get3A_2332 : vector<1x16xf32> to vector<16xf32>
        %mul3A_2334 = arith.mulf %broadcast_in_dim3A_388, %get3A_2333 : vector<16xf32>
        %add3A_2335 = arith.addf %broadcast_in_dim3A_2310, %mul3A_2334 : vector<16xf32>
        %get3A_2336 = arith.constant 227 : i32
        %get3A_2337 = arith.index_cast %get3A_2336 : i32 to index
        %get3A_2338 = arith.index_cast %multiple_of3A : i32 to index
        %get3A_2339 = tpu.vector_load %arg9[%get3A_2337, %get3A_2338] {strides = array<i32>} : memref<256x256xf32, #tpu.memory_space<vmem>>, vector<1x16xf32>,
        %get3A_2340 = vector.shape_cast %get3A_2339 : vector<1x16xf32> to vector<16xf32>
        %mul3A_2341 = arith.mulf %broadcast_in_dim3A_391, %get3A_2340 : vector<16xf32>
        %add3A_2342 = arith.addf %add3A_2335, %mul3A_2341 : vector<16xf32>
        %get3A_2343 = arith.constant 228 : i32
        %get3A_2344 = arith.index_cast %get3A_2343 : i32 to index
        %get3A_2345 = arith.index_cast %multiple_of3A : i32 to index
        %get3A_2346 = tpu.vector_load %arg9[%get3A_2344, %get3A_2345] {strides = array<i32>} : memref<256x256xf32, #tpu.memory_space<vmem>>, vector<1x16xf32>,
        %get3A_2347 = vector.shape_cast %get3A_2346 : vector<1x16xf32> to vector<16xf32>
        %mul3A_2348 = arith.mulf %broadcast_in_dim3A_394, %get3A_2347 : vector<16xf32>
        %add3A_2349 = arith.addf %broadcast_in_dim3A_2312, %mul3A_2348 : vector<16xf32>
        %get3A_2350 = arith.constant 229 : i32
        %get3A_2351 = arith.index_cast %get3A_2350 : i32 to index
        %get3A_2352 = arith.index_cast %multiple_of3A : i32 to index
        %get3A_2353 = tpu.vector_load %arg9[%get3A_2351, %get3A_2352] {strides = array<i32>} : memref<256x256xf32, #tpu.memory_space<vmem>>, vector<1x16xf32>,
        %get3A_2354 = vector.shape_cast %get3A_2353 : vector<1x16xf32> to vector<16xf32>
        %mul3A_2355 = arith.mulf %broadcast_in_dim3A_397, %get3A_2354 : vector<16xf32>
        %add3A_2356 = arith.addf %add3A_2349, %mul3A_2355 : vector<16xf32>
        %get3A_2357 = arith.constant 230 : i32
        %get3A_2358 = arith.index_cast %get3A_2357 : i32 to index
        %get3A_2359 = arith.index_cast %multiple_of3A : i32 to index
        %get3A_2360 = tpu.vector_load %arg9[%get3A_2358, %get3A_2359] {strides = array<i32>} : memref<256x256xf32, #tpu.memory_space<vmem>>, vector<1x16xf32>,
        %get3A_2361 = vector.shape_cast %get3A_2360 : vector<1x16xf32> to vector<16xf32>
        %mul3A_2362 = arith.mulf %broadcast_in_dim3A_400, %get3A_2361 : vector<16xf32>
        %add3A_2363 = arith.addf %broadcast_in_dim3A_2314, %mul3A_2362 : vector<16xf32>
        %get3A_2364 = arith.constant 231 : i32
        %get3A_2365 = arith.index_cast %get3A_2364 : i32 to index
        %get3A_2366 = arith.index_cast %multiple_of3A : i32 to index
        %get3A_2367 = tpu.vector_load %arg9[%get3A_2365, %get3A_2366] {strides = array<i32>} : memref<256x256xf32, #tpu.memory_space<vmem>>, vector<1x16xf32>,
        %get3A_2368 = vector.shape_cast %get3A_2367 : vector<1x16xf32> to vector<16xf32>
        %mul3A_2369 = arith.mulf %broadcast_in_dim3A_403, %get3A_2368 : vector<16xf32>
        %add3A_2370 = arith.addf %add3A_2363, %mul3A_2369 : vector<16xf32>
        %get3A_2371 = arith.constant 232 : i32
        %get3A_2372 = arith.index_cast %get3A_2371 : i32 to index
        %get3A_2373 = arith.index_cast %multiple_of3A : i32 to index
        %get3A_2374 = tpu.vector_load %arg9[%get3A_2372, %get3A_2373] {strides = array<i32>} : memref<256x256xf32, #tpu.memory_space<vmem>>, vector<1x16xf32>,
        %get3A_2375 = vector.shape_cast %get3A_2374 : vector<1x16xf32> to vector<16xf32>
        %mul3A_2376 = arith.mulf %broadcast_in_dim3A_406, %get3A_2375 : vector<16xf32>
        %add3A_2377 = arith.addf %add3A_2328, %mul3A_2376 : vector<16xf32>
        %get3A_2378 = arith.constant 233 : i32
        %get3A_2379 = arith.index_cast %get3A_2378 : i32 to index
        %get3A_2380 = arith.index_cast %multiple_of3A : i32 to index
        %get3A_2381 = tpu.vector_load %arg9[%get3A_2379, %get3A_2380] {strides = array<i32>} : memref<256x256xf32, #tpu.memory_space<vmem>>, vector<1x16xf32>,
        %get3A_2382 = vector.shape_cast %get3A_2381 : vector<1x16xf32> to vector<16xf32>
        %mul3A_2383 = arith.mulf %broadcast_in_dim3A_409, %get3A_2382 : vector<16xf32>
        %add3A_2384 = arith.addf %add3A_2377, %mul3A_2383 : vector<16xf32>
        %get3A_2385 = arith.constant 234 : i32
        %get3A_2386 = arith.index_cast %get3A_2385 : i32 to index
        %get3A_2387 = arith.index_cast %multiple_of3A : i32 to index
        %get3A_2388 = tpu.vector_load %arg9[%get3A_2386, %get3A_2387] {strides = array<i32>} : memref<256x256xf32, #tpu.memory_space<vmem>>, vector<1x16xf32>,
        %get3A_2389 = vector.shape_cast %get3A_2388 : vector<1x16xf32> to vector<16xf32>
        %mul3A_2390 = arith.mulf %broadcast_in_dim3A_412, %get3A_2389 : vector<16xf32>
        %add3A_2391 = arith.addf %add3A_2342, %mul3A_2390 : vector<16xf32>
        %get3A_2392 = arith.constant 235 : i32
        %get3A_2393 = arith.index_cast %get3A_2392 : i32 to index
        %get3A_2394 = arith.index_cast %multiple_of3A : i32 to index
        %get3A_2395 = tpu.vector_load %arg9[%get3A_2393, %get3A_2394] {strides = array<i32>} : memref<256x256xf32, #tpu.memory_space<vmem>>, vector<1x16xf32>,
        %get3A_2396 = vector.shape_cast %get3A_2395 : vector<1x16xf32> to vector<16xf32>
        %mul3A_2397 = arith.mulf %broadcast_in_dim3A_415, %get3A_2396 : vector<16xf32>
        %add3A_2398 = arith.addf %add3A_2391, %mul3A_2397 : vector<16xf32>
        %get3A_2399 = arith.constant 236 : i32
        %get3A_2400 = arith.index_cast %get3A_2399 : i32 to index
        %get3A_2401 = arith.index_cast %multiple_of3A : i32 to index
        %get3A_2402 = tpu.vector_load %arg9[%get3A_2400, %get3A_2401] {strides = array<i32>} : memref<256x256xf32, #tpu.memory_space<vmem>>, vector<1x16xf32>,
        %get3A_2403 = vector.shape_cast %get3A_2402 : vector<1x16xf32> to vector<16xf32>
        %mul3A_2404 = arith.mulf %broadcast_in_dim3A_418, %get3A_2403 : vector<16xf32>
        %add3A_2405 = arith.addf %add3A_2356, %mul3A_2404 : vector<16xf32>
        %get3A_2406 = arith.constant 237 : i32
        %get3A_2407 = arith.index_cast %get3A_2406 : i32 to index
        %get3A_2408 = arith.index_cast %multiple_of3A : i32 to index
        %get3A_2409 = tpu.vector_load %arg9[%get3A_2407, %get3A_2408] {strides = array<i32>} : memref<256x256xf32, #tpu.memory_space<vmem>>, vector<1x16xf32>,
        %get3A_2410 = vector.shape_cast %get3A_2409 : vector<1x16xf32> to vector<16xf32>
        %mul3A_2411 = arith.mulf %broadcast_in_dim3A_421, %get3A_2410 : vector<16xf32>
        %add3A_2412 = arith.addf %add3A_2405, %mul3A_2411 : vector<16xf32>
        %get3A_2413 = arith.constant 238 : i32
        %get3A_2414 = arith.index_cast %get3A_2413 : i32 to index
        %get3A_2415 = arith.index_cast %multiple_of3A : i32 to index
        %get3A_2416 = tpu.vector_load %arg9[%get3A_2414, %get3A_2415] {strides = array<i32>} : memref<256x256xf32, #tpu.memory_space<vmem>>, vector<1x16xf32>,
        %get3A_2417 = vector.shape_cast %get3A_2416 : vector<1x16xf32> to vector<16xf32>
        %mul3A_2418 = arith.mulf %broadcast_in_dim3A_424, %get3A_2417 : vector<16xf32>
        %add3A_2419 = arith.addf %add3A_2370, %mul3A_2418 : vector<16xf32>
        %get3A_2420 = arith.constant 239 : i32
        %get3A_2421 = arith.index_cast %get3A_2420 : i32 to index
        %get3A_2422 = arith.index_cast %multiple_of3A : i32 to index
        %get3A_2423 = tpu.vector_load %arg9[%get3A_2421, %get3A_2422] {strides = array<i32>} : memref<256x256xf32, #tpu.memory_space<vmem>>, vector<1x16xf32>,
        %get3A_2424 = vector.shape_cast %get3A_2423 : vector<1x16xf32> to vector<16xf32>
        %mul3A_2425 = arith.mulf %broadcast_in_dim3A_427, %get3A_2424 : vector<16xf32>
        %add3A_2426 = arith.addf %add3A_2419, %mul3A_2425 : vector<16xf32>
        %slice3A_2427 = vector.extract_strided_slice %select_n3A_174 {offsets = [14], sizes = [1], strides = [1]} : vector<16xf32> to vector<1xf32>
        %squeeze3A_2428 = vector.extract %slice3A_2427[0] : f32 from vector<1xf32>
        %broadcast_in_dim3A_2429 = vector.broadcast %squeeze3A_2428 : f32 to vector<16xf32>
        %mul3A_2430 = arith.mulf %broadcast_in_dim3A_2429, %add3A_2384 : vector<16xf32>
        %add3A_2431 = arith.addf %add3A_1514, %mul3A_2430 : vector<16xf32>
        %mul3A_2432 = arith.mulf %broadcast_in_dim3A_2429, %add3A_2398 : vector<16xf32>
        %add3A_2433 = arith.addf %add3A_1516, %mul3A_2432 : vector<16xf32>
        %mul3A_2434 = arith.mulf %broadcast_in_dim3A_2429, %add3A_2412 : vector<16xf32>
        %add3A_2435 = arith.addf %add3A_1518, %mul3A_2434 : vector<16xf32>
        %mul3A_2436 = arith.mulf %broadcast_in_dim3A_2429, %add3A_2426 : vector<16xf32>
        %add3A_2437 = arith.addf %add3A_1520, %mul3A_2436 : vector<16xf32>
        %broadcast_in_dim3A_2438 = arith.constant 0.000000e+00 : f32
        %broadcast_in_dim3A_2439 = vector.broadcast %broadcast_in_dim3A_2438 : f32 to vector<16xf32>
        %broadcast_in_dim3A_2440 = arith.constant 0.000000e+00 : f32
        %broadcast_in_dim3A_2441 = vector.broadcast %broadcast_in_dim3A_2440 : f32 to vector<16xf32>
        %broadcast_in_dim3A_2442 = arith.constant 0.000000e+00 : f32
        %broadcast_in_dim3A_2443 = vector.broadcast %broadcast_in_dim3A_2442 : f32 to vector<16xf32>
        %broadcast_in_dim3A_2444 = arith.constant 0.000000e+00 : f32
        %broadcast_in_dim3A_2445 = vector.broadcast %broadcast_in_dim3A_2444 : f32 to vector<16xf32>
        %get3A_2446 = arith.constant 240 : i32
        %get3A_2447 = arith.index_cast %get3A_2446 : i32 to index
        %get3A_2448 = arith.index_cast %multiple_of3A : i32 to index
        %get3A_2449 = tpu.vector_load %arg9[%get3A_2447, %get3A_2448] {strides = array<i32>} : memref<256x256xf32, #tpu.memory_space<vmem>>, vector<1x16xf32>,
        %get3A_2450 = vector.shape_cast %get3A_2449 : vector<1x16xf32> to vector<16xf32>
        %mul3A_2451 = arith.mulf %broadcast_in_dim3A_382, %get3A_2450 : vector<16xf32>
        %add3A_2452 = arith.addf %broadcast_in_dim3A_2439, %mul3A_2451 : vector<16xf32>
        %get3A_2453 = arith.constant 241 : i32
        %get3A_2454 = arith.index_cast %get3A_2453 : i32 to index
        %get3A_2455 = arith.index_cast %multiple_of3A : i32 to index
        %get3A_2456 = tpu.vector_load %arg9[%get3A_2454, %get3A_2455] {strides = array<i32>} : memref<256x256xf32, #tpu.memory_space<vmem>>, vector<1x16xf32>,
        %get3A_2457 = vector.shape_cast %get3A_2456 : vector<1x16xf32> to vector<16xf32>
        %mul3A_2458 = arith.mulf %broadcast_in_dim3A_385, %get3A_2457 : vector<16xf32>
        %add3A_2459 = arith.addf %add3A_2452, %mul3A_2458 : vector<16xf32>
        %get3A_2460 = arith.constant 242 : i32
        %get3A_2461 = arith.index_cast %get3A_2460 : i32 to index
        %get3A_2462 = arith.index_cast %multiple_of3A : i32 to index
        %get3A_2463 = tpu.vector_load %arg9[%get3A_2461, %get3A_2462] {strides = array<i32>} : memref<256x256xf32, #tpu.memory_space<vmem>>, vector<1x16xf32>,
        %get3A_2464 = vector.shape_cast %get3A_2463 : vector<1x16xf32> to vector<16xf32>
        %mul3A_2465 = arith.mulf %broadcast_in_dim3A_388, %get3A_2464 : vector<16xf32>
        %add3A_2466 = arith.addf %broadcast_in_dim3A_2441, %mul3A_2465 : vector<16xf32>
        %get3A_2467 = arith.constant 243 : i32
        %get3A_2468 = arith.index_cast %get3A_2467 : i32 to index
        %get3A_2469 = arith.index_cast %multiple_of3A : i32 to index
        %get3A_2470 = tpu.vector_load %arg9[%get3A_2468, %get3A_2469] {strides = array<i32>} : memref<256x256xf32, #tpu.memory_space<vmem>>, vector<1x16xf32>,
        %get3A_2471 = vector.shape_cast %get3A_2470 : vector<1x16xf32> to vector<16xf32>
        %mul3A_2472 = arith.mulf %broadcast_in_dim3A_391, %get3A_2471 : vector<16xf32>
        %add3A_2473 = arith.addf %add3A_2466, %mul3A_2472 : vector<16xf32>
        %get3A_2474 = arith.constant 244 : i32
        %get3A_2475 = arith.index_cast %get3A_2474 : i32 to index
        %get3A_2476 = arith.index_cast %multiple_of3A : i32 to index
        %get3A_2477 = tpu.vector_load %arg9[%get3A_2475, %get3A_2476] {strides = array<i32>} : memref<256x256xf32, #tpu.memory_space<vmem>>, vector<1x16xf32>,
        %get3A_2478 = vector.shape_cast %get3A_2477 : vector<1x16xf32> to vector<16xf32>
        %mul3A_2479 = arith.mulf %broadcast_in_dim3A_394, %get3A_2478 : vector<16xf32>
        %add3A_2480 = arith.addf %broadcast_in_dim3A_2443, %mul3A_2479 : vector<16xf32>
        %get3A_2481 = arith.constant 245 : i32
        %get3A_2482 = arith.index_cast %get3A_2481 : i32 to index
        %get3A_2483 = arith.index_cast %multiple_of3A : i32 to index
        %get3A_2484 = tpu.vector_load %arg9[%get3A_2482, %get3A_2483] {strides = array<i32>} : memref<256x256xf32, #tpu.memory_space<vmem>>, vector<1x16xf32>,
        %get3A_2485 = vector.shape_cast %get3A_2484 : vector<1x16xf32> to vector<16xf32>
        %mul3A_2486 = arith.mulf %broadcast_in_dim3A_397, %get3A_2485 : vector<16xf32>
        %add3A_2487 = arith.addf %add3A_2480, %mul3A_2486 : vector<16xf32>
        %get3A_2488 = arith.constant 246 : i32
        %get3A_2489 = arith.index_cast %get3A_2488 : i32 to index
        %get3A_2490 = arith.index_cast %multiple_of3A : i32 to index
        %get3A_2491 = tpu.vector_load %arg9[%get3A_2489, %get3A_2490] {strides = array<i32>} : memref<256x256xf32, #tpu.memory_space<vmem>>, vector<1x16xf32>,
        %get3A_2492 = vector.shape_cast %get3A_2491 : vector<1x16xf32> to vector<16xf32>
        %mul3A_2493 = arith.mulf %broadcast_in_dim3A_400, %get3A_2492 : vector<16xf32>
        %add3A_2494 = arith.addf %broadcast_in_dim3A_2445, %mul3A_2493 : vector<16xf32>
        %get3A_2495 = arith.constant 247 : i32
        %get3A_2496 = arith.index_cast %get3A_2495 : i32 to index
        %get3A_2497 = arith.index_cast %multiple_of3A : i32 to index
        %get3A_2498 = tpu.vector_load %arg9[%get3A_2496, %get3A_2497] {strides = array<i32>} : memref<256x256xf32, #tpu.memory_space<vmem>>, vector<1x16xf32>,
        %get3A_2499 = vector.shape_cast %get3A_2498 : vector<1x16xf32> to vector<16xf32>
        %mul3A_2500 = arith.mulf %broadcast_in_dim3A_403, %get3A_2499 : vector<16xf32>
        %add3A_2501 = arith.addf %add3A_2494, %mul3A_2500 : vector<16xf32>
        %get3A_2502 = arith.constant 248 : i32
        %get3A_2503 = arith.index_cast %get3A_2502 : i32 to index
        %get3A_2504 = arith.index_cast %multiple_of3A : i32 to index
        %get3A_2505 = tpu.vector_load %arg9[%get3A_2503, %get3A_2504] {strides = array<i32>} : memref<256x256xf32, #tpu.memory_space<vmem>>, vector<1x16xf32>,
        %get3A_2506 = vector.shape_cast %get3A_2505 : vector<1x16xf32> to vector<16xf32>
        %mul3A_2507 = arith.mulf %broadcast_in_dim3A_406, %get3A_2506 : vector<16xf32>
        %add3A_2508 = arith.addf %add3A_2459, %mul3A_2507 : vector<16xf32>
        %get3A_2509 = arith.constant 249 : i32
        %get3A_2510 = arith.index_cast %get3A_2509 : i32 to index
        %get3A_2511 = arith.index_cast %multiple_of3A : i32 to index
        %get3A_2512 = tpu.vector_load %arg9[%get3A_2510, %get3A_2511] {strides = array<i32>} : memref<256x256xf32, #tpu.memory_space<vmem>>, vector<1x16xf32>,
        %get3A_2513 = vector.shape_cast %get3A_2512 : vector<1x16xf32> to vector<16xf32>
        %mul3A_2514 = arith.mulf %broadcast_in_dim3A_409, %get3A_2513 : vector<16xf32>
        %add3A_2515 = arith.addf %add3A_2508, %mul3A_2514 : vector<16xf32>
        %get3A_2516 = arith.constant 250 : i32
        %get3A_2517 = arith.index_cast %get3A_2516 : i32 to index
        %get3A_2518 = arith.index_cast %multiple_of3A : i32 to index
        %get3A_2519 = tpu.vector_load %arg9[%get3A_2517, %get3A_2518] {strides = array<i32>} : memref<256x256xf32, #tpu.memory_space<vmem>>, vector<1x16xf32>,
        %get3A_2520 = vector.shape_cast %get3A_2519 : vector<1x16xf32> to vector<16xf32>
        %mul3A_2521 = arith.mulf %broadcast_in_dim3A_412, %get3A_2520 : vector<16xf32>
        %add3A_2522 = arith.addf %add3A_2473, %mul3A_2521 : vector<16xf32>
        %get3A_2523 = arith.constant 251 : i32
        %get3A_2524 = arith.index_cast %get3A_2523 : i32 to index
        %get3A_2525 = arith.index_cast %multiple_of3A : i32 to index
        %get3A_2526 = tpu.vector_load %arg9[%get3A_2524, %get3A_2525] {strides = array<i32>} : memref<256x256xf32, #tpu.memory_space<vmem>>, vector<1x16xf32>,
        %get3A_2527 = vector.shape_cast %get3A_2526 : vector<1x16xf32> to vector<16xf32>
        %mul3A_2528 = arith.mulf %broadcast_in_dim3A_415, %get3A_2527 : vector<16xf32>
        %add3A_2529 = arith.addf %add3A_2522, %mul3A_2528 : vector<16xf32>
        %get3A_2530 = arith.constant 252 : i32
        %get3A_2531 = arith.index_cast %get3A_2530 : i32 to index
        %get3A_2532 = arith.index_cast %multiple_of3A : i32 to index
        %get3A_2533 = tpu.vector_load %arg9[%get3A_2531, %get3A_2532] {strides = array<i32>} : memref<256x256xf32, #tpu.memory_space<vmem>>, vector<1x16xf32>,
        %get3A_2534 = vector.shape_cast %get3A_2533 : vector<1x16xf32> to vector<16xf32>
        %mul3A_2535 = arith.mulf %broadcast_in_dim3A_418, %get3A_2534 : vector<16xf32>
        %add3A_2536 = arith.addf %add3A_2487, %mul3A_2535 : vector<16xf32>
        %get3A_2537 = arith.constant 253 : i32
        %get3A_2538 = arith.index_cast %get3A_2537 : i32 to index
        %get3A_2539 = arith.index_cast %multiple_of3A : i32 to index
        %get3A_2540 = tpu.vector_load %arg9[%get3A_2538, %get3A_2539] {strides = array<i32>} : memref<256x256xf32, #tpu.memory_space<vmem>>, vector<1x16xf32>,
        %get3A_2541 = vector.shape_cast %get3A_2540 : vector<1x16xf32> to vector<16xf32>
        %mul3A_2542 = arith.mulf %broadcast_in_dim3A_421, %get3A_2541 : vector<16xf32>
        %add3A_2543 = arith.addf %add3A_2536, %mul3A_2542 : vector<16xf32>
        %get3A_2544 = arith.constant 254 : i32
        %get3A_2545 = arith.index_cast %get3A_2544 : i32 to index
        %get3A_2546 = arith.index_cast %multiple_of3A : i32 to index
        %get3A_2547 = tpu.vector_load %arg9[%get3A_2545, %get3A_2546] {strides = array<i32>} : memref<256x256xf32, #tpu.memory_space<vmem>>, vector<1x16xf32>,
        %get3A_2548 = vector.shape_cast %get3A_2547 : vector<1x16xf32> to vector<16xf32>
        %mul3A_2549 = arith.mulf %broadcast_in_dim3A_424, %get3A_2548 : vector<16xf32>
        %add3A_2550 = arith.addf %add3A_2501, %mul3A_2549 : vector<16xf32>
        %get3A_2551 = arith.constant 255 : i32
        %get3A_2552 = arith.index_cast %get3A_2551 : i32 to index
        %get3A_2553 = arith.index_cast %multiple_of3A : i32 to index
        %get3A_2554 = tpu.vector_load %arg9[%get3A_2552, %get3A_2553] {strides = array<i32>} : memref<256x256xf32, #tpu.memory_space<vmem>>, vector<1x16xf32>,
        %get3A_2555 = vector.shape_cast %get3A_2554 : vector<1x16xf32> to vector<16xf32>
        %mul3A_2556 = arith.mulf %broadcast_in_dim3A_427, %get3A_2555 : vector<16xf32>
        %add3A_2557 = arith.addf %add3A_2550, %mul3A_2556 : vector<16xf32>
        %slice3A_2558 = vector.extract_strided_slice %select_n3A_174 {offsets = [15], sizes = [1], strides = [1]} : vector<16xf32> to vector<1xf32>
        %squeeze3A_2559 = vector.extract %slice3A_2558[0] : f32 from vector<1xf32>
        %broadcast_in_dim3A_2560 = vector.broadcast %squeeze3A_2559 : f32 to vector<16xf32>
        %mul3A_2561 = arith.mulf %broadcast_in_dim3A_2560, %add3A_2515 : vector<16xf32>
        %add3A_2562 = arith.addf %add3A_2431, %mul3A_2561 : vector<16xf32>
        %mul3A_2563 = arith.mulf %broadcast_in_dim3A_2560, %add3A_2529 : vector<16xf32>
        %add3A_2564 = arith.addf %add3A_2433, %mul3A_2563 : vector<16xf32>
        %mul3A_2565 = arith.mulf %broadcast_in_dim3A_2560, %add3A_2543 : vector<16xf32>
        %add3A_2566 = arith.addf %add3A_2435, %mul3A_2565 : vector<16xf32>
        %mul3A_2567 = arith.mulf %broadcast_in_dim3A_2560, %add3A_2557 : vector<16xf32>
        %add3A_2568 = arith.addf %add3A_2437, %mul3A_2567 : vector<16xf32>
        %get3A_2569 = arith.constant 0 : i32
        %get3A_2570 = arith.index_cast %get3A_2569 : i32 to index
        %get3A_2571 = arith.index_cast %multiple_of3A : i32 to index
        %get3A_2572 = tpu.vector_load %arg7[%get3A_2570, %get3A_2571] {strides = array<i32>} : memref<16x256xf32, #tpu.memory_space<vmem>>, vector<1x16xf32>,
        %get3A_2573 = vector.shape_cast %get3A_2572 : vector<1x16xf32> to vector<16xf32>
        %add3A_2574 = arith.addf %add3A_1776, %get3A_2573 : vector<16xf32>
        %swap3A_2575 = arith.constant 0 : i32
        %swap3A_2576 = arith.index_cast %swap3A_2575 : i32 to index
        %swap3A_2577 = arith.index_cast %multiple_of3A : i32 to index
        %swap3A_2578 = tpu.vector_load %arg10[%swap3A_2576, %swap3A_2577] {strides = array<i32>} : memref<16x256xf32, #tpu.memory_space<vmem>>, vector<1x16xf32>,
        %swap3A_2579 = vector.shape_cast %swap3A_2578 : vector<1x16xf32> to vector<16xf32>
        %swap3A_2580 = vector.shape_cast %add3A_2574 : vector<16xf32> to vector<1x16xf32>
        tpu.vector_store %arg10[%swap3A_2576, %swap3A_2577], %swap3A_2580 {strides = array<i32>} : memref<16x256xf32, #tpu.memory_space<vmem>>, vector<1x16xf32>,
        %get3A_2581 = arith.constant 1 : i32
        %get3A_2582 = arith.index_cast %get3A_2581 : i32 to index
        %get3A_2583 = arith.index_cast %multiple_of3A : i32 to index
        %get3A_2584 = tpu.vector_load %arg7[%get3A_2582, %get3A_2583] {strides = array<i32>} : memref<16x256xf32, #tpu.memory_space<vmem>>, vector<1x16xf32>,
        %get3A_2585 = vector.shape_cast %get3A_2584 : vector<1x16xf32> to vector<16xf32>
        %add3A_2586 = arith.addf %add3A_1778, %get3A_2585 : vector<16xf32>
        %swap3A_2587 = arith.constant 1 : i32
        %swap3A_2588 = arith.index_cast %swap3A_2587 : i32 to index
        %swap3A_2589 = arith.index_cast %multiple_of3A : i32 to index
        %swap3A_2590 = tpu.vector_load %arg10[%swap3A_2588, %swap3A_2589] {strides = array<i32>} : memref<16x256xf32, #tpu.memory_space<vmem>>, vector<1x16xf32>,
        %swap3A_2591 = vector.shape_cast %swap3A_2590 : vector<1x16xf32> to vector<16xf32>
        %swap3A_2592 = vector.shape_cast %add3A_2586 : vector<16xf32> to vector<1x16xf32>
        tpu.vector_store %arg10[%swap3A_2588, %swap3A_2589], %swap3A_2592 {strides = array<i32>} : memref<16x256xf32, #tpu.memory_space<vmem>>, vector<1x16xf32>,
        %get3A_2593 = arith.constant 2 : i32
        %get3A_2594 = arith.index_cast %get3A_2593 : i32 to index
        %get3A_2595 = arith.index_cast %multiple_of3A : i32 to index
        %get3A_2596 = tpu.vector_load %arg7[%get3A_2594, %get3A_2595] {strides = array<i32>} : memref<16x256xf32, #tpu.memory_space<vmem>>, vector<1x16xf32>,
        %get3A_2597 = vector.shape_cast %get3A_2596 : vector<1x16xf32> to vector<16xf32>
        %add3A_2598 = arith.addf %add3A_1780, %get3A_2597 : vector<16xf32>
        %swap3A_2599 = arith.constant 2 : i32
        %swap3A_2600 = arith.index_cast %swap3A_2599 : i32 to index
        %swap3A_2601 = arith.index_cast %multiple_of3A : i32 to index
        %swap3A_2602 = tpu.vector_load %arg10[%swap3A_2600, %swap3A_2601] {strides = array<i32>} : memref<16x256xf32, #tpu.memory_space<vmem>>, vector<1x16xf32>,
        %swap3A_2603 = vector.shape_cast %swap3A_2602 : vector<1x16xf32> to vector<16xf32>
        %swap3A_2604 = vector.shape_cast %add3A_2598 : vector<16xf32> to vector<1x16xf32>
        tpu.vector_store %arg10[%swap3A_2600, %swap3A_2601], %swap3A_2604 {strides = array<i32>} : memref<16x256xf32, #tpu.memory_space<vmem>>, vector<1x16xf32>,
        %get3A_2605 = arith.constant 3 : i32
        %get3A_2606 = arith.index_cast %get3A_2605 : i32 to index
        %get3A_2607 = arith.index_cast %multiple_of3A : i32 to index
        %get3A_2608 = tpu.vector_load %arg7[%get3A_2606, %get3A_2607] {strides = array<i32>} : memref<16x256xf32, #tpu.memory_space<vmem>>, vector<1x16xf32>,
        %get3A_2609 = vector.shape_cast %get3A_2608 : vector<1x16xf32> to vector<16xf32>
        %add3A_2610 = arith.addf %add3A_1782, %get3A_2609 : vector<16xf32>
        %swap3A_2611 = arith.constant 3 : i32
        %swap3A_2612 = arith.index_cast %swap3A_2611 : i32 to index
        %swap3A_2613 = arith.index_cast %multiple_of3A : i32 to index
        %swap3A_2614 = tpu.vector_load %arg10[%swap3A_2612, %swap3A_2613] {strides = array<i32>} : memref<16x256xf32, #tpu.memory_space<vmem>>, vector<1x16xf32>,
        %swap3A_2615 = vector.shape_cast %swap3A_2614 : vector<1x16xf32> to vector<16xf32>
        %swap3A_2616 = vector.shape_cast %add3A_2610 : vector<16xf32> to vector<1x16xf32>
        tpu.vector_store %arg10[%swap3A_2612, %swap3A_2613], %swap3A_2616 {strides = array<i32>} : memref<16x256xf32, #tpu.memory_space<vmem>>, vector<1x16xf32>,
        %get3A_2617 = arith.constant 4 : i32
        %get3A_2618 = arith.index_cast %get3A_2617 : i32 to index
        %get3A_2619 = arith.index_cast %multiple_of3A : i32 to index
        %get3A_2620 = tpu.vector_load %arg7[%get3A_2618, %get3A_2619] {strides = array<i32>} : memref<16x256xf32, #tpu.memory_space<vmem>>, vector<1x16xf32>,
        %get3A_2621 = vector.shape_cast %get3A_2620 : vector<1x16xf32> to vector<16xf32>
        %add3A_2622 = arith.addf %add3A_2038, %get3A_2621 : vector<16xf32>
        %swap3A_2623 = arith.constant 4 : i32
        %swap3A_2624 = arith.index_cast %swap3A_2623 : i32 to index
        %swap3A_2625 = arith.index_cast %multiple_of3A : i32 to index
        %swap3A_2626 = tpu.vector_load %arg10[%swap3A_2624, %swap3A_2625] {strides = array<i32>} : memref<16x256xf32, #tpu.memory_space<vmem>>, vector<1x16xf32>,
        %swap3A_2627 = vector.shape_cast %swap3A_2626 : vector<1x16xf32> to vector<16xf32>
        %swap3A_2628 = vector.shape_cast %add3A_2622 : vector<16xf32> to vector<1x16xf32>
        tpu.vector_store %arg10[%swap3A_2624, %swap3A_2625], %swap3A_2628 {strides = array<i32>} : memref<16x256xf32, #tpu.memory_space<vmem>>, vector<1x16xf32>,
        %get3A_2629 = arith.constant 5 : i32
        %get3A_2630 = arith.index_cast %get3A_2629 : i32 to index
        %get3A_2631 = arith.index_cast %multiple_of3A : i32 to index
        %get3A_2632 = tpu.vector_load %arg7[%get3A_2630, %get3A_2631] {strides = array<i32>} : memref<16x256xf32, #tpu.memory_space<vmem>>, vector<1x16xf32>,
        %get3A_2633 = vector.shape_cast %get3A_2632 : vector<1x16xf32> to vector<16xf32>
        %add3A_2634 = arith.addf %add3A_2040, %get3A_2633 : vector<16xf32>
        %swap3A_2635 = arith.constant 5 : i32
        %swap3A_2636 = arith.index_cast %swap3A_2635 : i32 to index
        %swap3A_2637 = arith.index_cast %multiple_of3A : i32 to index
        %swap3A_2638 = tpu.vector_load %arg10[%swap3A_2636, %swap3A_2637] {strides = array<i32>} : memref<16x256xf32, #tpu.memory_space<vmem>>, vector<1x16xf32>,
        %swap3A_2639 = vector.shape_cast %swap3A_2638 : vector<1x16xf32> to vector<16xf32>
        %swap3A_2640 = vector.shape_cast %add3A_2634 : vector<16xf32> to vector<1x16xf32>
        tpu.vector_store %arg10[%swap3A_2636, %swap3A_2637], %swap3A_2640 {strides = array<i32>} : memref<16x256xf32, #tpu.memory_space<vmem>>, vector<1x16xf32>,
        %get3A_2641 = arith.constant 6 : i32
        %get3A_2642 = arith.index_cast %get3A_2641 : i32 to index
        %get3A_2643 = arith.index_cast %multiple_of3A : i32 to index
        %get3A_2644 = tpu.vector_load %arg7[%get3A_2642, %get3A_2643] {strides = array<i32>} : memref<16x256xf32, #tpu.memory_space<vmem>>, vector<1x16xf32>,
        %get3A_2645 = vector.shape_cast %get3A_2644 : vector<1x16xf32> to vector<16xf32>
        %add3A_2646 = arith.addf %add3A_2042, %get3A_2645 : vector<16xf32>
        %swap3A_2647 = arith.constant 6 : i32
        %swap3A_2648 = arith.index_cast %swap3A_2647 : i32 to index
        %swap3A_2649 = arith.index_cast %multiple_of3A : i32 to index
        %swap3A_2650 = tpu.vector_load %arg10[%swap3A_2648, %swap3A_2649] {strides = array<i32>} : memref<16x256xf32, #tpu.memory_space<vmem>>, vector<1x16xf32>,
        %swap3A_2651 = vector.shape_cast %swap3A_2650 : vector<1x16xf32> to vector<16xf32>
        %swap3A_2652 = vector.shape_cast %add3A_2646 : vector<16xf32> to vector<1x16xf32>
        tpu.vector_store %arg10[%swap3A_2648, %swap3A_2649], %swap3A_2652 {strides = array<i32>} : memref<16x256xf32, #tpu.memory_space<vmem>>, vector<1x16xf32>,
        %get3A_2653 = arith.constant 7 : i32
        %get3A_2654 = arith.index_cast %get3A_2653 : i32 to index
        %get3A_2655 = arith.index_cast %multiple_of3A : i32 to index
        %get3A_2656 = tpu.vector_load %arg7[%get3A_2654, %get3A_2655] {strides = array<i32>} : memref<16x256xf32, #tpu.memory_space<vmem>>, vector<1x16xf32>,
        %get3A_2657 = vector.shape_cast %get3A_2656 : vector<1x16xf32> to vector<16xf32>
        %add3A_2658 = arith.addf %add3A_2044, %get3A_2657 : vector<16xf32>
        %swap3A_2659 = arith.constant 7 : i32
        %swap3A_2660 = arith.index_cast %swap3A_2659 : i32 to index
        %swap3A_2661 = arith.index_cast %multiple_of3A : i32 to index
        %swap3A_2662 = tpu.vector_load %arg10[%swap3A_2660, %swap3A_2661] {strides = array<i32>} : memref<16x256xf32, #tpu.memory_space<vmem>>, vector<1x16xf32>,
        %swap3A_2663 = vector.shape_cast %swap3A_2662 : vector<1x16xf32> to vector<16xf32>
        %swap3A_2664 = vector.shape_cast %add3A_2658 : vector<16xf32> to vector<1x16xf32>
        tpu.vector_store %arg10[%swap3A_2660, %swap3A_2661], %swap3A_2664 {strides = array<i32>} : memref<16x256xf32, #tpu.memory_space<vmem>>, vector<1x16xf32>,
        %get3A_2665 = arith.constant 8 : i32
        %get3A_2666 = arith.index_cast %get3A_2665 : i32 to index
        %get3A_2667 = arith.index_cast %multiple_of3A : i32 to index
        %get3A_2668 = tpu.vector_load %arg7[%get3A_2666, %get3A_2667] {strides = array<i32>} : memref<16x256xf32, #tpu.memory_space<vmem>>, vector<1x16xf32>,
        %get3A_2669 = vector.shape_cast %get3A_2668 : vector<1x16xf32> to vector<16xf32>
        %add3A_2670 = arith.addf %add3A_2300, %get3A_2669 : vector<16xf32>
        %swap3A_2671 = arith.constant 8 : i32
        %swap3A_2672 = arith.index_cast %swap3A_2671 : i32 to index
        %swap3A_2673 = arith.index_cast %multiple_of3A : i32 to index
        %swap3A_2674 = tpu.vector_load %arg10[%swap3A_2672, %swap3A_2673] {strides = array<i32>} : memref<16x256xf32, #tpu.memory_space<vmem>>, vector<1x16xf32>,
        %swap3A_2675 = vector.shape_cast %swap3A_2674 : vector<1x16xf32> to vector<16xf32>
        %swap3A_2676 = vector.shape_cast %add3A_2670 : vector<16xf32> to vector<1x16xf32>
        tpu.vector_store %arg10[%swap3A_2672, %swap3A_2673], %swap3A_2676 {strides = array<i32>} : memref<16x256xf32, #tpu.memory_space<vmem>>, vector<1x16xf32>,
        %get3A_2677 = arith.constant 9 : i32
        %get3A_2678 = arith.index_cast %get3A_2677 : i32 to index
        %get3A_2679 = arith.index_cast %multiple_of3A : i32 to index
        %get3A_2680 = tpu.vector_load %arg7[%get3A_2678, %get3A_2679] {strides = array<i32>} : memref<16x256xf32, #tpu.memory_space<vmem>>, vector<1x16xf32>,
        %get3A_2681 = vector.shape_cast %get3A_2680 : vector<1x16xf32> to vector<16xf32>
        %add3A_2682 = arith.addf %add3A_2302, %get3A_2681 : vector<16xf32>
        %swap3A_2683 = arith.constant 9 : i32
        %swap3A_2684 = arith.index_cast %swap3A_2683 : i32 to index
        %swap3A_2685 = arith.index_cast %multiple_of3A : i32 to index
        %swap3A_2686 = tpu.vector_load %arg10[%swap3A_2684, %swap3A_2685] {strides = array<i32>} : memref<16x256xf32, #tpu.memory_space<vmem>>, vector<1x16xf32>,
        %swap3A_2687 = vector.shape_cast %swap3A_2686 : vector<1x16xf32> to vector<16xf32>
        %swap3A_2688 = vector.shape_cast %add3A_2682 : vector<16xf32> to vector<1x16xf32>
        tpu.vector_store %arg10[%swap3A_2684, %swap3A_2685], %swap3A_2688 {strides = array<i32>} : memref<16x256xf32, #tpu.memory_space<vmem>>, vector<1x16xf32>,
        %get3A_2689 = arith.constant 10 : i32
        %get3A_2690 = arith.index_cast %get3A_2689 : i32 to index
        %get3A_2691 = arith.index_cast %multiple_of3A : i32 to index
        %get3A_2692 = tpu.vector_load %arg7[%get3A_2690, %get3A_2691] {strides = array<i32>} : memref<16x256xf32, #tpu.memory_space<vmem>>, vector<1x16xf32>,
        %get3A_2693 = vector.shape_cast %get3A_2692 : vector<1x16xf32> to vector<16xf32>
        %add3A_2694 = arith.addf %add3A_2304, %get3A_2693 : vector<16xf32>
        %swap3A_2695 = arith.constant 10 : i32
        %swap3A_2696 = arith.index_cast %swap3A_2695 : i32 to index
        %swap3A_2697 = arith.index_cast %multiple_of3A : i32 to index
        %swap3A_2698 = tpu.vector_load %arg10[%swap3A_2696, %swap3A_2697] {strides = array<i32>} : memref<16x256xf32, #tpu.memory_space<vmem>>, vector<1x16xf32>,
        %swap3A_2699 = vector.shape_cast %swap3A_2698 : vector<1x16xf32> to vector<16xf32>
        %swap3A_2700 = vector.shape_cast %add3A_2694 : vector<16xf32> to vector<1x16xf32>
        tpu.vector_store %arg10[%swap3A_2696, %swap3A_2697], %swap3A_2700 {strides = array<i32>} : memref<16x256xf32, #tpu.memory_space<vmem>>, vector<1x16xf32>,
        %get3A_2701 = arith.constant 11 : i32
        %get3A_2702 = arith.index_cast %get3A_2701 : i32 to index
        %get3A_2703 = arith.index_cast %multiple_of3A : i32 to index
        %get3A_2704 = tpu.vector_load %arg7[%get3A_2702, %get3A_2703] {strides = array<i32>} : memref<16x256xf32, #tpu.memory_space<vmem>>, vector<1x16xf32>,
        %get3A_2705 = vector.shape_cast %get3A_2704 : vector<1x16xf32> to vector<16xf32>
        %add3A_2706 = arith.addf %add3A_2306, %get3A_2705 : vector<16xf32>
        %swap3A_2707 = arith.constant 11 : i32
        %swap3A_2708 = arith.index_cast %swap3A_2707 : i32 to index
        %swap3A_2709 = arith.index_cast %multiple_of3A : i32 to index
        %swap3A_2710 = tpu.vector_load %arg10[%swap3A_2708, %swap3A_2709] {strides = array<i32>} : memref<16x256xf32, #tpu.memory_space<vmem>>, vector<1x16xf32>,
        %swap3A_2711 = vector.shape_cast %swap3A_2710 : vector<1x16xf32> to vector<16xf32>
        %swap3A_2712 = vector.shape_cast %add3A_2706 : vector<16xf32> to vector<1x16xf32>
        tpu.vector_store %arg10[%swap3A_2708, %swap3A_2709], %swap3A_2712 {strides = array<i32>} : memref<16x256xf32, #tpu.memory_space<vmem>>, vector<1x16xf32>,
        %get3A_2713 = arith.constant 12 : i32
        %get3A_2714 = arith.index_cast %get3A_2713 : i32 to index
        %get3A_2715 = arith.index_cast %multiple_of3A : i32 to index
        %get3A_2716 = tpu.vector_load %arg7[%get3A_2714, %get3A_2715] {strides = array<i32>} : memref<16x256xf32, #tpu.memory_space<vmem>>, vector<1x16xf32>,
        %get3A_2717 = vector.shape_cast %get3A_2716 : vector<1x16xf32> to vector<16xf32>
        %add3A_2718 = arith.addf %add3A_2562, %get3A_2717 : vector<16xf32>
        %swap3A_2719 = arith.constant 12 : i32
        %swap3A_2720 = arith.index_cast %swap3A_2719 : i32 to index
        %swap3A_2721 = arith.index_cast %multiple_of3A : i32 to index
        %swap3A_2722 = tpu.vector_load %arg10[%swap3A_2720, %swap3A_2721] {strides = array<i32>} : memref<16x256xf32, #tpu.memory_space<vmem>>, vector<1x16xf32>,
        %swap3A_2723 = vector.shape_cast %swap3A_2722 : vector<1x16xf32> to vector<16xf32>
        %swap3A_2724 = vector.shape_cast %add3A_2718 : vector<16xf32> to vector<1x16xf32>
        tpu.vector_store %arg10[%swap3A_2720, %swap3A_2721], %swap3A_2724 {strides = array<i32>} : memref<16x256xf32, #tpu.memory_space<vmem>>, vector<1x16xf32>,
        %get3A_2725 = arith.constant 13 : i32
        %get3A_2726 = arith.index_cast %get3A_2725 : i32 to index
        %get3A_2727 = arith.index_cast %multiple_of3A : i32 to index
        %get3A_2728 = tpu.vector_load %arg7[%get3A_2726, %get3A_2727] {strides = array<i32>} : memref<16x256xf32, #tpu.memory_space<vmem>>, vector<1x16xf32>,
        %get3A_2729 = vector.shape_cast %get3A_2728 : vector<1x16xf32> to vector<16xf32>
        %add3A_2730 = arith.addf %add3A_2564, %get3A_2729 : vector<16xf32>
        %swap3A_2731 = arith.constant 13 : i32
        %swap3A_2732 = arith.index_cast %swap3A_2731 : i32 to index
        %swap3A_2733 = arith.index_cast %multiple_of3A : i32 to index
        %swap3A_2734 = tpu.vector_load %arg10[%swap3A_2732, %swap3A_2733] {strides = array<i32>} : memref<16x256xf32, #tpu.memory_space<vmem>>, vector<1x16xf32>,
        %swap3A_2735 = vector.shape_cast %swap3A_2734 : vector<1x16xf32> to vector<16xf32>
        %swap3A_2736 = vector.shape_cast %add3A_2730 : vector<16xf32> to vector<1x16xf32>
        tpu.vector_store %arg10[%swap3A_2732, %swap3A_2733], %swap3A_2736 {strides = array<i32>} : memref<16x256xf32, #tpu.memory_space<vmem>>, vector<1x16xf32>,
        %get3A_2737 = arith.constant 14 : i32
        %get3A_2738 = arith.index_cast %get3A_2737 : i32 to index
        %get3A_2739 = arith.index_cast %multiple_of3A : i32 to index
        %get3A_2740 = tpu.vector_load %arg7[%get3A_2738, %get3A_2739] {strides = array<i32>} : memref<16x256xf32, #tpu.memory_space<vmem>>, vector<1x16xf32>,
        %get3A_2741 = vector.shape_cast %get3A_2740 : vector<1x16xf32> to vector<16xf32>
        %add3A_2742 = arith.addf %add3A_2566, %get3A_2741 : vector<16xf32>
        %swap3A_2743 = arith.constant 14 : i32
        %swap3A_2744 = arith.index_cast %swap3A_2743 : i32 to index
        %swap3A_2745 = arith.index_cast %multiple_of3A : i32 to index
        %swap3A_2746 = tpu.vector_load %arg10[%swap3A_2744, %swap3A_2745] {strides = array<i32>} : memref<16x256xf32, #tpu.memory_space<vmem>>, vector<1x16xf32>,
        %swap3A_2747 = vector.shape_cast %swap3A_2746 : vector<1x16xf32> to vector<16xf32>
        %swap3A_2748 = vector.shape_cast %add3A_2742 : vector<16xf32> to vector<1x16xf32>
        tpu.vector_store %arg10[%swap3A_2744, %swap3A_2745], %swap3A_2748 {strides = array<i32>} : memref<16x256xf32, #tpu.memory_space<vmem>>, vector<1x16xf32>,
        %get3A_2749 = arith.constant 15 : i32
        %get3A_2750 = arith.index_cast %get3A_2749 : i32 to index
        %get3A_2751 = arith.index_cast %multiple_of3A : i32 to index
        %get3A_2752 = tpu.vector_load %arg7[%get3A_2750, %get3A_2751] {strides = array<i32>} : memref<16x256xf32, #tpu.memory_space<vmem>>, vector<1x16xf32>,
        %get3A_2753 = vector.shape_cast %get3A_2752 : vector<1x16xf32> to vector<16xf32>
        %add3A_2754 = arith.addf %add3A_2568, %get3A_2753 : vector<16xf32>
        %swap3A_2755 = arith.constant 15 : i32
        %swap3A_2756 = arith.index_cast %swap3A_2755 : i32 to index
        %swap3A_2757 = arith.index_cast %multiple_of3A : i32 to index
        %swap3A_2758 = tpu.vector_load %arg10[%swap3A_2756, %swap3A_2757] {strides = array<i32>} : memref<16x256xf32, #tpu.memory_space<vmem>>, vector<1x16xf32>,
        %swap3A_2759 = vector.shape_cast %swap3A_2758 : vector<1x16xf32> to vector<16xf32>
        %swap3A_2760 = vector.shape_cast %add3A_2754 : vector<16xf32> to vector<1x16xf32>
        tpu.vector_store %arg10[%swap3A_2756, %swap3A_2757], %swap3A_2760 {strides = array<i32>} : memref<16x256xf32, #tpu.memory_space<vmem>>, vector<1x16xf32>,
        %scan3A_2761 = arith.constant 0 : i32
        scf.yield %scan3A_2761 : i32
      }
      %scan3A_434 = arith.constant 16 : i32
      %add3A_435 = arith.addi %mul3A_2, %scan3A_17 : i32
      "tpu.region"() ({
        %run_scoped3A = tpu.sem_alloc : memref<!tpu.dma_semaphore, #tpu.memory_space<semaphore_mem>>
        %dma_start3A_437 = arith.constant 0 : i32
        %dma_start3A_438 = arith.constant 0 : i32
        %dma_start3A_439 = tpu.memref_slice %arg5[%add3A_435, %dma_start3A_437, %dma_start3A_438] : memref<2400x16x256xf32, #tpu.memory_space<hbm>> -> memref<1x16x256xf32, #tpu.memory_space<hbm>>
        %dma_start3A_440 = tpu.memref_squeeze %dma_start3A_439 : memref<1x16x256xf32, #tpu.memory_space<hbm>> -> memref<16x256xf32, #tpu.memory_space<hbm>>
        %dma_start3A_441 = arith.constant 0 : i32
        %dma_start3A_442 = arith.constant 0 : i32
        %dma_start3A_443 = tpu.memref_slice %arg5[%add3A_435, %dma_start3A_441, %dma_start3A_442] : memref<2400x16x256xf32, #tpu.memory_space<hbm>> -> memref<1x16x256xf32, #tpu.memory_space<hbm>>
        %dma_start3A_444 = tpu.memref_squeeze %dma_start3A_443 : memref<1x16x256xf32, #tpu.memory_space<hbm>> -> memref<16x256xf32, #tpu.memory_space<hbm>>
        tpu.enqueue_dma source(%arg10 : memref<16x256xf32, #tpu.memory_space<vmem>>) target(%dma_start3A_444 : memref<16x256xf32, #tpu.memory_space<hbm>>) target_semaphore(%run_scoped3A : memref<!tpu.dma_semaphore, #tpu.memory_space<semaphore_mem>>)
        %dma_wait3A_445 = arith.constant 0 : i32
        %dma_wait3A_446 = arith.constant 0 : i32
        %dma_wait3A_447 = tpu.memref_slice %arg5[%add3A_435, %dma_wait3A_445, %dma_wait3A_446] : memref<2400x16x256xf32, #tpu.memory_space<hbm>> -> memref<1x16x256xf32, #tpu.memory_space<hbm>>
        %dma_wait3A_448 = tpu.memref_squeeze %dma_wait3A_447 : memref<1x16x256xf32, #tpu.memory_space<hbm>> -> memref<16x256xf32, #tpu.memory_space<hbm>>
        %dma_wait3A_449 = arith.constant 0 : i32
        %dma_wait3A_450 = arith.constant 0 : i32
        %dma_wait3A_451 = tpu.memref_slice %arg5[%add3A_435, %dma_wait3A_449, %dma_wait3A_450] : memref<2400x16x256xf32, #tpu.memory_space<hbm>> -> memref<1x16x256xf32, #tpu.memory_space<hbm>>
        %dma_wait3A_452 = tpu.memref_squeeze %dma_wait3A_451 : memref<1x16x256xf32, #tpu.memory_space<hbm>> -> memref<16x256xf32, #tpu.memory_space<hbm>>
        tpu.wait_dma2 semaphore(%run_scoped3A : memref<!tpu.dma_semaphore, #tpu.memory_space<semaphore_mem>>) src(%arg10 : memref<16x256xf32, #tpu.memory_space<vmem>>) dst(%dma_wait3A_452 : memref<16x256xf32, #tpu.memory_space<hbm>>)
        tpu.yield
      }) : () -> ()
      %scan3A_436 = arith.constant 0 : i32
      scf.yield %scan3A_436 : i32
    }
    %scan3A_16 = arith.constant 75 : i32
    return
  }
}

</mosaic_0001>

<sc_bundles>
// kernel: _roisample_sc.3.cloned.1.call-start
scs
__scs_entry_jumppad:
0x0: {  	(pc) =	sbr.rel $0x88, $3  }
0x1: {  	(tag) =	ssettag $0x0;
	lr =	simm.s32 $0x1  }
0x2: {  	[smem:$0x3F9E] =	sst lr;
	_ =	strace $0xD0000000  }
0x3: {  	_ = 	snop  }
0x4: {  	_ = 	snop  }
0x5: {  	_ = 	snop  }
0x6: {  	_ = 	snop  }
0x7: {  	_ = 	snop  }
__scs_overlays_trampoline_lowered:
0x8: {  	[smem:$0x3FAD] =	sst s0  }
0x9: {  	[smem:$0x3FAE] =	sst s1  }
0xa: {  	[smem:$0x3FAF] =	sst s2  }
0xb: {  	[smem:$0x3FB0] =	sst s3  }
0xc: {  	[smem:$0x3FB1] =	sst s4  }
0xd: {  	[smem:$0x3FB2] =	sst s5  }
0xe: {  	[smem:$0x3FB3] =	sst s6  }
0xf: {  	[smem:$0x3FB4] =	sst s7  }
0x10: {  	[smem:$0x3FB5] =	sst s8  }
0x11: {  	[smem:$0x3FB6] =	sst s9;
	s0 =	simm.s32 @!p0 $0x0  }
0x12: {  	s1 =	sld [smem:$0x3F9C];
	s0 =	simm.s32 @p0 $0x1  }
0x13: {  	[smem:$0x3FB7] =	sst s0;
	s0 =	simm.s32 @!p1 $0x0  }
0x14: {  	s2 =	sld [smem:$0x3F9B];
	s0 =	simm.s32 @p1 $0x1  }
0x15: {  	[smem:$0x3FB8] =	sst s0;
	s0 =	simm.s32 @!p2 $0x0  }
0x16: {  	s3 =	sld [smem:$0x3FDB];
	s0 =	simm.s32 @p2 $0x1  }
0x17: {  	s4 =	simm.s32 $0x1BF5;
	[smem:$0x3FBA] =	sst s0  }
0x18: {  	s0 =	sld [smem:$0x3F9D];
	_ =	swait.ge [sflag:s4], $0x0  }
0x19: {  	s7 =	sld [smem:$0x3F9E]  }
0x1a: {  	s8 =	sadd.s32 $0xFFFFE003, lr  }
0x1b: {  	s9 =	sadd.s32 $0xFFFFFEF7, lr;
	s5 =	simm.s32 $0xFFFFFFFF;
	p2 =	slt.u32 s8, $0xFFFFF086  }
0x1c: {  	p1 =	slt.u32 s9, $0xF7A;
	s5 =	simm.s32 @!p2 $0x0  }
0x1d: {  	s5 =	simm.s32 @p1 $0x1;
	p0 =	seq.s32 s7, s2  }
0x1e: {  	s7 =	smul.u32 @!p0 $0xF7A, s2;
	p2 =	seq.s32 @!p0 s5, $0x0  }
0x1f: {  	s9 =	smul.u32 $0xF7A, s1;
	s8 =	simm.s32 @!p0 $0x1BF5;
	p2 =	por !p2, p0  }
0x20: {  	[sflag:s8] =	ssyncset.s32 @!p0 $0xFFFFF086;
	s6 =	sadd.s32 @!p0 s3, s7;
	s7 =	simm.s32 @!p0 $0x108  }
0x21: {  	s3 =	sadd.s32 s3, s9;
	s6 =	sadd.s32 @!p0 $0x88, s6;
	s7 =	simm.s32 @p2 $0x1082  }
0x22: {  	[simem:s7], [sflag:s8] =	dma.local @!p0 [hbm:s6], $0xF7A  }
0x23: {  	s9 =	sor.u32 $0xD0000000, s2;
	s6 =	simm.s32 $0x108;
	_ =	swait.ge @!p0 [sflag:s8], $0x0  }
0x24: {  	s3 =	sadd.s32 $0x88, s3;
	s6 =	simm.s32 @!p1 $0x1082;
	[sflag:s4] =	ssyncset.s32 $0xFFFFF086  }
0x25: {  	[simem:s6], [sflag:s4] =	dma.local [hbm:s3], $0xF7A  }
0x26: {  	[smem:$0x3F9E] =	sst s1;
	(tag) =	ssettag s2;
	_ =	strace s9  }
0x27: {  	s1 =	sld [smem:$0x3FAE]  }
0x28: {  	s2 =	sld [smem:$0x3FAF]  }
0x29: {  	s4 =	sld [smem:$0x3FB1]  }
0x2a: {  	p0 =	seq.s32 s5, $0x0;
	s5 =	sld [smem:$0x3FB2]  }
0x2b: {  	s6 =	sld [smem:$0x3FB3]  }
0x2c: {  	s7 =	sld [smem:$0x3FB4]  }
0x2d: {  	s3 =	simm.s32 $0x108;
	s8 =	sld [smem:$0x3FB5]  }
0x2e: {  	s3 =	simm.s32 @!p0 $0x1082;
	s9 =	sld [smem:$0x3FB6]  }
0x2f: {  	lr =	sadd.s32 s0, s3;
	s0 =	sld [smem:$0x3FAD]  }
0x30: {  	s3 =	sld [smem:$0x3FB0]  }
0x31: {  	[smem:$0x3FB9] =	sst s10  }
0x32: {  	s10 =	sld [smem:$0x3FB7];
	_ =	sdelay $0x3  }
0x33: {  	p0 =	seq.s32 s10, $0x1;
	s10 =	sld [smem:$0x3FB9];
	_ =	sdelay $0x3  }
0x34: {  	[smem:$0x3FB9] =	sst s10  }
0x35: {  	s10 =	sld [smem:$0x3FB8];
	_ =	sdelay $0x3  }
0x36: {  	p1 =	seq.s32 s10, $0x1;
	s10 =	sld [smem:$0x3FB9];
	_ =	sdelay $0x3  }
0x37: {  	[smem:$0x3FB9] =	sst s10  }
0x38: {  	s10 =	sld [smem:$0x3FBA]  }
0x39: {  	_ = 	snop;
	(pc) =	sbr.ind lr, $3  }
0x3a: {  	_ = 	snop  }
0x3b: {  	_ = 	snop  }
0x3c: {  	p2 =	seq.s32 s10, $0x1;
	s10 =	sld [smem:$0x3FB9]  }
0x3d: {  	_ =	shalt  }
0x3e: {  	_ =	shalt  }
0x3f: {  	_ =	shalt  }
0x40: {  	_ =	shalt  }
0x41: {  	_ =	shalt  }
0x42: {  	_ =	shalt  }
0x43: {  	_ =	shalt  }
0x44: {  	_ =	shalt  }
0x45: {  	_ =	shalt  }
0x46: {  	_ =	shalt  }
0x47: {  	_ =	shalt  }
0x48: {  	_ =	shalt  }
0x49: {  	_ =	shalt  }
0x4a: {  	_ =	shalt  }
0x4b: {  	_ =	shalt  }
0x4c: {  	_ =	shalt  }
0x4d: {  	_ =	shalt  }
0x4e: {  	_ =	shalt  }
0x4f: {  	_ =	shalt  }
0x50: {  	_ =	shalt  }
0x51: {  	_ =	shalt  }
0x52: {  	_ =	shalt  }
0x53: {  	_ =	shalt  }
0x54: {  	_ =	shalt  }
0x55: {  	_ =	shalt  }
0x56: {  	_ =	shalt  }
0x57: {  	_ =	shalt  }
0x58: {  	_ =	shalt  }
0x59: {  	_ =	shalt  }
0x5a: {  	_ =	shalt  }
0x5b: {  	_ =	shalt  }
0x5c: {  	_ =	shalt  }
0x5d: {  	_ =	shalt  }
0x5e: {  	_ =	shalt  }
0x5f: {  	_ =	shalt  }
0x60: {  	_ =	shalt  }
0x61: {  	_ =	shalt  }
0x62: {  	_ =	shalt  }
0x63: {  	_ =	shalt  }
0x64: {  	_ =	shalt  }
0x65: {  	_ =	shalt  }
0x66: {  	_ =	shalt  }
0x67: {  	_ =	shalt  }
0x68: {  	_ =	shalt  }
0x69: {  	_ =	shalt  }
0x6a: {  	_ =	shalt  }
0x6b: {  	_ =	shalt  }
0x6c: {  	_ =	shalt  }
0x6d: {  	_ =	shalt  }
0x6e: {  	_ =	shalt  }
0x6f: {  	_ =	shalt  }
0x70: {  	_ =	shalt  }
0x71: {  	_ =	shalt  }
0x72: {  	_ =	shalt  }
0x73: {  	_ =	shalt  }
0x74: {  	_ =	shalt  }
0x75: {  	_ =	shalt  }
0x76: {  	_ =	shalt  }
0x77: {  	_ =	shalt  }
0x78: {  	_ =	shalt  }
0x79: {  	_ =	shalt  }
0x7a: {  	_ =	shalt  }
0x7b: {  	_ =	shalt  }
0x7c: {  	_ =	shalt  }
0x7d: {  	_ =	shalt  }
0x7e: {  	_ =	shalt  }
0x7f: {  	_ =	shalt  }
0x80: {  	_ =	shalt  }
0x81: {  	_ =	shalt  }
0x82: {  	_ =	shalt  }
0x83: {  	_ =	shalt  }
0x84: {  	_ =	shalt  }
0x85: {  	_ =	shalt  }
0x86: {  	_ =	shalt  }
0x87: {  	_ =	shalt  }
.Lfunc_end0:
.L_simem_size_0:
called_computation_lowered:
.L_overlay_start_0:
0x88: {  	s2 =	sld [smem:$0x3FD9]  }
0x89: {  	s3 =	sld [smem:$0x3FFE];
	_ =	sdelay $0x1  }
0x8a: {  	s1 =	srdreg.scid  }
0x8b: {  	s0 =	sand.u32 $0x1, s1  }
0x8c: {  	s17 =	sshll.u32 s0, $0xA;
	s2 =	sadd.s32 s3, s2  }
0x8d: {  	s2 =	sadd.s32 s2, s17  }
0x8e: {  	[smem:$0x3FC5] =	sst s2  }
0x8f: {  	_ = 	snop  }
0x90: {  	s2 =	sld [smem:$0x3FC9]  }
0x91: {  	s18 =	sld [smem:$0x3FC7]  }
0x92: {  	s4 =	sld [smem:$0x3FD0];
	(tm) =	ssettm $0x1  }
0x93: {  	s5 =	sld [smem:$0x3FFB];
	_ =	sdelay $0x3  }
0x94: {  	_ =	strace s5  }
0x95: {  	s5 =	sld [smem:$0x3FFC];
	_ =	sdelay $0x3  }
0x96: {  	_ =	strace s5  }
0x97: {  	s5 =	sld [smem:$0x3FFD];
	_ =	sdelay $0x3  }
0x98: {  	_ =	strace s5  }
0x99: {  	_ =	strace $0x8FFFFFFF  }
0x9a: {  	s19 =	sld [smem:$0x3FDB];
	_ =	sdelay $0x1  }
0x9b: {  	s6 =	simm.s32 $_scs_section_size  }
0x9c: {  	s7 =	simm.s32 $_size__tile_overlayer_lowered;
	s8 =	simm.s32 $_tile_overlayer_lowered  }
0x9d: {  	s22 =	simm.s32 $0x1BFF;
	s21 =	sshll.u32 s8, $0x1;
	s5 =	sadd.s32 s6, s19  }
0x9e: {  	s9 =	simm.s32 $0x0;
	s20 =	sshll.u32 s7, $0x1;
	s7 =	sadd.s32 s21, s5  }
0x9f: {  	[timem:s9], [sflag:s22] =	dma.local [hbm:s7], s20  }
0xa0: {  	_ =	swait.ge [sflag:s22], s20  }
0xa1: {  	s6 =	ssub.s32 $0x0, s20;
	[sflag:s22] =	ssyncset.done $0x0  }
0xa2: {  	[sflag:s22] =	ssyncadd.s32 s6;
	_ =	sdelay $0x1  }
0xa3: {  	s23 =	simm.s32 $0x1B8B  }
0xa4: {  	_ =	swait.ge [sflag:s23], $0x1  }
0xa5: {  	[sflag:s23] =	ssyncset.done $0x0  }
0xa6: {  	s25 =	simm.s32 $0x1B8E;
	s24 =	sld [smem:$0x3FFE];
	[sflag:s23] =	ssyncadd.s32 $0xFFFFFFFF  }
0xa7: {  	s26 =	simm.s32 $execute0_lowered;
	[smem:$0x3FD2] =	sst s25  }
0xa8: {  	s7 =	sshll.u32 s26, $0x1;
	_ =	strace $0x80000046;
	[dreg:$0x1] =	wrdreg $0xFFFFFFFF  }
0xa9: {  	s28 =	simm.s32 $_size_execute0_lowered;
	s5 =	sadd.s32 s5, s7;
	[dreg:$0x0] =	wrdreg $0x0  }
0xaa: {  	s7 =	sshll.u32 s28, $0x1;
	[dreg:$0x2] =	wrdreg s5  }
0xab: {  	[dreg:$0x3] =	wrdreg s7  }
0xac: {  	[dreg:$0x4] =	wrdreg $0xC0  }
0xad: {  	_ =	task [dreg:s9], $0x5FFFF  }
0xae: {  	[dreg:$0x1] =	wrdreg $0xFFFFFFFF  }
0xaf: {  	[dreg:$0x0] =	wrdreg $0x60  }
0xb0: {  	[dreg:$0x2] =	wrdreg s2  }
0xb1: {  	[dreg:$0x3] =	wrdreg s24  }
0xb2: {  	[dreg:$0x4] =	wrdreg s18  }
0xb3: {  	[dreg:$0x5] =	wrdreg s4  }
0xb4: {  	[dreg:$0x6] =	wrdreg $0x9  }
0xb5: {  	_ =	task.clear_ibuf [dreg:s9], $0x7FFFF;
	_ =	strace $0x90000046  }
0xb6: {  	s29 =	simm.s32 $0x9;
	_ =	strace $0x80000048  }
0xb7: {  	_ =	swait.ge [sflag:s29], $0x1  }
0xb8: {  	[sflag:s29] =	ssyncadd.s32 $0xFFFFFFFF  }
0xb9: {  	_ =	strace $0x90000048  }
0xba: {  	_ =	sfence  }
0xbb: {  	s30 =	sld [smem:$0x0];
	_ =	sdelay $0x2  }
0xbc: {  	s31 =	sshll.u32 s1, $0xD;
	s1 =	sshrl.u32 s1, $0x2  }
0xbd: {  	s3 =	sand.u32 $0x4000, s31;
	s1 =	sadd.s32 s1, s30  }
0xbe: {  	s0 =	sor.u32 s3, s0;
	s1 =	sshll.u32 s1, $0x11  }
0xbf: {  	s0 =	sor.u32 s1, s0  }
0xc0: {  	s0 =	sadd.s32 $0x8F2B, s0  }
0xc1: {  	[sflag:s0] =	ssyncadd.remote.s32 $0x1  }
0xc2: {  	_ =	sfence.sel $0xFFFF  }
0xc3: {  	[dreg:$0x0] =	wrdreg $0xFFFFFFFF;
	(pc) =	sbr.abs _section_cstart, $3  }
0xc4: {  	[dreg:$0x1] =	wrdreg $0xFFFFFFFF  }
0xc5: {  	_ =	task.clear_ibuf [dreg:s9], $0x2FFFF;
	_ =	strace $0x9FFFFFFF  }
0xc6: {  	(tm) =	ssettm $0x7FFFFFFF  }
0xc7: {  	_ =	shalt  }
tec
execute0_lowered:
.L_overlay_start_1:
0x0: {  	(tag) =	ssettag $0x1  }
0x1: {  	v0 =	vimm.f32 $3.750000000e+00;
	vm0 =	vcmask $0x300  }
0x2: {  	v0 =	vsel vm0, $0x3E800000, v0;
	vm0 =	vcmask $0x704  }
0x3: {  	v0 =	vsel vm0, $0x3F400000, v0;
	vm0 =	vcmask $0xB08  }
0x4: {  	v0 =	vsel vm0, $0x3FA00000, v0;
	vm0 =	vcmask $0xF0C  }
0x5: {  	s1 =	rddreg [dreg:$0x0];
	v0 =	vsel vm0, $0x3FE00000, v0;
	vm0 =	vcmask $0x1310  }
0x6: {  	s0 =	rddreg [dreg:$0x1];
	s2 =	srdreg.scid;
	v0 =	vsel vm0, $0x40100000, v0;
	vm0 =	vcmask $0x1714  }
0x7: {  	s3 =	stileid.u32;
	s5 =	simm.s32 $0x0;
	s9 =	simm.s32 $0x3;
	v0 =	vsel vm0, $0x40300000, v0;
	vm0 =	vcmask $0x1B18  }
0x8: {  	s10 =	simm.s32 $0xF100;
	s7 =	simm.s32 $0xF900;
	s8 =	simm.s32 $0x10100;
	v0 =	vsel vm0, $0x40500000, v0;
	vm0 =	vcmask $0x2320  }
0x9: {  	s11 =	simm.s32 $0x11100;
	s12 =	simm.s32 $0x11900;
	s13 =	simm.s32 $0x12100;
	v0 =	vsel vm0, $0x3E800000, v0;
	vm0 =	vcmask $0x2724  }
0xa: {  	v62 =	vlaneseq.u32;
	s14 =	simm.s32 $0x12900;
	s15 =	simm.s32 $0x13100;
	s16 =	simm.s32 $0x1;
	v0 =	vsel vm0, $0x3F400000, v0;
	vm0 =	vcmask $0x2B28  }
0xb: {  	s17 =	simm.s32 $0x2;
	s2 =	sand.u32 $0x1, s2;
	s3 =	sshll.u32 s3, $0x1;
	v1 =	vand.u32 $0x7, v62;
	v0 =	vsel vm0, $0x3FA00000, v0;
	vm0 =	vcmask $0x2F2C  }
0xc: {  	[smem:$0x7FF] =	sst s5;
	v63 =	vshrl.u32 v62, $0x3;
	s3 =	sor.u32 s2, s3;
	s2 =	ssub.s32 $0x2, s2;
	v0 =	vsel vm0, $0x3FE00000, v0;
	vm0 =	vcmask $0x3330  }
0xd: {  	_ =	strace $0x80000047;
	[tilespmem:$0x1FFD0] =	vst v1;
	v1 =	vmul.u32 $0x8, v63;
	s4 =	smul.u32 $0x500, s3;
	s30 =	sshrl.u32 s2, $0x1;
	v0 =	vsel vm0, $0x40100000, v0;
	vm0 =	vcmask $0x3734  }
0xe: {  	s18 =	simm.s32 $0x13900;
	s19 =	simm.s32 $0x0;
	s2 =	ssub.s32 s2, s30;
	v0 =	vsel vm0, $0x40300000, v0;
	vm0 =	vcmask $0x3B38  }
0xf: {  	s6 =	smul.u32 $0x4B, s3;
	[tilespmem:$0x1FFE0] =	vst v1;
	s0 =	sadd.s32 s4, s0;
	s31 =	smax.u32 s2, $0x1;
	v0 =	vsel vm0, $0x40500000, v0  }
0x10: {  	s3 =	simm.s32 $0xE900;
	s0 =	sadd.s32 $0x400, s0;
	[dreg:$0x6] =	wrdreg s31;
	[tilespmem:$0x1FFC0] =	vst v0;
	v0 =	vor.u32 $0x8, v62  }
0x11: {  	vm1 =	vmmov $0xffff;
	s4 =	simm.s32 $0x10900;
	[dreg:$0x5] =	wrdreg s0;
	s0 =	simm.s32 $0xE100;
	vm0 =	vmmov $0xff;
	[tilespmem:$0x1FFF0] =	vst v0  }
.LBB2_1:
0x12: {  	[dreg:$0x7] =	wrdreg s19  }
0x13: {  	s2 =	rddreg [dreg:$0x5]  }
0x14: {  	[tilespmem:s5], [sflag:$0x3] =	stream.linear.gather [hbm4b:s2+s5], $0x2580, $0x38;
	[tilespmem:$0x14900] =	vst v63  }
0x15: {  	_ =	swait.ge [sflag:s9], $0x2580  }
0x16: {  	[sflag:s9] =	ssyncset.done $0x0  }
0x17: {  	[sflag:s9] =	ssyncadd.s32 $0xFFFFDA80  }
0x18: {  	s31 =	simm.s32 $0x2800;
	s30 =	rddreg [dreg:$0x2]  }
0x19: {  	[tilespmem:s31], [sflag:$0x3] =	stream.linear.gather [hbm4b:s30+s5], $0x1000, $0x38;
	[tilespmem:$0x14900] =	vst v63  }
0x1a: {  	_ =	swait.ge [sflag:s9], $0x1000  }
0x1b: {  	[sflag:s9] =	ssyncset.done $0x0  }
0x1c: {  	s19 =	simm.s32 $0x0;
	[sflag:s9] =	ssyncadd.s32 $0xFFFFF000  }
.LBB2_2:
0x1d: {  	s20 =	sshll.u32 s19, $0x7  }
0x1e: {  	s20 =	sand.u32 $0x3FFFFF80, s20  }
0x1f: {  	v0 =	vld [tilespmem:s20+$0x0];
	_ =	sdelay $0x4  }
0x20: {  	(v2sf) =	vpush v0, $0x0  }
0x21: {  	(v2sf) =	vpush v0, $0x1  }
0x22: {  	(v2sf) =	vpush v0, $0x2;
	_ =	sdelay $0x1  }
0x23: {  	(v2sf) =	vpush v0, $0x3;
	_ =	sdelay $0xa  }
0x24: {  	s29 =	spop (v2sf)  }
0x25: {  	s21 =	spop (v2sf)  }
0x26: {  	s22 =	spop (v2sf)  }
0x27: {  	s22 =	smul.f32 $5.000000000e-01, s22  }
0x28: {  	s23 =	spop (v2sf)  }
0x29: {  	s23 =	smul.f32 $5.000000000e-01, s23;
	s24 =	ssub.f32 s21, s22  }
0x2a: {  	s21 =	sadd.f32 s22, s21  }
0x2b: {  	s30 =	ssub.f32 s29, s23  }
0x2c: {  	s20 =	sadd.f32 s23, s29  }
0x2d: {  	s31 =	smax.f32 s24, $0.0e+00;
	s21 =	smax.f32 s21, $0.0e+00  }
0x2e: {  	s23 =	smin.f32 s31, $1.000000000e+00;
	s21 =	smin.f32 s21, $1.000000000e+00  }
0x2f: {  	s22 =	smax.f32 s30, $0.0e+00;
	s23 =	smul.f32 $3.200000000e+01, s23  }
0x30: {  	s20 =	smax.f32 s20, $0.0e+00;
	s21 =	smul.f32 $3.200000000e+01, s21  }
0x31: {  	s22 =	smin.f32 s22, $1.000000000e+00;
	s20 =	smin.f32 s20, $1.000000000e+00  }
0x32: {  	v1 =	vld [tilespmem:$0x1FFC0];
	(v2sf) =	vpush v0, $0x4;
	s22 =	smul.f32 $3.200000000e+01, s22;
	s21 =	ssub.f32 s21, s23  }
0x33: {  	s20 =	smul.f32 $3.200000000e+01, s20  }
0x34: {  	s21 =	smax.f32 s21, $1.000000000e+00  }
0x35: {  	s20 =	ssub.f32 s20, s22;
	s21 =	smul.f32 $2.500000000e-01, s21  }
0x36: {  	_ = 	snop  }
0x37: {  	s20 =	smax.f32 s20, $1.000000000e+00;
	v39 =	vmul.f32 s21, v1  }
0x38: {  	s20 =	smul.f32 $2.500000000e-01, s20  }
0x39: {  	v0 =	vadd.f32 s23, v39  }
0x3a: {  	v2 =	vmul.f32 s20, v1  }
0x3b: {  	v40 =	vmax.f32 v0, $0.0e+00  }
0x3c: {  	v3 =	vadd.f32 s22, v2;
	v4 =	vtrunc.f32 v40  }
0x3d: {  	v41 =	vcvt.f32.s32 v4  }
0x3e: {  	v4 =	vmax.f32 v3, $0.0e+00  }
0x3f: {  	v5 =	vtrunc.f32 v4;
	v6 =	vadd.s32 $0x1, v41  }
0x40: {  	vm3 =	vlt.s32 v41, $0x1F;
	v5 =	vcvt.f32.s32 v5;
	vm2 =	vlt.s32 v6, $0x1F  }
0x41: {  	s2 =	spop (v2sf);
	v7 =	vnsel vm3, $0x1F, v41;
	v6 =	vnsel vm2, $0x1F, v6  }
0x42: {  	s20 =	scvt.f32.s32 s2;
	v6 =	vsel vm0, v7, v6;
	v7 =	vadd.s32 $0x1, v5  }
0x43: {  	vm3 =	vlt.s32 v5, $0x1F;
	v6 =	vshll.u32 v6, $0x5;
	vm2 =	vlt.s32 v7, $0x1F  }
0x44: {  	v8 =	vnsel vm3, $0x1F, v5;
	v6 =	vadd.s32 s20, v6;
	v7 =	vnsel vm2, $0x1F, v7  }
0x45: {  	v7 =	vsel vm0, v8, v7;
	v8 =	vbroadcast v6, $0x1  }
0x46: {  	v10 =	vbroadcast v6, $0x2  }
0x47: {  	v11 =	vbroadcast v6, $0x3;
	v8 =	vadd.s32 v7, v8  }
0x48: {  	[tilespmem:$0x3810] =	vst v8;
	v8 =	vadd.s32 v7, v10;
	v10 =	vbroadcast v6, $0x4  }
0x49: {  	[tilespmem:$0x3820] =	vst v8;
	v8 =	vadd.s32 v7, v11;
	v11 =	vbroadcast v6, $0x5  }
0x4a: {  	v12 =	vbroadcast v6, $0x7;
	[tilespmem:$0x3830] =	vst v8;
	v8 =	vadd.s32 v7, v10;
	v10 =	vbroadcast v6, $0x6  }
0x4b: {  	v13 =	vbroadcast v6, $0x9;
	[tilespmem:$0x3840] =	vst v8;
	v8 =	vadd.s32 v7, v11  }
0x4c: {  	v11 =	vbroadcast v6, $0x8;
	[tilespmem:$0x3850] =	vst v8;
	v8 =	vadd.s32 v7, v10;
	v10 =	vadd.s32 v7, v12  }
0x4d: {  	v9 =	vbroadcast v6, $0x0;
	[tilespmem:$0x3870] =	vst v10;
	v10 =	vbroadcast v6, $0xA  }
0x4e: {  	v14 =	vld [tilespmem:$0x1FFD0];
	[tilespmem:$0x3860] =	vst v8;
	v8 =	vadd.s32 v7, v11;
	v11 =	vadd.s32 v7, v13;
	v13 =	vbroadcast v6, $0xC  }
0x4f: {  	v15 =	vld [tilespmem:$0x1FFF0];
	v9 =	vadd.s32 v7, v9;
	v10 =	vadd.s32 v7, v10  }
0x50: {  	v12 =	vshll.u32 v9, $0x1;
	[tilespmem:$0x38A0] =	vst v10;
	v10 =	vadd.s32 v7, v13;
	v13 =	vld [tilespmem:$0x1FFE0]  }
0x51: {  	[tilespmem:$0x3800] =	vst v9;
	v9 =	vand.u32 $0x7, v9;
	v12 =	vand.u32 $0xFFFFFFF0, v12  }
0x52: {  	[tilespmem:$0x3880] =	vst v8;
	v8 =	vbroadcast v6, $0xB;
	v9 =	vor.u32 v9, v12  }
0x53: {  	[tilespmem:$0x3890] =	vst v11;
	v11 =	vperm.xlane v9, v14  }
0x54: {  	v12 =	vbroadcast v6, $0xD;
	v8 =	vadd.s32 v7, v8  }
0x55: {  	v9 =	vperm.xlane v9, v15;
	[tilespmem:$0x38B0] =	vst v8;
	v8 =	vbroadcast v6, $0xE;
	v11 =	vadd.s32 v13, v11  }
0x56: {  	[tilespmem:$0x38C0] =	vst v10;
	v10 =	vadd.s32 v7, v12;
	v6 =	vbroadcast v6, $0xF  }
0x57: {  	[tilespmem:$0x38D0] =	vst v10;
	v8 =	vadd.s32 v7, v8;
	v9 =	vadd.s32 v13, v9  }
0x58: {  	v6 =	vadd.s32 v7, v6;
	[tilespmem:$0x38E0] =	vst v8  }
0x59: {  	s2 =	simm.s32 $0x3900;
	s20 =	simm.s32 $0x0;
	[tilespmem:$0x38F0] =	vst v6  }
0x5a: {  	[tilespmem:s2], [sflag:$0x1] =	stream.indirect_vreg.gather [hbm4b:s1+s20], $0x80, v11, vm1, $0xb8;
	[tilespmem:$0x14900] =	vst v63  }
0x5b: {  	s21 =	simm.s32 $0x4100  }
0x5c: {  	[tilespmem:s21], [sflag:$0x1] =	stream.indirect_vreg.gather [hbm4b:s1+s20], $0x80, v9, vm1, $0xb8;
	[tilespmem:$0x14900] =	vst v63  }
0x5d: {  	v6 =	vld [tilespmem:$0x3810];
	_ =	sdelay $0x4  }
0x5e: {  	v7 =	vshll.u32 v6, $0x1  }
0x5f: {  	v6 =	vand.u32 $0x7, v6;
	v7 =	vand.u32 $0xFFFFFFF0, v7  }
0x60: {  	v6 =	vor.u32 v6, v7  }
0x61: {  	v7 =	vperm.xlane v6, v14;
	_ =	sdelay $0x1  }
0x62: {  	v6 =	vperm.xlane v6, v15;
	v7 =	vadd.s32 v13, v7;
	_ =	sdelay $0x1  }
0x63: {  	v6 =	vadd.s32 v13, v6;
	_ =	sdelay $0x1  }
0x64: {  	s22 =	simm.s32 $0x4900  }
0x65: {  	[tilespmem:s22], [sflag:$0x1] =	stream.indirect_vreg.gather [hbm4b:s1+s20], $0x80, v7, vm1, $0xb8;
	[tilespmem:$0x14900] =	vst v63  }
0x66: {  	s23 =	simm.s32 $0x5100  }
0x67: {  	[tilespmem:s23], [sflag:$0x1] =	stream.indirect_vreg.gather [hbm4b:s1+s20], $0x80, v6, vm1, $0xb8;
	[tilespmem:$0x14900] =	vst v63  }
0x68: {  	v6 =	vld [tilespmem:$0x3820];
	_ =	sdelay $0x4  }
0x69: {  	v7 =	vshll.u32 v6, $0x1  }
0x6a: {  	v6 =	vand.u32 $0x7, v6;
	v7 =	vand.u32 $0xFFFFFFF0, v7  }
0x6b: {  	v6 =	vor.u32 v6, v7  }
0x6c: {  	v7 =	vperm.xlane v6, v14;
	_ =	sdelay $0x1  }
0x6d: {  	v6 =	vperm.xlane v6, v15;
	v7 =	vadd.s32 v13, v7;
	_ =	sdelay $0x1  }
0x6e: {  	v6 =	vadd.s32 v13, v6;
	_ =	sdelay $0x1  }
0x6f: {  	s24 =	simm.s32 $0x5900  }
0x70: {  	[tilespmem:s24], [sflag:$0x1] =	stream.indirect_vreg.gather [hbm4b:s1+s20], $0x80, v7, vm1, $0xb8;
	[tilespmem:$0x14900] =	vst v63  }
0x71: {  	s25 =	simm.s32 $0x6100  }
0x72: {  	[tilespmem:s25], [sflag:$0x1] =	stream.indirect_vreg.gather [hbm4b:s1+s20], $0x80, v6, vm1, $0xb8;
	[tilespmem:$0x14900] =	vst v63  }
0x73: {  	v6 =	vld [tilespmem:$0x3830];
	_ =	sdelay $0x4  }
0x74: {  	v7 =	vshll.u32 v6, $0x1  }
0x75: {  	v6 =	vand.u32 $0x7, v6;
	v7 =	vand.u32 $0xFFFFFFF0, v7  }
0x76: {  	v6 =	vor.u32 v6, v7  }
0x77: {  	v7 =	vperm.xlane v6, v14;
	_ =	sdelay $0x1  }
0x78: {  	v6 =	vperm.xlane v6, v15;
	v7 =	vadd.s32 v13, v7;
	_ =	sdelay $0x1  }
0x79: {  	v6 =	vadd.s32 v13, v6;
	_ =	sdelay $0x1  }
0x7a: {  	s26 =	simm.s32 $0x6900  }
0x7b: {  	[tilespmem:s26], [sflag:$0x1] =	stream.indirect_vreg.gather [hbm4b:s1+s20], $0x80, v7, vm1, $0xb8;
	[tilespmem:$0x14900] =	vst v63  }
0x7c: {  	s28 =	simm.s32 $0x7100  }
0x7d: {  	[tilespmem:s28], [sflag:$0x1] =	stream.indirect_vreg.gather [hbm4b:s1+s20], $0x80, v6, vm1, $0xb8;
	[tilespmem:$0x14900] =	vst v63  }
0x7e: {  	v6 =	vld [tilespmem:$0x3840];
	_ =	sdelay $0x4  }
0x7f: {  	v7 =	vshll.u32 v6, $0x1  }
0x80: {  	v6 =	vand.u32 $0x7, v6;
	v7 =	vand.u32 $0xFFFFFFF0, v7  }
0x81: {  	v6 =	vor.u32 v6, v7  }
0x82: {  	v7 =	vperm.xlane v6, v14;
	_ =	sdelay $0x1  }
0x83: {  	v6 =	vperm.xlane v6, v15;
	v7 =	vadd.s32 v13, v7;
	_ =	sdelay $0x1  }
0x84: {  	v6 =	vadd.s32 v13, v6;
	_ =	sdelay $0x1  }
0x85: {  	s29 =	simm.s32 $0x7900  }
0x86: {  	[tilespmem:s29], [sflag:$0x1] =	stream.indirect_vreg.gather [hbm4b:s1+s20], $0x80, v7, vm1, $0xb8;
	[tilespmem:$0x14900] =	vst v63  }
0x87: {  	s30 =	simm.s32 $0x8100  }
0x88: {  	[tilespmem:s30], [sflag:$0x1] =	stream.indirect_vreg.gather [hbm4b:s1+s20], $0x80, v6, vm1, $0xb8;
	[tilespmem:$0x14900] =	vst v63  }
0x89: {  	v6 =	vld [tilespmem:$0x3850];
	_ =	sdelay $0x4  }
0x8a: {  	v7 =	vshll.u32 v6, $0x1  }
0x8b: {  	v6 =	vand.u32 $0x7, v6;
	v7 =	vand.u32 $0xFFFFFFF0, v7  }
0x8c: {  	v6 =	vor.u32 v6, v7  }
0x8d: {  	v7 =	vperm.xlane v6, v14;
	_ =	sdelay $0x1  }
0x8e: {  	v6 =	vperm.xlane v6, v15;
	v7 =	vadd.s32 v13, v7;
	_ =	sdelay $0x1  }
0x8f: {  	v6 =	vadd.s32 v13, v6;
	_ =	sdelay $0x1  }
0x90: {  	s31 =	simm.s32 $0x8900  }
0x91: {  	[tilespmem:s31], [sflag:$0x1] =	stream.indirect_vreg.gather [hbm4b:s1+s20], $0x80, v7, vm1, $0xb8;
	[tilespmem:$0x14900] =	vst v63  }
0x92: {  	s21 =	simm.s32 $0x9100  }
0x93: {  	[tilespmem:s21], [sflag:$0x1] =	stream.indirect_vreg.gather [hbm4b:s1+s20], $0x80, v6, vm1, $0xb8;
	[tilespmem:$0x14900] =	vst v63  }
0x94: {  	v6 =	vld [tilespmem:$0x3860];
	_ =	sdelay $0x4  }
0x95: {  	v7 =	vshll.u32 v6, $0x1  }
0x96: {  	v6 =	vand.u32 $0x7, v6;
	v7 =	vand.u32 $0xFFFFFFF0, v7  }
0x97: {  	v6 =	vor.u32 v6, v7  }
0x98: {  	v7 =	vperm.xlane v6, v14;
	_ =	sdelay $0x1  }
0x99: {  	v6 =	vperm.xlane v6, v15;
	v7 =	vadd.s32 v13, v7;
	_ =	sdelay $0x1  }
0x9a: {  	v6 =	vadd.s32 v13, v6;
	_ =	sdelay $0x1  }
0x9b: {  	s22 =	simm.s32 $0x9900  }
0x9c: {  	[tilespmem:s22], [sflag:$0x1] =	stream.indirect_vreg.gather [hbm4b:s1+s20], $0x80, v7, vm1, $0xb8;
	[tilespmem:$0x14900] =	vst v63  }
0x9d: {  	s23 =	simm.s32 $0xA100  }
0x9e: {  	[tilespmem:s23], [sflag:$0x1] =	stream.indirect_vreg.gather [hbm4b:s1+s20], $0x80, v6, vm1, $0xb8;
	[tilespmem:$0x14900] =	vst v63  }
0x9f: {  	v6 =	vld [tilespmem:$0x3870];
	_ =	sdelay $0x4  }
0xa0: {  	v7 =	vshll.u32 v6, $0x1  }
0xa1: {  	v6 =	vand.u32 $0x7, v6;
	v7 =	vand.u32 $0xFFFFFFF0, v7  }
0xa2: {  	v6 =	vor.u32 v6, v7  }
0xa3: {  	v7 =	vperm.xlane v6, v14;
	_ =	sdelay $0x1  }
0xa4: {  	v6 =	vperm.xlane v6, v15;
	v7 =	vadd.s32 v13, v7;
	_ =	sdelay $0x1  }
0xa5: {  	v6 =	vadd.s32 v13, v6;
	_ =	sdelay $0x1  }
0xa6: {  	s24 =	simm.s32 $0xA900  }
0xa7: {  	[tilespmem:s24], [sflag:$0x1] =	stream.indirect_vreg.gather [hbm4b:s1+s20], $0x80, v7, vm1, $0xb8;
	[tilespmem:$0x14900] =	vst v63  }
0xa8: {  	s25 =	simm.s32 $0xB100  }
0xa9: {  	[tilespmem:s25], [sflag:$0x1] =	stream.indirect_vreg.gather [hbm4b:s1+s20], $0x80, v6, vm1, $0xb8;
	[tilespmem:$0x14900] =	vst v63  }
0xaa: {  	v6 =	vld [tilespmem:$0x3880];
	_ =	sdelay $0x4  }
0xab: {  	v7 =	vshll.u32 v6, $0x1  }
0xac: {  	v6 =	vand.u32 $0x7, v6;
	v7 =	vand.u32 $0xFFFFFFF0, v7  }
0xad: {  	v6 =	vor.u32 v6, v7  }
0xae: {  	v7 =	vperm.xlane v6, v14;
	_ =	sdelay $0x1  }
0xaf: {  	v6 =	vperm.xlane v6, v15;
	v7 =	vadd.s32 v13, v7;
	_ =	sdelay $0x1  }
0xb0: {  	v6 =	vadd.s32 v13, v6;
	_ =	sdelay $0x1  }
0xb1: {  	s26 =	simm.s32 $0xB900  }
0xb2: {  	[tilespmem:s26], [sflag:$0x2] =	stream.indirect_vreg.gather [hbm4b:s1+s20], $0x80, v7, vm1, $0xb8;
	[tilespmem:$0x14900] =	vst v63  }
0xb3: {  	s28 =	simm.s32 $0xC100  }
0xb4: {  	[tilespmem:s28], [sflag:$0x2] =	stream.indirect_vreg.gather [hbm4b:s1+s20], $0x80, v6, vm1, $0xb8;
	[tilespmem:$0x14900] =	vst v63  }
0xb5: {  	v6 =	vld [tilespmem:$0x3890];
	_ =	sdelay $0x4  }
0xb6: {  	v7 =	vshll.u32 v6, $0x1  }
0xb7: {  	v6 =	vand.u32 $0x7, v6;
	v7 =	vand.u32 $0xFFFFFFF0, v7  }
0xb8: {  	v6 =	vor.u32 v6, v7  }
0xb9: {  	v7 =	vperm.xlane v6, v14;
	_ =	sdelay $0x1  }
0xba: {  	v6 =	vperm.xlane v6, v15;
	v7 =	vadd.s32 v13, v7;
	_ =	sdelay $0x1  }
0xbb: {  	v6 =	vadd.s32 v13, v6;
	_ =	sdelay $0x1  }
0xbc: {  	s29 =	simm.s32 $0xC900  }
0xbd: {  	[tilespmem:s29], [sflag:$0x2] =	stream.indirect_vreg.gather [hbm4b:s1+s20], $0x80, v7, vm1, $0xb8;
	[tilespmem:$0x14900] =	vst v63  }
0xbe: {  	s30 =	simm.s32 $0xD100  }
0xbf: {  	[tilespmem:s30], [sflag:$0x2] =	stream.indirect_vreg.gather [hbm4b:s1+s20], $0x80, v6, vm1, $0xb8;
	[tilespmem:$0x14900] =	vst v63  }
0xc0: {  	v6 =	vld [tilespmem:$0x38A0];
	_ =	sdelay $0x4  }
0xc1: {  	v7 =	vshll.u32 v6, $0x1  }
0xc2: {  	v6 =	vand.u32 $0x7, v6;
	v7 =	vand.u32 $0xFFFFFFF0, v7  }
0xc3: {  	v6 =	vor.u32 v6, v7  }
0xc4: {  	v7 =	vperm.xlane v6, v14;
	_ =	sdelay $0x1  }
0xc5: {  	v6 =	vperm.xlane v6, v15;
	v7 =	vadd.s32 v13, v7;
	_ =	sdelay $0x1  }
0xc6: {  	v6 =	vadd.s32 v13, v6;
	_ =	sdelay $0x1  }
0xc7: {  	s31 =	simm.s32 $0xD900  }
0xc8: {  	[tilespmem:s31], [sflag:$0x2] =	stream.indirect_vreg.gather [hbm4b:s1+s20], $0x80, v7, vm1, $0xb8;
	[tilespmem:$0x14900] =	vst v63  }
0xc9: {  	_ = 	snop  }
0xca: {  	[tilespmem:s0], [sflag:$0x2] =	stream.indirect_vreg.gather [hbm4b:s1+s20], $0x80, v6, vm1, $0xb8;
	[tilespmem:$0x14900] =	vst v63  }
0xcb: {  	v6 =	vld [tilespmem:$0x38B0];
	_ =	sdelay $0x4  }
0xcc: {  	v7 =	vshll.u32 v6, $0x1  }
0xcd: {  	v6 =	vand.u32 $0x7, v6;
	v7 =	vand.u32 $0xFFFFFFF0, v7  }
0xce: {  	v6 =	vor.u32 v6, v7  }
0xcf: {  	v7 =	vperm.xlane v6, v14;
	_ =	sdelay $0x1  }
0xd0: {  	v6 =	vperm.xlane v6, v15;
	v7 =	vadd.s32 v13, v7;
	_ =	sdelay $0x1  }
0xd1: {  	v6 =	vadd.s32 v13, v6;
	_ =	sdelay $0x2  }
0xd2: {  	[tilespmem:s3], [sflag:$0x2] =	stream.indirect_vreg.gather [hbm4b:s1+s20], $0x80, v7, vm1, $0xb8;
	[tilespmem:$0x14900] =	vst v63  }
0xd3: {  	_ = 	snop  }
0xd4: {  	[tilespmem:s10], [sflag:$0x2] =	stream.indirect_vreg.gather [hbm4b:s1+s20], $0x80, v6, vm1, $0xb8;
	[tilespmem:$0x14900] =	vst v63  }
0xd5: {  	v6 =	vld [tilespmem:$0x38C0];
	_ =	sdelay $0x4  }
0xd6: {  	v7 =	vshll.u32 v6, $0x1  }
0xd7: {  	v6 =	vand.u32 $0x7, v6;
	v7 =	vand.u32 $0xFFFFFFF0, v7  }
0xd8: {  	v6 =	vor.u32 v6, v7  }
0xd9: {  	v7 =	vperm.xlane v6, v14;
	_ =	sdelay $0x1  }
0xda: {  	v6 =	vperm.xlane v6, v15;
	v7 =	vadd.s32 v13, v7;
	_ =	sdelay $0x1  }
0xdb: {  	v6 =	vadd.s32 v13, v6;
	_ =	sdelay $0x2  }
0xdc: {  	[tilespmem:s7], [sflag:$0x2] =	stream.indirect_vreg.gather [hbm4b:s1+s20], $0x80, v7, vm1, $0xb8;
	[tilespmem:$0x14900] =	vst v63  }
0xdd: {  	_ = 	snop  }
0xde: {  	[tilespmem:s8], [sflag:$0x2] =	stream.indirect_vreg.gather [hbm4b:s1+s20], $0x80, v6, vm1, $0xb8;
	[tilespmem:$0x14900] =	vst v63  }
0xdf: {  	v6 =	vld [tilespmem:$0x38D0];
	_ =	sdelay $0x4  }
0xe0: {  	v7 =	vshll.u32 v6, $0x1  }
0xe1: {  	v6 =	vand.u32 $0x7, v6;
	v7 =	vand.u32 $0xFFFFFFF0, v7  }
0xe2: {  	v6 =	vor.u32 v6, v7  }
0xe3: {  	v7 =	vperm.xlane v6, v14;
	_ =	sdelay $0x1  }
0xe4: {  	v6 =	vperm.xlane v6, v15;
	v7 =	vadd.s32 v13, v7;
	_ =	sdelay $0x1  }
0xe5: {  	v6 =	vadd.s32 v13, v6;
	_ =	sdelay $0x2  }
0xe6: {  	[tilespmem:s4], [sflag:$0x2] =	stream.indirect_vreg.gather [hbm4b:s1+s20], $0x80, v7, vm1, $0xb8;
	[tilespmem:$0x14900] =	vst v63  }
0xe7: {  	_ = 	snop  }
0xe8: {  	[tilespmem:s11], [sflag:$0x2] =	stream.indirect_vreg.gather [hbm4b:s1+s20], $0x80, v6, vm1, $0xb8;
	[tilespmem:$0x14900] =	vst v63  }
0xe9: {  	v6 =	vld [tilespmem:$0x38E0];
	_ =	sdelay $0x4  }
0xea: {  	v7 =	vshll.u32 v6, $0x1  }
0xeb: {  	v6 =	vand.u32 $0x7, v6;
	v7 =	vand.u32 $0xFFFFFFF0, v7  }
0xec: {  	v6 =	vor.u32 v6, v7  }
0xed: {  	v7 =	vperm.xlane v6, v14;
	_ =	sdelay $0x1  }
0xee: {  	v6 =	vperm.xlane v6, v15;
	v7 =	vadd.s32 v13, v7;
	_ =	sdelay $0x1  }
0xef: {  	v6 =	vadd.s32 v13, v6;
	_ =	sdelay $0x1  }
0xf0: {  	v8 =	vcvt.s32.f32 v5  }
0xf1: {  	[tilespmem:s12], [sflag:$0x2] =	stream.indirect_vreg.gather [hbm4b:s1+s20], $0x80, v7, vm1, $0xb8;
	[tilespmem:$0x14900] =	vst v63  }
0xf2: {  	v4 =	vsub.f32 v4, v8  }
0xf3: {  	v42 =	vcvt.s32.f32 v41;
	vm3 =	vgt.s32 v5, $0x1E;
	[tilespmem:s13], [sflag:$0x2] =	stream.indirect_vreg.gather [hbm4b:s1+s20], $0x80, v6, vm1, $0xb8;
	[tilespmem:$0x14900] =	vst v63  }
0xf4: {  	vm2 =	vge.f32 v3, $-1.000000000e+00;
	v4 =	vsel vm3, $0x0, v4;
	vm3 =	vle.f32 v3, $3.200000000e+01;
	v6 =	vld [tilespmem:$0x38F0]  }
0xf5: {  	v8 =	vimm.f32 $0.0e+00;
	vm2 =	vmand vm2, vm3;
	v5 =	vsub.f32 $1.000000000e+00, v4  }
0xf6: {  	v1 =	vsub.f32 v40, v42;
	v7 =	vsel vm2, $0x3F800000, v8  }
0xf7: {  	vm2 =	vgt.s32 v41, $0x1E;
	v43 =	vmul.f32 v5, v7;
	v4 =	vmul.f32 v4, v7  }
0xf8: {  	vm3 =	vge.f32 v0, $-1.000000000e+00;
	v1 =	vsel vm2, $0x0, v1;
	vm2 =	vle.f32 v0, $3.200000000e+01  }
0xf9: {  	vm2 =	vmand vm3, vm2;
	v45 =	vsel vm0, v43, v4;
	v4 =	vshll.u32 v6, $0x1  }
0xfa: {  	v44 =	vsub.f32 $1.000000000e+00, v1;
	v5 =	vand.u32 $0x7, v6;
	v4 =	vand.u32 $0xFFFFFFF0, v4  }
0xfb: {  	v46 =	vsel vm2, $0x3F800000, v8;
	v47 =	vor.u32 v5, v4  }
0xfc: {  	v0 =	vmul.f32 v44, v46;
	v4 =	vperm.xlane v47, v14;
	_ =	sdelay $0x1  }
0xfd: {  	v48 =	vbroadcast v0, $0x0;
	v3 =	vperm.xlane v47, v15;
	v4 =	vadd.s32 v13, v4  }
0xfe: {  	v49 =	vbroadcast v0, $0x1  }
0xff: {  	v50 =	vbroadcast v0, $0x2;
	[tilespmem:$0x1FEC0] =	vst v48;
	v3 =	vadd.s32 v13, v3  }
0x100: {  	[tilespmem:$0x1FED0] =	vst v49  }
0x101: {  	v51 =	vbroadcast v0, $0x3;
	[tilespmem:$0x1FEE0] =	vst v50  }
0x102: {  	[tilespmem:s14], [sflag:$0x2] =	stream.indirect_vreg.gather [hbm4b:s1+s20], $0x80, v4, vm1, $0xb8;
	[tilespmem:$0x14900] =	vst v63  }
0x103: {  	[tilespmem:$0x1FEF0] =	vst v51  }
0x104: {  	v2 =	vmul.f32 $2.500000000e-01, v45;
	v52 =	vbroadcast v0, $0x4;
	[tilespmem:s15], [sflag:$0x2] =	stream.indirect_vreg.gather [hbm4b:s1+s20], $0x80, v3, vm1, $0xb8;
	[tilespmem:$0x14900] =	vst v63  }
0x105: {  	v1 =	vmul.f32 v1, v46;
	v53 =	vbroadcast v0, $0x5;
	_ =	swait.ge [sflag:s16], $0x8000  }
0x106: {  	v57 =	vbroadcast v2, $0x0;
	v54 =	vbroadcast v0, $0x6;
	[tilespmem:$0x1FF00] =	vst v52  }
0x107: {  	v7 =	vbroadcast v2, $0x2;
	v0 =	vbroadcast v0, $0x7;
	[tilespmem:$0x1FF10] =	vst v53  }
0x108: {  	v8 =	vbroadcast v2, $0x3;
	v55 =	vbroadcast v1, $0x8;
	[tilespmem:$0x1FF20] =	vst v54  }
0x109: {  	v9 =	vbroadcast v2, $0x4;
	v56 =	vbroadcast v1, $0x9;
	[tilespmem:$0x1FF30] =	vst v0  }
0x10a: {  	v10 =	vbroadcast v2, $0x5;
	v11 =	vbroadcast v2, $0x6;
	[sflag:s16] =	ssyncset.done $0x0;
	[tilespmem:$0x1FF40] =	vst v55  }
0x10b: {  	v12 =	vbroadcast v2, $0x7;
	v58 =	vbroadcast v1, $0xA;
	[tilespmem:$0x1FF50] =	vst v56;
	[sflag:s16] =	ssyncadd.s32 $0xFFFF8000  }
0x10c: {  	v16 =	vbroadcast v2, $0xB;
	v59 =	vbroadcast v1, $0xB;
	_ =	swait.ge [sflag:s17], $0x8000  }
0x10d: {  	v17 =	vbroadcast v2, $0xC;
	v60 =	vbroadcast v1, $0xC;
	[tilespmem:$0x1FF60] =	vst v58  }
0x10e: {  	v18 =	vbroadcast v2, $0xD;
	v61 =	vbroadcast v1, $0xD;
	[tilespmem:$0x1FF70] =	vst v59  }
0x10f: {  	v19 =	vbroadcast v2, $0xE;
	v62 =	vbroadcast v1, $0xE;
	[tilespmem:$0x1FF80] =	vst v60  }
0x110: {  	v20 =	vbroadcast v2, $0xF;
	v63 =	vbroadcast v1, $0xF;
	[tilespmem:$0x1FF90] =	vst v61  }
0x111: {  	v6 =	vbroadcast v2, $0x1;
	v14 =	vbroadcast v2, $0x9;
	[sflag:s17] =	ssyncset.done $0x0;
	[tilespmem:$0x1FFA0] =	vst v62  }
0x112: {  	s21 =	simm.s32 $0x0;
	v15 =	vbroadcast v2, $0xA;
	v13 =	vbroadcast v2, $0x8;
	[tilespmem:$0x1FFB0] =	vst v63;
	[sflag:s17] =	ssyncadd.s32 $0xFFFF8000  }
.LBB2_3:
0x113: {  	s22 =	sand.u32 $0x70, s21;
	s24 =	sand.u32 $0x400, s20  }
0x114: {  	s22 =	sor.u32 s22, s24  }
0x115: {  	v63 =	vld [tilespmem:s22+$0x6980];
	_ =	sdelay $0x4  }
0x116: {  	[tilespmem:$0x1F340] =	vst v63;
	v63 =	vld [tilespmem:s22+$0x6A00];
	_ =	sdelay $0x4  }
0x117: {  	[tilespmem:$0x1F330] =	vst v63;
	v63 =	vld [tilespmem:s22+$0x6A80];
	_ =	sdelay $0x4  }
0x118: {  	[tilespmem:$0x1F360] =	vst v63;
	v63 =	vld [tilespmem:s22+$0x6B00];
	_ =	sdelay $0x4  }
0x119: {  	[tilespmem:$0x1F370] =	vst v63;
	v63 =	vld [tilespmem:s22+$0x6B80];
	_ =	sdelay $0x4  }
0x11a: {  	[tilespmem:$0x1F3A0] =	vst v63;
	v63 =	vld [tilespmem:s22+$0x6C00];
	_ =	sdelay $0x4  }
0x11b: {  	[tilespmem:$0x1F390] =	vst v63;
	v63 =	vld [tilespmem:s22+$0x6C80];
	_ =	sdelay $0x4  }
0x11c: {  	[tilespmem:$0x1F3B0] =	vst v63;
	v63 =	vld [tilespmem:s22+$0x7100];
	_ =	sdelay $0x4  }
0x11d: {  	[tilespmem:$0x1F380] =	vst v63;
	v63 =	vld [tilespmem:s22+$0x7180];
	_ =	sdelay $0x4  }
0x11e: {  	[tilespmem:$0x1F3C0] =	vst v63;
	v63 =	vld [tilespmem:s22+$0x7200];
	_ =	sdelay $0x4  }
0x11f: {  	[tilespmem:$0x1F3D0] =	vst v63;
	v63 =	vld [tilespmem:s22+$0x7280];
	_ =	sdelay $0x4  }
0x120: {  	[tilespmem:$0x1F400] =	vst v63;
	v63 =	vld [tilespmem:s22+$0x7300];
	_ =	sdelay $0x4  }
0x121: {  	[tilespmem:$0x1F3E0] =	vst v63;
	v63 =	vld [tilespmem:s22+$0x7380];
	_ =	sdelay $0x4  }
0x122: {  	[tilespmem:$0x1F410] =	vst v63;
	v63 =	vld [tilespmem:s22+$0x7400];
	_ =	sdelay $0x4  }
0x123: {  	[tilespmem:$0x1F3F0] =	vst v63;
	v63 =	vld [tilespmem:s22+$0x7480];
	_ =	sdelay $0x4  }
0x124: {  	[tilespmem:$0x1F420] =	vst v63;
	v63 =	vld [tilespmem:s22+$0x7900];
	_ =	sdelay $0x4  }
0x125: {  	[tilespmem:$0x1F430] =	vst v63;
	v63 =	vld [tilespmem:s22+$0x7980];
	_ =	sdelay $0x4  }
0x126: {  	[tilespmem:$0x1F450] =	vst v63;
	v63 =	vld [tilespmem:s22+$0x7A00];
	_ =	sdelay $0x4  }
0x127: {  	[tilespmem:$0x1F440] =	vst v63;
	v63 =	vld [tilespmem:s22+$0x7A80];
	_ =	sdelay $0x4  }
0x128: {  	[tilespmem:$0x1F460] =	vst v63;
	v63 =	vld [tilespmem:s22+$0x7B00];
	_ =	sdelay $0x4  }
0x129: {  	[tilespmem:$0x1F470] =	vst v63;
	v63 =	vld [tilespmem:s22+$0x7B80];
	_ =	sdelay $0x4  }
0x12a: {  	[tilespmem:$0x1F4A0] =	vst v63;
	v63 =	vld [tilespmem:s22+$0x7C00];
	_ =	sdelay $0x4  }
0x12b: {  	[tilespmem:$0x1F490] =	vst v63;
	v63 =	vld [tilespmem:s22+$0x7C80];
	_ =	sdelay $0x4  }
0x12c: {  	[tilespmem:$0x1F4B0] =	vst v63;
	v63 =	vld [tilespmem:s22+$0x8100];
	_ =	sdelay $0x4  }
0x12d: {  	[tilespmem:$0x1F480] =	vst v63;
	v63 =	vld [tilespmem:s22+$0x8180];
	_ =	sdelay $0x4  }
0x12e: {  	[tilespmem:$0x1F4C0] =	vst v63;
	v63 =	vld [tilespmem:s22+$0x8200];
	_ =	sdelay $0x4  }
0x12f: {  	[tilespmem:$0x1F4D0] =	vst v63;
	v63 =	vld [tilespmem:s22+$0x8280];
	_ =	sdelay $0x4  }
0x130: {  	[tilespmem:$0x1F500] =	vst v63;
	v63 =	vld [tilespmem:s22+$0x8300];
	_ =	sdelay $0x4  }
0x131: {  	[tilespmem:$0x1F4E0] =	vst v63;
	v63 =	vld [tilespmem:s22+$0x8380];
	_ =	sdelay $0x4  }
0x132: {  	[tilespmem:$0x1F510] =	vst v63;
	v63 =	vld [tilespmem:s22+$0x8400];
	_ =	sdelay $0x4  }
0x133: {  	[tilespmem:$0x1F4F0] =	vst v63;
	v63 =	vld [tilespmem:s22+$0x8480];
	_ =	sdelay $0x4  }
0x134: {  	[tilespmem:$0x1F520] =	vst v63;
	v63 =	vld [tilespmem:s22+$0x8900];
	_ =	sdelay $0x4  }
0x135: {  	[tilespmem:$0x1F530] =	vst v63;
	v63 =	vld [tilespmem:s22+$0x8980];
	_ =	sdelay $0x4  }
0x136: {  	[tilespmem:$0x1F560] =	vst v63;
	v63 =	vld [tilespmem:s22+$0x8A00];
	_ =	sdelay $0x4  }
0x137: {  	[tilespmem:$0x1F540] =	vst v63;
	v63 =	vld [tilespmem:s22+$0x8A80];
	_ =	sdelay $0x4  }
0x138: {  	[tilespmem:$0x1F570] =	vst v63;
	v63 =	vld [tilespmem:s22+$0x8B00];
	_ =	sdelay $0x4  }
0x139: {  	[tilespmem:$0x1F550] =	vst v63;
	v63 =	vld [tilespmem:s22+$0x8B80];
	_ =	sdelay $0x4  }
0x13a: {  	[tilespmem:$0x1F580] =	vst v63;
	v63 =	vld [tilespmem:s22+$0x8C00];
	_ =	sdelay $0x4  }
0x13b: {  	[tilespmem:$0x1F590] =	vst v63;
	v63 =	vld [tilespmem:s22+$0x8C80];
	_ =	sdelay $0x4  }
0x13c: {  	[tilespmem:$0x1F5C0] =	vst v63;
	v63 =	vld [tilespmem:s22+$0x9100];
	_ =	sdelay $0x4  }
0x13d: {  	[tilespmem:$0x1F5A0] =	vst v63;
	v63 =	vld [tilespmem:s22+$0x9180];
	_ =	sdelay $0x4  }
0x13e: {  	[tilespmem:$0x1F5D0] =	vst v63;
	v63 =	vld [tilespmem:s22+$0x9200];
	_ =	sdelay $0x4  }
0x13f: {  	[tilespmem:$0x1F5B0] =	vst v63;
	v63 =	vld [tilespmem:s22+$0x9280];
	_ =	sdelay $0x4  }
0x140: {  	[tilespmem:$0x1F5E0] =	vst v63;
	v63 =	vld [tilespmem:s22+$0x9300];
	_ =	sdelay $0x4  }
0x141: {  	[tilespmem:$0x1F5F0] =	vst v63;
	v63 =	vld [tilespmem:s22+$0x9380];
	_ =	sdelay $0x4  }
0x142: {  	[tilespmem:$0x1F610] =	vst v63;
	v63 =	vld [tilespmem:s22+$0x9400];
	_ =	sdelay $0x4  }
0x143: {  	[tilespmem:$0x1F600] =	vst v63;
	v63 =	vld [tilespmem:s22+$0x9480];
	_ =	sdelay $0x4  }
0x144: {  	[tilespmem:$0x1F620] =	vst v63;
	v63 =	vld [tilespmem:s22+$0x9900];
	_ =	sdelay $0x4  }
0x145: {  	[tilespmem:$0x1F630] =	vst v63;
	v63 =	vld [tilespmem:s22+$0x9980];
	_ =	sdelay $0x4  }
0x146: {  	[tilespmem:$0x1F640] =	vst v63;
	v63 =	vld [tilespmem:s22+$0x9A00];
	_ =	sdelay $0x4  }
0x147: {  	[tilespmem:$0x1F650] =	vst v63;
	v63 =	vld [tilespmem:s22+$0x9A80];
	_ =	sdelay $0x4  }
0x148: {  	[tilespmem:$0x1F670] =	vst v63;
	v63 =	vld [tilespmem:s22+$0x9B00]  }
0x149: {  	v2 =	vld [tilespmem:s22+$0x3900]  }
0x14a: {  	v1 =	vld [tilespmem:s22+$0x3A00]  }
0x14b: {  	v0 =	vld [tilespmem:s22+$0x3B00]  }
0x14c: {  	s2 =	sor.u32 s21, s20;
	v24 =	vld [tilespmem:s22+$0x3C00]  }
0x14d: {  	s28 =	sor.u32 $0x380, s2;
	[tilespmem:$0x1F660] =	vst v63;
	v63 =	vld [tilespmem:s22+$0x9B80]  }
0x14e: {  	v28 =	vld [tilespmem:s28+$0x3900]  }
0x14f: {  	v3 =	vld [tilespmem:s22+$0x4100]  }
0x150: {  	v21 =	vld [tilespmem:s22+$0x4200]  }
0x151: {  	v30 =	vld [tilespmem:s22+$0x4300]  }
0x152: {  	[tilespmem:$0x1F680] =	vst v63;
	v63 =	vld [tilespmem:s22+$0x9C00]  }
0x153: {  	s2 =	sor.u32 $0xB80, s2;
	v25 =	vld [tilespmem:s22+$0x4400]  }
0x154: {  	v32 =	vld [tilespmem:s2+$0x3900]  }
0x155: {  	v27 =	vld [tilespmem:s22+$0x4900]  }
0x156: {  	v31 =	vld [tilespmem:s22+$0x4980]  }
0x157: {  	[tilespmem:$0x1F6B0] =	vst v63;
	v63 =	vld [tilespmem:s22+$0x9C80]  }
0x158: {  	v35 =	vld [tilespmem:s22+$0x4A00]  }
0x159: {  	v37 =	vld [tilespmem:s22+$0x4A80]  }
0x15a: {  	v33 =	vld [tilespmem:s22+$0x4B00]  }
0x15b: {  	v38 =	vld [tilespmem:s22+$0x4B80]  }
0x15c: {  	[tilespmem:$0x1F6D0] =	vst v63;
	v63 =	vld [tilespmem:s22+$0xA100]  }
0x15d: {  	v36 =	vld [tilespmem:s22+$0x4C00]  }
0x15e: {  	v39 =	vld [tilespmem:s22+$0x4C80]  }
0x15f: {  	v41 =	vld [tilespmem:s22+$0x5100]  }
0x160: {  	v44 =	vld [tilespmem:s22+$0x5180]  }
0x161: {  	[tilespmem:$0x1F690] =	vst v63;
	v63 =	vld [tilespmem:s22+$0xA180]  }
0x162: {  	v40 =	vld [tilespmem:s22+$0x5200]  }
0x163: {  	v45 =	vld [tilespmem:s22+$0x5280]  }
0x164: {  	v42 =	vld [tilespmem:s22+$0x5300]  }
0x165: {  	v43 =	vld [tilespmem:s22+$0x5380]  }
0x166: {  	[tilespmem:$0x1F6E0] =	vst v63;
	v63 =	vld [tilespmem:s22+$0xA200]  }
0x167: {  	v46 =	vld [tilespmem:s22+$0x5400]  }
0x168: {  	v50 =	vld [tilespmem:s22+$0x5480]  }
0x169: {  	v47 =	vld [tilespmem:s22+$0x5900]  }
0x16a: {  	v48 =	vld [tilespmem:s22+$0x5980]  }
0x16b: {  	[tilespmem:$0x1F6A0] =	vst v63;
	v63 =	vld [tilespmem:s22+$0xA280]  }
0x16c: {  	v51 =	vld [tilespmem:s22+$0x5A00]  }
0x16d: {  	v53 =	vld [tilespmem:s22+$0x5A80]  }
0x16e: {  	v49 =	vld [tilespmem:s22+$0x5B00]  }
0x16f: {  	v55 =	vld [tilespmem:s22+$0x5B80]  }
0x170: {  	[tilespmem:$0x1F6F0] =	vst v63;
	v63 =	vld [tilespmem:s22+$0xA300]  }
0x171: {  	v52 =	vld [tilespmem:s22+$0x5C00]  }
0x172: {  	v54 =	vld [tilespmem:s22+$0x5C80]  }
0x173: {  	v60 =	vld [tilespmem:s22+$0x6100]  }
0x174: {  	v59 =	vld [tilespmem:s22+$0x6180]  }
0x175: {  	[tilespmem:$0x1F730] =	vst v63;
	v63 =	vld [tilespmem:s22+$0xA380]  }
0x176: {  	v56 =	vld [tilespmem:s22+$0x6200]  }
0x177: {  	v5 =	vld [tilespmem:s22+$0x6280]  }
0x178: {  	v58 =	vld [tilespmem:s22+$0x6300]  }
0x179: {  	s23 =	sand.u32 $0xFFFFFC00, s20;
	v61 =	vld [tilespmem:s22+$0x6400]  }
0x17a: {  	s23 =	sadd.s32 s23, s21;
	[tilespmem:$0x1F790] =	vst v63;
	v63 =	vld [tilespmem:s22+$0xA400]  }
0x17b: {  	s31 =	sor.u32 $0x80, s23;
	v62 =	vld [tilespmem:s22+$0x6380]  }
0x17c: {  	s30 =	sor.u32 $0x180, s23;
	v22 =	vld [tilespmem:s31+$0x3900]  }
0x17d: {  	v23 =	vld [tilespmem:s30+$0x3900]  }
0x17e: {  	[tilespmem:$0x1F320] =	vst v61;
	v61 =	vld [tilespmem:s22+$0x6480]  }
0x17f: {  	s29 =	sor.u32 $0x280, s23;
	v2 =	vmul.f32 v2, v57;
	[tilespmem:$0x1F820] =	vst v63;
	v63 =	vld [tilespmem:s22+$0xA480]  }
0x180: {  	s26 =	sor.u32 $0x880, s23;
	v4 =	vld [tilespmem:s29+$0x3900]  }
0x181: {  	s25 =	sor.u32 $0x980, s23;
	v29 =	vld [tilespmem:s26+$0x3900];
	v22 =	vmul.f32 v22, v6;
	v2 =	vadd.f32 $0.0e+00, v2  }
0x182: {  	s23 =	sor.u32 $0xA80, s23;
	v26 =	vld [tilespmem:s25+$0x3900]  }
0x183: {  	v34 =	vld [tilespmem:s23+$0x3900];
	v2 =	vadd.f32 v22, v2;
	v22 =	vmul.f32 v24, v11;
	[tilespmem:$0x1F350] =	vst v61  }
0x184: {  	v1 =	vmul.f32 v1, v7;
	v0 =	vmul.f32 v0, v9;
	v61 =	vld [tilespmem:s22+$0x6900];
	[tilespmem:$0x1F870] =	vst v63  }
0x185: {  	v23 =	vmul.f32 v23, v8;
	v24 =	vadd.f32 $0.0e+00, v22;
	v22 =	vld [tilespmem:s22+$0xCC00]  }
0x186: {  	v4 =	vmul.f32 v4, v10;
	v1 =	vadd.f32 $0.0e+00, v1;
	v0 =	vadd.f32 $0.0e+00, v0;
	_ =	sdelay $0x1  }
0x187: {  	v1 =	vadd.f32 v23, v1;
	v0 =	vadd.f32 v4, v0;
	v4 =	vmul.f32 v21, v15  }
0x188: {  	v23 =	vld [tilespmem:s22+$0xCC80]  }
0x189: {  	v3 =	vmul.f32 v3, v13;
	v1 =	vadd.f32 v4, v1;
	[tilespmem:$0x1F900] =	vst v22;
	v22 =	vmul.f32 v26, v16  }
0x18a: {  	v21 =	vmul.f32 v28, v12  }
0x18b: {  	v2 =	vadd.f32 v3, v2;
	v4 =	vmul.f32 v29, v14;
	v1 =	vadd.f32 v22, v1;
	v22 =	vld [tilespmem:s22+$0xD180]  }
0x18c: {  	v3 =	vadd.f32 v21, v24  }
0x18d: {  	v2 =	vadd.f32 v4, v2;
	v4 =	vmul.f32 v27, v57;
	[tilespmem:$0x1F910] =	vst v23;
	v23 =	vmul.f32 v25, v19;
	_ =	sdelay $0x1  }
0x18e: {  	v4 =	vadd.f32 $0.0e+00, v4;
	v3 =	vadd.f32 v23, v3;
	v23 =	vmul.f32 v31, v6  }
0x18f: {  	v21 =	vmul.f32 v30, v17;
	[tilespmem:$0x1F7A0] =	vst v22;
	v22 =	vld [tilespmem:s22+$0xD200]  }
0x190: {  	v4 =	vadd.f32 v23, v4;
	v23 =	vld [tilespmem:s22+$0xD380]  }
0x191: {  	v0 =	vadd.f32 v21, v0;
	v21 =	vmul.f32 v34, v18;
	_ =	sdelay $0x1  }
0x192: {  	v0 =	vadd.f32 v21, v0;
	v21 =	vmul.f32 v35, v7  }
0x193: {  	[tilespmem:$0x1F800] =	vst v22;
	v22 =	vmul.f32 v32, v20  }
0x194: {  	v21 =	vadd.f32 $0.0e+00, v21;
	[tilespmem:$0x1F8E0] =	vst v23;
	v23 =	vmul.f32 v37, v8  }
0x195: {  	v32 =	vmul.f32 v33, v9;
	v3 =	vadd.f32 v22, v3;
	v22 =	vmul.f32 v36, v11  }
0x196: {  	v21 =	vadd.f32 v23, v21;
	v23 =	vmul.f32 v41, v13  }
0x197: {  	v24 =	vadd.f32 $0.0e+00, v32;
	v36 =	vmul.f32 v39, v12;
	v32 =	vld [tilespmem:$0x1FEC0];
	v22 =	vadd.f32 $0.0e+00, v22  }
0x198: {  	v35 =	vmul.f32 v38, v10;
	v38 =	vmul.f32 v40, v15  }
0x199: {  	v4 =	vadd.f32 v23, v4;
	v22 =	vadd.f32 v36, v22;
	v36 =	vld [tilespmem:$0x1FED0]  }
0x19a: {  	v21 =	vadd.f32 v38, v21;
	v23 =	vmul.f32 v44, v14;
	v44 =	vmul.f32 v45, v16;
	_ =	sdelay $0x1  }
0x19b: {  	v63 =	vld [tilespmem:s22+$0xA900];
	v21 =	vadd.f32 v44, v21;
	v1 =	vmul.f32 v1, v32;
	_ =	sdelay $0x1  }
0x19c: {  	v1 =	vadd.f32 $0.0e+00, v1;
	v21 =	vmul.f32 v21, v36;
	_ =	sdelay $0x1  }
0x19d: {  	v38 =	vmul.f32 v47, v57;
	v1 =	vadd.f32 v21, v1  }
0x19e: {  	[tilespmem:$0x1F8B0] =	vst v63;
	v63 =	vld [tilespmem:s22+$0xA980]  }
0x19f: {  	v21 =	vmul.f32 v48, v6;
	[tilespmem:$0x1F860] =	vst v1;
	v1 =	vadd.f32 $0.0e+00, v38  }
0x1a0: {  	v40 =	vmul.f32 v42, v17  }
0x1a1: {  	v45 =	vmul.f32 v43, v18;
	v43 =	vmul.f32 v49, v9;
	v1 =	vadd.f32 v21, v1;
	v21 =	vld [tilespmem:s22+$0xE400]  }
0x1a2: {  	v4 =	vadd.f32 v23, v4;
	v24 =	vadd.f32 v35, v24;
	v2 =	vmul.f32 v2, v32  }
0x1a3: {  	[tilespmem:$0x1F8D0] =	vst v63;
	v63 =	vld [tilespmem:s22+$0xAA00];
	v23 =	vmul.f32 v46, v19;
	v3 =	vmul.f32 v3, v32  }
0x1a4: {  	v42 =	vld [tilespmem:s22+$0xDA00];
	v24 =	vadd.f32 v40, v24;
	v2 =	vadd.f32 $0.0e+00, v2;
	v4 =	vmul.f32 v4, v36  }
0x1a5: {  	v41 =	vld [tilespmem:s22+$0xD980];
	v22 =	vadd.f32 v23, v22;
	v23 =	vmul.f32 v50, v20;
	v40 =	vadd.f32 $0.0e+00, v3  }
0x1a6: {  	v3 =	vadd.f32 $0.0e+00, v43;
	v50 =	vadd.f32 v4, v2;
	v4 =	vld [tilespmem:s22+$0xE200];
	[tilespmem:$0x1FB70] =	vst v21;
	v21 =	vmul.f32 v55, v10  }
0x1a7: {  	v0 =	vmul.f32 v0, v32;
	v22 =	vadd.f32 v23, v22;
	v23 =	vld [tilespmem:s22+$0xE100]  }
0x1a8: {  	[tilespmem:$0x1F9B0] =	vst v63;
	v63 =	vld [tilespmem:s22+$0xAA80];
	v24 =	vadd.f32 v45, v24;
	v3 =	vadd.f32 v21, v3;
	v21 =	vmul.f32 v58, v17  }
0x1a9: {  	[tilespmem:$0x1F9F0] =	vst v42;
	v0 =	vadd.f32 $0.0e+00, v0  }
0x1aa: {  	[tilespmem:$0x1F960] =	vst v41;
	v41 =	vmul.f32 v24, v36;
	v3 =	vadd.f32 v21, v3;
	v21 =	vmul.f32 v5, v16;
	v5 =	vld [tilespmem:s22+$0xEA80]  }
0x1ab: {  	[tilespmem:$0x1FA30] =	vst v4;
	v4 =	vmul.f32 v22, v36;
	v22 =	vld [tilespmem:s22+$0xE280]  }
0x1ac: {  	v0 =	vadd.f32 v41, v0;
	[tilespmem:$0x1F980] =	vst v23;
	v23 =	vld [tilespmem:s22+$0xE480]  }
0x1ad: {  	[tilespmem:$0x1F9D0] =	vst v63  }
0x1ae: {  	[tilespmem:$0x1F920] =	vst v0;
	v2 =	vadd.f32 v4, v40;
	v4 =	vld [tilespmem:s22+$0xE380]  }
0x1af: {  	[tilespmem:$0x1FA50] =	vst v5;
	v5 =	vld [tilespmem:s22+$0xEB00]  }
0x1b0: {  	[tilespmem:$0x1FA60] =	vst v22;
	v22 =	vld [tilespmem:s22+$0xE300]  }
0x1b1: {  	v42 =	vmul.f32 v51, v7;
	[tilespmem:$0x1FBA0] =	vst v23  }
0x1b2: {  	[tilespmem:$0x1F9A0] =	vst v2  }
0x1b3: {  	v63 =	vld [tilespmem:s22+$0xAB00];
	v44 =	vmul.f32 v52, v11;
	v0 =	vadd.f32 $0.0e+00, v42;
	[tilespmem:$0x1FB00] =	vst v4;
	v4 =	vmul.f32 v53, v8  }
0x1b4: {  	v23 =	vmul.f32 v56, v15;
	[tilespmem:$0x1FAC0] =	vst v5;
	v5 =	vld [tilespmem:$0x1F330]  }
0x1b5: {  	v2 =	vadd.f32 $0.0e+00, v44;
	v0 =	vadd.f32 v4, v0;
	[tilespmem:$0x1FAA0] =	vst v22;
	v22 =	vmul.f32 v54, v12;
	_ =	sdelay $0x1  }
0x1b6: {  	v0 =	vadd.f32 v23, v0;
	v2 =	vadd.f32 v22, v2;
	v22 =	vld [tilespmem:s22+$0xE980]  }
0x1b7: {  	[tilespmem:$0x1FA70] =	vst v63;
	v63 =	vld [tilespmem:s22+$0xAB80]  }
0x1b8: {  	v0 =	vadd.f32 v21, v0;
	v21 =	vmul.f32 v5, v7;
	v5 =	vld [tilespmem:s22+$0xEB80];
	_ =	sdelay $0x2  }
0x1b9: {  	[tilespmem:$0x1F9C0] =	vst v22;
	v22 =	vld [tilespmem:s22+$0xEA00]  }
0x1ba: {  	[tilespmem:$0x1FA90] =	vst v63;
	v63 =	vld [tilespmem:s22+$0xAC00]  }
0x1bb: {  	[tilespmem:$0x1FAE0] =	vst v5;
	v5 =	vld [tilespmem:$0x1F340];
	_ =	sdelay $0x2  }
0x1bc: {  	[tilespmem:$0x1FA40] =	vst v22;
	v22 =	vmul.f32 v62, v18  }
0x1bd: {  	[tilespmem:$0x1FAD0] =	vst v63;
	v63 =	vld [tilespmem:s22+$0xAC80];
	v4 =	vmul.f32 v60, v13  }
0x1be: {  	v3 =	vadd.f32 v22, v3;
	v22 =	vmul.f32 v5, v6;
	v5 =	vld [tilespmem:s22+$0xEC00]  }
0x1bf: {  	v1 =	vadd.f32 v4, v1;
	v4 =	vmul.f32 v59, v14;
	_ =	sdelay $0x1  }
0x1c0: {  	v1 =	vadd.f32 v4, v1;
	v4 =	vld [tilespmem:$0x1F320]  }
0x1c1: {  	[tilespmem:$0x1FAF0] =	vst v63;
	v63 =	vld [tilespmem:s22+$0xB100]  }
0x1c2: {  	[tilespmem:$0x1FB60] =	vst v5;
	v5 =	vld [tilespmem:$0x1F350];
	_ =	sdelay $0x2  }
0x1c3: {  	v23 =	vmul.f32 v61, v57;
	v4 =	vmul.f32 v4, v19  }
0x1c4: {  	[tilespmem:$0x1FB30] =	vst v63;
	v63 =	vld [tilespmem:s22+$0xB180]  }
0x1c5: {  	v2 =	vadd.f32 v4, v2;
	v4 =	vadd.f32 $0.0e+00, v23;
	v23 =	vmul.f32 v5, v20;
	v5 =	vld [tilespmem:$0x1F360];
	_ =	sdelay $0x3  }
0x1c6: {  	[tilespmem:$0x1FB90] =	vst v63;
	v63 =	vld [tilespmem:s22+$0xB200]  }
0x1c7: {  	v46 =	vmul.f32 v5, v8;
	v5 =	vld [tilespmem:s22+$0xEC80];
	_ =	sdelay $0x3  }
0x1c8: {  	[tilespmem:$0x1FBD0] =	vst v63;
	v63 =	vld [tilespmem:s22+$0xB280]  }
0x1c9: {  	[tilespmem:$0x1FB80] =	vst v5;
	v5 =	vld [tilespmem:$0x1F370];
	_ =	sdelay $0x3  }
0x1ca: {  	[tilespmem:$0x1FC50] =	vst v63;
	v63 =	vld [tilespmem:s22+$0xB300]  }
0x1cb: {  	v4 =	vadd.f32 v22, v4;
	v22 =	vmul.f32 v5, v9;
	v5 =	vld [tilespmem:$0x1F380];
	_ =	sdelay $0x3  }
0x1cc: {  	[tilespmem:$0x1FCA0] =	vst v63;
	v63 =	vld [tilespmem:s22+$0xB380]  }
0x1cd: {  	v47 =	vmul.f32 v5, v13;
	v5 =	vld [tilespmem:$0x1F390];
	_ =	sdelay $0x3  }
0x1ce: {  	[tilespmem:$0x1FCE0] =	vst v63;
	v63 =	vld [tilespmem:s22+$0xB400]  }
0x1cf: {  	v2 =	vadd.f32 v23, v2;
	v23 =	vmul.f32 v5, v11;
	v5 =	vld [tilespmem:$0x1F3A0];
	_ =	sdelay $0x3  }
0x1d0: {  	[tilespmem:$0x1FE20] =	vst v63;
	v63 =	vld [tilespmem:s22+$0xB480]  }
0x1d1: {  	v48 =	vmul.f32 v5, v10;
	v5 =	vld [tilespmem:s22+$0xF200];
	_ =	sdelay $0x3  }
0x1d2: {  	[tilespmem:$0x1FE80] =	vst v63;
	v63 =	vld [tilespmem:s22+$0xB900]  }
0x1d3: {  	[tilespmem:$0x1FA80] =	vst v5;
	v5 =	vld [tilespmem:$0x1F3B0];
	_ =	sdelay $0x3  }
0x1d4: {  	[tilespmem:$0x1F6C0] =	vst v63;
	v63 =	vld [tilespmem:s22+$0xB980]  }
0x1d5: {  	v49 =	vmul.f32 v5, v12;
	v5 =	vld [tilespmem:$0x1F3C0];
	_ =	sdelay $0x3  }
0x1d6: {  	[tilespmem:$0x1F700] =	vst v63;
	v63 =	vld [tilespmem:s22+$0xBA00]  }
0x1d7: {  	v52 =	vmul.f32 v5, v14;
	v5 =	vld [tilespmem:s22+$0xF280];
	_ =	sdelay $0x2  }
0x1d8: {  	v34 =	vld [tilespmem:s22+$0xD400]  }
0x1d9: {  	[tilespmem:$0x1F750] =	vst v63;
	v63 =	vld [tilespmem:s22+$0xBA80]  }
0x1da: {  	[tilespmem:$0x1FAB0] =	vst v5;
	v5 =	vld [tilespmem:$0x1F3D0]  }
0x1db: {  	v30 =	vld [tilespmem:s22+$0xD100]  }
0x1dc: {  	v27 =	vld [tilespmem:s22+$0x10980]  }
0x1dd: {  	[tilespmem:$0x1F940] =	vst v34;
	v34 =	vld [tilespmem:s22+$0xDB80]  }
0x1de: {  	[tilespmem:$0x1F780] =	vst v63;
	v63 =	vld [tilespmem:s22+$0xBB00]  }
0x1df: {  	v53 =	vmul.f32 v5, v15;
	v5 =	vld [tilespmem:$0x1F3E0]  }
0x1e0: {  	v51 =	vld [tilespmem:s22+$0xF100]  }
0x1e1: {  	[tilespmem:$0x1F770] =	vst v30;
	v30 =	vld [tilespmem:s22+$0xFA00]  }
0x1e2: {  	v31 =	vld [tilespmem:s22+$0xD280]  }
0x1e3: {  	[tilespmem:$0x1F7F0] =	vst v63;
	v63 =	vld [tilespmem:s22+$0xBB80]  }
0x1e4: {  	v54 =	vmul.f32 v5, v17;
	v5 =	vld [tilespmem:s22+$0xF300]  }
0x1e5: {  	v26 =	vld [tilespmem:s22+$0x10900]  }
0x1e6: {  	[tilespmem:$0x1FA20] =	vst v34;
	v34 =	vld [tilespmem:$0x1F440]  }
0x1e7: {  	[tilespmem:$0x1F830] =	vst v31;
	v31 =	vld [tilespmem:s22+$0xDA80]  }
0x1e8: {  	[tilespmem:$0x1F810] =	vst v63;
	v63 =	vld [tilespmem:s22+$0xBC00]  }
0x1e9: {  	[tilespmem:$0x1FB10] =	vst v5;
	v5 =	vld [tilespmem:$0x1F3F0]  }
0x1ea: {  	v37 =	vld [tilespmem:s22+$0xD480]  }
0x1eb: {  	v33 =	vld [tilespmem:s22+$0xD300]  }
0x1ec: {  	[tilespmem:$0x1FA10] =	vst v31;
	v31 =	vld [tilespmem:s22+$0xFA80]  }
0x1ed: {  	[tilespmem:$0x1F8A0] =	vst v63;
	v63 =	vld [tilespmem:s22+$0xBC80]  }
0x1ee: {  	v55 =	vmul.f32 v5, v19;
	v5 =	vld [tilespmem:s22+$0xF380]  }
0x1ef: {  	v39 =	vld [tilespmem:s22+$0xD900]  }
0x1f0: {  	[tilespmem:$0x1F970] =	vst v37;
	v37 =	vld [tilespmem:s22+$0xDC80]  }
0x1f1: {  	v35 =	vld [tilespmem:s22+$0xDC00]  }
0x1f2: {  	[tilespmem:$0x1F8C0] =	vst v63;
	v63 =	vld [tilespmem:s22+$0xC100]  }
0x1f3: {  	[tilespmem:$0x1FB40] =	vst v5;
	v5 =	vld [tilespmem:$0x1F400]  }
0x1f4: {  	[tilespmem:$0x1F890] =	vst v33;
	v33 =	vld [tilespmem:s22+$0xDB00]  }
0x1f5: {  	[tilespmem:$0x1F950] =	vst v39;
	v39 =	vld [tilespmem:s22+$0xE180]  }
0x1f6: {  	[tilespmem:$0x1FB50] =	vst v37;
	v37 =	vld [tilespmem:$0x1F450]  }
0x1f7: {  	[tilespmem:$0x1F720] =	vst v63;
	v63 =	vld [tilespmem:s22+$0xC180]  }
0x1f8: {  	v56 =	vmul.f32 v5, v16;
	v5 =	vld [tilespmem:s22+$0xF400]  }
0x1f9: {  	v45 =	vld [tilespmem:s22+$0xE900]  }
0x1fa: {  	[tilespmem:$0x1FB20] =	vst v35;
	v35 =	vld [tilespmem:s22+$0xFB80]  }
0x1fb: {  	v43 =	vld [tilespmem:$0x1F520]  }
0x1fc: {  	[tilespmem:$0x1F760] =	vst v63;
	v63 =	vld [tilespmem:s22+$0xC200]  }
0x1fd: {  	[tilespmem:$0x1FBB0] =	vst v5;
	v5 =	vld [tilespmem:$0x1F410]  }
0x1fe: {  	[tilespmem:$0x1FA00] =	vst v33;
	v33 =	vld [tilespmem:$0x1F430]  }
0x1ff: {  	v41 =	vld [tilespmem:$0x1F4F0]  }
0x200: {  	[tilespmem:$0x1F990] =	vst v45;
	v45 =	vld [tilespmem:$0x1F530]  }
0x201: {  	[tilespmem:$0x1F7B0] =	vst v63;
	v63 =	vld [tilespmem:s22+$0xC280]  }
0x202: {  	v58 =	vmul.f32 v5, v18;
	v5 =	vld [tilespmem:$0x1F420]  }
0x203: {  	[tilespmem:$0x1FC90] =	vst v35;
	v35 =	vld [tilespmem:s22+$0x10C00]  }
0x204: {  	v38 =	vld [tilespmem:$0x1F470]  }
0x205: {  	v42 =	vld [tilespmem:$0x1F510]  }
0x206: {  	[tilespmem:$0x1F7E0] =	vst v63;
	v63 =	vld [tilespmem:s22+$0xC300]  }
0x207: {  	v59 =	vmul.f32 v5, v20;
	v5 =	vld [tilespmem:s22+$0xF480]  }
0x208: {  	v36 =	vld [tilespmem:s22+$0xF180]  }
0x209: {  	[tilespmem:$0x1FD40] =	vst v35;
	v35 =	vld [tilespmem:$0x1F630]  }
0x20a: {  	v40 =	vld [tilespmem:$0x1F490]  }
0x20b: {  	[tilespmem:$0x1F840] =	vst v63;
	v63 =	vld [tilespmem:s22+$0xC380]  }
0x20c: {  	[tilespmem:$0x1FBE0] =	vst v5;
	v5 =	vld [tilespmem:$0x1FEE0]  }
0x20d: {  	v44 =	vld [tilespmem:s22+$0x10480];
	v21 =	vadd.f32 $0.0e+00, v21  }
0x20e: {  	v60 =	vld [tilespmem:s22+$0xF900]  }
0x20f: {  	v62 =	vld [tilespmem:$0x1FEF0];
	v21 =	vadd.f32 v46, v21  }
0x210: {  	[tilespmem:$0x1F880] =	vst v63;
	v63 =	vld [tilespmem:s22+$0xC400]  }
0x211: {  	v61 =	vld [tilespmem:s22+$0xF980];
	v21 =	vadd.f32 v53, v21;
	v1 =	vmul.f32 v1, v5;
	v0 =	vmul.f32 v0, v5  }
0x212: {  	v4 =	vadd.f32 v47, v4;
	v3 =	vmul.f32 v3, v5;
	v32 =	vmul.f32 v2, v5;
	v5 =	vld [tilespmem:$0x1F460]  }
0x213: {  	v46 =	vld [tilespmem:$0x1F540];
	v21 =	vadd.f32 v56, v21  }
0x214: {  	[tilespmem:$0x1FD60] =	vst v44;
	v44 =	vld [tilespmem:$0x1F5E0];
	v4 =	vadd.f32 v52, v4  }
0x215: {  	[tilespmem:$0x1F8F0] =	vst v63;
	v63 =	vld [tilespmem:s22+$0xC480];
	v21 =	vmul.f32 v21, v62;
	v0 =	vadd.f32 $0.0e+00, v0  }
0x216: {  	[tilespmem:$0x1FBF0] =	vst v61;
	v61 =	vld [tilespmem:s22+$0x10B00];
	v22 =	vadd.f32 $0.0e+00, v22;
	v4 =	vmul.f32 v4, v62  }
0x217: {  	[tilespmem:$0x1F9E0] =	vst v39;
	v1 =	vadd.f32 $0.0e+00, v1;
	v39 =	vadd.f32 v21, v0;
	v21 =	vmul.f32 v5, v8;
	v5 =	vld [tilespmem:s22+$0xFC80]  }
0x218: {  	v47 =	vmul.f32 v46, v7;
	v46 =	vld [tilespmem:s22+$0x10C80]  }
0x219: {  	v22 =	vadd.f32 v48, v22;
	v29 =	vadd.f32 v4, v1;
	v4 =	vld [tilespmem:s22+$0xFB00]  }
0x21a: {  	v24 =	vadd.f32 $0.0e+00, v47;
	[tilespmem:$0x1F930] =	vst v63;
	v63 =	vld [tilespmem:s22+$0xC900]  }
0x21b: {  	v47 =	vld [tilespmem:s22+$0x10A00];
	v23 =	vadd.f32 $0.0e+00, v23;
	v22 =	vadd.f32 v54, v22  }
0x21c: {  	[tilespmem:$0x1FD10] =	vst v5;
	v5 =	vld [tilespmem:$0x1F480]  }
0x21d: {  	[tilespmem:$0x1FD50] =	vst v46;
	v46 =	vld [tilespmem:s22+$0x11300];
	v23 =	vadd.f32 v49, v23;
	v22 =	vadd.f32 v58, v22  }
0x21e: {  	[tilespmem:$0x1FC80] =	vst v4;
	v4 =	vld [tilespmem:s22+$0xFC00]  }
0x21f: {  	v23 =	vadd.f32 v55, v23;
	[tilespmem:$0x1F710] =	vst v63;
	v63 =	vld [tilespmem:s22+$0xC980];
	v22 =	vmul.f32 v22, v62;
	v3 =	vadd.f32 $0.0e+00, v3  }
0x220: {  	v53 =	vld [tilespmem:$0x1F570]  }
0x221: {  	v23 =	vadd.f32 v59, v23;
	v52 =	vadd.f32 v22, v3;
	v22 =	vmul.f32 v5, v13;
	v5 =	vld [tilespmem:s22+$0x10100]  }
0x222: {  	v48 =	vld [tilespmem:$0x1F550]  }
0x223: {  	v55 =	vld [tilespmem:$0x1F580];
	v1 =	vadd.f32 $0.0e+00, v32;
	[tilespmem:$0x1FD00] =	vst v4;
	v4 =	vmul.f32 v23, v62  }
0x224: {  	[tilespmem:$0x1F740] =	vst v63;
	v63 =	vld [tilespmem:s22+$0xCA00]  }
0x225: {  	v54 =	vmul.f32 v53, v8;
	v1 =	vadd.f32 v4, v1;
	v4 =	vld [tilespmem:s22+$0x10180]  }
0x226: {  	[tilespmem:$0x1FC00] =	vst v5;
	v5 =	vld [tilespmem:s22+$0x10200]  }
0x227: {  	v24 =	vadd.f32 v54, v24;
	v54 =	vld [tilespmem:$0x1F600]  }
0x228: {  	v49 =	vld [tilespmem:$0x1F560]  }
0x229: {  	[tilespmem:$0x1F7C0] =	vst v63;
	v63 =	vld [tilespmem:s22+$0xCA80]  }
0x22a: {  	v2 =	vmul.f32 v33, v57;
	[tilespmem:$0x1FC20] =	vst v4;
	v4 =	vld [tilespmem:$0x1F4A0]  }
0x22b: {  	v56 =	vmul.f32 v55, v10;
	v0 =	vmul.f32 v34, v7;
	[tilespmem:$0x1FC60] =	vst v5;
	v5 =	vld [tilespmem:$0x1F4B0]  }
0x22c: {  	v55 =	vmul.f32 v54, v19;
	v54 =	vld [tilespmem:s22+$0x11480];
	v2 =	vadd.f32 $0.0e+00, v2;
	v3 =	vmul.f32 v37, v6  }
0x22d: {  	v58 =	vld [tilespmem:$0x1F590];
	v0 =	vadd.f32 $0.0e+00, v0  }
0x22e: {  	v59 =	vld [tilespmem:$0x1F5A0];
	v2 =	vadd.f32 v3, v2;
	v3 =	vmul.f32 v38, v9  }
0x22f: {  	[tilespmem:$0x1F7D0] =	vst v63;
	v63 =	vld [tilespmem:s22+$0xCB00];
	v0 =	vadd.f32 v21, v0  }
0x230: {  	v3 =	vadd.f32 $0.0e+00, v3;
	v4 =	vmul.f32 v4, v10;
	v21 =	vmul.f32 v5, v12;
	v5 =	vld [tilespmem:$0x1F4C0]  }
0x231: {  	v37 =	vld [tilespmem:$0x1F5D0]  }
0x232: {  	v3 =	vadd.f32 v4, v3;
	v4 =	vld [tilespmem:$0x1F4D0]  }
0x233: {  	v33 =	vld [tilespmem:$0x1F5C0]  }
0x234: {  	[tilespmem:$0x1F850] =	vst v63;
	v63 =	vld [tilespmem:s22+$0xCB80]  }
0x235: {  	v2 =	vadd.f32 v22, v2;
	v22 =	vmul.f32 v5, v14;
	v5 =	vld [tilespmem:s22+$0x10280]  }
0x236: {  	v38 =	vmul.f32 v37, v14;
	v37 =	vld [tilespmem:s22+$0x11380]  }
0x237: {  	v62 =	vld [tilespmem:$0x1F5B0];
	v4 =	vmul.f32 v4, v15  }
0x238: {  	[tilespmem:$0x1FC10] =	vst v1;
	v1 =	vmul.f32 v40, v11;
	v40 =	vld [tilespmem:s22+$0x11400]  }
0x239: {  	v0 =	vadd.f32 v4, v0;
	v4 =	vld [tilespmem:$0x1F500]  }
0x23a: {  	[tilespmem:$0x1FC70] =	vst v5;
	v5 =	vld [tilespmem:$0x1F4E0]  }
0x23b: {  	v32 =	vld [tilespmem:s22+$0x10B80];
	v1 =	vadd.f32 $0.0e+00, v1  }
0x23c: {  	[tilespmem:$0x1FD20] =	vst v37;
	v37 =	vld [tilespmem:$0x1F680]  }
0x23d: {  	v25 =	vmul.f32 v62, v15;
	[tilespmem:$0x1FD70] =	vst v40;
	v40 =	vld [tilespmem:s22+$0x11A80];
	v1 =	vadd.f32 v21, v1  }
0x23e: {  	v21 =	vadd.f32 v22, v2;
	v22 =	vmul.f32 v42, v18;
	v42 =	vld [tilespmem:s22+$0x11100];
	v4 =	vmul.f32 v4, v16  }
0x23f: {  	v24 =	vadd.f32 v25, v24;
	v2 =	vmul.f32 v41, v19;
	v23 =	vmul.f32 v5, v17;
	v5 =	vld [tilespmem:s22+$0x10300]  }
0x240: {  	v41 =	vld [tilespmem:s22+$0x11200];
	v4 =	vadd.f32 v4, v0;
	v0 =	vmul.f32 v45, v57;
	v45 =	vmul.f32 v44, v16  }
0x241: {  	v1 =	vadd.f32 v2, v1;
	v2 =	vld [tilespmem:$0x1FF50]  }
0x242: {  	v24 =	vadd.f32 v45, v24;
	v45 =	vld [tilespmem:$0x1F640];
	v3 =	vadd.f32 v23, v3;
	v23 =	vmul.f32 v43, v20  }
0x243: {  	v0 =	vadd.f32 $0.0e+00, v0;
	v43 =	vld [tilespmem:s22+$0x11280]  }
0x244: {  	v3 =	vadd.f32 v22, v3;
	v22 =	vadd.f32 v23, v1;
	v23 =	vmul.f32 v49, v6;
	[tilespmem:$0x1FCB0] =	vst v5;
	v5 =	vld [tilespmem:s22+$0x10380]  }
0x245: {  	v1 =	vmul.f32 v48, v9;
	v48 =	vld [tilespmem:s22+$0x10A80]  }
0x246: {  	[tilespmem:$0x1FBC0] =	vst v60;
	v60 =	vmul.f32 v59, v13;
	v49 =	vld [tilespmem:$0x1F5F0];
	v0 =	vadd.f32 v23, v0  }
0x247: {  	v23 =	vmul.f32 v58, v11;
	v58 =	vld [tilespmem:$0x1F610]  }
0x248: {  	v1 =	vadd.f32 $0.0e+00, v1;
	v0 =	vadd.f32 v60, v0;
	v60 =	vld [tilespmem:$0x1F620]  }
0x249: {  	[tilespmem:$0x1FCF0] =	vst v5;
	v5 =	vld [tilespmem:s22+$0x10400]  }
0x24a: {  	v34 =	vmul.f32 v33, v12;
	v1 =	vadd.f32 v56, v1;
	v23 =	vadd.f32 $0.0e+00, v23;
	v56 =	vld [tilespmem:$0x1FF00]  }
0x24b: {  	v53 =	vmul.f32 v49, v17;
	v49 =	vld [tilespmem:s22+$0x11180]  }
0x24c: {  	v23 =	vadd.f32 v34, v23;
	v34 =	vld [tilespmem:s22+$0x2800]  }
0x24d: {  	[tilespmem:$0x1FCC0] =	vst v61;
	v59 =	vmul.f32 v58, v18;
	v58 =	vld [tilespmem:$0x1F660]  }
0x24e: {  	v23 =	vadd.f32 v55, v23;
	v61 =	vmul.f32 v60, v20;
	[tilespmem:$0x1FD30] =	vst v5;
	v5 =	vld [tilespmem:$0x1FF10]  }
0x24f: {  	v60 =	vld [tilespmem:s22+$0x11980]  }
0x250: {  	v1 =	vadd.f32 v53, v1;
	v23 =	vadd.f32 v61, v23;
	v61 =	vld [tilespmem:$0x1F670]  }
0x251: {  	v28 =	vadd.f32 v38, v0;
	v55 =	vld [tilespmem:$0x1F650];
	v21 =	vmul.f32 v21, v56  }
0x252: {  	[tilespmem:$0x1FC30] =	vst v30;
	v30 =	vadd.f32 v59, v1;
	v4 =	vmul.f32 v4, v56;
	v62 =	vmul.f32 v3, v56;
	v1 =	vld [tilespmem:$0x1FF40]  }
0x253: {  	v21 =	vadd.f32 $0.0e+00, v21;
	v59 =	vmul.f32 v58, v9;
	v58 =	vld [tilespmem:$0x1F6B0];
	v28 =	vmul.f32 v28, v5  }
0x254: {  	v4 =	vadd.f32 $0.0e+00, v4;
	v38 =	vadd.f32 $0.0e+00, v62;
	[tilespmem:$0x1FD90] =	vst v60;
	v60 =	vld [tilespmem:s22+$0x11B80];
	v24 =	vmul.f32 v24, v5  }
0x255: {  	v62 =	vmul.f32 v61, v8;
	v61 =	vld [tilespmem:$0x1F6C0];
	v25 =	vadd.f32 v28, v21;
	v21 =	vmul.f32 v35, v57  }
0x256: {  	v30 =	vmul.f32 v30, v5;
	v33 =	vadd.f32 v24, v4;
	v4 =	vmul.f32 v22, v56;
	v56 =	vld [tilespmem:s22+$0x11900]  }
0x257: {  	v53 =	vmul.f32 v45, v6;
	v22 =	vmul.f32 v55, v7;
	v55 =	vld [tilespmem:s22+$0x11B00];
	v44 =	vadd.f32 $0.0e+00, v21  }
0x258: {  	v21 =	vadd.f32 v30, v38;
	v38 =	vmul.f32 v37, v10;
	v37 =	vld [tilespmem:s22+$0x11C00]  }
0x259: {  	v22 =	vadd.f32 $0.0e+00, v22;
	v24 =	vadd.f32 v53, v44;
	v44 =	vld [tilespmem:$0x1F690]  }
0x25a: {  	v23 =	vmul.f32 v23, v5;
	v4 =	vadd.f32 $0.0e+00, v4;
	v30 =	vadd.f32 $0.0e+00, v59;
	v53 =	vld [tilespmem:$0x1F6A0]  }
0x25b: {  	v59 =	vmul.f32 v58, v11;
	v22 =	vadd.f32 v62, v22;
	v62 =	vmul.f32 v61, v57;
	v61 =	vld [tilespmem:$0x1F720]  }
0x25c: {  	[tilespmem:$0x1FD80] =	vst v56;
	v56 =	vadd.f32 v23, v4;
	v4 =	vadd.f32 v38, v30;
	v38 =	vld [tilespmem:$0x1F6D0]  }
0x25d: {  	[tilespmem:$0x1FDA0] =	vst v54;
	v30 =	vadd.f32 $0.0e+00, v59;
	v59 =	vld [tilespmem:$0x1F710]  }
0x25e: {  	[tilespmem:$0x1FDB0] =	vst v56;
	v56 =	vld [tilespmem:$0x1F700]  }
0x25f: {  	[tilespmem:$0x1FE60] =	vst v37;
	v37 =	vld [tilespmem:s22+$0x12200];
	v54 =	vmul.f32 v53, v15  }
0x260: {  	v45 =	vmul.f32 v44, v13;
	v44 =	vld [tilespmem:$0x1F6E0]  }
0x261: {  	v22 =	vadd.f32 v54, v22;
	v54 =	vld [tilespmem:$0x1F6F0]  }
0x262: {  	[tilespmem:$0x1FDD0] =	vst v40;
	v40 =	vmul.f32 v38, v12;
	v38 =	vld [tilespmem:$0x1F730]  }
0x263: {  	v53 =	vld [tilespmem:s22+$0x11C80]  }
0x264: {  	[tilespmem:$0x1FC40] =	vst v31;
	v31 =	vadd.f32 $0.0e+00, v62;
	v62 =	vmul.f32 v61, v13;
	v61 =	vld [tilespmem:$0x1F770]  }
0x265: {  	[tilespmem:$0x1FDE0] =	vst v55;
	v24 =	vadd.f32 v45, v24;
	v45 =	vmul.f32 v44, v14;
	v44 =	vld [tilespmem:$0x1F740]  }
0x266: {  	[tilespmem:$0x1FDF0] =	vst v37;
	v37 =	vld [tilespmem:s22+$0x12380];
	v55 =	vmul.f32 v54, v16  }
0x267: {  	[tilespmem:$0x1FCD0] =	vst v32;
	v58 =	vmul.f32 v56, v6;
	v32 =	vadd.f32 v40, v30;
	v40 =	vmul.f32 v38, v17;
	v38 =	vld [tilespmem:$0x1F780]  }
0x268: {  	[tilespmem:$0x1FE70] =	vst v53;
	v53 =	vadd.f32 v55, v22;
	v55 =	vld [tilespmem:$0x1F750]  }
0x269: {  	[tilespmem:$0x1FE00] =	vst v60;
	v60 =	vmul.f32 v59, v57;
	v22 =	vadd.f32 v58, v31;
	v58 =	vld [tilespmem:$0x1F760]  }
0x26a: {  	v3 =	vadd.f32 v45, v24;
	v45 =	vmul.f32 v44, v6;
	v44 =	vld [tilespmem:s22+$0x12400]  }
0x26b: {  	v24 =	vadd.f32 $0.0e+00, v60;
	v54 =	vld [tilespmem:s22+$0x12280]  }
0x26c: {  	v22 =	vadd.f32 v62, v22;
	v62 =	vmul.f32 v61, v13;
	v61 =	vld [tilespmem:$0x1F7C0]  }
0x26d: {  	v24 =	vadd.f32 v45, v24;
	v45 =	vld [tilespmem:$0x1F790]  }
0x26e: {  	v56 =	vmul.f32 v55, v7;
	v55 =	vld [tilespmem:$0x1F7A0]  }
0x26f: {  	v59 =	vmul.f32 v58, v14;
	[tilespmem:$0x1FEA0] =	vst v44;
	v44 =	vld [tilespmem:$0x1F7D0]  }
0x270: {  	v60 =	vld [tilespmem:s22+$0x12300]  }
0x271: {  	v22 =	vadd.f32 v59, v22;
	v59 =	vld [tilespmem:$0x1F7B0]  }
0x272: {  	v4 =	vadd.f32 v40, v4;
	v24 =	vadd.f32 v62, v24;
	v62 =	vmul.f32 v61, v7;
	v61 =	vld [tilespmem:$0x1F7F0]  }
0x273: {  	[tilespmem:$0x1FE10] =	vst v54;
	v58 =	vld [tilespmem:s22+$0x12480];
	v30 =	vadd.f32 $0.0e+00, v56;
	v54 =	vmul.f32 v45, v18;
	v56 =	vmul.f32 v55, v14  }
0x274: {  	v40 =	vmul.f32 v38, v8;
	v45 =	vmul.f32 v44, v8;
	v44 =	vld [tilespmem:$0x1F810]  }
0x275: {  	v35 =	vld [tilespmem:s22+$0x11A00];
	v22 =	vmul.f32 v22, v1;
	v31 =	vadd.f32 v54, v4;
	v4 =	vadd.f32 v56, v24  }
0x276: {  	[tilespmem:$0x1FE30] =	vst v60;
	v30 =	vadd.f32 v40, v30;
	v40 =	vadd.f32 $0.0e+00, v62;
	v60 =	vmul.f32 v59, v15;
	v59 =	vld [tilespmem:$0x1F7E0]  }
0x277: {  	[tilespmem:$0x1FE50] =	vst v37;
	v37 =	vld [tilespmem:$0x1F800];
	v22 =	vadd.f32 v22, v50;
	v62 =	vmul.f32 v61, v9;
	v4 =	vmul.f32 v4, v2  }
0x278: {  	v54 =	vld [tilespmem:$0x1F820]  }
0x279: {  	[tilespmem:$0x1FEB0] =	vst v58;
	v58 =	vld [tilespmem:$0x1F830];
	v4 =	vadd.f32 v4, v22;
	v22 =	vadd.f32 $0.0e+00, v62;
	v50 =	vmul.f32 v44, v10  }
0x27a: {  	v61 =	vld [tilespmem:$0x1F840]  }
0x27b: {  	[tilespmem:$0x1FE40] =	vst v31;
	v24 =	vadd.f32 v60, v30;
	v60 =	vmul.f32 v59, v16;
	v31 =	vadd.f32 v50, v22;
	v50 =	vld [tilespmem:$0x1F850]  }
0x27c: {  	v5 =	vld [tilespmem:$0x1F8D0]  }
0x27d: {  	v30 =	vadd.f32 v45, v40;
	v40 =	vmul.f32 v37, v15;
	v24 =	vadd.f32 v60, v24;
	v60 =	vld [tilespmem:s22+$0x12C00]  }
0x27e: {  	v28 =	vld [tilespmem:s22+$0x12180]  }
0x27f: {  	v23 =	vld [tilespmem:s22+$0x12100];
	v37 =	vadd.f32 v40, v30;
	v59 =	vmul.f32 v58, v16;
	v62 =	vmul.f32 v61, v17  }
0x280: {  	[tilespmem:$0x1FDC0] =	vst v35;
	v35 =	vld [tilespmem:s22+$0x12B00];
	v4 =	vadd.f32 v34, v4;
	v34 =	vmul.f32 v54, v19;
	v54 =	vmul.f32 v50, v9  }
0x281: {  	v38 =	vld [tilespmem:s22+$0x12900];
	v58 =	vadd.f32 v59, v37  }
0x282: {  	v31 =	vadd.f32 v62, v31;
	v62 =	vld [tilespmem:$0x1F870];
	[tilespmem:$0x1FE90] =	vst v60;
	v60 =	vmul.f32 v63, v10;
	v59 =	vadd.f32 $0.0e+00, v54  }
0x283: {  	v61 =	vld [tilespmem:$0x1F860]  }
0x284: {  	v44 =	vadd.f32 v60, v59;
	v60 =	vld [tilespmem:$0x1F890]  }
0x285: {  	v55 =	vld [tilespmem:s22+$0x12980]  }
0x286: {  	v59 =	vld [tilespmem:$0x1F880]  }
0x287: {  	[tilespmem:s22+$0x13900] =	vst v4;
	v24 =	vmul.f32 v24, v1;
	v63 =	vmul.f32 v62, v20;
	v62 =	vld [tilespmem:$0x1F8A0]  }
0x288: {  	v50 =	vld [tilespmem:s31+$0x2800]  }
0x289: {  	v24 =	vadd.f32 v24, v61;
	v61 =	vmul.f32 v60, v17;
	v60 =	vld [tilespmem:$0x1F8C0]  }
0x28a: {  	v56 =	vld [tilespmem:s22+$0x12A00];
	v32 =	vadd.f32 v34, v32;
	v34 =	vmul.f32 v58, v2  }
0x28b: {  	v58 =	vmul.f32 v59, v18;
	v59 =	vadd.f32 v61, v44;
	v44 =	vld [tilespmem:$0x1F8B0]  }
0x28c: {  	v45 =	vld [tilespmem:s22+$0x12A80];
	v24 =	vadd.f32 v34, v24;
	v32 =	vadd.f32 v63, v32;
	v63 =	vmul.f32 v62, v11  }
0x28d: {  	v61 =	vld [tilespmem:$0x1F8E0]  }
0x28e: {  	v50 =	vadd.f32 v50, v24;
	v24 =	vadd.f32 $0.0e+00, v63;
	v63 =	vmul.f32 v60, v12;
	v60 =	vld [tilespmem:$0x1F900]  }
0x28f: {  	v30 =	vld [tilespmem:s22+$0x12B80]  }
0x290: {  	v40 =	vld [tilespmem:s22+$0x13180];
	v44 =	vmul.f32 v44, v57  }
0x291: {  	v22 =	vld [tilespmem:s22+$0x12C80]  }
0x292: {  	v5 =	vmul.f32 v5, v6;
	v37 =	vld [tilespmem:s22+$0x13200];
	v0 =	vadd.f32 $0.0e+00, v44  }
0x293: {  	v4 =	vld [tilespmem:s22+$0x13100];
	v61 =	vmul.f32 v61, v18;
	v60 =	vmul.f32 v60, v11  }
0x294: {  	v62 =	vld [tilespmem:$0x1F8F0];
	v0 =	vadd.f32 v5, v0  }
0x295: {  	v5 =	vadd.f32 v61, v59;
	v59 =	vadd.f32 $0.0e+00, v60;
	v60 =	vld [tilespmem:$0x1F910]  }
0x296: {  	v34 =	vld [tilespmem:s22+$0x13280]  }
0x297: {  	v54 =	vld [tilespmem:s22+$0x13380]  }
0x298: {  	v58 =	vadd.f32 v58, v31;
	v31 =	vld [tilespmem:s22+$0x13300]  }
0x299: {  	v62 =	vmul.f32 v62, v19;
	v63 =	vadd.f32 v63, v24;
	v24 =	vld [tilespmem:s22+$0x13480]  }
0x29a: {  	v44 =	vld [tilespmem:s22+$0x13400];
	v60 =	vmul.f32 v60, v12  }
0x29b: {  	[tilespmem:s31+$0x13900] =	vst v50;
	v50 =	vmul.f32 v58, v1;
	v58 =	vadd.f32 v62, v63;
	v62 =	vld [tilespmem:$0x1F920]  }
0x29c: {  	v59 =	vadd.f32 v60, v59;
	v60 =	vld [tilespmem:$0x1F940];
	_ =	sdelay $0x3  }
0x29d: {  	v63 =	vld [tilespmem:$0x1F950]  }
0x29e: {  	v5 =	vmul.f32 v5, v2;
	v50 =	vadd.f32 v50, v62;
	v62 =	vld [tilespmem:$0x1F930];
	v60 =	vmul.f32 v60, v19;
	_ =	sdelay $0x1  }
0x29f: {  	v5 =	vadd.f32 v5, v50;
	v50 =	vadd.f32 v60, v59;
	v60 =	vld [tilespmem:$0x1F960];
	_ =	sdelay $0x2  }
0x2a0: {  	v63 =	vmul.f32 v63, v57;
	v62 =	vmul.f32 v62, v20  }
0x2a1: {  	v61 =	vld [tilespmem:s22+$0x2900]  }
0x2a2: {  	v58 =	vadd.f32 v62, v58;
	v62 =	vld [tilespmem:$0x1F990];
	v59 =	vadd.f32 $0.0e+00, v63;
	v60 =	vmul.f32 v60, v6  }
0x2a3: {  	v63 =	vld [tilespmem:$0x1F970]  }
0x2a4: {  	v59 =	vadd.f32 v60, v59;
	v60 =	vld [tilespmem:$0x1F980];
	_ =	sdelay $0x3  }
0x2a5: {  	v5 =	vadd.f32 v61, v5;
	v61 =	vmul.f32 v63, v20  }
0x2a6: {  	v62 =	vmul.f32 v62, v57;
	v60 =	vmul.f32 v60, v13  }
0x2a7: {  	v50 =	vadd.f32 v61, v50;
	v61 =	vld [tilespmem:$0x1F9B0]  }
0x2a8: {  	v59 =	vadd.f32 v60, v59;
	v60 =	vadd.f32 $0.0e+00, v62;
	v62 =	vld [tilespmem:$0x1F9C0]  }
0x2a9: {  	v63 =	vld [tilespmem:$0x1F9A0];
	_ =	sdelay $0x2  }
0x2aa: {  	v58 =	vmul.f32 v58, v1  }
0x2ab: {  	[tilespmem:s22+$0x13A00] =	vst v5;
	v5 =	vmul.f32 v61, v7;
	v61 =	vmul.f32 v62, v6  }
0x2ac: {  	v58 =	vadd.f32 v58, v63;
	v63 =	vld [tilespmem:$0x1F9D0]  }
0x2ad: {  	v60 =	vadd.f32 v61, v60;
	v61 =	vld [tilespmem:$0x1F9E0]  }
0x2ae: {  	v62 =	vld [tilespmem:s30+$0x2800]  }
0x2af: {  	v50 =	vmul.f32 v50, v2;
	_ =	sdelay $0x1  }
0x2b0: {  	v50 =	vadd.f32 v50, v58;
	v58 =	vld [tilespmem:$0x1F9F0]  }
0x2b1: {  	v61 =	vmul.f32 v61, v14  }
0x2b2: {  	v5 =	vadd.f32 $0.0e+00, v5;
	v63 =	vmul.f32 v63, v8;
	v50 =	vadd.f32 v62, v50;
	v62 =	vld [tilespmem:$0x1FA10]  }
0x2b3: {  	v59 =	vadd.f32 v61, v59;
	v61 =	vld [tilespmem:$0x1FA00]  }
0x2b4: {  	v5 =	vadd.f32 v63, v5;
	v63 =	vld [tilespmem:$0x1FA20]  }
0x2b5: {  	v58 =	vmul.f32 v58, v7  }
0x2b6: {  	v51 =	vmul.f32 v51, v13  }
0x2b7: {  	v58 =	vadd.f32 $0.0e+00, v58  }
0x2b8: {  	v51 =	vadd.f32 v51, v60;
	v60 =	vmul.f32 v61, v9;
	v61 =	vmul.f32 v62, v8  }
0x2b9: {  	v62 =	vmul.f32 v63, v10;
	v63 =	vld [tilespmem:$0x1FA40]  }
0x2ba: {  	v58 =	vadd.f32 v61, v58;
	v61 =	vld [tilespmem:$0x1FA30];
	_ =	sdelay $0x3  }
0x2bb: {  	v36 =	vmul.f32 v36, v14  }
0x2bc: {  	v63 =	vmul.f32 v63, v7;
	v61 =	vmul.f32 v61, v15  }
0x2bd: {  	v1 =	vld [tilespmem:$0x1FF60];
	v36 =	vadd.f32 v36, v51;
	v60 =	vadd.f32 $0.0e+00, v60  }
0x2be: {  	v51 =	vadd.f32 v61, v58;
	v58 =	vadd.f32 $0.0e+00, v63;
	v63 =	vld [tilespmem:$0x1FA50];
	_ =	sdelay $0x1  }
0x2bf: {  	v60 =	vadd.f32 v62, v60;
	v62 =	vld [tilespmem:$0x1FA70];
	_ =	sdelay $0x1  }
0x2c0: {  	v2 =	vld [tilespmem:$0x1FF70]  }
0x2c1: {  	[tilespmem:s30+$0x13900] =	vst v50;
	v50 =	vmul.f32 v59, v1;
	v59 =	vmul.f32 v63, v8;
	_ =	sdelay $0x1  }
0x2c2: {  	v58 =	vadd.f32 v59, v58;
	v59 =	vmul.f32 v62, v9;
	v62 =	vld [tilespmem:$0x1FA80]  }
0x2c3: {  	v61 =	vld [tilespmem:s22+$0x2A00]  }
0x2c4: {  	v36 =	vmul.f32 v36, v2;
	v29 =	vadd.f32 v50, v29  }
0x2c5: {  	v50 =	vld [tilespmem:$0x1FA60]  }
0x2c6: {  	v29 =	vadd.f32 v36, v29  }
0x2c7: {  	v63 =	vld [tilespmem:$0x1FA90];
	v62 =	vmul.f32 v62, v15  }
0x2c8: {  	v29 =	vadd.f32 v61, v29;
	v61 =	vld [tilespmem:$0x1FAB0]  }
0x2c9: {  	v36 =	vadd.f32 v62, v58;
	v62 =	vld [tilespmem:$0x1FAA0]  }
0x2ca: {  	v50 =	vmul.f32 v50, v16;
	_ =	sdelay $0x1  }
0x2cb: {  	v50 =	vadd.f32 v50, v51;
	v58 =	vmul.f32 v63, v10;
	v63 =	vld [tilespmem:$0x1FAC0]  }
0x2cc: {  	v61 =	vmul.f32 v61, v16  }
0x2cd: {  	v50 =	vmul.f32 v50, v1;
	v51 =	vadd.f32 $0.0e+00, v59;
	v59 =	vmul.f32 v62, v17;
	v62 =	vld [tilespmem:$0x1FAE0]  }
0x2ce: {  	[tilespmem:s22+$0x13B00] =	vst v29;
	v36 =	vadd.f32 v61, v36;
	v61 =	vld [tilespmem:$0x1FAD0]  }
0x2cf: {  	v39 =	vadd.f32 v50, v39;
	v59 =	vadd.f32 v59, v60;
	v60 =	vld [tilespmem:s29+$0x2800]  }
0x2d0: {  	v51 =	vadd.f32 v58, v51;
	v36 =	vmul.f32 v36, v2;
	v58 =	vmul.f32 v63, v9;
	_ =	sdelay $0x1  }
0x2d1: {  	v36 =	vadd.f32 v36, v39;
	v50 =	vadd.f32 $0.0e+00, v58;
	v58 =	vmul.f32 v62, v10;
	v62 =	vld [tilespmem:$0x1FB10]  }
0x2d2: {  	v29 =	vmul.f32 v61, v11;
	v61 =	vld [tilespmem:$0x1FAF0]  }
0x2d3: {  	v36 =	vadd.f32 v60, v36;
	v60 =	vld [tilespmem:$0x1FB40];
	_ =	sdelay $0x2  }
0x2d4: {  	v63 =	vld [tilespmem:$0x1FB00];
	v50 =	vadd.f32 v58, v50;
	v62 =	vmul.f32 v62, v17  }
0x2d5: {  	v29 =	vadd.f32 $0.0e+00, v29;
	v61 =	vmul.f32 v61, v12  }
0x2d6: {  	v50 =	vadd.f32 v62, v50;
	v62 =	vld [tilespmem:$0x1FB20];
	v60 =	vmul.f32 v60, v18  }
0x2d7: {  	v29 =	vadd.f32 v61, v29;
	v61 =	vld [tilespmem:$0x1FB50]  }
0x2d8: {  	v50 =	vadd.f32 v60, v50;
	v60 =	vld [tilespmem:$0x1FB60]  }
0x2d9: {  	v58 =	vmul.f32 v63, v18;
	_ =	sdelay $0x1  }
0x2da: {  	v39 =	vadd.f32 v58, v59;
	v58 =	vmul.f32 v62, v11  }
0x2db: {  	v62 =	vld [tilespmem:$0x1FB70]  }
0x2dc: {  	[tilespmem:s29+$0x13900] =	vst v36;
	v61 =	vmul.f32 v61, v12;
	v58 =	vadd.f32 $0.0e+00, v58;
	v36 =	vmul.f32 v60, v11;
	v60 =	vld [tilespmem:$0x1FB80]  }
0x2dd: {  	v63 =	vld [tilespmem:$0x1FB30]  }
0x2de: {  	v39 =	vmul.f32 v39, v1;
	v58 =	vadd.f32 v61, v58;
	v61 =	vld [tilespmem:$0x1FBA0];
	_ =	sdelay $0x1  }
0x2df: {  	v39 =	vadd.f32 v39, v52  }
0x2e0: {  	v36 =	vadd.f32 $0.0e+00, v36;
	v52 =	vmul.f32 v62, v19;
	v60 =	vmul.f32 v60, v12  }
0x2e1: {  	v59 =	vmul.f32 v63, v13;
	v63 =	vld [tilespmem:$0x1FB90]  }
0x2e2: {  	v52 =	vadd.f32 v52, v58;
	v61 =	vmul.f32 v61, v20;
	v36 =	vadd.f32 v60, v36;
	v60 =	vld [tilespmem:$0x1FBB0];
	_ =	sdelay $0x1  }
0x2e3: {  	v52 =	vadd.f32 v61, v52;
	v61 =	vld [tilespmem:$0x1FBC0]  }
0x2e4: {  	v50 =	vmul.f32 v50, v2  }
0x2e5: {  	v0 =	vadd.f32 v59, v0;
	v59 =	vld [tilespmem:s22+$0x2B00]  }
0x2e6: {  	v39 =	vadd.f32 v50, v39;
	v58 =	vmul.f32 v63, v14;
	v50 =	vmul.f32 v60, v19;
	v60 =	vld [tilespmem:$0x1FBF0]  }
0x2e7: {  	v62 =	vld [tilespmem:$0x1FBD0]  }
0x2e8: {  	v0 =	vadd.f32 v58, v0;
	v58 =	vmul.f32 v61, v57;
	v61 =	vld [tilespmem:$0x1FC00];
	_ =	sdelay $0x2  }
0x2e9: {  	v63 =	vld [tilespmem:$0x1FBE0];
	v58 =	vadd.f32 $0.0e+00, v58;
	v60 =	vmul.f32 v60, v6  }
0x2ea: {  	v26 =	vmul.f32 v26, v57;
	v39 =	vadd.f32 v59, v39;
	v36 =	vadd.f32 v50, v36  }
0x2eb: {  	v50 =	vmul.f32 v62, v15;
	v60 =	vadd.f32 v60, v58;
	v62 =	vmul.f32 v61, v13;
	_ =	sdelay $0x1  }
0x2ec: {  	v27 =	vmul.f32 v27, v6;
	v26 =	vadd.f32 $0.0e+00, v26;
	[tilespmem:s22+$0x13C00] =	vst v39;
	v39 =	vadd.f32 v62, v60;
	v60 =	vld [tilespmem:$0x1FC30]  }
0x2ed: {  	v59 =	vmul.f32 v63, v20;
	v63 =	vld [tilespmem:$0x1FC10]  }
0x2ee: {  	v26 =	vadd.f32 v27, v26;
	v42 =	vmul.f32 v42, v13;
	v62 =	vld [tilespmem:$0x1FC40]  }
0x2ef: {  	v5 =	vadd.f32 v50, v5;
	v50 =	vmul.f32 v52, v1;
	v52 =	vld [tilespmem:$0x1FC20]  }
0x2f0: {  	v26 =	vadd.f32 v42, v26;
	v49 =	vmul.f32 v49, v14  }
0x2f1: {  	v61 =	vmul.f32 v60, v7  }
0x2f2: {  	v26 =	vadd.f32 v49, v26;
	v49 =	vld [tilespmem:$0x1FF80];
	v36 =	vadd.f32 v59, v36  }
0x2f3: {  	v50 =	vadd.f32 v50, v63;
	v58 =	vld [tilespmem:s28+$0x2800];
	v63 =	vmul.f32 v62, v8;
	v27 =	vadd.f32 $0.0e+00, v61  }
0x2f4: {  	v59 =	vmul.f32 v52, v14;
	v52 =	vld [tilespmem:$0x1FC50]  }
0x2f5: {  	v36 =	vmul.f32 v36, v2;
	v27 =	vadd.f32 v63, v27;
	v63 =	vmul.f32 v48, v8;
	v48 =	vld [tilespmem:$0x1FF90]  }
0x2f6: {  	v39 =	vadd.f32 v59, v39;
	v59 =	vld [tilespmem:$0x1FC60]  }
0x2f7: {  	v36 =	vadd.f32 v36, v50  }
0x2f8: {  	v61 =	vmul.f32 v39, v49  }
0x2f9: {  	v36 =	vadd.f32 v58, v36;
	v58 =	vmul.f32 v52, v16  }
0x2fa: {  	v52 =	vadd.f32 v61, v25;
	v26 =	vmul.f32 v26, v48  }
0x2fb: {  	v47 =	vmul.f32 v47, v7;
	v60 =	vmul.f32 v59, v15;
	v5 =	vadd.f32 v58, v5;
	v58 =	vld [tilespmem:$0x1FC70]  }
0x2fc: {  	v2 =	vadd.f32 v26, v52;
	v52 =	vld [tilespmem:$0x1FCA0]  }
0x2fd: {  	v62 =	vadd.f32 $0.0e+00, v47;
	v27 =	vadd.f32 v60, v27;
	v60 =	vld [tilespmem:$0x1FC80];
	_ =	sdelay $0x1  }
0x2fe: {  	v42 =	vld [tilespmem:$0x1FC90];
	[tilespmem:s28+$0x13900] =	vst v36;
	v39 =	vadd.f32 v63, v62;
	v62 =	vmul.f32 v41, v15  }
0x2ff: {  	v47 =	vld [tilespmem:s22+$0x3000]  }
0x300: {  	v59 =	vmul.f32 v58, v16;
	v25 =	vadd.f32 v62, v39;
	v62 =	vld [tilespmem:$0x1FCC0];
	v58 =	vmul.f32 v52, v17  }
0x301: {  	v61 =	vmul.f32 v60, v9  }
0x302: {  	v39 =	vadd.f32 v58, v51;
	v51 =	vld [tilespmem:$0x1FCD0]  }
0x303: {  	v50 =	vmul.f32 v42, v10;
	v60 =	vld [tilespmem:$0x1FCB0];
	v63 =	vadd.f32 $0.0e+00, v61  }
0x304: {  	v27 =	vadd.f32 v59, v27;
	v59 =	vmul.f32 v43, v16  }
0x305: {  	v2 =	vadd.f32 v47, v2;
	v26 =	vadd.f32 v50, v63;
	v63 =	vmul.f32 v62, v9  }
0x306: {  	v43 =	vld [tilespmem:$0x1FD00]  }
0x307: {  	v25 =	vadd.f32 v59, v25;
	v59 =	vld [tilespmem:$0x1FCE0];
	[tilespmem:s22+$0x14100] =	vst v2;
	v50 =	vadd.f32 $0.0e+00, v63;
	v52 =	vmul.f32 v51, v10  }
0x308: {  	v47 =	vmul.f32 v27, v49;
	v61 =	vmul.f32 v60, v17;
	v58 =	vld [tilespmem:s26+$0x2800]  }
0x309: {  	v27 =	vadd.f32 v52, v50;
	v52 =	vld [tilespmem:$0x1FD20]  }
0x30a: {  	v25 =	vmul.f32 v25, v48;
	v2 =	vadd.f32 v47, v33;
	v26 =	vadd.f32 v61, v26;
	v61 =	vld [tilespmem:$0x1FCF0];
	_ =	sdelay $0x1  }
0x30b: {  	v63 =	vmul.f32 v46, v17;
	v2 =	vadd.f32 v25, v2;
	v50 =	vld [tilespmem:$0x1FD10]  }
0x30c: {  	v60 =	vmul.f32 v59, v18  }
0x30d: {  	v59 =	vld [tilespmem:$0x1FD30];
	v2 =	vadd.f32 v58, v2;
	v27 =	vadd.f32 v63, v27;
	v58 =	vmul.f32 v52, v18  }
0x30e: {  	v46 =	vmul.f32 v43, v11;
	v43 =	vld [tilespmem:$0x1FF20];
	v62 =	vmul.f32 v61, v18  }
0x30f: {  	v63 =	vadd.f32 v58, v27;
	v58 =	vld [tilespmem:$0x1FD60]  }
0x310: {  	v25 =	vadd.f32 $0.0e+00, v46;
	v61 =	vld [tilespmem:$0x1FD40];
	v26 =	vadd.f32 v62, v26;
	v51 =	vmul.f32 v50, v12  }
0x311: {  	v42 =	vld [tilespmem:$0x1FF30];
	v33 =	vadd.f32 v60, v39  }
0x312: {  	v60 =	vmul.f32 v59, v19;
	v46 =	vmul.f32 v26, v49;
	v50 =	vld [tilespmem:$0x1FD50];
	v25 =	vadd.f32 v51, v25  }
0x313: {  	v47 =	vmul.f32 v3, v43  }
0x314: {  	[tilespmem:s26+$0x13900] =	vst v2;
	v2 =	vadd.f32 v46, v21;
	v25 =	vadd.f32 v60, v25;
	v21 =	vmul.f32 v58, v20  }
0x315: {  	v59 =	vld [tilespmem:$0x1FD70];
	v62 =	vmul.f32 v61, v11  }
0x316: {  	v0 =	vmul.f32 v0, v42;
	v1 =	vadd.f32 $0.0e+00, v47;
	v61 =	vld [tilespmem:$0x1FD80];
	v21 =	vadd.f32 v21, v25  }
0x317: {  	v47 =	vadd.f32 $0.0e+00, v62;
	v52 =	vld [tilespmem:s22+$0x3100];
	v51 =	vmul.f32 v50, v12  }
0x318: {  	v0 =	vadd.f32 v0, v1;
	v1 =	vmul.f32 v63, v48;
	v21 =	vmul.f32 v21, v49;
	v49 =	vld [tilespmem:$0x1FDA0]  }
0x319: {  	v26 =	vadd.f32 v51, v47;
	v51 =	vmul.f32 v23, v13;
	v23 =	vld [tilespmem:$0x1FDB0]  }
0x31a: {  	v46 =	vld [tilespmem:$0x1FD90];
	v1 =	vadd.f32 v1, v2  }
0x31b: {  	v55 =	vmul.f32 v55, v6;
	v60 =	vmul.f32 v59, v19  }
0x31c: {  	v4 =	vmul.f32 v4, v13;
	v1 =	vadd.f32 v52, v1;
	v52 =	vmul.f32 v38, v57  }
0x31d: {  	v62 =	vmul.f32 v61, v57;
	v63 =	vadd.f32 v60, v26;
	v50 =	vmul.f32 v49, v20  }
0x31e: {  	v53 =	vmul.f32 v53, v43;
	v21 =	vadd.f32 v21, v23;
	v23 =	vadd.f32 $0.0e+00, v52  }
0x31f: {  	v41 =	vadd.f32 $0.0e+00, v62;
	v47 =	vmul.f32 v46, v6;
	[tilespmem:s22+$0x14200] =	vst v1;
	v2 =	vadd.f32 v50, v63  }
0x320: {  	v5 =	vmul.f32 v5, v42;
	v1 =	vadd.f32 $0.0e+00, v53;
	v58 =	vld [tilespmem:s25+$0x2800];
	v23 =	vadd.f32 v55, v23  }
0x321: {  	v39 =	vld [tilespmem:$0x1FE00];
	v25 =	vadd.f32 v47, v41;
	v2 =	vmul.f32 v2, v48  }
0x322: {  	v1 =	vadd.f32 v5, v1;
	v5 =	vld [tilespmem:$0x1FDC0];
	v4 =	vadd.f32 v4, v23;
	v23 =	vmul.f32 v40, v14  }
0x323: {  	v59 =	vmul.f32 v28, v14;
	v28 =	vld [tilespmem:$0x1FFA0];
	v2 =	vadd.f32 v2, v21;
	v21 =	vmul.f32 v56, v7  }
0x324: {  	v60 =	vld [tilespmem:$0x1FDD0];
	v3 =	vadd.f32 v51, v25;
	v4 =	vadd.f32 v23, v4  }
0x325: {  	v23 =	vld [tilespmem:$0x1FDE0];
	v2 =	vadd.f32 v58, v2;
	v61 =	vadd.f32 $0.0e+00, v21;
	v21 =	vmul.f32 v45, v8  }
0x326: {  	v3 =	vadd.f32 v59, v3;
	v63 =	vld [tilespmem:$0x1FFB0]  }
0x327: {  	v5 =	vmul.f32 v5, v7;
	[tilespmem:s25+$0x13900] =	vst v2;
	v2 =	vadd.f32 v21, v61;
	v21 =	vld [tilespmem:$0x1FDF0]  }
0x328: {  	v3 =	vmul.f32 v3, v28  }
0x329: {  	v25 =	vmul.f32 v60, v8;
	v5 =	vadd.f32 $0.0e+00, v5  }
0x32a: {  	v0 =	vadd.f32 v3, v0;
	v23 =	vmul.f32 v23, v9  }
0x32b: {  	v40 =	vmul.f32 v37, v15;
	v5 =	vadd.f32 v25, v5;
	v4 =	vmul.f32 v4, v63  }
0x32c: {  	v25 =	vmul.f32 v39, v10;
	v23 =	vadd.f32 $0.0e+00, v23;
	v21 =	vmul.f32 v21, v15  }
0x32d: {  	v0 =	vadd.f32 v4, v0;
	v4 =	vld [tilespmem:$0x1FE10];
	v2 =	vadd.f32 v40, v2  }
0x32e: {  	v5 =	vadd.f32 v21, v5;
	v21 =	vadd.f32 v25, v23;
	v23 =	vmul.f32 v34, v16  }
0x32f: {  	v62 =	vld [tilespmem:s22+$0x3200]  }
0x330: {  	v2 =	vadd.f32 v23, v2;
	v23 =	vld [tilespmem:$0x1FE30];
	_ =	sdelay $0x1  }
0x331: {  	v4 =	vmul.f32 v4, v16;
	_ =	sdelay $0x1  }
0x332: {  	v46 =	vld [tilespmem:$0x1FE40];
	v0 =	vadd.f32 v62, v0;
	v4 =	vadd.f32 v4, v5  }
0x333: {  	v23 =	vmul.f32 v23, v17  }
0x334: {  	v49 =	vld [tilespmem:$0x1FE50];
	[tilespmem:s22+$0x14300] =	vst v0;
	v45 =	vmul.f32 v4, v28  }
0x335: {  	v21 =	vadd.f32 v23, v21;
	v23 =	vld [tilespmem:s23+$0x2800]  }
0x336: {  	v41 =	vmul.f32 v35, v9;
	v2 =	vmul.f32 v2, v63;
	v0 =	vadd.f32 v45, v1  }
0x337: {  	v53 =	vld [tilespmem:$0x1FE60];
	v25 =	vmul.f32 v46, v43  }
0x338: {  	v3 =	vadd.f32 $0.0e+00, v41;
	v5 =	vld [tilespmem:$0x1FE20];
	v4 =	vmul.f32 v30, v10;
	v0 =	vadd.f32 v2, v0  }
0x339: {  	v22 =	vmul.f32 v22, v12;
	v56 =	vld [tilespmem:$0x1FE90];
	v48 =	vadd.f32 $0.0e+00, v25;
	v25 =	vmul.f32 v49, v18  }
0x33a: {  	v47 =	vadd.f32 v4, v3;
	v4 =	vmul.f32 v33, v42;
	v0 =	vadd.f32 v23, v0;
	v23 =	vld [tilespmem:$0x1FE70]  }
0x33b: {  	v51 =	vmul.f32 v31, v17;
	v55 =	vld [tilespmem:$0x1FE80];
	v50 =	vmul.f32 v32, v43  }
0x33c: {  	v59 =	vld [tilespmem:$0x1FEA0];
	v3 =	vmul.f32 v53, v11;
	v52 =	vadd.f32 v4, v48;
	v4 =	vadd.f32 v25, v21  }
0x33d: {  	v5 =	vmul.f32 v5, v19;
	v1 =	vadd.f32 v51, v47;
	v21 =	vmul.f32 v54, v18  }
0x33e: {  	v60 =	vld [tilespmem:$0x1FEB0];
	v27 =	vmul.f32 v56, v11;
	v3 =	vadd.f32 $0.0e+00, v3;
	v4 =	vmul.f32 v4, v28  }
0x33f: {  	v5 =	vadd.f32 v5, v29;
	v1 =	vadd.f32 v21, v1;
	[tilespmem:s23+$0x13900] =	vst v0;
	v23 =	vmul.f32 v23, v12  }
0x340: {  	v25 =	vmul.f32 v55, v20;
	v21 =	vadd.f32 $0.0e+00, v27;
	v2 =	vadd.f32 v4, v52;
	v4 =	vld [tilespmem:s22+$0x3300]  }
0x341: {  	v1 =	vmul.f32 v1, v63;
	v58 =	vadd.f32 v23, v3;
	v3 =	vmul.f32 v59, v19  }
0x342: {  	v5 =	vadd.f32 v25, v5;
	v21 =	vadd.f32 v22, v21;
	v22 =	vmul.f32 v44, v19  }
0x343: {  	v1 =	vadd.f32 v1, v2;
	v0 =	vadd.f32 v3, v58;
	v3 =	vmul.f32 v60, v20  }
0x344: {  	v61 =	vadd.f32 $0.0e+00, v50;
	v5 =	vmul.f32 v5, v42;
	v62 =	vadd.f32 v22, v21  }
0x345: {  	v21 =	vmul.f32 v24, v20;
	v1 =	vadd.f32 v4, v1;
	v0 =	vadd.f32 v3, v0;
	_ =	sdelay $0x1  }
0x346: {  	v2 =	vadd.f32 v5, v61;
	[tilespmem:s22+$0x14400] =	vst v1;
	v3 =	vadd.f32 v21, v62;
	v0 =	vmul.f32 v0, v28  }
0x347: {  	v1 =	vld [tilespmem:s2+$0x2800]  }
0x348: {  	v63 =	vmul.f32 v3, v63;
	v0 =	vadd.f32 v0, v2  }
0x349: {  	p0 =	sne.s32 s21, $0xF0  }
.Ltmp0:
0x34a: {  	v0 =	vadd.f32 v63, v0;
	(pc) =	sbr.rel @p0 .LBB2_3-.Ltmp0, $3  }
0x34b: {  	_ = 	snop  }
0x34c: {  	v0 =	vadd.f32 v1, v0;
	_ =	sdelay $0x1  }
0x34d: {  	s20 =	sadd.s32 $0x80, s20;
	s21 =	sadd.s32 $0x10, s21;
	[tilespmem:s2+$0x13900] =	vst v0  }
0x34e: {  	s2 =	sadd.s32 s6, s19;
	s19 =	sadd.s32 $0x1, s19  }
0x34f: {  	s20 =	rddreg [dreg:$0x3];
	s2 =	sshll.u32 s2, $0x9;
	p0 =	sne.s32 s19, $0x4B  }
.Ltmp1:
0x350: {  	s2 =	sadd.s32 s20, s2;
	(pc) =	sbr.rel @p0 .LBB2_2-.Ltmp1, $4  }
0x351: {  	[hbm4b:s2+s5] =	stream.linear.scatter [tilespmem:s18], [sflag:$0x3], $0x1000, $0x38;
	[tilespmem:$0x14900] =	vst v63  }
0x352: {  	_ =	swait.ge [sflag:s9], $0x1000  }
0x353: {  	[sflag:s9] =	ssyncset.done $0x0  }
0x354: {  	[sflag:s9] =	ssyncadd.s32 $0xFFFFF000  }
0x355: {  	s19 =	rddreg [dreg:$0x7]  }
0x356: {  	s2 =	rddreg [dreg:$0x6];
	s19 =	sadd.s32 $0x1, s19  }
0x357: {  	p0 =	sne.s32 s19, s2  }
.Ltmp2:
0x358: {  	_ = 	snop;
	(pc) =	sbr.rel @p0 .LBB2_1-.Ltmp2, $1  }
0x359: {  	_ =	sdelay $0x3  }
0x35a: {  	_ =	sfence.sel $0x180000  }
0x35b: {  	[bflag:$0x0] =	sbarrier.arrive $0xFFFF  }
0x35c: {  	_ =	strace $0x90000047  }
0x35d: {  	s0 =	stileid.u32;
	[bflag:$0x2] =	sbarrier.arrive $0xFFFF  }
0x35e: {  	p0 =	sne.s32 s0, $0x0;
	s0 =	rddreg [dreg:$0x4]  }
0x35f: {  	s0 =	sadd.s32 @!p0 $0x100000, s0  }
0x360: {  	[sflag:s0] =	ssyncadd.tile.s32 @!p0 $0x1;
	_ =	shalt  }
.Lfunc_end2:
_tile_overlayer_lowered:
.L_overlay_start_2:
0x361: {  	(tag) =	ssettag $0x2  }
0x362: {  	s0 =	rddreg [dreg:$0x0];
	s2 =	stileid.u32  }
0x363: {  	s1 =	rddreg [dreg:$0x1];
	p0 =	sne.s32 s2, $0x0  }
0x364: {  	s3 =	rddreg [dreg:$0x2];
	[bflag:$0x3] =	sbarrier.arrive $0xFFFF;
	s2 =	simm.s32 @!p0 $0x1C03  }
0x365: {  	[timem:s3], [sflag:s2] =	dma.local @!p0 [hbm:s0], s1  }
0x366: {  	s0 =	simm.s32 @!p0 $0x3  }
0x367: {  	_ =	swait.ge @!p0 [sflag:s0], s1  }
0x368: {  	s1 =	ssub.s32 @!p0 $0x0, s1;
	[sflag:s0] =	ssyncset.done @!p0 $0x0  }
0x369: {  	[sflag:s0] =	ssyncadd.s32 @!p0 s1  }
0x36a: {  	[bflag:$0x3] =	sbarrier.arrive $0xFFFF  }
0x36b: {  	_ =	shalt  }

</sc_bundles>
